<compile_context>
chip_gen: v7x
topology: tpu7x:2x2x1
jax: 0.10.2.dev20260603
libtpu: 0.0.44.dev20260713+nightly
codegen_flags: <defaults>
</compile_context>

<pallas_src>
import functools

import jax
import jax.numpy as jnp
from jax import lax
from jax.experimental import pallas as pl
from jax.experimental.pallas import tpu as pltpu
from jax.experimental.pallas import tpu_sc as plsc

N_NODES = 10000
N_EDGES = 320000
F_IN = 128
F_HID = 64
HALF = F_HID // 2
N_CLS = 3
N_GRAPHS = 64

NC = 2
NS = 16
N_PAD = 10240
PAD_IDX = N_PAD - 1
RPS = N_PAD // NS
CHUNK = 128
EPT = N_EDGES // NS
CPT = 160
EPC = N_EDGES // NS // NC
DPC = 80
NBUF = 4
ROW_BLK = 1024

_mesh = functools.partial(
    plsc.VectorSubcoreMesh, core_axis_name="c", subcore_axis_name="s"
)
_sc_params = pltpu.CompilerParams(use_tc_tiling_on_sc=False)


def _fill_pad(ref, start, count):

    def body(k, carry):
        ref[pl.ds(start + k * 16, 16)] = jnp.full((16,), PAD_IDX, jnp.int32)
        return carry

    lax.fori_loop(0, count, body, 0)


def _sc_degree(dst2, onz):

    @functools.partial(
        pl.kernel,
        mesh=_mesh(),
        compiler_params=_sc_params,
        out_type=jax.ShapeDtypeStruct((NC * N_PAD,), jnp.float32),
        scratch_types=[
            pltpu.VMEM((DPC * CHUNK,), jnp.int32),
            pltpu.VMEM((CHUNK,), jnp.float32),
            pltpu.VMEM((CHUNK,), jnp.float32),
            pltpu.VMEM_SHARED((N_PAD,), jnp.float32),
            pltpu.SemaphoreType.DMA,
        ],
    )
    def k(dst_hbm, onz_hbm, out_hbm, idx_a, ones_v, stage_v, acc_sh, sem):
        c = lax.axis_index("c")
        s = lax.axis_index("s")
        pltpu.sync_copy(onz_hbm.at[pl.ds(0, CHUNK)], ones_v)
        pltpu.sync_copy(onz_hbm.at[pl.ds(CHUNK, CHUNK)], stage_v)

        def zbody(j, carry):
            pltpu.sync_copy(
                stage_v, acc_sh.at[pl.ds(s * RPS + j * CHUNK, CHUNK)]
            )
            return carry

        lax.fori_loop(0, RPS // CHUNK, zbody, 0)
        pltpu.sync_copy(
            dst_hbm.at[s].at[pl.ds(c * EPC, EPC)], idx_a.at[pl.ds(0, EPC)]
        )
        _fill_pad(idx_a, EPC, (DPC * CHUNK - EPC) // 16)
        plsc.subcore_barrier()

        def body(o, carry):
            for j in range(16):
                pltpu.async_copy(
                    ones_v,
                    acc_sh.at[idx_a.at[pl.ds((o * 16 + j) * CHUNK, CHUNK)]],
                    sem,
                    add=True,
                )
            for j in range(16):
                pltpu.make_async_copy(
                    ones_v, acc_sh.at[idx_a.at[pl.ds(0, CHUNK)]], sem
                ).wait()
            return carry

        lax.fori_loop(0, DPC // 16, body, 0)
        plsc.subcore_barrier()

        def obody(j, carry):
            off = s * RPS + j * CHUNK
            pltpu.sync_copy(acc_sh.at[pl.ds(off, CHUNK)], stage_v)
            pltpu.sync_copy(stage_v, out_hbm.at[pl.ds(c * N_PAD + off, CHUNK)])
            return carry

        lax.fori_loop(0, RPS // CHUNK, obody, 0)

    return k(dst2, onz)


def _sc_agg(g_sp, src2, dst2, zeros_rows):

    @functools.partial(
        pl.kernel,
        mesh=_mesh(),
        compiler_params=_sc_params,
        out_type=jax.ShapeDtypeStruct((NC, N_PAD, HALF), jnp.float32),
        scratch_types=[
            pltpu.VMEM((CPT * CHUNK,), jnp.int32),
            pltpu.VMEM((CPT * CHUNK,), jnp.int32),
            [pltpu.VMEM((CHUNK, HALF), jnp.float32)] * NBUF,
            [pltpu.SemaphoreType.DMA] * NBUF,
            [pltpu.SemaphoreType.DMA] * NBUF,
            pltpu.VMEM_SHARED((N_PAD, HALF), jnp.float32),
            pltpu.VMEM_SHARED((N_PAD, HALF), jnp.float32),
        ],
    )
    def k(g_hbm, src_hbm, dst_hbm, z_hbm, out_hbm,
          src_a, dst_a, rows, gsem, ssem, acc_sh, g_sh):
        c = lax.axis_index("c")
        s = lax.axis_index("s")

        nz = RPS // CHUNK
        sl = lambda j: pl.ds(s * RPS + j * CHUNK, CHUNK)
        pltpu.sync_copy(z_hbm, rows[0])
        pltpu.async_copy(src_hbm.at[s], src_a.at[pl.ds(0, EPT)], gsem[0])
        pltpu.async_copy(dst_hbm.at[s], dst_a.at[pl.ds(0, EPT)], gsem[0])
        for j in range(nz):
            pltpu.async_copy(rows[0], acc_sh.at[sl(j)], ssem[0])
        for j in range(nz):
            b = 1 + (j % 3)
            if j >= 3:
                pltpu.make_async_copy(
                    rows[b], g_sh.at[sl(j - 3)], ssem[b]
                ).wait()
            pltpu.async_copy(g_hbm.at[c].at[sl(j)], rows[b], gsem[b])
            pltpu.make_async_copy(
                g_hbm.at[c].at[sl(j)], rows[b], gsem[b]
            ).wait()
            pltpu.async_copy(rows[b], g_sh.at[sl(j)], ssem[b])
        for j in range(nz - 3, nz):
            b = 1 + (j % 3)
            pltpu.make_async_copy(rows[b], g_sh.at[sl(j)], ssem[b]).wait()
        for j in range(nz):
            pltpu.make_async_copy(rows[0], acc_sh.at[sl(j)], ssem[0]).wait()
        pltpu.make_async_copy(
            src_hbm.at[s], src_a.at[pl.ds(0, EPT)], gsem[0]
        ).wait()
        pltpu.make_async_copy(
            dst_hbm.at[s], dst_a.at[pl.ds(0, EPT)], gsem[0]
        ).wait()
        _fill_pad(src_a, EPT, (CPT * CHUNK - EPT) // 16)
        _fill_pad(dst_a, EPT, (CPT * CHUNK - EPT) // 16)
        plsc.subcore_barrier()

        for b in range(NBUF):
            pltpu.async_copy(
                g_sh.at[src_a.at[pl.ds(b * CHUNK, CHUNK)]], rows[b], gsem[b]
            )

        def outer(o, carry):
            for b in range(NBUF):
                i = o * NBUF + b
                pltpu.make_async_copy(
                    g_sh.at[src_a.at[pl.ds(0, CHUNK)]], rows[b], gsem[b]
                ).wait()
                pltpu.async_copy(
                    rows[b],
                    acc_sh.at[dst_a.at[pl.ds(i * CHUNK, CHUNK)]],
                    ssem[b],
                    add=True,
                )
                pltpu.make_async_copy(
                    rows[b],
                    acc_sh.at[dst_a.at[pl.ds(i * CHUNK, CHUNK)]],
                    ssem[b],
                ).wait()

                @pl.when(i + NBUF < CPT)
                def _():
                    pltpu.async_copy(
                        g_sh.at[src_a.at[pl.ds((i + NBUF) * CHUNK, CHUNK)]],
                        rows[b],
                        gsem[b],
                    )

            return carry

        lax.fori_loop(0, CPT // NBUF, outer, 0)
        plsc.subcore_barrier()

        def obody(j, carry):
            off = s * RPS + j * CHUNK
            pltpu.sync_copy(acc_sh.at[pl.ds(off, CHUNK)], rows[0])
            pltpu.sync_copy(rows[0], out_hbm.at[c].at[pl.ds(off, CHUNK)])
            return carry

        lax.fori_loop(0, RPS // CHUNK, obody, 0)

    return k(g_sp, src2, dst2, zeros_rows)


def _split(v):
    return jnp.stack([v[:, :HALF], v[:, HALF:]], axis=0)


def _prep_body(ei_ref, s_ref, d_ref):
    s_ref[...] = ei_ref[0, :]
    d_ref[...] = ei_ref[1, :]


def _prep(edge_index):
    ob = pl.BlockSpec((N_EDGES,), lambda: (0,))
    return pl.pallas_call(
        _prep_body,
        in_specs=[pl.BlockSpec((2, N_EDGES), lambda: (0, 0))],
        out_specs=[ob, ob],
        out_shape=[
            jax.ShapeDtypeStruct((N_EDGES,), jnp.int32),
            jax.ShapeDtypeStruct((N_EDGES,), jnp.int32),
        ],
    )(edge_index)


def _tcz_body(x_ref, w_ref, z_ref):
    z_ref[...] = jnp.dot(
        x_ref[...], w_ref[...], preferred_element_type=jnp.float32
    )


def _tcz(x4, w1bd):
    grid = N_PAD // ROW_BLK
    r4 = ROW_BLK // 4
    return pl.pallas_call(
        _tcz_body,
        grid=(grid,),
        in_specs=[
            pl.BlockSpec((r4, 4 * F_IN), lambda i: (i, 0)),
            pl.BlockSpec((4 * F_IN, 256), lambda i: (0, 0)),
        ],
        out_specs=pl.BlockSpec((r4, 256), lambda i: (i, 0)),
        out_shape=jax.ShapeDtypeStruct((N_PAD // 4, 256), jnp.float32),
    )(x4, w1bd)


def _lane_groups():
    row = lax.broadcasted_iota(jnp.int32, (4, 128), 0)
    lane = lax.broadcasted_iota(jnp.int32, (4, 128), 1)
    return (lane // HALF == row).astype(jnp.float32)


def _tc1_body(degq_ref, zp_ref, dp_ref, g1_ref):
    degq = degq_ref[...]
    deg4 = degq[:, 0:4] + degq[:, 4:8] + 1.0
    dis4 = lax.rsqrt(deg4)
    dp = jnp.dot(dis4, _lane_groups(), preferred_element_type=jnp.float32)
    dp_ref[...] = dp
    zp = zp_ref[...]
    g1_ref[...] = jnp.stack([zp[:, :128] * dp, zp[:, 128:] * dp], axis=0)


def _tc1(degq, zp):
    grid = N_PAD // ROW_BLK
    r4 = ROW_BLK // 4
    return pl.pallas_call(
        _tc1_body,
        grid=(grid,),
        in_specs=[
            pl.BlockSpec((r4, 8), lambda i: (i, 0)),
            pl.BlockSpec((r4, 256), lambda i: (i, 0)),
        ],
        out_specs=[
            pl.BlockSpec((r4, 128), lambda i: (i, 0)),
            pl.BlockSpec((2, r4, 128), lambda i: (0, i, 0)),
        ],
        out_shape=[
            jax.ShapeDtypeStruct((N_PAD // 4, 128), jnp.float32),
            jax.ShapeDtypeStruct((2, N_PAD // 4, 128), jnp.float32),
        ],
    )(degq, zp)


def _tc2_body(acc_ref, g1_ref, dp_ref, b1_ref, k2_ref, g2_ref):
    dp = dp_ref[...]
    pre = (acc_ref[...] + g1_ref[...]) * dp[None] + b1_ref[...]
    pre = jnp.maximum(pre, 0.0)
    h_cat = jnp.concatenate([pre[0], pre[1]], axis=1)
    z2p = jnp.dot(h_cat, k2_ref[...], preferred_element_type=jnp.float32)
    g2_ref[...] = jnp.stack([z2p[:, :128] * dp, z2p[:, 128:] * dp], axis=0)


def _tc2(acc, g1, dp, b1p, k2):
    grid = N_PAD // ROW_BLK
    r4 = ROW_BLK // 4
    sb = pl.BlockSpec((2, r4, 128), lambda i: (0, i, 0))
    return pl.pallas_call(
        _tc2_body,
        grid=(grid,),
        in_specs=[
            sb,
            sb,
            pl.BlockSpec((r4, 128), lambda i: (i, 0)),
            pl.BlockSpec((2, 1, 128), lambda i: (0, 0, 0)),
            pl.BlockSpec((256, 256), lambda i: (0, 0)),
        ],
        out_specs=sb,
        out_shape=jax.ShapeDtypeStruct((2, N_PAD // 4, 128), jnp.float32),
    )(acc, g1, dp, b1p, k2)


def _tc3_body(
    acc_ref, g2_ref, dp_ref, b2_ref, batch4_ref, wl_ref, bl_ref,
    out_ref, pooled_ref, cnt_ref,
):
    i = pl.program_id(0)

    @pl.when(i == 0)
    def _():
        pooled_ref[...] = jnp.zeros_like(pooled_ref)
        cnt_ref[...] = jnp.zeros_like(cnt_ref)

    pre = (acc_ref[...] + g2_ref[...]) * dp_ref[...][None] + b2_ref[...]
    pre = jnp.maximum(pre, 0.0)
    ids4 = batch4_ref[...]
    giota = lax.broadcasted_iota(jnp.int32, (1, N_GRAPHS), 1)
    dn = (((0,), (0,)), ((), ()))
    r4 = pre.shape[1]
    oh_sum = jnp.zeros((r4, N_GRAPHS), jnp.float32)
    for k in range(4):
        oh_k = (ids4[:, k : k + 1] == giota).astype(jnp.float32)
        oh_sum = oh_sum + oh_k
        h_k = jnp.concatenate(
            [
                pre[0][:, k * HALF : (k + 1) * HALF],
                pre[1][:, k * HALF : (k + 1) * HALF],
            ],
            axis=1,
        )
        pooled_ref[...] += lax.dot_general(
            oh_k, h_k, dn, preferred_element_type=jnp.float32
        )
    cnt_ref[...] += lax.dot_general(
        oh_sum, jnp.ones((r4, 1), jnp.float32), dn,
        preferred_element_type=jnp.float32,
    )

    @pl.when(i == pl.num_programs(0) - 1)
    def _():
        mean = pooled_ref[...] / jnp.maximum(cnt_ref[...], 1.0)
        out_ref[...] = (
            jnp.dot(mean, wl_ref[...], preferred_element_type=jnp.float32)
            + bl_ref[...]
        )


def _tc3(acc, g2, dp, b2p, batch4, wl, bl):
    grid = N_PAD // ROW_BLK
    r4 = ROW_BLK // 4
    sb = pl.BlockSpec((2, r4, 128), lambda i: (0, i, 0))
    return pl.pallas_call(
        _tc3_body,
        grid=(grid,),
        in_specs=[
            sb,
            sb,
            pl.BlockSpec((r4, 128), lambda i: (i, 0)),
            pl.BlockSpec((2, 1, 128), lambda i: (0, 0, 0)),
            pl.BlockSpec((r4, 4), lambda i: (i, 0)),
            pl.BlockSpec((F_HID, N_CLS), lambda i: (0, 0)),
            pl.BlockSpec((1, N_CLS), lambda i: (0, 0)),
        ],
        out_specs=pl.BlockSpec((N_GRAPHS, N_CLS), lambda i: (0, 0)),
        out_shape=jax.ShapeDtypeStruct((N_GRAPHS, N_CLS), jnp.float32),
        scratch_shapes=[
            pltpu.VMEM((N_GRAPHS, F_HID), jnp.float32),
            pltpu.VMEM((N_GRAPHS, 1), jnp.float32),
        ],
    )(acc, g2, dp, b2p, batch4, wl, bl)


def _packed_weights(W1, W2):
    import numpy as np

    eye4 = jnp.eye(4, dtype=jnp.float32)
    perm = np.concatenate(
        [
            np.concatenate([np.arange(HALF) + F_HID * k for k in range(4)]),
            np.concatenate(
                [np.arange(HALF) + HALF + F_HID * k for k in range(4)]
            ),
        ]
    )
    w1bd = jnp.kron(eye4, W1)[:, perm]
    k2 = jnp.concatenate(
        [
            jnp.concatenate(
                [jnp.kron(eye4, W2[:HALF, :HALF]),
                 jnp.kron(eye4, W2[:HALF, HALF:])], axis=1
            ),
            jnp.concatenate(
                [jnp.kron(eye4, W2[HALF:, :HALF]),
                 jnp.kron(eye4, W2[HALF:, HALF:])], axis=1
            ),
        ],
        axis=0,
    )
    return w1bd, k2


def kernel(x, edge_index, batch, W1, b1, W2, b2, Wl, bl):
    src_f, dst_f = _prep(edge_index)
    src2 = src_f.reshape(NS, EPT)
    dst2 = dst_f.reshape(NS, EPT)

    x4 = jnp.pad(x, ((0, N_PAD - N_NODES), (0, 0))).reshape(
        N_PAD // 4, 4 * F_IN
    )
    batch4 = jnp.pad(
        batch, (0, N_PAD - N_NODES), constant_values=N_GRAPHS
    ).reshape(N_PAD // 4, 4)

    onz = jnp.concatenate(
        [jnp.ones((CHUNK,), jnp.float32), jnp.zeros((CHUNK,), jnp.float32)]
    )
    zeros_rows = jnp.zeros((CHUNK, HALF), jnp.float32)
    w1bd, k2 = _packed_weights(W1, W2)
    b1p = jnp.tile(_split(b1.reshape(1, F_HID)), (1, 1, 4))
    b2p = jnp.tile(_split(b2.reshape(1, F_HID)), (1, 1, 4))

    zp = _tcz(x4, w1bd)
    deg_flat = _sc_degree(dst2, onz)
    degq = (
        deg_flat.reshape(NC, N_PAD // 4, 4)
        .transpose(1, 0, 2)
        .reshape(N_PAD // 4, 8)
    )

    dp, g1p = _tc1(degq, zp)

    acc1 = _sc_agg(g1p.reshape(2, N_PAD, HALF), src2, dst2, zeros_rows)
    g2p = _tc2(acc1.reshape(2, N_PAD // 4, 128), g1p, dp, b1p, k2)

    acc2 = _sc_agg(g2p.reshape(2, N_PAD, HALF), src2, dst2, zeros_rows)
    out = _tc3(
        acc2.reshape(2, N_PAD // 4, 128), g2p, dp, b2p, batch4, Wl,
        bl.reshape(1, N_CLS),
    )
    return out

# --- scband reference (transcript-rebuilt; emitter-appended) ---
"""Pipeline reference for scband-gcnclassifier-25701084299499 (READ-ONLY COPY).

The authoritative reference and input builder live on the scoring server;
editing this copy changes nothing except your own understanding.
"""

import jax, jax.numpy as jnp
import numpy as np

N = 10000
E = 320000
IN_FEAT = 128
HIDDEN = 64
N_CLS = 3
NUM_GRAPHS = 64


def setup_inputs(seed: int = 0) -> dict:
    key = jax.random.key(seed)
    ks = jax.random.split(key, 10)
    x = jax.random.normal(ks[0], (N, IN_FEAT), dtype=jnp.float32)
    edge_index = jax.random.randint(ks[1], (2, E), 0, N, dtype=jnp.int32)
    batch = jnp.sort(jax.random.randint(ks[2], (N,), 0, NUM_GRAPHS, dtype=jnp.int32))
    W1 = jax.random.normal(ks[3], (IN_FEAT, HIDDEN), dtype=jnp.float32) * (1.0 / np.sqrt(IN_FEAT))
    b1 = jnp.zeros((HIDDEN,), dtype=jnp.float32)
    W2 = jax.random.normal(ks[4], (HIDDEN, HIDDEN), dtype=jnp.float32) * (1.0 / np.sqrt(HIDDEN))
    b2 = jnp.zeros((HIDDEN,), dtype=jnp.float32)
    Wl = jax.random.normal(ks[5], (HIDDEN, N_CLS), dtype=jnp.float32) * (1.0 / np.sqrt(HIDDEN))
    bl = jnp.zeros((N_CLS,), dtype=jnp.float32)
    return {"x": x, "edge_index": edge_index, "batch": batch,
            "W1": W1, "b1": b1, "W2": W2, "b2": b2, "Wl": Wl, "bl": bl}


def _gcn_conv(x, edge_index, W, b, num_nodes):
    # GCNConv: add self-loops, symmetric normalization D^-1/2 A_hat D^-1/2 X W + b
    loop = jnp.arange(num_nodes, dtype=edge_index.dtype)
    src = jnp.concatenate([edge_index[0], loop])
    dst = jnp.concatenate([edge_index[1], loop])
    deg = jnp.zeros((num_nodes,), dtype=x.dtype).at[dst].add(1.0)
    deg_inv_sqrt = jnp.where(deg > 0, deg ** -0.5, 0.0)
    norm = deg_inv_sqrt[src] * deg_inv_sqrt[dst]
    h = x @ W
    msg = h[src] * norm[:, None]
    out = jnp.zeros((num_nodes, W.shape[1]), dtype=x.dtype).at[dst].add(msg)
    return out + b


def _global_mean_pool(x, batch, num_graphs):
    sums = jax.ops.segment_sum(x, batch, num_segments=num_graphs)
    counts = jax.ops.segment_sum(jnp.ones((x.shape[0],), dtype=x.dtype), batch, num_segments=num_graphs)
    counts = jnp.maximum(counts, 1.0)
    return sums / counts[:, None]


def reference(x, edge_index, batch, W1, b1, W2, b2, Wl, bl):
    num_nodes = x.shape[0]
    h = jax.nn.relu(_gcn_conv(x, edge_index, W1, b1, num_nodes))
    h = jax.nn.relu(_gcn_conv(h, edge_index, W2, b2, num_nodes))
    pooled = _global_mean_pool(h, batch, NUM_GRAPHS)
    return pooled @ Wl + bl

if __name__ == "__main__":
    import jax
    _d = setup_inputs()
    print(jax.jit(kernel)(*tuple(_d.values())))

</pallas_src>

<mosaic_0001>
#map = affine_map<(d0, d1) -> (0, 0)>
#map1 = affine_map<(d0, d1) -> (0)>
module attributes {stable_mosaic.version = 14 : i64} {
  func.func @k(%arg0: i32, %arg1: i32, %arg2: memref<16x20000xi32, #tpu.memory_space<hbm>>, %arg3: memref<256xf32, #tpu.memory_space<hbm>>, %arg4: memref<20480xf32, #tpu.memory_space<hbm>>, %arg5: memref<10240xi32, #tpu.memory_space<vmem>>, %arg6: memref<128xf32, #tpu.memory_space<vmem>>, %arg7: memref<128xf32, #tpu.memory_space<vmem>>, %arg8: memref<10240xf32, #tpu.memory_space<vmem_shared>>, %arg9: memref<!tpu.dma_semaphore, #tpu.memory_space<semaphore_mem>>) attributes {dimension_semantics = [#tpu.dimension_semantics<core_parallel>, #tpu.dimension_semantics<subcore_parallel>], iteration_bounds = array<i64: 2, 16>, scalar_prefetch = 0 : i64, scratch_operands = 5 : i64, tpu.core_type = #tpu.core_type<sc_vector_subcore>, window_params = [{transform_indices = #map}, {transform_indices = #map1}, {transform_indices = #map1}]} {
    "tpu.region"() ({
      %run_scoped3A = tpu.sem_alloc : memref<!tpu.dma_semaphore, #tpu.memory_space<semaphore_mem>>
      %dma_start3A = arith.constant 0 : i32
      %dma_start3A_25 = tpu.memref_slice %arg3[%dma_start3A] : memref<256xf32, #tpu.memory_space<hbm>> -> memref<128xf32, #tpu.memory_space<hbm>>
      %dma_start3A_26 = arith.constant 0 : i32
      %dma_start3A_27 = tpu.memref_slice %arg3[%dma_start3A_26] : memref<256xf32, #tpu.memory_space<hbm>> -> memref<128xf32, #tpu.memory_space<hbm>>
      tpu.enqueue_dma source(%dma_start3A_27 : memref<128xf32, #tpu.memory_space<hbm>>) target(%arg6 : memref<128xf32, #tpu.memory_space<vmem>>) target_semaphore(%run_scoped3A : memref<!tpu.dma_semaphore, #tpu.memory_space<semaphore_mem>>)
      %dma_wait3A = arith.constant 0 : i32
      %dma_wait3A_28 = tpu.memref_slice %arg3[%dma_wait3A] : memref<256xf32, #tpu.memory_space<hbm>> -> memref<128xf32, #tpu.memory_space<hbm>>
      %dma_wait3A_29 = arith.constant 0 : i32
      %dma_wait3A_30 = tpu.memref_slice %arg3[%dma_wait3A_29] : memref<256xf32, #tpu.memory_space<hbm>> -> memref<128xf32, #tpu.memory_space<hbm>>
      tpu.wait_dma2 semaphore(%run_scoped3A : memref<!tpu.dma_semaphore, #tpu.memory_space<semaphore_mem>>) src(%dma_wait3A_30 : memref<128xf32, #tpu.memory_space<hbm>>) dst(%arg6 : memref<128xf32, #tpu.memory_space<vmem>>)
      tpu.yield
    }) : () -> ()
    "tpu.region"() ({
      %run_scoped3A = tpu.sem_alloc : memref<!tpu.dma_semaphore, #tpu.memory_space<semaphore_mem>>
      %dma_start3A = arith.constant 128 : i32
      %dma_start3A_25 = tpu.memref_slice %arg3[%dma_start3A] : memref<256xf32, #tpu.memory_space<hbm>> -> memref<128xf32, #tpu.memory_space<hbm>>
      %dma_start3A_26 = arith.constant 128 : i32
      %dma_start3A_27 = tpu.memref_slice %arg3[%dma_start3A_26] : memref<256xf32, #tpu.memory_space<hbm>> -> memref<128xf32, #tpu.memory_space<hbm>>
      tpu.enqueue_dma source(%dma_start3A_27 : memref<128xf32, #tpu.memory_space<hbm>>) target(%arg7 : memref<128xf32, #tpu.memory_space<vmem>>) target_semaphore(%run_scoped3A : memref<!tpu.dma_semaphore, #tpu.memory_space<semaphore_mem>>)
      %dma_wait3A = arith.constant 128 : i32
      %dma_wait3A_28 = tpu.memref_slice %arg3[%dma_wait3A] : memref<256xf32, #tpu.memory_space<hbm>> -> memref<128xf32, #tpu.memory_space<hbm>>
      %dma_wait3A_29 = arith.constant 128 : i32
      %dma_wait3A_30 = tpu.memref_slice %arg3[%dma_wait3A_29] : memref<256xf32, #tpu.memory_space<hbm>> -> memref<128xf32, #tpu.memory_space<hbm>>
      tpu.wait_dma2 semaphore(%run_scoped3A : memref<!tpu.dma_semaphore, #tpu.memory_space<semaphore_mem>>) src(%dma_wait3A_30 : memref<128xf32, #tpu.memory_space<hbm>>) dst(%arg7 : memref<128xf32, #tpu.memory_space<vmem>>)
      tpu.yield
    }) : () -> ()
    %scan3A = arith.constant 0 : i32
    %scan3A_0 = arith.constant 0 : i32
    %scan3A_1 = arith.constant 5 : i32
    %scan3A_2 = arith.addi %scan3A_0, %scan3A_1 : i32
    %scan3A_3 = arith.constant 1 : i32
    scf.for %scan3A_25 = %scan3A_0 to %scan3A_2 step %scan3A_3  : i32 {
      %mul3A_26 = arith.constant 640 : i32
      %mul3A_27 = arith.muli %arg1, %mul3A_26 : i32
      %mul3A_28 = arith.constant 128 : i32
      %mul3A_29 = arith.muli %scan3A_25, %mul3A_28 : i32
      %add3A = arith.addi %mul3A_27, %mul3A_29 : i32
      "tpu.region"() ({
        %run_scoped3A = tpu.sem_alloc : memref<!tpu.dma_semaphore, #tpu.memory_space<semaphore_mem>>
        %dma_start3A = tpu.memref_slice %arg8[%add3A] : memref<10240xf32, #tpu.memory_space<vmem_shared>> -> memref<128xf32, #tpu.memory_space<vmem_shared>>
        %dma_start3A_30 = tpu.memref_slice %arg8[%add3A] : memref<10240xf32, #tpu.memory_space<vmem_shared>> -> memref<128xf32, #tpu.memory_space<vmem_shared>>
        tpu.enqueue_dma source(%arg7 : memref<128xf32, #tpu.memory_space<vmem>>) target(%dma_start3A_30 : memref<128xf32, #tpu.memory_space<vmem_shared>>) target_semaphore(%run_scoped3A : memref<!tpu.dma_semaphore, #tpu.memory_space<semaphore_mem>>)
        %dma_wait3A = tpu.memref_slice %arg8[%add3A] : memref<10240xf32, #tpu.memory_space<vmem_shared>> -> memref<128xf32, #tpu.memory_space<vmem_shared>>
        %dma_wait3A_31 = tpu.memref_slice %arg8[%add3A] : memref<10240xf32, #tpu.memory_space<vmem_shared>> -> memref<128xf32, #tpu.memory_space<vmem_shared>>
        tpu.wait_dma2 semaphore(%run_scoped3A : memref<!tpu.dma_semaphore, #tpu.memory_space<semaphore_mem>>) src(%arg7 : memref<128xf32, #tpu.memory_space<vmem>>) dst(%dma_wait3A_31 : memref<128xf32, #tpu.memory_space<vmem_shared>>)
        tpu.yield
      }) : () -> ()
    }
    %scan3A_4 = arith.constant 5 : i32
    %mul3A = arith.constant 10000 : i32
    %mul3A_5 = arith.muli %arg0, %mul3A : i32
    "tpu.region"() ({
      %run_scoped3A = tpu.sem_alloc : memref<!tpu.dma_semaphore, #tpu.memory_space<semaphore_mem>>
      %dma_start3A = arith.constant 0 : i32
      %dma_start3A_25 = tpu.memref_slice %arg5[%dma_start3A] : memref<10240xi32, #tpu.memory_space<vmem>> -> memref<10000xi32, #tpu.memory_space<vmem>>
      %dma_start3A_26 = arith.constant 0 : i32
      %dma_start3A_27 = tpu.memref_slice %arg2[%arg1, %dma_start3A_26] : memref<16x20000xi32, #tpu.memory_space<hbm>> -> memref<1x20000xi32, #tpu.memory_space<hbm>>
      %dma_start3A_28 = tpu.memref_squeeze %dma_start3A_27 : memref<1x20000xi32, #tpu.memory_space<hbm>> -> memref<20000xi32, #tpu.memory_space<hbm>>
      %dma_start3A_29 = tpu.memref_slice %dma_start3A_28[%mul3A_5] : memref<20000xi32, #tpu.memory_space<hbm>> -> memref<10000xi32, #tpu.memory_space<hbm>>
      %dma_start3A_30 = arith.constant 0 : i32
      %dma_start3A_31 = tpu.memref_slice %arg5[%dma_start3A_30] : memref<10240xi32, #tpu.memory_space<vmem>> -> memref<10000xi32, #tpu.memory_space<vmem>>
      %dma_start3A_32 = arith.constant 0 : i32
      %dma_start3A_33 = tpu.memref_slice %arg2[%arg1, %dma_start3A_32] : memref<16x20000xi32, #tpu.memory_space<hbm>> -> memref<1x20000xi32, #tpu.memory_space<hbm>>
      %dma_start3A_34 = tpu.memref_squeeze %dma_start3A_33 : memref<1x20000xi32, #tpu.memory_space<hbm>> -> memref<20000xi32, #tpu.memory_space<hbm>>
      %dma_start3A_35 = tpu.memref_slice %dma_start3A_34[%mul3A_5] : memref<20000xi32, #tpu.memory_space<hbm>> -> memref<10000xi32, #tpu.memory_space<hbm>>
      tpu.enqueue_dma source(%dma_start3A_35 : memref<10000xi32, #tpu.memory_space<hbm>>) target(%dma_start3A_31 : memref<10000xi32, #tpu.memory_space<vmem>>) target_semaphore(%run_scoped3A : memref<!tpu.dma_semaphore, #tpu.memory_space<semaphore_mem>>)
      %dma_wait3A = arith.constant 0 : i32
      %dma_wait3A_36 = tpu.memref_slice %arg5[%dma_wait3A] : memref<10240xi32, #tpu.memory_space<vmem>> -> memref<10000xi32, #tpu.memory_space<vmem>>
      %dma_wait3A_37 = arith.constant 0 : i32
      %dma_wait3A_38 = tpu.memref_slice %arg2[%arg1, %dma_wait3A_37] : memref<16x20000xi32, #tpu.memory_space<hbm>> -> memref<1x20000xi32, #tpu.memory_space<hbm>>
      %dma_wait3A_39 = tpu.memref_squeeze %dma_wait3A_38 : memref<1x20000xi32, #tpu.memory_space<hbm>> -> memref<20000xi32, #tpu.memory_space<hbm>>
      %dma_wait3A_40 = tpu.memref_slice %dma_wait3A_39[%mul3A_5] : memref<20000xi32, #tpu.memory_space<hbm>> -> memref<10000xi32, #tpu.memory_space<hbm>>
      %dma_wait3A_41 = arith.constant 0 : i32
      %dma_wait3A_42 = tpu.memref_slice %arg5[%dma_wait3A_41] : memref<10240xi32, #tpu.memory_space<vmem>> -> memref<10000xi32, #tpu.memory_space<vmem>>
      %dma_wait3A_43 = arith.constant 0 : i32
      %dma_wait3A_44 = tpu.memref_slice %arg2[%arg1, %dma_wait3A_43] : memref<16x20000xi32, #tpu.memory_space<hbm>> -> memref<1x20000xi32, #tpu.memory_space<hbm>>
      %dma_wait3A_45 = tpu.memref_squeeze %dma_wait3A_44 : memref<1x20000xi32, #tpu.memory_space<hbm>> -> memref<20000xi32, #tpu.memory_space<hbm>>
      %dma_wait3A_46 = tpu.memref_slice %dma_wait3A_45[%mul3A_5] : memref<20000xi32, #tpu.memory_space<hbm>> -> memref<10000xi32, #tpu.memory_space<hbm>>
      tpu.wait_dma2 semaphore(%run_scoped3A : memref<!tpu.dma_semaphore, #tpu.memory_space<semaphore_mem>>) src(%dma_wait3A_46 : memref<10000xi32, #tpu.memory_space<hbm>>) dst(%dma_wait3A_42 : memref<10000xi32, #tpu.memory_space<vmem>>)
      tpu.yield
    }) : () -> ()
    %scan3A_6 = arith.constant 0 : i32
    %scan3A_7 = arith.constant 0 : i32
    %scan3A_8 = arith.constant 15 : i32
    %scan3A_9 = arith.addi %scan3A_7, %scan3A_8 : i32
    %scan3A_10 = arith.constant 1 : i32
    scf.for %scan3A_25 = %scan3A_7 to %scan3A_9 step %scan3A_10  : i32 {
      %broadcast_in_dim3A = arith.constant 10239 : i32
      %broadcast_in_dim3A_26 = vector.broadcast %broadcast_in_dim3A : i32 to vector<16xi32>
      %mul3A_27 = arith.constant 16 : i32
      %mul3A_28 = arith.muli %scan3A_25, %mul3A_27 : i32
      %add3A = arith.constant 10000 : i32
      %add3A_29 = arith.addi %add3A, %mul3A_28 : i32
      %swap3A = arith.index_cast %add3A_29 : i32 to index
      %swap3A_30 = tpu.vector_load %arg5[%swap3A] {strides = array<i32>} : memref<10240xi32, #tpu.memory_space<vmem>>, vector<16xi32>,
      %swap3A_31 = vector.shape_cast %swap3A_30 : vector<16xi32> to vector<16xi32>
      %swap3A_32 = vector.shape_cast %broadcast_in_dim3A_26 : vector<16xi32> to vector<16xi32>
      tpu.vector_store %arg5[%swap3A], %swap3A_32 {strides = array<i32>} : memref<10240xi32, #tpu.memory_space<vmem>>, vector<16xi32>,
    }
    %scan3A_11 = arith.constant 15 : i32
    %barrier3A = arith.constant 0 : index
    tpu.barrier barrier_id(%barrier3A)
    %scan3A_12 = arith.constant 0 : i32
    %scan3A_13 = arith.constant 0 : i32
    %scan3A_14 = arith.constant 5 : i32
    %scan3A_15 = arith.addi %scan3A_13, %scan3A_14 : i32
    %scan3A_16 = arith.constant 1 : i32
    scf.for %scan3A_25 = %scan3A_13 to %scan3A_15 step %scan3A_16  : i32 {
      %mul3A_26 = arith.constant 16 : i32
      %mul3A_27 = arith.muli %scan3A_25, %mul3A_26 : i32
      %add3A = arith.constant 0 : i32
      %add3A_28 = arith.addi %mul3A_27, %add3A : i32
      %mul3A_29 = arith.constant 128 : i32
      %mul3A_30 = arith.muli %add3A_28, %mul3A_29 : i32
      %dma_start3A = tpu.memref_slice %arg5[%mul3A_30] : memref<10240xi32, #tpu.memory_space<vmem>> -> memref<128xi32, #tpu.memory_space<vmem>>
      %dma_start3A_31 = arith.constant 0 : i32
      %dma_start3A_32 = tpu.memref_slice %arg8[%dma_start3A_31] : memref<10240xf32, #tpu.memory_space<vmem_shared>> -> memref<10240xf32, #tpu.memory_space<vmem_shared>>
      tpu.enqueue_indirect_dma source(%arg6 : memref<128xf32, #tpu.memory_space<vmem>>) target(%dma_start3A_32 : memref<10240xf32, #tpu.memory_space<vmem_shared>>) offsets(%dma_start3A : memref<128xi32, #tpu.memory_space<vmem>>) semaphore(%arg9 : memref<!tpu.dma_semaphore, #tpu.memory_space<semaphore_mem>>) {add = true}
      %mul3A_33 = arith.constant 16 : i32
      %mul3A_34 = arith.muli %scan3A_25, %mul3A_33 : i32
      %add3A_35 = arith.constant 1 : i32
      %add3A_36 = arith.addi %mul3A_34, %add3A_35 : i32
      %mul3A_37 = arith.constant 128 : i32
      %mul3A_38 = arith.muli %add3A_36, %mul3A_37 : i32
      %dma_start3A_39 = tpu.memref_slice %arg5[%mul3A_38] : memref<10240xi32, #tpu.memory_space<vmem>> -> memref<128xi32, #tpu.memory_space<vmem>>
      %dma_start3A_40 = arith.constant 0 : i32
      %dma_start3A_41 = tpu.memref_slice %arg8[%dma_start3A_40] : memref<10240xf32, #tpu.memory_space<vmem_shared>> -> memref<10240xf32, #tpu.memory_space<vmem_shared>>
      tpu.enqueue_indirect_dma source(%arg6 : memref<128xf32, #tpu.memory_space<vmem>>) target(%dma_start3A_41 : memref<10240xf32, #tpu.memory_space<vmem_shared>>) offsets(%dma_start3A_39 : memref<128xi32, #tpu.memory_space<vmem>>) semaphore(%arg9 : memref<!tpu.dma_semaphore, #tpu.memory_space<semaphore_mem>>) {add = true}
      %mul3A_42 = arith.constant 16 : i32
      %mul3A_43 = arith.muli %scan3A_25, %mul3A_42 : i32
      %add3A_44 = arith.constant 2 : i32
      %add3A_45 = arith.addi %mul3A_43, %add3A_44 : i32
      %mul3A_46 = arith.constant 128 : i32
      %mul3A_47 = arith.muli %add3A_45, %mul3A_46 : i32
      %dma_start3A_48 = tpu.memref_slice %arg5[%mul3A_47] : memref<10240xi32, #tpu.memory_space<vmem>> -> memref<128xi32, #tpu.memory_space<vmem>>
      %dma_start3A_49 = arith.constant 0 : i32
      %dma_start3A_50 = tpu.memref_slice %arg8[%dma_start3A_49] : memref<10240xf32, #tpu.memory_space<vmem_shared>> -> memref<10240xf32, #tpu.memory_space<vmem_shared>>
      tpu.enqueue_indirect_dma source(%arg6 : memref<128xf32, #tpu.memory_space<vmem>>) target(%dma_start3A_50 : memref<10240xf32, #tpu.memory_space<vmem_shared>>) offsets(%dma_start3A_48 : memref<128xi32, #tpu.memory_space<vmem>>) semaphore(%arg9 : memref<!tpu.dma_semaphore, #tpu.memory_space<semaphore_mem>>) {add = true}
      %mul3A_51 = arith.constant 16 : i32
      %mul3A_52 = arith.muli %scan3A_25, %mul3A_51 : i32
      %add3A_53 = arith.constant 3 : i32
      %add3A_54 = arith.addi %mul3A_52, %add3A_53 : i32
      %mul3A_55 = arith.constant 128 : i32
      %mul3A_56 = arith.muli %add3A_54, %mul3A_55 : i32
      %dma_start3A_57 = tpu.memref_slice %arg5[%mul3A_56] : memref<10240xi32, #tpu.memory_space<vmem>> -> memref<128xi32, #tpu.memory_space<vmem>>
      %dma_start3A_58 = arith.constant 0 : i32
      %dma_start3A_59 = tpu.memref_slice %arg8[%dma_start3A_58] : memref<10240xf32, #tpu.memory_space<vmem_shared>> -> memref<10240xf32, #tpu.memory_space<vmem_shared>>
      tpu.enqueue_indirect_dma source(%arg6 : memref<128xf32, #tpu.memory_space<vmem>>) target(%dma_start3A_59 : memref<10240xf32, #tpu.memory_space<vmem_shared>>) offsets(%dma_start3A_57 : memref<128xi32, #tpu.memory_space<vmem>>) semaphore(%arg9 : memref<!tpu.dma_semaphore, #tpu.memory_space<semaphore_mem>>) {add = true}
      %mul3A_60 = arith.constant 16 : i32
      %mul3A_61 = arith.muli %scan3A_25, %mul3A_60 : i32
      %add3A_62 = arith.constant 4 : i32
      %add3A_63 = arith.addi %mul3A_61, %add3A_62 : i32
      %mul3A_64 = arith.constant 128 : i32
      %mul3A_65 = arith.muli %add3A_63, %mul3A_64 : i32
      %dma_start3A_66 = tpu.memref_slice %arg5[%mul3A_65] : memref<10240xi32, #tpu.memory_space<vmem>> -> memref<128xi32, #tpu.memory_space<vmem>>
      %dma_start3A_67 = arith.constant 0 : i32
      %dma_start3A_68 = tpu.memref_slice %arg8[%dma_start3A_67] : memref<10240xf32, #tpu.memory_space<vmem_shared>> -> memref<10240xf32, #tpu.memory_space<vmem_shared>>
      tpu.enqueue_indirect_dma source(%arg6 : memref<128xf32, #tpu.memory_space<vmem>>) target(%dma_start3A_68 : memref<10240xf32, #tpu.memory_space<vmem_shared>>) offsets(%dma_start3A_66 : memref<128xi32, #tpu.memory_space<vmem>>) semaphore(%arg9 : memref<!tpu.dma_semaphore, #tpu.memory_space<semaphore_mem>>) {add = true}
      %mul3A_69 = arith.constant 16 : i32
      %mul3A_70 = arith.muli %scan3A_25, %mul3A_69 : i32
      %add3A_71 = arith.constant 5 : i32
      %add3A_72 = arith.addi %mul3A_70, %add3A_71 : i32
      %mul3A_73 = arith.constant 128 : i32
      %mul3A_74 = arith.muli %add3A_72, %mul3A_73 : i32
      %dma_start3A_75 = tpu.memref_slice %arg5[%mul3A_74] : memref<10240xi32, #tpu.memory_space<vmem>> -> memref<128xi32, #tpu.memory_space<vmem>>
      %dma_start3A_76 = arith.constant 0 : i32
      %dma_start3A_77 = tpu.memref_slice %arg8[%dma_start3A_76] : memref<10240xf32, #tpu.memory_space<vmem_shared>> -> memref<10240xf32, #tpu.memory_space<vmem_shared>>
      tpu.enqueue_indirect_dma source(%arg6 : memref<128xf32, #tpu.memory_space<vmem>>) target(%dma_start3A_77 : memref<10240xf32, #tpu.memory_space<vmem_shared>>) offsets(%dma_start3A_75 : memref<128xi32, #tpu.memory_space<vmem>>) semaphore(%arg9 : memref<!tpu.dma_semaphore, #tpu.memory_space<semaphore_mem>>) {add = true}
      %mul3A_78 = arith.constant 16 : i32
      %mul3A_79 = arith.muli %scan3A_25, %mul3A_78 : i32
      %add3A_80 = arith.constant 6 : i32
      %add3A_81 = arith.addi %mul3A_79, %add3A_80 : i32
      %mul3A_82 = arith.constant 128 : i32
      %mul3A_83 = arith.muli %add3A_81, %mul3A_82 : i32
      %dma_start3A_84 = tpu.memref_slice %arg5[%mul3A_83] : memref<10240xi32, #tpu.memory_space<vmem>> -> memref<128xi32, #tpu.memory_space<vmem>>
      %dma_start3A_85 = arith.constant 0 : i32
      %dma_start3A_86 = tpu.memref_slice %arg8[%dma_start3A_85] : memref<10240xf32, #tpu.memory_space<vmem_shared>> -> memref<10240xf32, #tpu.memory_space<vmem_shared>>
      tpu.enqueue_indirect_dma source(%arg6 : memref<128xf32, #tpu.memory_space<vmem>>) target(%dma_start3A_86 : memref<10240xf32, #tpu.memory_space<vmem_shared>>) offsets(%dma_start3A_84 : memref<128xi32, #tpu.memory_space<vmem>>) semaphore(%arg9 : memref<!tpu.dma_semaphore, #tpu.memory_space<semaphore_mem>>) {add = true}
      %mul3A_87 = arith.constant 16 : i32
      %mul3A_88 = arith.muli %scan3A_25, %mul3A_87 : i32
      %add3A_89 = arith.constant 7 : i32
      %add3A_90 = arith.addi %mul3A_88, %add3A_89 : i32
      %mul3A_91 = arith.constant 128 : i32
      %mul3A_92 = arith.muli %add3A_90, %mul3A_91 : i32
      %dma_start3A_93 = tpu.memref_slice %arg5[%mul3A_92] : memref<10240xi32, #tpu.memory_space<vmem>> -> memref<128xi32, #tpu.memory_space<vmem>>
      %dma_start3A_94 = arith.constant 0 : i32
      %dma_start3A_95 = tpu.memref_slice %arg8[%dma_start3A_94] : memref<10240xf32, #tpu.memory_space<vmem_shared>> -> memref<10240xf32, #tpu.memory_space<vmem_shared>>
      tpu.enqueue_indirect_dma source(%arg6 : memref<128xf32, #tpu.memory_space<vmem>>) target(%dma_start3A_95 : memref<10240xf32, #tpu.memory_space<vmem_shared>>) offsets(%dma_start3A_93 : memref<128xi32, #tpu.memory_space<vmem>>) semaphore(%arg9 : memref<!tpu.dma_semaphore, #tpu.memory_space<semaphore_mem>>) {add = true}
      %mul3A_96 = arith.constant 16 : i32
      %mul3A_97 = arith.muli %scan3A_25, %mul3A_96 : i32
      %add3A_98 = arith.constant 8 : i32
      %add3A_99 = arith.addi %mul3A_97, %add3A_98 : i32
      %mul3A_100 = arith.constant 128 : i32
      %mul3A_101 = arith.muli %add3A_99, %mul3A_100 : i32
      %dma_start3A_102 = tpu.memref_slice %arg5[%mul3A_101] : memref<10240xi32, #tpu.memory_space<vmem>> -> memref<128xi32, #tpu.memory_space<vmem>>
      %dma_start3A_103 = arith.constant 0 : i32
      %dma_start3A_104 = tpu.memref_slice %arg8[%dma_start3A_103] : memref<10240xf32, #tpu.memory_space<vmem_shared>> -> memref<10240xf32, #tpu.memory_space<vmem_shared>>
      tpu.enqueue_indirect_dma source(%arg6 : memref<128xf32, #tpu.memory_space<vmem>>) target(%dma_start3A_104 : memref<10240xf32, #tpu.memory_space<vmem_shared>>) offsets(%dma_start3A_102 : memref<128xi32, #tpu.memory_space<vmem>>) semaphore(%arg9 : memref<!tpu.dma_semaphore, #tpu.memory_space<semaphore_mem>>) {add = true}
      %mul3A_105 = arith.constant 16 : i32
      %mul3A_106 = arith.muli %scan3A_25, %mul3A_105 : i32
      %add3A_107 = arith.constant 9 : i32
      %add3A_108 = arith.addi %mul3A_106, %add3A_107 : i32
      %mul3A_109 = arith.constant 128 : i32
      %mul3A_110 = arith.muli %add3A_108, %mul3A_109 : i32
      %dma_start3A_111 = tpu.memref_slice %arg5[%mul3A_110] : memref<10240xi32, #tpu.memory_space<vmem>> -> memref<128xi32, #tpu.memory_space<vmem>>
      %dma_start3A_112 = arith.constant 0 : i32
      %dma_start3A_113 = tpu.memref_slice %arg8[%dma_start3A_112] : memref<10240xf32, #tpu.memory_space<vmem_shared>> -> memref<10240xf32, #tpu.memory_space<vmem_shared>>
      tpu.enqueue_indirect_dma source(%arg6 : memref<128xf32, #tpu.memory_space<vmem>>) target(%dma_start3A_113 : memref<10240xf32, #tpu.memory_space<vmem_shared>>) offsets(%dma_start3A_111 : memref<128xi32, #tpu.memory_space<vmem>>) semaphore(%arg9 : memref<!tpu.dma_semaphore, #tpu.memory_space<semaphore_mem>>) {add = true}
      %mul3A_114 = arith.constant 16 : i32
      %mul3A_115 = arith.muli %scan3A_25, %mul3A_114 : i32
      %add3A_116 = arith.constant 10 : i32
      %add3A_117 = arith.addi %mul3A_115, %add3A_116 : i32
      %mul3A_118 = arith.constant 128 : i32
      %mul3A_119 = arith.muli %add3A_117, %mul3A_118 : i32
      %dma_start3A_120 = tpu.memref_slice %arg5[%mul3A_119] : memref<10240xi32, #tpu.memory_space<vmem>> -> memref<128xi32, #tpu.memory_space<vmem>>
      %dma_start3A_121 = arith.constant 0 : i32
      %dma_start3A_122 = tpu.memref_slice %arg8[%dma_start3A_121] : memref<10240xf32, #tpu.memory_space<vmem_shared>> -> memref<10240xf32, #tpu.memory_space<vmem_shared>>
      tpu.enqueue_indirect_dma source(%arg6 : memref<128xf32, #tpu.memory_space<vmem>>) target(%dma_start3A_122 : memref<10240xf32, #tpu.memory_space<vmem_shared>>) offsets(%dma_start3A_120 : memref<128xi32, #tpu.memory_space<vmem>>) semaphore(%arg9 : memref<!tpu.dma_semaphore, #tpu.memory_space<semaphore_mem>>) {add = true}
      %mul3A_123 = arith.constant 16 : i32
      %mul3A_124 = arith.muli %scan3A_25, %mul3A_123 : i32
      %add3A_125 = arith.constant 11 : i32
      %add3A_126 = arith.addi %mul3A_124, %add3A_125 : i32
      %mul3A_127 = arith.constant 128 : i32
      %mul3A_128 = arith.muli %add3A_126, %mul3A_127 : i32
      %dma_start3A_129 = tpu.memref_slice %arg5[%mul3A_128] : memref<10240xi32, #tpu.memory_space<vmem>> -> memref<128xi32, #tpu.memory_space<vmem>>
      %dma_start3A_130 = arith.constant 0 : i32
      %dma_start3A_131 = tpu.memref_slice %arg8[%dma_start3A_130] : memref<10240xf32, #tpu.memory_space<vmem_shared>> -> memref<10240xf32, #tpu.memory_space<vmem_shared>>
      tpu.enqueue_indirect_dma source(%arg6 : memref<128xf32, #tpu.memory_space<vmem>>) target(%dma_start3A_131 : memref<10240xf32, #tpu.memory_space<vmem_shared>>) offsets(%dma_start3A_129 : memref<128xi32, #tpu.memory_space<vmem>>) semaphore(%arg9 : memref<!tpu.dma_semaphore, #tpu.memory_space<semaphore_mem>>) {add = true}
      %mul3A_132 = arith.constant 16 : i32
      %mul3A_133 = arith.muli %scan3A_25, %mul3A_132 : i32
      %add3A_134 = arith.constant 12 : i32
      %add3A_135 = arith.addi %mul3A_133, %add3A_134 : i32
      %mul3A_136 = arith.constant 128 : i32
      %mul3A_137 = arith.muli %add3A_135, %mul3A_136 : i32
      %dma_start3A_138 = tpu.memref_slice %arg5[%mul3A_137] : memref<10240xi32, #tpu.memory_space<vmem>> -> memref<128xi32, #tpu.memory_space<vmem>>
      %dma_start3A_139 = arith.constant 0 : i32
      %dma_start3A_140 = tpu.memref_slice %arg8[%dma_start3A_139] : memref<10240xf32, #tpu.memory_space<vmem_shared>> -> memref<10240xf32, #tpu.memory_space<vmem_shared>>
      tpu.enqueue_indirect_dma source(%arg6 : memref<128xf32, #tpu.memory_space<vmem>>) target(%dma_start3A_140 : memref<10240xf32, #tpu.memory_space<vmem_shared>>) offsets(%dma_start3A_138 : memref<128xi32, #tpu.memory_space<vmem>>) semaphore(%arg9 : memref<!tpu.dma_semaphore, #tpu.memory_space<semaphore_mem>>) {add = true}
      %mul3A_141 = arith.constant 16 : i32
      %mul3A_142 = arith.muli %scan3A_25, %mul3A_141 : i32
      %add3A_143 = arith.constant 13 : i32
      %add3A_144 = arith.addi %mul3A_142, %add3A_143 : i32
      %mul3A_145 = arith.constant 128 : i32
      %mul3A_146 = arith.muli %add3A_144, %mul3A_145 : i32
      %dma_start3A_147 = tpu.memref_slice %arg5[%mul3A_146] : memref<10240xi32, #tpu.memory_space<vmem>> -> memref<128xi32, #tpu.memory_space<vmem>>
      %dma_start3A_148 = arith.constant 0 : i32
      %dma_start3A_149 = tpu.memref_slice %arg8[%dma_start3A_148] : memref<10240xf32, #tpu.memory_space<vmem_shared>> -> memref<10240xf32, #tpu.memory_space<vmem_shared>>
      tpu.enqueue_indirect_dma source(%arg6 : memref<128xf32, #tpu.memory_space<vmem>>) target(%dma_start3A_149 : memref<10240xf32, #tpu.memory_space<vmem_shared>>) offsets(%dma_start3A_147 : memref<128xi32, #tpu.memory_space<vmem>>) semaphore(%arg9 : memref<!tpu.dma_semaphore, #tpu.memory_space<semaphore_mem>>) {add = true}
      %mul3A_150 = arith.constant 16 : i32
      %mul3A_151 = arith.muli %scan3A_25, %mul3A_150 : i32
      %add3A_152 = arith.constant 14 : i32
      %add3A_153 = arith.addi %mul3A_151, %add3A_152 : i32
      %mul3A_154 = arith.constant 128 : i32
      %mul3A_155 = arith.muli %add3A_153, %mul3A_154 : i32
      %dma_start3A_156 = tpu.memref_slice %arg5[%mul3A_155] : memref<10240xi32, #tpu.memory_space<vmem>> -> memref<128xi32, #tpu.memory_space<vmem>>
      %dma_start3A_157 = arith.constant 0 : i32
      %dma_start3A_158 = tpu.memref_slice %arg8[%dma_start3A_157] : memref<10240xf32, #tpu.memory_space<vmem_shared>> -> memref<10240xf32, #tpu.memory_space<vmem_shared>>
      tpu.enqueue_indirect_dma source(%arg6 : memref<128xf32, #tpu.memory_space<vmem>>) target(%dma_start3A_158 : memref<10240xf32, #tpu.memory_space<vmem_shared>>) offsets(%dma_start3A_156 : memref<128xi32, #tpu.memory_space<vmem>>) semaphore(%arg9 : memref<!tpu.dma_semaphore, #tpu.memory_space<semaphore_mem>>) {add = true}
      %mul3A_159 = arith.constant 16 : i32
      %mul3A_160 = arith.muli %scan3A_25, %mul3A_159 : i32
      %add3A_161 = arith.constant 15 : i32
      %add3A_162 = arith.addi %mul3A_160, %add3A_161 : i32
      %mul3A_163 = arith.constant 128 : i32
      %mul3A_164 = arith.muli %add3A_162, %mul3A_163 : i32
      %dma_start3A_165 = tpu.memref_slice %arg5[%mul3A_164] : memref<10240xi32, #tpu.memory_space<vmem>> -> memref<128xi32, #tpu.memory_space<vmem>>
      %dma_start3A_166 = arith.constant 0 : i32
      %dma_start3A_167 = tpu.memref_slice %arg8[%dma_start3A_166] : memref<10240xf32, #tpu.memory_space<vmem_shared>> -> memref<10240xf32, #tpu.memory_space<vmem_shared>>
      tpu.enqueue_indirect_dma source(%arg6 : memref<128xf32, #tpu.memory_space<vmem>>) target(%dma_start3A_167 : memref<10240xf32, #tpu.memory_space<vmem_shared>>) offsets(%dma_start3A_165 : memref<128xi32, #tpu.memory_space<vmem>>) semaphore(%arg9 : memref<!tpu.dma_semaphore, #tpu.memory_space<semaphore_mem>>) {add = true}
      %dma_wait3A = arith.constant 0 : i32
      %dma_wait3A_168 = tpu.memref_slice %arg5[%dma_wait3A] : memref<10240xi32, #tpu.memory_space<vmem>> -> memref<128xi32, #tpu.memory_space<vmem>>
      %dma_wait3A_169 = arith.constant 0 : i32
      %dma_wait3A_170 = tpu.memref_slice %arg8[%dma_wait3A_169] : memref<10240xf32, #tpu.memory_space<vmem_shared>> -> memref<10240xf32, #tpu.memory_space<vmem_shared>>
      tpu.wait_indirect_dma semaphore(%arg9 : memref<!tpu.dma_semaphore, #tpu.memory_space<semaphore_mem>>) src(%arg6 : memref<128xf32, #tpu.memory_space<vmem>>) dst(%dma_wait3A_170 : memref<10240xf32, #tpu.memory_space<vmem_shared>>)
      %dma_wait3A_171 = arith.constant 0 : i32
      %dma_wait3A_172 = tpu.memref_slice %arg5[%dma_wait3A_171] : memref<10240xi32, #tpu.memory_space<vmem>> -> memref<128xi32, #tpu.memory_space<vmem>>
      %dma_wait3A_173 = arith.constant 0 : i32
      %dma_wait3A_174 = tpu.memref_slice %arg8[%dma_wait3A_173] : memref<10240xf32, #tpu.memory_space<vmem_shared>> -> memref<10240xf32, #tpu.memory_space<vmem_shared>>
      tpu.wait_indirect_dma semaphore(%arg9 : memref<!tpu.dma_semaphore, #tpu.memory_space<semaphore_mem>>) src(%arg6 : memref<128xf32, #tpu.memory_space<vmem>>) dst(%dma_wait3A_174 : memref<10240xf32, #tpu.memory_space<vmem_shared>>)
      %dma_wait3A_175 = arith.constant 0 : i32
      %dma_wait3A_176 = tpu.memref_slice %arg5[%dma_wait3A_175] : memref<10240xi32, #tpu.memory_space<vmem>> -> memref<128xi32, #tpu.memory_space<vmem>>
      %dma_wait3A_177 = arith.constant 0 : i32
      %dma_wait3A_178 = tpu.memref_slice %arg8[%dma_wait3A_177] : memref<10240xf32, #tpu.memory_space<vmem_shared>> -> memref<10240xf32, #tpu.memory_space<vmem_shared>>
      tpu.wait_indirect_dma semaphore(%arg9 : memref<!tpu.dma_semaphore, #tpu.memory_space<semaphore_mem>>) src(%arg6 : memref<128xf32, #tpu.memory_space<vmem>>) dst(%dma_wait3A_178 : memref<10240xf32, #tpu.memory_space<vmem_shared>>)
      %dma_wait3A_179 = arith.constant 0 : i32
      %dma_wait3A_180 = tpu.memref_slice %arg5[%dma_wait3A_179] : memref<10240xi32, #tpu.memory_space<vmem>> -> memref<128xi32, #tpu.memory_space<vmem>>
      %dma_wait3A_181 = arith.constant 0 : i32
      %dma_wait3A_182 = tpu.memref_slice %arg8[%dma_wait3A_181] : memref<10240xf32, #tpu.memory_space<vmem_shared>> -> memref<10240xf32, #tpu.memory_space<vmem_shared>>
      tpu.wait_indirect_dma semaphore(%arg9 : memref<!tpu.dma_semaphore, #tpu.memory_space<semaphore_mem>>) src(%arg6 : memref<128xf32, #tpu.memory_space<vmem>>) dst(%dma_wait3A_182 : memref<10240xf32, #tpu.memory_space<vmem_shared>>)
      %dma_wait3A_183 = arith.constant 0 : i32
      %dma_wait3A_184 = tpu.memref_slice %arg5[%dma_wait3A_183] : memref<10240xi32, #tpu.memory_space<vmem>> -> memref<128xi32, #tpu.memory_space<vmem>>
      %dma_wait3A_185 = arith.constant 0 : i32
      %dma_wait3A_186 = tpu.memref_slice %arg8[%dma_wait3A_185] : memref<10240xf32, #tpu.memory_space<vmem_shared>> -> memref<10240xf32, #tpu.memory_space<vmem_shared>>
      tpu.wait_indirect_dma semaphore(%arg9 : memref<!tpu.dma_semaphore, #tpu.memory_space<semaphore_mem>>) src(%arg6 : memref<128xf32, #tpu.memory_space<vmem>>) dst(%dma_wait3A_186 : memref<10240xf32, #tpu.memory_space<vmem_shared>>)
      %dma_wait3A_187 = arith.constant 0 : i32
      %dma_wait3A_188 = tpu.memref_slice %arg5[%dma_wait3A_187] : memref<10240xi32, #tpu.memory_space<vmem>> -> memref<128xi32, #tpu.memory_space<vmem>>
      %dma_wait3A_189 = arith.constant 0 : i32
      %dma_wait3A_190 = tpu.memref_slice %arg8[%dma_wait3A_189] : memref<10240xf32, #tpu.memory_space<vmem_shared>> -> memref<10240xf32, #tpu.memory_space<vmem_shared>>
      tpu.wait_indirect_dma semaphore(%arg9 : memref<!tpu.dma_semaphore, #tpu.memory_space<semaphore_mem>>) src(%arg6 : memref<128xf32, #tpu.memory_space<vmem>>) dst(%dma_wait3A_190 : memref<10240xf32, #tpu.memory_space<vmem_shared>>)
      %dma_wait3A_191 = arith.constant 0 : i32
      %dma_wait3A_192 = tpu.memref_slice %arg5[%dma_wait3A_191] : memref<10240xi32, #tpu.memory_space<vmem>> -> memref<128xi32, #tpu.memory_space<vmem>>
      %dma_wait3A_193 = arith.constant 0 : i32
      %dma_wait3A_194 = tpu.memref_slice %arg8[%dma_wait3A_193] : memref<10240xf32, #tpu.memory_space<vmem_shared>> -> memref<10240xf32, #tpu.memory_space<vmem_shared>>
      tpu.wait_indirect_dma semaphore(%arg9 : memref<!tpu.dma_semaphore, #tpu.memory_space<semaphore_mem>>) src(%arg6 : memref<128xf32, #tpu.memory_space<vmem>>) dst(%dma_wait3A_194 : memref<10240xf32, #tpu.memory_space<vmem_shared>>)
      %dma_wait3A_195 = arith.constant 0 : i32
      %dma_wait3A_196 = tpu.memref_slice %arg5[%dma_wait3A_195] : memref<10240xi32, #tpu.memory_space<vmem>> -> memref<128xi32, #tpu.memory_space<vmem>>
      %dma_wait3A_197 = arith.constant 0 : i32
      %dma_wait3A_198 = tpu.memref_slice %arg8[%dma_wait3A_197] : memref<10240xf32, #tpu.memory_space<vmem_shared>> -> memref<10240xf32, #tpu.memory_space<vmem_shared>>
      tpu.wait_indirect_dma semaphore(%arg9 : memref<!tpu.dma_semaphore, #tpu.memory_space<semaphore_mem>>) src(%arg6 : memref<128xf32, #tpu.memory_space<vmem>>) dst(%dma_wait3A_198 : memref<10240xf32, #tpu.memory_space<vmem_shared>>)
      %dma_wait3A_199 = arith.constant 0 : i32
      %dma_wait3A_200 = tpu.memref_slice %arg5[%dma_wait3A_199] : memref<10240xi32, #tpu.memory_space<vmem>> -> memref<128xi32, #tpu.memory_space<vmem>>
      %dma_wait3A_201 = arith.constant 0 : i32
      %dma_wait3A_202 = tpu.memref_slice %arg8[%dma_wait3A_201] : memref<10240xf32, #tpu.memory_space<vmem_shared>> -> memref<10240xf32, #tpu.memory_space<vmem_shared>>
      tpu.wait_indirect_dma semaphore(%arg9 : memref<!tpu.dma_semaphore, #tpu.memory_space<semaphore_mem>>) src(%arg6 : memref<128xf32, #tpu.memory_space<vmem>>) dst(%dma_wait3A_202 : memref<10240xf32, #tpu.memory_space<vmem_shared>>)
      %dma_wait3A_203 = arith.constant 0 : i32
      %dma_wait3A_204 = tpu.memref_slice %arg5[%dma_wait3A_203] : memref<10240xi32, #tpu.memory_space<vmem>> -> memref<128xi32, #tpu.memory_space<vmem>>
      %dma_wait3A_205 = arith.constant 0 : i32
      %dma_wait3A_206 = tpu.memref_slice %arg8[%dma_wait3A_205] : memref<10240xf32, #tpu.memory_space<vmem_shared>> -> memref<10240xf32, #tpu.memory_space<vmem_shared>>
      tpu.wait_indirect_dma semaphore(%arg9 : memref<!tpu.dma_semaphore, #tpu.memory_space<semaphore_mem>>) src(%arg6 : memref<128xf32, #tpu.memory_space<vmem>>) dst(%dma_wait3A_206 : memref<10240xf32, #tpu.memory_space<vmem_shared>>)
      %dma_wait3A_207 = arith.constant 0 : i32
      %dma_wait3A_208 = tpu.memref_slice %arg5[%dma_wait3A_207] : memref<10240xi32, #tpu.memory_space<vmem>> -> memref<128xi32, #tpu.memory_space<vmem>>
      %dma_wait3A_209 = arith.constant 0 : i32
      %dma_wait3A_210 = tpu.memref_slice %arg8[%dma_wait3A_209] : memref<10240xf32, #tpu.memory_space<vmem_shared>> -> memref<10240xf32, #tpu.memory_space<vmem_shared>>
      tpu.wait_indirect_dma semaphore(%arg9 : memref<!tpu.dma_semaphore, #tpu.memory_space<semaphore_mem>>) src(%arg6 : memref<128xf32, #tpu.memory_space<vmem>>) dst(%dma_wait3A_210 : memref<10240xf32, #tpu.memory_space<vmem_shared>>)
      %dma_wait3A_211 = arith.constant 0 : i32
      %dma_wait3A_212 = tpu.memref_slice %arg5[%dma_wait3A_211] : memref<10240xi32, #tpu.memory_space<vmem>> -> memref<128xi32, #tpu.memory_space<vmem>>
      %dma_wait3A_213 = arith.constant 0 : i32
      %dma_wait3A_214 = tpu.memref_slice %arg8[%dma_wait3A_213] : memref<10240xf32, #tpu.memory_space<vmem_shared>> -> memref<10240xf32, #tpu.memory_space<vmem_shared>>
      tpu.wait_indirect_dma semaphore(%arg9 : memref<!tpu.dma_semaphore, #tpu.memory_space<semaphore_mem>>) src(%arg6 : memref<128xf32, #tpu.memory_space<vmem>>) dst(%dma_wait3A_214 : memref<10240xf32, #tpu.memory_space<vmem_shared>>)
      %dma_wait3A_215 = arith.constant 0 : i32
      %dma_wait3A_216 = tpu.memref_slice %arg5[%dma_wait3A_215] : memref<10240xi32, #tpu.memory_space<vmem>> -> memref<128xi32, #tpu.memory_space<vmem>>
      %dma_wait3A_217 = arith.constant 0 : i32
      %dma_wait3A_218 = tpu.memref_slice %arg8[%dma_wait3A_217] : memref<10240xf32, #tpu.memory_space<vmem_shared>> -> memref<10240xf32, #tpu.memory_space<vmem_shared>>
      tpu.wait_indirect_dma semaphore(%arg9 : memref<!tpu.dma_semaphore, #tpu.memory_space<semaphore_mem>>) src(%arg6 : memref<128xf32, #tpu.memory_space<vmem>>) dst(%dma_wait3A_218 : memref<10240xf32, #tpu.memory_space<vmem_shared>>)
      %dma_wait3A_219 = arith.constant 0 : i32
      %dma_wait3A_220 = tpu.memref_slice %arg5[%dma_wait3A_219] : memref<10240xi32, #tpu.memory_space<vmem>> -> memref<128xi32, #tpu.memory_space<vmem>>
      %dma_wait3A_221 = arith.constant 0 : i32
      %dma_wait3A_222 = tpu.memref_slice %arg8[%dma_wait3A_221] : memref<10240xf32, #tpu.memory_space<vmem_shared>> -> memref<10240xf32, #tpu.memory_space<vmem_shared>>
      tpu.wait_indirect_dma semaphore(%arg9 : memref<!tpu.dma_semaphore, #tpu.memory_space<semaphore_mem>>) src(%arg6 : memref<128xf32, #tpu.memory_space<vmem>>) dst(%dma_wait3A_222 : memref<10240xf32, #tpu.memory_space<vmem_shared>>)
      %dma_wait3A_223 = arith.constant 0 : i32
      %dma_wait3A_224 = tpu.memref_slice %arg5[%dma_wait3A_223] : memref<10240xi32, #tpu.memory_space<vmem>> -> memref<128xi32, #tpu.memory_space<vmem>>
      %dma_wait3A_225 = arith.constant 0 : i32
      %dma_wait3A_226 = tpu.memref_slice %arg8[%dma_wait3A_225] : memref<10240xf32, #tpu.memory_space<vmem_shared>> -> memref<10240xf32, #tpu.memory_space<vmem_shared>>
      tpu.wait_indirect_dma semaphore(%arg9 : memref<!tpu.dma_semaphore, #tpu.memory_space<semaphore_mem>>) src(%arg6 : memref<128xf32, #tpu.memory_space<vmem>>) dst(%dma_wait3A_226 : memref<10240xf32, #tpu.memory_space<vmem_shared>>)
      %dma_wait3A_227 = arith.constant 0 : i32
      %dma_wait3A_228 = tpu.memref_slice %arg5[%dma_wait3A_227] : memref<10240xi32, #tpu.memory_space<vmem>> -> memref<128xi32, #tpu.memory_space<vmem>>
      %dma_wait3A_229 = arith.constant 0 : i32
      %dma_wait3A_230 = tpu.memref_slice %arg8[%dma_wait3A_229] : memref<10240xf32, #tpu.memory_space<vmem_shared>> -> memref<10240xf32, #tpu.memory_space<vmem_shared>>
      tpu.wait_indirect_dma semaphore(%arg9 : memref<!tpu.dma_semaphore, #tpu.memory_space<semaphore_mem>>) src(%arg6 : memref<128xf32, #tpu.memory_space<vmem>>) dst(%dma_wait3A_230 : memref<10240xf32, #tpu.memory_space<vmem_shared>>)
    }
    %scan3A_17 = arith.constant 5 : i32
    %barrier3A_18 = arith.constant 0 : index
    tpu.barrier barrier_id(%barrier3A_18)
    %scan3A_19 = arith.constant 0 : i32
    %scan3A_20 = arith.constant 0 : i32
    %scan3A_21 = arith.constant 5 : i32
    %scan3A_22 = arith.addi %scan3A_20, %scan3A_21 : i32
    %scan3A_23 = arith.constant 1 : i32
    scf.for %scan3A_25 = %scan3A_20 to %scan3A_22 step %scan3A_23  : i32 {
      %mul3A_26 = arith.constant 640 : i32
      %mul3A_27 = arith.muli %arg1, %mul3A_26 : i32
      %mul3A_28 = arith.constant 128 : i32
      %mul3A_29 = arith.muli %scan3A_25, %mul3A_28 : i32
      %add3A = arith.addi %mul3A_27, %mul3A_29 : i32
      "tpu.region"() ({
        %run_scoped3A = tpu.sem_alloc : memref<!tpu.dma_semaphore, #tpu.memory_space<semaphore_mem>>
        %dma_start3A = tpu.memref_slice %arg8[%add3A] : memref<10240xf32, #tpu.memory_space<vmem_shared>> -> memref<128xf32, #tpu.memory_space<vmem_shared>>
        %dma_start3A_33 = tpu.memref_slice %arg8[%add3A] : memref<10240xf32, #tpu.memory_space<vmem_shared>> -> memref<128xf32, #tpu.memory_space<vmem_shared>>
        tpu.enqueue_dma source(%dma_start3A_33 : memref<128xf32, #tpu.memory_space<vmem_shared>>) target(%arg7 : memref<128xf32, #tpu.memory_space<vmem>>) target_semaphore(%run_scoped3A : memref<!tpu.dma_semaphore, #tpu.memory_space<semaphore_mem>>)
        %dma_wait3A = tpu.memref_slice %arg8[%add3A] : memref<10240xf32, #tpu.memory_space<vmem_shared>> -> memref<128xf32, #tpu.memory_space<vmem_shared>>
        %dma_wait3A_34 = tpu.memref_slice %arg8[%add3A] : memref<10240xf32, #tpu.memory_space<vmem_shared>> -> memref<128xf32, #tpu.memory_space<vmem_shared>>
        tpu.wait_dma2 semaphore(%run_scoped3A : memref<!tpu.dma_semaphore, #tpu.memory_space<semaphore_mem>>) src(%dma_wait3A_34 : memref<128xf32, #tpu.memory_space<vmem_shared>>) dst(%arg7 : memref<128xf32, #tpu.memory_space<vmem>>)
        tpu.yield
      }) : () -> ()
      %mul3A_30 = arith.constant 10240 : i32
      %mul3A_31 = arith.muli %arg0, %mul3A_30 : i32
      %add3A_32 = arith.addi %mul3A_31, %add3A : i32
      "tpu.region"() ({
        %run_scoped3A = tpu.sem_alloc : memref<!tpu.dma_semaphore, #tpu.memory_space<semaphore_mem>>
        %dma_start3A = tpu.memref_slice %arg4[%add3A_32] : memref<20480xf32, #tpu.memory_space<hbm>> -> memref<128xf32, #tpu.memory_space<hbm>>
        %dma_start3A_33 = tpu.memref_slice %arg4[%add3A_32] : memref<20480xf32, #tpu.memory_space<hbm>> -> memref<128xf32, #tpu.memory_space<hbm>>
        tpu.enqueue_dma source(%arg7 : memref<128xf32, #tpu.memory_space<vmem>>) target(%dma_start3A_33 : memref<128xf32, #tpu.memory_space<hbm>>) target_semaphore(%run_scoped3A : memref<!tpu.dma_semaphore, #tpu.memory_space<semaphore_mem>>)
        %dma_wait3A = tpu.memref_slice %arg4[%add3A_32] : memref<20480xf32, #tpu.memory_space<hbm>> -> memref<128xf32, #tpu.memory_space<hbm>>
        %dma_wait3A_34 = tpu.memref_slice %arg4[%add3A_32] : memref<20480xf32, #tpu.memory_space<hbm>> -> memref<128xf32, #tpu.memory_space<hbm>>
        tpu.wait_dma2 semaphore(%run_scoped3A : memref<!tpu.dma_semaphore, #tpu.memory_space<semaphore_mem>>) src(%arg7 : memref<128xf32, #tpu.memory_space<vmem>>) dst(%dma_wait3A_34 : memref<128xf32, #tpu.memory_space<hbm>>)
        tpu.yield
      }) : () -> ()
    }
    %scan3A_24 = arith.constant 5 : i32
    return
  }
}

#map = affine_map<(d0, d1) -> (0, 0, 0)>
#map1 = affine_map<(d0, d1) -> (0, 0)>
module attributes {stable_mosaic.version = 14 : i64} {
  func.func @k(%arg0: i32, %arg1: i32, %arg2: memref<2x10240x32xf32, #tpu.memory_space<hbm>>, %arg3: memref<16x20000xi32, #tpu.memory_space<hbm>>, %arg4: memref<16x20000xi32, #tpu.memory_space<hbm>>, %arg5: memref<128x32xf32, #tpu.memory_space<hbm>>, %arg6: memref<2x10240x32xf32, #tpu.memory_space<hbm>>, %arg7: memref<20480xi32, #tpu.memory_space<vmem>>, %arg8: memref<20480xi32, #tpu.memory_space<vmem>>, %arg9: memref<128x32xf32, #tpu.memory_space<vmem>>, %arg10: memref<128x32xf32, #tpu.memory_space<vmem>>, %arg11: memref<128x32xf32, #tpu.memory_space<vmem>>, %arg12: memref<128x32xf32, #tpu.memory_space<vmem>>, %arg13: memref<!tpu.dma_semaphore, #tpu.memory_space<semaphore_mem>>, %arg14: memref<!tpu.dma_semaphore, #tpu.memory_space<semaphore_mem>>, %arg15: memref<!tpu.dma_semaphore, #tpu.memory_space<semaphore_mem>>, %arg16: memref<!tpu.dma_semaphore, #tpu.memory_space<semaphore_mem>>, %arg17: memref<!tpu.dma_semaphore, #tpu.memory_space<semaphore_mem>>, %arg18: memref<!tpu.dma_semaphore, #tpu.memory_space<semaphore_mem>>, %arg19: memref<!tpu.dma_semaphore, #tpu.memory_space<semaphore_mem>>, %arg20: memref<!tpu.dma_semaphore, #tpu.memory_space<semaphore_mem>>, %arg21: memref<10240x32xf32, #tpu.memory_space<vmem_shared>>, %arg22: memref<10240x32xf32, #tpu.memory_space<vmem_shared>>) attributes {dimension_semantics = [#tpu.dimension_semantics<core_parallel>, #tpu.dimension_semantics<subcore_parallel>], iteration_bounds = array<i64: 2, 16>, scalar_prefetch = 0 : i64, scratch_operands = 16 : i64, tpu.core_type = #tpu.core_type<sc_vector_subcore>, window_params = [{transform_indices = #map}, {transform_indices = #map1}, {transform_indices = #map1}, {transform_indices = #map1}, {transform_indices = #map}]} {
    "tpu.region"() ({
      %run_scoped3A = tpu.sem_alloc : memref<!tpu.dma_semaphore, #tpu.memory_space<semaphore_mem>>
      tpu.enqueue_dma source(%arg5 : memref<128x32xf32, #tpu.memory_space<hbm>>) target(%arg9 : memref<128x32xf32, #tpu.memory_space<vmem>>) target_semaphore(%run_scoped3A : memref<!tpu.dma_semaphore, #tpu.memory_space<semaphore_mem>>)
      tpu.wait_dma2 semaphore(%run_scoped3A : memref<!tpu.dma_semaphore, #tpu.memory_space<semaphore_mem>>) src(%arg5 : memref<128x32xf32, #tpu.memory_space<hbm>>) dst(%arg9 : memref<128x32xf32, #tpu.memory_space<vmem>>)
      tpu.yield
    }) : () -> ()
    %dma_start3A = arith.constant 0 : i32
    %dma_start3A_0 = tpu.memref_slice %arg7[%dma_start3A] : memref<20480xi32, #tpu.memory_space<vmem>> -> memref<20000xi32, #tpu.memory_space<vmem>>
    %dma_start3A_1 = arith.constant 0 : i32
    %dma_start3A_2 = tpu.memref_slice %arg3[%arg1, %dma_start3A_1] : memref<16x20000xi32, #tpu.memory_space<hbm>> -> memref<1x20000xi32, #tpu.memory_space<hbm>>
    %dma_start3A_3 = tpu.memref_squeeze %dma_start3A_2 : memref<1x20000xi32, #tpu.memory_space<hbm>> -> memref<20000xi32, #tpu.memory_space<hbm>>
    %dma_start3A_4 = arith.constant 0 : i32
    %dma_start3A_5 = tpu.memref_slice %arg7[%dma_start3A_4] : memref<20480xi32, #tpu.memory_space<vmem>> -> memref<20000xi32, #tpu.memory_space<vmem>>
    %dma_start3A_6 = arith.constant 0 : i32
    %dma_start3A_7 = tpu.memref_slice %arg3[%arg1, %dma_start3A_6] : memref<16x20000xi32, #tpu.memory_space<hbm>> -> memref<1x20000xi32, #tpu.memory_space<hbm>>
    %dma_start3A_8 = tpu.memref_squeeze %dma_start3A_7 : memref<1x20000xi32, #tpu.memory_space<hbm>> -> memref<20000xi32, #tpu.memory_space<hbm>>
    tpu.enqueue_dma source(%dma_start3A_8 : memref<20000xi32, #tpu.memory_space<hbm>>) target(%dma_start3A_5 : memref<20000xi32, #tpu.memory_space<vmem>>) target_semaphore(%arg13 : memref<!tpu.dma_semaphore, #tpu.memory_space<semaphore_mem>>)
    %dma_start3A_9 = arith.constant 0 : i32
    %dma_start3A_10 = tpu.memref_slice %arg8[%dma_start3A_9] : memref<20480xi32, #tpu.memory_space<vmem>> -> memref<20000xi32, #tpu.memory_space<vmem>>
    %dma_start3A_11 = arith.constant 0 : i32
    %dma_start3A_12 = tpu.memref_slice %arg4[%arg1, %dma_start3A_11] : memref<16x20000xi32, #tpu.memory_space<hbm>> -> memref<1x20000xi32, #tpu.memory_space<hbm>>
    %dma_start3A_13 = tpu.memref_squeeze %dma_start3A_12 : memref<1x20000xi32, #tpu.memory_space<hbm>> -> memref<20000xi32, #tpu.memory_space<hbm>>
    %dma_start3A_14 = arith.constant 0 : i32
    %dma_start3A_15 = tpu.memref_slice %arg8[%dma_start3A_14] : memref<20480xi32, #tpu.memory_space<vmem>> -> memref<20000xi32, #tpu.memory_space<vmem>>
    %dma_start3A_16 = arith.constant 0 : i32
    %dma_start3A_17 = tpu.memref_slice %arg4[%arg1, %dma_start3A_16] : memref<16x20000xi32, #tpu.memory_space<hbm>> -> memref<1x20000xi32, #tpu.memory_space<hbm>>
    %dma_start3A_18 = tpu.memref_squeeze %dma_start3A_17 : memref<1x20000xi32, #tpu.memory_space<hbm>> -> memref<20000xi32, #tpu.memory_space<hbm>>
    tpu.enqueue_dma source(%dma_start3A_18 : memref<20000xi32, #tpu.memory_space<hbm>>) target(%dma_start3A_15 : memref<20000xi32, #tpu.memory_space<vmem>>) target_semaphore(%arg13 : memref<!tpu.dma_semaphore, #tpu.memory_space<semaphore_mem>>)
    %mul3A = arith.constant 640 : i32
    %mul3A_19 = arith.muli %arg1, %mul3A : i32
    %add3A = arith.constant 0 : i32
    %add3A_20 = arith.addi %mul3A_19, %add3A : i32
    %dma_start3A_21 = arith.constant 0 : i32
    %dma_start3A_22 = tpu.memref_slice %arg21[%add3A_20, %dma_start3A_21] : memref<10240x32xf32, #tpu.memory_space<vmem_shared>> -> memref<128x32xf32, #tpu.memory_space<vmem_shared>>
    %dma_start3A_23 = arith.constant 0 : i32
    %dma_start3A_24 = tpu.memref_slice %arg21[%add3A_20, %dma_start3A_23] : memref<10240x32xf32, #tpu.memory_space<vmem_shared>> -> memref<128x32xf32, #tpu.memory_space<vmem_shared>>
    tpu.enqueue_dma source(%arg9 : memref<128x32xf32, #tpu.memory_space<vmem>>) target(%dma_start3A_24 : memref<128x32xf32, #tpu.memory_space<vmem_shared>>) target_semaphore(%arg17 : memref<!tpu.dma_semaphore, #tpu.memory_space<semaphore_mem>>)
    %mul3A_25 = arith.constant 640 : i32
    %mul3A_26 = arith.muli %arg1, %mul3A_25 : i32
    %add3A_27 = arith.constant 128 : i32
    %add3A_28 = arith.addi %mul3A_26, %add3A_27 : i32
    %dma_start3A_29 = arith.constant 0 : i32
    %dma_start3A_30 = tpu.memref_slice %arg21[%add3A_28, %dma_start3A_29] : memref<10240x32xf32, #tpu.memory_space<vmem_shared>> -> memref<128x32xf32, #tpu.memory_space<vmem_shared>>
    %dma_start3A_31 = arith.constant 0 : i32
    %dma_start3A_32 = tpu.memref_slice %arg21[%add3A_28, %dma_start3A_31] : memref<10240x32xf32, #tpu.memory_space<vmem_shared>> -> memref<128x32xf32, #tpu.memory_space<vmem_shared>>
    tpu.enqueue_dma source(%arg9 : memref<128x32xf32, #tpu.memory_space<vmem>>) target(%dma_start3A_32 : memref<128x32xf32, #tpu.memory_space<vmem_shared>>) target_semaphore(%arg17 : memref<!tpu.dma_semaphore, #tpu.memory_space<semaphore_mem>>)
    %mul3A_33 = arith.constant 640 : i32
    %mul3A_34 = arith.muli %arg1, %mul3A_33 : i32
    %add3A_35 = arith.constant 256 : i32
    %add3A_36 = arith.addi %mul3A_34, %add3A_35 : i32
    %dma_start3A_37 = arith.constant 0 : i32
    %dma_start3A_38 = tpu.memref_slice %arg21[%add3A_36, %dma_start3A_37] : memref<10240x32xf32, #tpu.memory_space<vmem_shared>> -> memref<128x32xf32, #tpu.memory_space<vmem_shared>>
    %dma_start3A_39 = arith.constant 0 : i32
    %dma_start3A_40 = tpu.memref_slice %arg21[%add3A_36, %dma_start3A_39] : memref<10240x32xf32, #tpu.memory_space<vmem_shared>> -> memref<128x32xf32, #tpu.memory_space<vmem_shared>>
    tpu.enqueue_dma source(%arg9 : memref<128x32xf32, #tpu.memory_space<vmem>>) target(%dma_start3A_40 : memref<128x32xf32, #tpu.memory_space<vmem_shared>>) target_semaphore(%arg17 : memref<!tpu.dma_semaphore, #tpu.memory_space<semaphore_mem>>)
    %mul3A_41 = arith.constant 640 : i32
    %mul3A_42 = arith.muli %arg1, %mul3A_41 : i32
    %add3A_43 = arith.constant 384 : i32
    %add3A_44 = arith.addi %mul3A_42, %add3A_43 : i32
    %dma_start3A_45 = arith.constant 0 : i32
    %dma_start3A_46 = tpu.memref_slice %arg21[%add3A_44, %dma_start3A_45] : memref<10240x32xf32, #tpu.memory_space<vmem_shared>> -> memref<128x32xf32, #tpu.memory_space<vmem_shared>>
    %dma_start3A_47 = arith.constant 0 : i32
    %dma_start3A_48 = tpu.memref_slice %arg21[%add3A_44, %dma_start3A_47] : memref<10240x32xf32, #tpu.memory_space<vmem_shared>> -> memref<128x32xf32, #tpu.memory_space<vmem_shared>>
    tpu.enqueue_dma source(%arg9 : memref<128x32xf32, #tpu.memory_space<vmem>>) target(%dma_start3A_48 : memref<128x32xf32, #tpu.memory_space<vmem_shared>>) target_semaphore(%arg17 : memref<!tpu.dma_semaphore, #tpu.memory_space<semaphore_mem>>)
    %mul3A_49 = arith.constant 640 : i32
    %mul3A_50 = arith.muli %arg1, %mul3A_49 : i32
    %add3A_51 = arith.constant 512 : i32
    %add3A_52 = arith.addi %mul3A_50, %add3A_51 : i32
    %dma_start3A_53 = arith.constant 0 : i32
    %dma_start3A_54 = tpu.memref_slice %arg21[%add3A_52, %dma_start3A_53] : memref<10240x32xf32, #tpu.memory_space<vmem_shared>> -> memref<128x32xf32, #tpu.memory_space<vmem_shared>>
    %dma_start3A_55 = arith.constant 0 : i32
    %dma_start3A_56 = tpu.memref_slice %arg21[%add3A_52, %dma_start3A_55] : memref<10240x32xf32, #tpu.memory_space<vmem_shared>> -> memref<128x32xf32, #tpu.memory_space<vmem_shared>>
    tpu.enqueue_dma source(%arg9 : memref<128x32xf32, #tpu.memory_space<vmem>>) target(%dma_start3A_56 : memref<128x32xf32, #tpu.memory_space<vmem_shared>>) target_semaphore(%arg17 : memref<!tpu.dma_semaphore, #tpu.memory_space<semaphore_mem>>)
    %mul3A_57 = arith.constant 640 : i32
    %mul3A_58 = arith.muli %arg1, %mul3A_57 : i32
    %add3A_59 = arith.constant 0 : i32
    %add3A_60 = arith.addi %mul3A_58, %add3A_59 : i32
    %dma_start3A_61 = arith.constant 0 : i32
    %dma_start3A_62 = arith.constant 0 : i32
    %dma_start3A_63 = tpu.memref_slice %arg2[%arg0, %dma_start3A_61, %dma_start3A_62] : memref<2x10240x32xf32, #tpu.memory_space<hbm>> -> memref<1x10240x32xf32, #tpu.memory_space<hbm>>
    %dma_start3A_64 = tpu.memref_squeeze %dma_start3A_63 : memref<1x10240x32xf32, #tpu.memory_space<hbm>> -> memref<10240x32xf32, #tpu.memory_space<hbm>>
    %dma_start3A_65 = arith.constant 0 : i32
    %dma_start3A_66 = tpu.memref_slice %dma_start3A_64[%add3A_60, %dma_start3A_65] : memref<10240x32xf32, #tpu.memory_space<hbm>> -> memref<128x32xf32, #tpu.memory_space<hbm>>
    %dma_start3A_67 = arith.constant 0 : i32
    %dma_start3A_68 = arith.constant 0 : i32
    %dma_start3A_69 = tpu.memref_slice %arg2[%arg0, %dma_start3A_67, %dma_start3A_68] : memref<2x10240x32xf32, #tpu.memory_space<hbm>> -> memref<1x10240x32xf32, #tpu.memory_space<hbm>>
    %dma_start3A_70 = tpu.memref_squeeze %dma_start3A_69 : memref<1x10240x32xf32, #tpu.memory_space<hbm>> -> memref<10240x32xf32, #tpu.memory_space<hbm>>
    %dma_start3A_71 = arith.constant 0 : i32
    %dma_start3A_72 = tpu.memref_slice %dma_start3A_70[%add3A_60, %dma_start3A_71] : memref<10240x32xf32, #tpu.memory_space<hbm>> -> memref<128x32xf32, #tpu.memory_space<hbm>>
    tpu.enqueue_dma source(%dma_start3A_72 : memref<128x32xf32, #tpu.memory_space<hbm>>) target(%arg10 : memref<128x32xf32, #tpu.memory_space<vmem>>) target_semaphore(%arg14 : memref<!tpu.dma_semaphore, #tpu.memory_space<semaphore_mem>>)
    %mul3A_73 = arith.constant 640 : i32
    %mul3A_74 = arith.muli %arg1, %mul3A_73 : i32
    %add3A_75 = arith.constant 0 : i32
    %add3A_76 = arith.addi %mul3A_74, %add3A_75 : i32
    %dma_wait3A = arith.constant 0 : i32
    %dma_wait3A_77 = arith.constant 0 : i32
    %dma_wait3A_78 = tpu.memref_slice %arg2[%arg0, %dma_wait3A, %dma_wait3A_77] : memref<2x10240x32xf32, #tpu.memory_space<hbm>> -> memref<1x10240x32xf32, #tpu.memory_space<hbm>>
    %dma_wait3A_79 = tpu.memref_squeeze %dma_wait3A_78 : memref<1x10240x32xf32, #tpu.memory_space<hbm>> -> memref<10240x32xf32, #tpu.memory_space<hbm>>
    %dma_wait3A_80 = arith.constant 0 : i32
    %dma_wait3A_81 = tpu.memref_slice %dma_wait3A_79[%add3A_76, %dma_wait3A_80] : memref<10240x32xf32, #tpu.memory_space<hbm>> -> memref<128x32xf32, #tpu.memory_space<hbm>>
    %dma_wait3A_82 = arith.constant 0 : i32
    %dma_wait3A_83 = arith.constant 0 : i32
    %dma_wait3A_84 = tpu.memref_slice %arg2[%arg0, %dma_wait3A_82, %dma_wait3A_83] : memref<2x10240x32xf32, #tpu.memory_space<hbm>> -> memref<1x10240x32xf32, #tpu.memory_space<hbm>>
    %dma_wait3A_85 = tpu.memref_squeeze %dma_wait3A_84 : memref<1x10240x32xf32, #tpu.memory_space<hbm>> -> memref<10240x32xf32, #tpu.memory_space<hbm>>
    %dma_wait3A_86 = arith.constant 0 : i32
    %dma_wait3A_87 = tpu.memref_slice %dma_wait3A_85[%add3A_76, %dma_wait3A_86] : memref<10240x32xf32, #tpu.memory_space<hbm>> -> memref<128x32xf32, #tpu.memory_space<hbm>>
    tpu.wait_dma2 semaphore(%arg14 : memref<!tpu.dma_semaphore, #tpu.memory_space<semaphore_mem>>) src(%dma_wait3A_87 : memref<128x32xf32, #tpu.memory_space<hbm>>) dst(%arg10 : memref<128x32xf32, #tpu.memory_space<vmem>>)
    %mul3A_88 = arith.constant 640 : i32
    %mul3A_89 = arith.muli %arg1, %mul3A_88 : i32
    %add3A_90 = arith.constant 0 : i32
    %add3A_91 = arith.addi %mul3A_89, %add3A_90 : i32
    %dma_start3A_92 = arith.constant 0 : i32
    %dma_start3A_93 = tpu.memref_slice %arg22[%add3A_91, %dma_start3A_92] : memref<10240x32xf32, #tpu.memory_space<vmem_shared>> -> memref<128x32xf32, #tpu.memory_space<vmem_shared>>
    %dma_start3A_94 = arith.constant 0 : i32
    %dma_start3A_95 = tpu.memref_slice %arg22[%add3A_91, %dma_start3A_94] : memref<10240x32xf32, #tpu.memory_space<vmem_shared>> -> memref<128x32xf32, #tpu.memory_space<vmem_shared>>
    tpu.enqueue_dma source(%arg10 : memref<128x32xf32, #tpu.memory_space<vmem>>) target(%dma_start3A_95 : memref<128x32xf32, #tpu.memory_space<vmem_shared>>) target_semaphore(%arg18 : memref<!tpu.dma_semaphore, #tpu.memory_space<semaphore_mem>>)
    %mul3A_96 = arith.constant 640 : i32
    %mul3A_97 = arith.muli %arg1, %mul3A_96 : i32
    %add3A_98 = arith.constant 128 : i32
    %add3A_99 = arith.addi %mul3A_97, %add3A_98 : i32
    %dma_start3A_100 = arith.constant 0 : i32
    %dma_start3A_101 = arith.constant 0 : i32
    %dma_start3A_102 = tpu.memref_slice %arg2[%arg0, %dma_start3A_100, %dma_start3A_101] : memref<2x10240x32xf32, #tpu.memory_space<hbm>> -> memref<1x10240x32xf32, #tpu.memory_space<hbm>>
    %dma_start3A_103 = tpu.memref_squeeze %dma_start3A_102 : memref<1x10240x32xf32, #tpu.memory_space<hbm>> -> memref<10240x32xf32, #tpu.memory_space<hbm>>
    %dma_start3A_104 = arith.constant 0 : i32
    %dma_start3A_105 = tpu.memref_slice %dma_start3A_103[%add3A_99, %dma_start3A_104] : memref<10240x32xf32, #tpu.memory_space<hbm>> -> memref<128x32xf32, #tpu.memory_space<hbm>>
    %dma_start3A_106 = arith.constant 0 : i32
    %dma_start3A_107 = arith.constant 0 : i32
    %dma_start3A_108 = tpu.memref_slice %arg2[%arg0, %dma_start3A_106, %dma_start3A_107] : memref<2x10240x32xf32, #tpu.memory_space<hbm>> -> memref<1x10240x32xf32, #tpu.memory_space<hbm>>
    %dma_start3A_109 = tpu.memref_squeeze %dma_start3A_108 : memref<1x10240x32xf32, #tpu.memory_space<hbm>> -> memref<10240x32xf32, #tpu.memory_space<hbm>>
    %dma_start3A_110 = arith.constant 0 : i32
    %dma_start3A_111 = tpu.memref_slice %dma_start3A_109[%add3A_99, %dma_start3A_110] : memref<10240x32xf32, #tpu.memory_space<hbm>> -> memref<128x32xf32, #tpu.memory_space<hbm>>
    tpu.enqueue_dma source(%dma_start3A_111 : memref<128x32xf32, #tpu.memory_space<hbm>>) target(%arg11 : memref<128x32xf32, #tpu.memory_space<vmem>>) target_semaphore(%arg15 : memref<!tpu.dma_semaphore, #tpu.memory_space<semaphore_mem>>)
    %mul3A_112 = arith.constant 640 : i32
    %mul3A_113 = arith.muli %arg1, %mul3A_112 : i32
    %add3A_114 = arith.constant 128 : i32
    %add3A_115 = arith.addi %mul3A_113, %add3A_114 : i32
    %dma_wait3A_116 = arith.constant 0 : i32
    %dma_wait3A_117 = arith.constant 0 : i32
    %dma_wait3A_118 = tpu.memref_slice %arg2[%arg0, %dma_wait3A_116, %dma_wait3A_117] : memref<2x10240x32xf32, #tpu.memory_space<hbm>> -> memref<1x10240x32xf32, #tpu.memory_space<hbm>>
    %dma_wait3A_119 = tpu.memref_squeeze %dma_wait3A_118 : memref<1x10240x32xf32, #tpu.memory_space<hbm>> -> memref<10240x32xf32, #tpu.memory_space<hbm>>
    %dma_wait3A_120 = arith.constant 0 : i32
    %dma_wait3A_121 = tpu.memref_slice %dma_wait3A_119[%add3A_115, %dma_wait3A_120] : memref<10240x32xf32, #tpu.memory_space<hbm>> -> memref<128x32xf32, #tpu.memory_space<hbm>>
    %dma_wait3A_122 = arith.constant 0 : i32
    %dma_wait3A_123 = arith.constant 0 : i32
    %dma_wait3A_124 = tpu.memref_slice %arg2[%arg0, %dma_wait3A_122, %dma_wait3A_123] : memref<2x10240x32xf32, #tpu.memory_space<hbm>> -> memref<1x10240x32xf32, #tpu.memory_space<hbm>>
    %dma_wait3A_125 = tpu.memref_squeeze %dma_wait3A_124 : memref<1x10240x32xf32, #tpu.memory_space<hbm>> -> memref<10240x32xf32, #tpu.memory_space<hbm>>
    %dma_wait3A_126 = arith.constant 0 : i32
    %dma_wait3A_127 = tpu.memref_slice %dma_wait3A_125[%add3A_115, %dma_wait3A_126] : memref<10240x32xf32, #tpu.memory_space<hbm>> -> memref<128x32xf32, #tpu.memory_space<hbm>>
    tpu.wait_dma2 semaphore(%arg15 : memref<!tpu.dma_semaphore, #tpu.memory_space<semaphore_mem>>) src(%dma_wait3A_127 : memref<128x32xf32, #tpu.memory_space<hbm>>) dst(%arg11 : memref<128x32xf32, #tpu.memory_space<vmem>>)
    %mul3A_128 = arith.constant 640 : i32
    %mul3A_129 = arith.muli %arg1, %mul3A_128 : i32
    %add3A_130 = arith.constant 128 : i32
    %add3A_131 = arith.addi %mul3A_129, %add3A_130 : i32
    %dma_start3A_132 = arith.constant 0 : i32
    %dma_start3A_133 = tpu.memref_slice %arg22[%add3A_131, %dma_start3A_132] : memref<10240x32xf32, #tpu.memory_space<vmem_shared>> -> memref<128x32xf32, #tpu.memory_space<vmem_shared>>
    %dma_start3A_134 = arith.constant 0 : i32
    %dma_start3A_135 = tpu.memref_slice %arg22[%add3A_131, %dma_start3A_134] : memref<10240x32xf32, #tpu.memory_space<vmem_shared>> -> memref<128x32xf32, #tpu.memory_space<vmem_shared>>
    tpu.enqueue_dma source(%arg11 : memref<128x32xf32, #tpu.memory_space<vmem>>) target(%dma_start3A_135 : memref<128x32xf32, #tpu.memory_space<vmem_shared>>) target_semaphore(%arg19 : memref<!tpu.dma_semaphore, #tpu.memory_space<semaphore_mem>>)
    %mul3A_136 = arith.constant 640 : i32
    %mul3A_137 = arith.muli %arg1, %mul3A_136 : i32
    %add3A_138 = arith.constant 256 : i32
    %add3A_139 = arith.addi %mul3A_137, %add3A_138 : i32
    %dma_start3A_140 = arith.constant 0 : i32
    %dma_start3A_141 = arith.constant 0 : i32
    %dma_start3A_142 = tpu.memref_slice %arg2[%arg0, %dma_start3A_140, %dma_start3A_141] : memref<2x10240x32xf32, #tpu.memory_space<hbm>> -> memref<1x10240x32xf32, #tpu.memory_space<hbm>>
    %dma_start3A_143 = tpu.memref_squeeze %dma_start3A_142 : memref<1x10240x32xf32, #tpu.memory_space<hbm>> -> memref<10240x32xf32, #tpu.memory_space<hbm>>
    %dma_start3A_144 = arith.constant 0 : i32
    %dma_start3A_145 = tpu.memref_slice %dma_start3A_143[%add3A_139, %dma_start3A_144] : memref<10240x32xf32, #tpu.memory_space<hbm>> -> memref<128x32xf32, #tpu.memory_space<hbm>>
    %dma_start3A_146 = arith.constant 0 : i32
    %dma_start3A_147 = arith.constant 0 : i32
    %dma_start3A_148 = tpu.memref_slice %arg2[%arg0, %dma_start3A_146, %dma_start3A_147] : memref<2x10240x32xf32, #tpu.memory_space<hbm>> -> memref<1x10240x32xf32, #tpu.memory_space<hbm>>
    %dma_start3A_149 = tpu.memref_squeeze %dma_start3A_148 : memref<1x10240x32xf32, #tpu.memory_space<hbm>> -> memref<10240x32xf32, #tpu.memory_space<hbm>>
    %dma_start3A_150 = arith.constant 0 : i32
    %dma_start3A_151 = tpu.memref_slice %dma_start3A_149[%add3A_139, %dma_start3A_150] : memref<10240x32xf32, #tpu.memory_space<hbm>> -> memref<128x32xf32, #tpu.memory_space<hbm>>
    tpu.enqueue_dma source(%dma_start3A_151 : memref<128x32xf32, #tpu.memory_space<hbm>>) target(%arg12 : memref<128x32xf32, #tpu.memory_space<vmem>>) target_semaphore(%arg16 : memref<!tpu.dma_semaphore, #tpu.memory_space<semaphore_mem>>)
    %mul3A_152 = arith.constant 640 : i32
    %mul3A_153 = arith.muli %arg1, %mul3A_152 : i32
    %add3A_154 = arith.constant 256 : i32
    %add3A_155 = arith.addi %mul3A_153, %add3A_154 : i32
    %dma_wait3A_156 = arith.constant 0 : i32
    %dma_wait3A_157 = arith.constant 0 : i32
    %dma_wait3A_158 = tpu.memref_slice %arg2[%arg0, %dma_wait3A_156, %dma_wait3A_157] : memref<2x10240x32xf32, #tpu.memory_space<hbm>> -> memref<1x10240x32xf32, #tpu.memory_space<hbm>>
    %dma_wait3A_159 = tpu.memref_squeeze %dma_wait3A_158 : memref<1x10240x32xf32, #tpu.memory_space<hbm>> -> memref<10240x32xf32, #tpu.memory_space<hbm>>
    %dma_wait3A_160 = arith.constant 0 : i32
    %dma_wait3A_161 = tpu.memref_slice %dma_wait3A_159[%add3A_155, %dma_wait3A_160] : memref<10240x32xf32, #tpu.memory_space<hbm>> -> memref<128x32xf32, #tpu.memory_space<hbm>>
    %dma_wait3A_162 = arith.constant 0 : i32
    %dma_wait3A_163 = arith.constant 0 : i32
    %dma_wait3A_164 = tpu.memref_slice %arg2[%arg0, %dma_wait3A_162, %dma_wait3A_163] : memref<2x10240x32xf32, #tpu.memory_space<hbm>> -> memref<1x10240x32xf32, #tpu.memory_space<hbm>>
    %dma_wait3A_165 = tpu.memref_squeeze %dma_wait3A_164 : memref<1x10240x32xf32, #tpu.memory_space<hbm>> -> memref<10240x32xf32, #tpu.memory_space<hbm>>
    %dma_wait3A_166 = arith.constant 0 : i32
    %dma_wait3A_167 = tpu.memref_slice %dma_wait3A_165[%add3A_155, %dma_wait3A_166] : memref<10240x32xf32, #tpu.memory_space<hbm>> -> memref<128x32xf32, #tpu.memory_space<hbm>>
    tpu.wait_dma2 semaphore(%arg16 : memref<!tpu.dma_semaphore, #tpu.memory_space<semaphore_mem>>) src(%dma_wait3A_167 : memref<128x32xf32, #tpu.memory_space<hbm>>) dst(%arg12 : memref<128x32xf32, #tpu.memory_space<vmem>>)
    %mul3A_168 = arith.constant 640 : i32
    %mul3A_169 = arith.muli %arg1, %mul3A_168 : i32
    %add3A_170 = arith.constant 256 : i32
    %add3A_171 = arith.addi %mul3A_169, %add3A_170 : i32
    %dma_start3A_172 = arith.constant 0 : i32
    %dma_start3A_173 = tpu.memref_slice %arg22[%add3A_171, %dma_start3A_172] : memref<10240x32xf32, #tpu.memory_space<vmem_shared>> -> memref<128x32xf32, #tpu.memory_space<vmem_shared>>
    %dma_start3A_174 = arith.constant 0 : i32
    %dma_start3A_175 = tpu.memref_slice %arg22[%add3A_171, %dma_start3A_174] : memref<10240x32xf32, #tpu.memory_space<vmem_shared>> -> memref<128x32xf32, #tpu.memory_space<vmem_shared>>
    tpu.enqueue_dma source(%arg12 : memref<128x32xf32, #tpu.memory_space<vmem>>) target(%dma_start3A_175 : memref<128x32xf32, #tpu.memory_space<vmem_shared>>) target_semaphore(%arg20 : memref<!tpu.dma_semaphore, #tpu.memory_space<semaphore_mem>>)
    %mul3A_176 = arith.constant 640 : i32
    %mul3A_177 = arith.muli %arg1, %mul3A_176 : i32
    %add3A_178 = arith.constant 0 : i32
    %add3A_179 = arith.addi %mul3A_177, %add3A_178 : i32
    %dma_wait3A_180 = arith.constant 0 : i32
    %dma_wait3A_181 = tpu.memref_slice %arg22[%add3A_179, %dma_wait3A_180] : memref<10240x32xf32, #tpu.memory_space<vmem_shared>> -> memref<128x32xf32, #tpu.memory_space<vmem_shared>>
    %dma_wait3A_182 = arith.constant 0 : i32
    %dma_wait3A_183 = tpu.memref_slice %arg22[%add3A_179, %dma_wait3A_182] : memref<10240x32xf32, #tpu.memory_space<vmem_shared>> -> memref<128x32xf32, #tpu.memory_space<vmem_shared>>
    tpu.wait_dma2 semaphore(%arg18 : memref<!tpu.dma_semaphore, #tpu.memory_space<semaphore_mem>>) src(%arg10 : memref<128x32xf32, #tpu.memory_space<vmem>>) dst(%dma_wait3A_183 : memref<128x32xf32, #tpu.memory_space<vmem_shared>>)
    %mul3A_184 = arith.constant 640 : i32
    %mul3A_185 = arith.muli %arg1, %mul3A_184 : i32
    %add3A_186 = arith.constant 384 : i32
    %add3A_187 = arith.addi %mul3A_185, %add3A_186 : i32
    %dma_start3A_188 = arith.constant 0 : i32
    %dma_start3A_189 = arith.constant 0 : i32
    %dma_start3A_190 = tpu.memref_slice %arg2[%arg0, %dma_start3A_188, %dma_start3A_189] : memref<2x10240x32xf32, #tpu.memory_space<hbm>> -> memref<1x10240x32xf32, #tpu.memory_space<hbm>>
    %dma_start3A_191 = tpu.memref_squeeze %dma_start3A_190 : memref<1x10240x32xf32, #tpu.memory_space<hbm>> -> memref<10240x32xf32, #tpu.memory_space<hbm>>
    %dma_start3A_192 = arith.constant 0 : i32
    %dma_start3A_193 = tpu.memref_slice %dma_start3A_191[%add3A_187, %dma_start3A_192] : memref<10240x32xf32, #tpu.memory_space<hbm>> -> memref<128x32xf32, #tpu.memory_space<hbm>>
    %dma_start3A_194 = arith.constant 0 : i32
    %dma_start3A_195 = arith.constant 0 : i32
    %dma_start3A_196 = tpu.memref_slice %arg2[%arg0, %dma_start3A_194, %dma_start3A_195] : memref<2x10240x32xf32, #tpu.memory_space<hbm>> -> memref<1x10240x32xf32, #tpu.memory_space<hbm>>
    %dma_start3A_197 = tpu.memref_squeeze %dma_start3A_196 : memref<1x10240x32xf32, #tpu.memory_space<hbm>> -> memref<10240x32xf32, #tpu.memory_space<hbm>>
    %dma_start3A_198 = arith.constant 0 : i32
    %dma_start3A_199 = tpu.memref_slice %dma_start3A_197[%add3A_187, %dma_start3A_198] : memref<10240x32xf32, #tpu.memory_space<hbm>> -> memref<128x32xf32, #tpu.memory_space<hbm>>
    tpu.enqueue_dma source(%dma_start3A_199 : memref<128x32xf32, #tpu.memory_space<hbm>>) target(%arg10 : memref<128x32xf32, #tpu.memory_space<vmem>>) target_semaphore(%arg14 : memref<!tpu.dma_semaphore, #tpu.memory_space<semaphore_mem>>)
    %mul3A_200 = arith.constant 640 : i32
    %mul3A_201 = arith.muli %arg1, %mul3A_200 : i32
    %add3A_202 = arith.constant 384 : i32
    %add3A_203 = arith.addi %mul3A_201, %add3A_202 : i32
    %dma_wait3A_204 = arith.constant 0 : i32
    %dma_wait3A_205 = arith.constant 0 : i32
    %dma_wait3A_206 = tpu.memref_slice %arg2[%arg0, %dma_wait3A_204, %dma_wait3A_205] : memref<2x10240x32xf32, #tpu.memory_space<hbm>> -> memref<1x10240x32xf32, #tpu.memory_space<hbm>>
    %dma_wait3A_207 = tpu.memref_squeeze %dma_wait3A_206 : memref<1x10240x32xf32, #tpu.memory_space<hbm>> -> memref<10240x32xf32, #tpu.memory_space<hbm>>
    %dma_wait3A_208 = arith.constant 0 : i32
    %dma_wait3A_209 = tpu.memref_slice %dma_wait3A_207[%add3A_203, %dma_wait3A_208] : memref<10240x32xf32, #tpu.memory_space<hbm>> -> memref<128x32xf32, #tpu.memory_space<hbm>>
    %dma_wait3A_210 = arith.constant 0 : i32
    %dma_wait3A_211 = arith.constant 0 : i32
    %dma_wait3A_212 = tpu.memref_slice %arg2[%arg0, %dma_wait3A_210, %dma_wait3A_211] : memref<2x10240x32xf32, #tpu.memory_space<hbm>> -> memref<1x10240x32xf32, #tpu.memory_space<hbm>>
    %dma_wait3A_213 = tpu.memref_squeeze %dma_wait3A_212 : memref<1x10240x32xf32, #tpu.memory_space<hbm>> -> memref<10240x32xf32, #tpu.memory_space<hbm>>
    %dma_wait3A_214 = arith.constant 0 : i32
    %dma_wait3A_215 = tpu.memref_slice %dma_wait3A_213[%add3A_203, %dma_wait3A_214] : memref<10240x32xf32, #tpu.memory_space<hbm>> -> memref<128x32xf32, #tpu.memory_space<hbm>>
    tpu.wait_dma2 semaphore(%arg14 : memref<!tpu.dma_semaphore, #tpu.memory_space<semaphore_mem>>) src(%dma_wait3A_215 : memref<128x32xf32, #tpu.memory_space<hbm>>) dst(%arg10 : memref<128x32xf32, #tpu.memory_space<vmem>>)
    %mul3A_216 = arith.constant 640 : i32
    %mul3A_217 = arith.muli %arg1, %mul3A_216 : i32
    %add3A_218 = arith.constant 384 : i32
    %add3A_219 = arith.addi %mul3A_217, %add3A_218 : i32
    %dma_start3A_220 = arith.constant 0 : i32
    %dma_start3A_221 = tpu.memref_slice %arg22[%add3A_219, %dma_start3A_220] : memref<10240x32xf32, #tpu.memory_space<vmem_shared>> -> memref<128x32xf32, #tpu.memory_space<vmem_shared>>
    %dma_start3A_222 = arith.constant 0 : i32
    %dma_start3A_223 = tpu.memref_slice %arg22[%add3A_219, %dma_start3A_222] : memref<10240x32xf32, #tpu.memory_space<vmem_shared>> -> memref<128x32xf32, #tpu.memory_space<vmem_shared>>
    tpu.enqueue_dma source(%arg10 : memref<128x32xf32, #tpu.memory_space<vmem>>) target(%dma_start3A_223 : memref<128x32xf32, #tpu.memory_space<vmem_shared>>) target_semaphore(%arg18 : memref<!tpu.dma_semaphore, #tpu.memory_space<semaphore_mem>>)
    %mul3A_224 = arith.constant 640 : i32
    %mul3A_225 = arith.muli %arg1, %mul3A_224 : i32
    %add3A_226 = arith.constant 128 : i32
    %add3A_227 = arith.addi %mul3A_225, %add3A_226 : i32
    %dma_wait3A_228 = arith.constant 0 : i32
    %dma_wait3A_229 = tpu.memref_slice %arg22[%add3A_227, %dma_wait3A_228] : memref<10240x32xf32, #tpu.memory_space<vmem_shared>> -> memref<128x32xf32, #tpu.memory_space<vmem_shared>>
    %dma_wait3A_230 = arith.constant 0 : i32
    %dma_wait3A_231 = tpu.memref_slice %arg22[%add3A_227, %dma_wait3A_230] : memref<10240x32xf32, #tpu.memory_space<vmem_shared>> -> memref<128x32xf32, #tpu.memory_space<vmem_shared>>
    tpu.wait_dma2 semaphore(%arg19 : memref<!tpu.dma_semaphore, #tpu.memory_space<semaphore_mem>>) src(%arg11 : memref<128x32xf32, #tpu.memory_space<vmem>>) dst(%dma_wait3A_231 : memref<128x32xf32, #tpu.memory_space<vmem_shared>>)
    %mul3A_232 = arith.constant 640 : i32
    %mul3A_233 = arith.muli %arg1, %mul3A_232 : i32
    %add3A_234 = arith.constant 512 : i32
    %add3A_235 = arith.addi %mul3A_233, %add3A_234 : i32
    %dma_start3A_236 = arith.constant 0 : i32
    %dma_start3A_237 = arith.constant 0 : i32
    %dma_start3A_238 = tpu.memref_slice %arg2[%arg0, %dma_start3A_236, %dma_start3A_237] : memref<2x10240x32xf32, #tpu.memory_space<hbm>> -> memref<1x10240x32xf32, #tpu.memory_space<hbm>>
    %dma_start3A_239 = tpu.memref_squeeze %dma_start3A_238 : memref<1x10240x32xf32, #tpu.memory_space<hbm>> -> memref<10240x32xf32, #tpu.memory_space<hbm>>
    %dma_start3A_240 = arith.constant 0 : i32
    %dma_start3A_241 = tpu.memref_slice %dma_start3A_239[%add3A_235, %dma_start3A_240] : memref<10240x32xf32, #tpu.memory_space<hbm>> -> memref<128x32xf32, #tpu.memory_space<hbm>>
    %dma_start3A_242 = arith.constant 0 : i32
    %dma_start3A_243 = arith.constant 0 : i32
    %dma_start3A_244 = tpu.memref_slice %arg2[%arg0, %dma_start3A_242, %dma_start3A_243] : memref<2x10240x32xf32, #tpu.memory_space<hbm>> -> memref<1x10240x32xf32, #tpu.memory_space<hbm>>
    %dma_start3A_245 = tpu.memref_squeeze %dma_start3A_244 : memref<1x10240x32xf32, #tpu.memory_space<hbm>> -> memref<10240x32xf32, #tpu.memory_space<hbm>>
    %dma_start3A_246 = arith.constant 0 : i32
    %dma_start3A_247 = tpu.memref_slice %dma_start3A_245[%add3A_235, %dma_start3A_246] : memref<10240x32xf32, #tpu.memory_space<hbm>> -> memref<128x32xf32, #tpu.memory_space<hbm>>
    tpu.enqueue_dma source(%dma_start3A_247 : memref<128x32xf32, #tpu.memory_space<hbm>>) target(%arg11 : memref<128x32xf32, #tpu.memory_space<vmem>>) target_semaphore(%arg15 : memref<!tpu.dma_semaphore, #tpu.memory_space<semaphore_mem>>)
    %mul3A_248 = arith.constant 640 : i32
    %mul3A_249 = arith.muli %arg1, %mul3A_248 : i32
    %add3A_250 = arith.constant 512 : i32
    %add3A_251 = arith.addi %mul3A_249, %add3A_250 : i32
    %dma_wait3A_252 = arith.constant 0 : i32
    %dma_wait3A_253 = arith.constant 0 : i32
    %dma_wait3A_254 = tpu.memref_slice %arg2[%arg0, %dma_wait3A_252, %dma_wait3A_253] : memref<2x10240x32xf32, #tpu.memory_space<hbm>> -> memref<1x10240x32xf32, #tpu.memory_space<hbm>>
    %dma_wait3A_255 = tpu.memref_squeeze %dma_wait3A_254 : memref<1x10240x32xf32, #tpu.memory_space<hbm>> -> memref<10240x32xf32, #tpu.memory_space<hbm>>
    %dma_wait3A_256 = arith.constant 0 : i32
    %dma_wait3A_257 = tpu.memref_slice %dma_wait3A_255[%add3A_251, %dma_wait3A_256] : memref<10240x32xf32, #tpu.memory_space<hbm>> -> memref<128x32xf32, #tpu.memory_space<hbm>>
    %dma_wait3A_258 = arith.constant 0 : i32
    %dma_wait3A_259 = arith.constant 0 : i32
    %dma_wait3A_260 = tpu.memref_slice %arg2[%arg0, %dma_wait3A_258, %dma_wait3A_259] : memref<2x10240x32xf32, #tpu.memory_space<hbm>> -> memref<1x10240x32xf32, #tpu.memory_space<hbm>>
    %dma_wait3A_261 = tpu.memref_squeeze %dma_wait3A_260 : memref<1x10240x32xf32, #tpu.memory_space<hbm>> -> memref<10240x32xf32, #tpu.memory_space<hbm>>
    %dma_wait3A_262 = arith.constant 0 : i32
    %dma_wait3A_263 = tpu.memref_slice %dma_wait3A_261[%add3A_251, %dma_wait3A_262] : memref<10240x32xf32, #tpu.memory_space<hbm>> -> memref<128x32xf32, #tpu.memory_space<hbm>>
    tpu.wait_dma2 semaphore(%arg15 : memref<!tpu.dma_semaphore, #tpu.memory_space<semaphore_mem>>) src(%dma_wait3A_263 : memref<128x32xf32, #tpu.memory_space<hbm>>) dst(%arg11 : memref<128x32xf32, #tpu.memory_space<vmem>>)
    %mul3A_264 = arith.constant 640 : i32
    %mul3A_265 = arith.muli %arg1, %mul3A_264 : i32
    %add3A_266 = arith.constant 512 : i32
    %add3A_267 = arith.addi %mul3A_265, %add3A_266 : i32
    %dma_start3A_268 = arith.constant 0 : i32
    %dma_start3A_269 = tpu.memref_slice %arg22[%add3A_267, %dma_start3A_268] : memref<10240x32xf32, #tpu.memory_space<vmem_shared>> -> memref<128x32xf32, #tpu.memory_space<vmem_shared>>
    %dma_start3A_270 = arith.constant 0 : i32
    %dma_start3A_271 = tpu.memref_slice %arg22[%add3A_267, %dma_start3A_270] : memref<10240x32xf32, #tpu.memory_space<vmem_shared>> -> memref<128x32xf32, #tpu.memory_space<vmem_shared>>
    tpu.enqueue_dma source(%arg11 : memref<128x32xf32, #tpu.memory_space<vmem>>) target(%dma_start3A_271 : memref<128x32xf32, #tpu.memory_space<vmem_shared>>) target_semaphore(%arg19 : memref<!tpu.dma_semaphore, #tpu.memory_space<semaphore_mem>>)
    %mul3A_272 = arith.constant 640 : i32
    %mul3A_273 = arith.muli %arg1, %mul3A_272 : i32
    %add3A_274 = arith.constant 256 : i32
    %add3A_275 = arith.addi %mul3A_273, %add3A_274 : i32
    %dma_wait3A_276 = arith.constant 0 : i32
    %dma_wait3A_277 = tpu.memref_slice %arg22[%add3A_275, %dma_wait3A_276] : memref<10240x32xf32, #tpu.memory_space<vmem_shared>> -> memref<128x32xf32, #tpu.memory_space<vmem_shared>>
    %dma_wait3A_278 = arith.constant 0 : i32
    %dma_wait3A_279 = tpu.memref_slice %arg22[%add3A_275, %dma_wait3A_278] : memref<10240x32xf32, #tpu.memory_space<vmem_shared>> -> memref<128x32xf32, #tpu.memory_space<vmem_shared>>
    tpu.wait_dma2 semaphore(%arg20 : memref<!tpu.dma_semaphore, #tpu.memory_space<semaphore_mem>>) src(%arg12 : memref<128x32xf32, #tpu.memory_space<vmem>>) dst(%dma_wait3A_279 : memref<128x32xf32, #tpu.memory_space<vmem_shared>>)
    %mul3A_280 = arith.constant 640 : i32
    %mul3A_281 = arith.muli %arg1, %mul3A_280 : i32
    %add3A_282 = arith.constant 384 : i32
    %add3A_283 = arith.addi %mul3A_281, %add3A_282 : i32
    %dma_wait3A_284 = arith.constant 0 : i32
    %dma_wait3A_285 = tpu.memref_slice %arg22[%add3A_283, %dma_wait3A_284] : memref<10240x32xf32, #tpu.memory_space<vmem_shared>> -> memref<128x32xf32, #tpu.memory_space<vmem_shared>>
    %dma_wait3A_286 = arith.constant 0 : i32
    %dma_wait3A_287 = tpu.memref_slice %arg22[%add3A_283, %dma_wait3A_286] : memref<10240x32xf32, #tpu.memory_space<vmem_shared>> -> memref<128x32xf32, #tpu.memory_space<vmem_shared>>
    tpu.wait_dma2 semaphore(%arg18 : memref<!tpu.dma_semaphore, #tpu.memory_space<semaphore_mem>>) src(%arg10 : memref<128x32xf32, #tpu.memory_space<vmem>>) dst(%dma_wait3A_287 : memref<128x32xf32, #tpu.memory_space<vmem_shared>>)
    %mul3A_288 = arith.constant 640 : i32
    %mul3A_289 = arith.muli %arg1, %mul3A_288 : i32
    %add3A_290 = arith.constant 512 : i32
    %add3A_291 = arith.addi %mul3A_289, %add3A_290 : i32
    %dma_wait3A_292 = arith.constant 0 : i32
    %dma_wait3A_293 = tpu.memref_slice %arg22[%add3A_291, %dma_wait3A_292] : memref<10240x32xf32, #tpu.memory_space<vmem_shared>> -> memref<128x32xf32, #tpu.memory_space<vmem_shared>>
    %dma_wait3A_294 = arith.constant 0 : i32
    %dma_wait3A_295 = tpu.memref_slice %arg22[%add3A_291, %dma_wait3A_294] : memref<10240x32xf32, #tpu.memory_space<vmem_shared>> -> memref<128x32xf32, #tpu.memory_space<vmem_shared>>
    tpu.wait_dma2 semaphore(%arg19 : memref<!tpu.dma_semaphore, #tpu.memory_space<semaphore_mem>>) src(%arg11 : memref<128x32xf32, #tpu.memory_space<vmem>>) dst(%dma_wait3A_295 : memref<128x32xf32, #tpu.memory_space<vmem_shared>>)
    %mul3A_296 = arith.constant 640 : i32
    %mul3A_297 = arith.muli %arg1, %mul3A_296 : i32
    %add3A_298 = arith.constant 0 : i32
    %add3A_299 = arith.addi %mul3A_297, %add3A_298 : i32
    %dma_wait3A_300 = arith.constant 0 : i32
    %dma_wait3A_301 = tpu.memref_slice %arg21[%add3A_299, %dma_wait3A_300] : memref<10240x32xf32, #tpu.memory_space<vmem_shared>> -> memref<128x32xf32, #tpu.memory_space<vmem_shared>>
    %dma_wait3A_302 = arith.constant 0 : i32
    %dma_wait3A_303 = tpu.memref_slice %arg21[%add3A_299, %dma_wait3A_302] : memref<10240x32xf32, #tpu.memory_space<vmem_shared>> -> memref<128x32xf32, #tpu.memory_space<vmem_shared>>
    tpu.wait_dma2 semaphore(%arg17 : memref<!tpu.dma_semaphore, #tpu.memory_space<semaphore_mem>>) src(%arg9 : memref<128x32xf32, #tpu.memory_space<vmem>>) dst(%dma_wait3A_303 : memref<128x32xf32, #tpu.memory_space<vmem_shared>>)
    %mul3A_304 = arith.constant 640 : i32
    %mul3A_305 = arith.muli %arg1, %mul3A_304 : i32
    %add3A_306 = arith.constant 128 : i32
    %add3A_307 = arith.addi %mul3A_305, %add3A_306 : i32
    %dma_wait3A_308 = arith.constant 0 : i32
    %dma_wait3A_309 = tpu.memref_slice %arg21[%add3A_307, %dma_wait3A_308] : memref<10240x32xf32, #tpu.memory_space<vmem_shared>> -> memref<128x32xf32, #tpu.memory_space<vmem_shared>>
    %dma_wait3A_310 = arith.constant 0 : i32
    %dma_wait3A_311 = tpu.memref_slice %arg21[%add3A_307, %dma_wait3A_310] : memref<10240x32xf32, #tpu.memory_space<vmem_shared>> -> memref<128x32xf32, #tpu.memory_space<vmem_shared>>
    tpu.wait_dma2 semaphore(%arg17 : memref<!tpu.dma_semaphore, #tpu.memory_space<semaphore_mem>>) src(%arg9 : memref<128x32xf32, #tpu.memory_space<vmem>>) dst(%dma_wait3A_311 : memref<128x32xf32, #tpu.memory_space<vmem_shared>>)
    %mul3A_312 = arith.constant 640 : i32
    %mul3A_313 = arith.muli %arg1, %mul3A_312 : i32
    %add3A_314 = arith.constant 256 : i32
    %add3A_315 = arith.addi %mul3A_313, %add3A_314 : i32
    %dma_wait3A_316 = arith.constant 0 : i32
    %dma_wait3A_317 = tpu.memref_slice %arg21[%add3A_315, %dma_wait3A_316] : memref<10240x32xf32, #tpu.memory_space<vmem_shared>> -> memref<128x32xf32, #tpu.memory_space<vmem_shared>>
    %dma_wait3A_318 = arith.constant 0 : i32
    %dma_wait3A_319 = tpu.memref_slice %arg21[%add3A_315, %dma_wait3A_318] : memref<10240x32xf32, #tpu.memory_space<vmem_shared>> -> memref<128x32xf32, #tpu.memory_space<vmem_shared>>
    tpu.wait_dma2 semaphore(%arg17 : memref<!tpu.dma_semaphore, #tpu.memory_space<semaphore_mem>>) src(%arg9 : memref<128x32xf32, #tpu.memory_space<vmem>>) dst(%dma_wait3A_319 : memref<128x32xf32, #tpu.memory_space<vmem_shared>>)
    %mul3A_320 = arith.constant 640 : i32
    %mul3A_321 = arith.muli %arg1, %mul3A_320 : i32
    %add3A_322 = arith.constant 384 : i32
    %add3A_323 = arith.addi %mul3A_321, %add3A_322 : i32
    %dma_wait3A_324 = arith.constant 0 : i32
    %dma_wait3A_325 = tpu.memref_slice %arg21[%add3A_323, %dma_wait3A_324] : memref<10240x32xf32, #tpu.memory_space<vmem_shared>> -> memref<128x32xf32, #tpu.memory_space<vmem_shared>>
    %dma_wait3A_326 = arith.constant 0 : i32
    %dma_wait3A_327 = tpu.memref_slice %arg21[%add3A_323, %dma_wait3A_326] : memref<10240x32xf32, #tpu.memory_space<vmem_shared>> -> memref<128x32xf32, #tpu.memory_space<vmem_shared>>
    tpu.wait_dma2 semaphore(%arg17 : memref<!tpu.dma_semaphore, #tpu.memory_space<semaphore_mem>>) src(%arg9 : memref<128x32xf32, #tpu.memory_space<vmem>>) dst(%dma_wait3A_327 : memref<128x32xf32, #tpu.memory_space<vmem_shared>>)
    %mul3A_328 = arith.constant 640 : i32
    %mul3A_329 = arith.muli %arg1, %mul3A_328 : i32
    %add3A_330 = arith.constant 512 : i32
    %add3A_331 = arith.addi %mul3A_329, %add3A_330 : i32
    %dma_wait3A_332 = arith.constant 0 : i32
    %dma_wait3A_333 = tpu.memref_slice %arg21[%add3A_331, %dma_wait3A_332] : memref<10240x32xf32, #tpu.memory_space<vmem_shared>> -> memref<128x32xf32, #tpu.memory_space<vmem_shared>>
    %dma_wait3A_334 = arith.constant 0 : i32
    %dma_wait3A_335 = tpu.memref_slice %arg21[%add3A_331, %dma_wait3A_334] : memref<10240x32xf32, #tpu.memory_space<vmem_shared>> -> memref<128x32xf32, #tpu.memory_space<vmem_shared>>
    tpu.wait_dma2 semaphore(%arg17 : memref<!tpu.dma_semaphore, #tpu.memory_space<semaphore_mem>>) src(%arg9 : memref<128x32xf32, #tpu.memory_space<vmem>>) dst(%dma_wait3A_335 : memref<128x32xf32, #tpu.memory_space<vmem_shared>>)
    %dma_wait3A_336 = arith.constant 0 : i32
    %dma_wait3A_337 = tpu.memref_slice %arg7[%dma_wait3A_336] : memref<20480xi32, #tpu.memory_space<vmem>> -> memref<20000xi32, #tpu.memory_space<vmem>>
    %dma_wait3A_338 = arith.constant 0 : i32
    %dma_wait3A_339 = tpu.memref_slice %arg3[%arg1, %dma_wait3A_338] : memref<16x20000xi32, #tpu.memory_space<hbm>> -> memref<1x20000xi32, #tpu.memory_space<hbm>>
    %dma_wait3A_340 = tpu.memref_squeeze %dma_wait3A_339 : memref<1x20000xi32, #tpu.memory_space<hbm>> -> memref<20000xi32, #tpu.memory_space<hbm>>
    %dma_wait3A_341 = arith.constant 0 : i32
    %dma_wait3A_342 = tpu.memref_slice %arg7[%dma_wait3A_341] : memref<20480xi32, #tpu.memory_space<vmem>> -> memref<20000xi32, #tpu.memory_space<vmem>>
    %dma_wait3A_343 = arith.constant 0 : i32
    %dma_wait3A_344 = tpu.memref_slice %arg3[%arg1, %dma_wait3A_343] : memref<16x20000xi32, #tpu.memory_space<hbm>> -> memref<1x20000xi32, #tpu.memory_space<hbm>>
    %dma_wait3A_345 = tpu.memref_squeeze %dma_wait3A_344 : memref<1x20000xi32, #tpu.memory_space<hbm>> -> memref<20000xi32, #tpu.memory_space<hbm>>
    tpu.wait_dma2 semaphore(%arg13 : memref<!tpu.dma_semaphore, #tpu.memory_space<semaphore_mem>>) src(%dma_wait3A_345 : memref<20000xi32, #tpu.memory_space<hbm>>) dst(%dma_wait3A_342 : memref<20000xi32, #tpu.memory_space<vmem>>)
    %dma_wait3A_346 = arith.constant 0 : i32
    %dma_wait3A_347 = tpu.memref_slice %arg8[%dma_wait3A_346] : memref<20480xi32, #tpu.memory_space<vmem>> -> memref<20000xi32, #tpu.memory_space<vmem>>
    %dma_wait3A_348 = arith.constant 0 : i32
    %dma_wait3A_349 = tpu.memref_slice %arg4[%arg1, %dma_wait3A_348] : memref<16x20000xi32, #tpu.memory_space<hbm>> -> memref<1x20000xi32, #tpu.memory_space<hbm>>
    %dma_wait3A_350 = tpu.memref_squeeze %dma_wait3A_349 : memref<1x20000xi32, #tpu.memory_space<hbm>> -> memref<20000xi32, #tpu.memory_space<hbm>>
    %dma_wait3A_351 = arith.constant 0 : i32
    %dma_wait3A_352 = tpu.memref_slice %arg8[%dma_wait3A_351] : memref<20480xi32, #tpu.memory_space<vmem>> -> memref<20000xi32, #tpu.memory_space<vmem>>
    %dma_wait3A_353 = arith.constant 0 : i32
    %dma_wait3A_354 = tpu.memref_slice %arg4[%arg1, %dma_wait3A_353] : memref<16x20000xi32, #tpu.memory_space<hbm>> -> memref<1x20000xi32, #tpu.memory_space<hbm>>
    %dma_wait3A_355 = tpu.memref_squeeze %dma_wait3A_354 : memref<1x20000xi32, #tpu.memory_space<hbm>> -> memref<20000xi32, #tpu.memory_space<hbm>>
    tpu.wait_dma2 semaphore(%arg13 : memref<!tpu.dma_semaphore, #tpu.memory_space<semaphore_mem>>) src(%dma_wait3A_355 : memref<20000xi32, #tpu.memory_space<hbm>>) dst(%dma_wait3A_352 : memref<20000xi32, #tpu.memory_space<vmem>>)
    %scan3A = arith.constant 0 : i32
    %scan3A_356 = arith.constant 0 : i32
    %scan3A_357 = arith.constant 30 : i32
    %scan3A_358 = arith.addi %scan3A_356, %scan3A_357 : i32
    %scan3A_359 = arith.constant 1 : i32
    scf.for %scan3A_400 = %scan3A_356 to %scan3A_358 step %scan3A_359  : i32 {
      %broadcast_in_dim3A = arith.constant 10239 : i32
      %broadcast_in_dim3A_401 = vector.broadcast %broadcast_in_dim3A : i32 to vector<16xi32>
      %mul3A_402 = arith.constant 16 : i32
      %mul3A_403 = arith.muli %scan3A_400, %mul3A_402 : i32
      %add3A_404 = arith.constant 20000 : i32
      %add3A_405 = arith.addi %add3A_404, %mul3A_403 : i32
      %swap3A = arith.index_cast %add3A_405 : i32 to index
      %swap3A_406 = tpu.vector_load %arg7[%swap3A] {strides = array<i32>} : memref<20480xi32, #tpu.memory_space<vmem>>, vector<16xi32>,
      %swap3A_407 = vector.shape_cast %swap3A_406 : vector<16xi32> to vector<16xi32>
      %swap3A_408 = vector.shape_cast %broadcast_in_dim3A_401 : vector<16xi32> to vector<16xi32>
      tpu.vector_store %arg7[%swap3A], %swap3A_408 {strides = array<i32>} : memref<20480xi32, #tpu.memory_space<vmem>>, vector<16xi32>,
    }
    %scan3A_360 = arith.constant 30 : i32
    %scan3A_361 = arith.constant 0 : i32
    %scan3A_362 = arith.constant 0 : i32
    %scan3A_363 = arith.constant 30 : i32
    %scan3A_364 = arith.addi %scan3A_362, %scan3A_363 : i32
    %scan3A_365 = arith.constant 1 : i32
    scf.for %scan3A_400 = %scan3A_362 to %scan3A_364 step %scan3A_365  : i32 {
      %broadcast_in_dim3A = arith.constant 10239 : i32
      %broadcast_in_dim3A_401 = vector.broadcast %broadcast_in_dim3A : i32 to vector<16xi32>
      %mul3A_402 = arith.constant 16 : i32
      %mul3A_403 = arith.muli %scan3A_400, %mul3A_402 : i32
      %add3A_404 = arith.constant 20000 : i32
      %add3A_405 = arith.addi %add3A_404, %mul3A_403 : i32
      %swap3A = arith.index_cast %add3A_405 : i32 to index
      %swap3A_406 = tpu.vector_load %arg8[%swap3A] {strides = array<i32>} : memref<20480xi32, #tpu.memory_space<vmem>>, vector<16xi32>,
      %swap3A_407 = vector.shape_cast %swap3A_406 : vector<16xi32> to vector<16xi32>
      %swap3A_408 = vector.shape_cast %broadcast_in_dim3A_401 : vector<16xi32> to vector<16xi32>
      tpu.vector_store %arg8[%swap3A], %swap3A_408 {strides = array<i32>} : memref<20480xi32, #tpu.memory_space<vmem>>, vector<16xi32>,
    }
    %scan3A_366 = arith.constant 30 : i32
    %barrier3A = arith.constant 0 : index
    tpu.barrier barrier_id(%barrier3A)
    %dma_start3A_367 = arith.constant 0 : i32
    %dma_start3A_368 = tpu.memref_slice %arg7[%dma_start3A_367] : memref<20480xi32, #tpu.memory_space<vmem>> -> memref<128xi32, #tpu.memory_space<vmem>>
    %dma_start3A_369 = arith.constant 0 : i32
    %dma_start3A_370 = arith.constant 0 : i32
    %dma_start3A_371 = tpu.memref_slice %arg22[%dma_start3A_369, %dma_start3A_370] : memref<10240x32xf32, #tpu.memory_space<vmem_shared>> -> memref<10240x32xf32, #tpu.memory_space<vmem_shared>>
    tpu.enqueue_indirect_dma source(%dma_start3A_371 : memref<10240x32xf32, #tpu.memory_space<vmem_shared>>) target(%arg9 : memref<128x32xf32, #tpu.memory_space<vmem>>) offsets(%dma_start3A_368 : memref<128xi32, #tpu.memory_space<vmem>>) semaphore(%arg13 : memref<!tpu.dma_semaphore, #tpu.memory_space<semaphore_mem>>)
    %dma_start3A_372 = arith.constant 128 : i32
    %dma_start3A_373 = tpu.memref_slice %arg7[%dma_start3A_372] : memref<20480xi32, #tpu.memory_space<vmem>> -> memref<128xi32, #tpu.memory_space<vmem>>
    %dma_start3A_374 = arith.constant 0 : i32
    %dma_start3A_375 = arith.constant 0 : i32
    %dma_start3A_376 = tpu.memref_slice %arg22[%dma_start3A_374, %dma_start3A_375] : memref<10240x32xf32, #tpu.memory_space<vmem_shared>> -> memref<10240x32xf32, #tpu.memory_space<vmem_shared>>
    tpu.enqueue_indirect_dma source(%dma_start3A_376 : memref<10240x32xf32, #tpu.memory_space<vmem_shared>>) target(%arg10 : memref<128x32xf32, #tpu.memory_space<vmem>>) offsets(%dma_start3A_373 : memref<128xi32, #tpu.memory_space<vmem>>) semaphore(%arg14 : memref<!tpu.dma_semaphore, #tpu.memory_space<semaphore_mem>>)
    %dma_start3A_377 = arith.constant 256 : i32
    %dma_start3A_378 = tpu.memref_slice %arg7[%dma_start3A_377] : memref<20480xi32, #tpu.memory_space<vmem>> -> memref<128xi32, #tpu.memory_space<vmem>>
    %dma_start3A_379 = arith.constant 0 : i32
    %dma_start3A_380 = arith.constant 0 : i32
    %dma_start3A_381 = tpu.memref_slice %arg22[%dma_start3A_379, %dma_start3A_380] : memref<10240x32xf32, #tpu.memory_space<vmem_shared>> -> memref<10240x32xf32, #tpu.memory_space<vmem_shared>>
    tpu.enqueue_indirect_dma source(%dma_start3A_381 : memref<10240x32xf32, #tpu.memory_space<vmem_shared>>) target(%arg11 : memref<128x32xf32, #tpu.memory_space<vmem>>) offsets(%dma_start3A_378 : memref<128xi32, #tpu.memory_space<vmem>>) semaphore(%arg15 : memref<!tpu.dma_semaphore, #tpu.memory_space<semaphore_mem>>)
    %dma_start3A_382 = arith.constant 384 : i32
    %dma_start3A_383 = tpu.memref_slice %arg7[%dma_start3A_382] : memref<20480xi32, #tpu.memory_space<vmem>> -> memref<128xi32, #tpu.memory_space<vmem>>
    %dma_start3A_384 = arith.constant 0 : i32
    %dma_start3A_385 = arith.constant 0 : i32
    %dma_start3A_386 = tpu.memref_slice %arg22[%dma_start3A_384, %dma_start3A_385] : memref<10240x32xf32, #tpu.memory_space<vmem_shared>> -> memref<10240x32xf32, #tpu.memory_space<vmem_shared>>
    tpu.enqueue_indirect_dma source(%dma_start3A_386 : memref<10240x32xf32, #tpu.memory_space<vmem_shared>>) target(%arg12 : memref<128x32xf32, #tpu.memory_space<vmem>>) offsets(%dma_start3A_383 : memref<128xi32, #tpu.memory_space<vmem>>) semaphore(%arg16 : memref<!tpu.dma_semaphore, #tpu.memory_space<semaphore_mem>>)
    %scan3A_387 = arith.constant 0 : i32
    %scan3A_388 = arith.constant 0 : i32
    %scan3A_389 = arith.constant 40 : i32
    %scan3A_390 = arith.addi %scan3A_388, %scan3A_389 : i32
    %scan3A_391 = arith.constant 1 : i32
    scf.for %scan3A_400 = %scan3A_388 to %scan3A_390 step %scan3A_391  : i32 {
      %mul3A_401 = arith.constant 4 : i32
      %mul3A_402 = arith.muli %scan3A_400, %mul3A_401 : i32
      %add3A_403 = arith.constant 0 : i32
      %add3A_404 = arith.addi %mul3A_402, %add3A_403 : i32
      %dma_wait3A_405 = arith.constant 0 : i32
      %dma_wait3A_406 = tpu.memref_slice %arg7[%dma_wait3A_405] : memref<20480xi32, #tpu.memory_space<vmem>> -> memref<128xi32, #tpu.memory_space<vmem>>
      %dma_wait3A_407 = arith.constant 0 : i32
      %dma_wait3A_408 = arith.constant 0 : i32
      %dma_wait3A_409 = tpu.memref_slice %arg22[%dma_wait3A_407, %dma_wait3A_408] : memref<10240x32xf32, #tpu.memory_space<vmem_shared>> -> memref<10240x32xf32, #tpu.memory_space<vmem_shared>>
      tpu.wait_indirect_dma semaphore(%arg13 : memref<!tpu.dma_semaphore, #tpu.memory_space<semaphore_mem>>) src(%dma_wait3A_409 : memref<10240x32xf32, #tpu.memory_space<vmem_shared>>) dst(%arg9 : memref<128x32xf32, #tpu.memory_space<vmem>>)
      %mul3A_410 = arith.constant 128 : i32
      %mul3A_411 = arith.muli %add3A_404, %mul3A_410 : i32
      %dma_start3A_412 = tpu.memref_slice %arg8[%mul3A_411] : memref<20480xi32, #tpu.memory_space<vmem>> -> memref<128xi32, #tpu.memory_space<vmem>>
      %dma_start3A_413 = arith.constant 0 : i32
      %dma_start3A_414 = arith.constant 0 : i32
      %dma_start3A_415 = tpu.memref_slice %arg21[%dma_start3A_413, %dma_start3A_414] : memref<10240x32xf32, #tpu.memory_space<vmem_shared>> -> memref<10240x32xf32, #tpu.memory_space<vmem_shared>>
      tpu.enqueue_indirect_dma source(%arg9 : memref<128x32xf32, #tpu.memory_space<vmem>>) target(%dma_start3A_415 : memref<10240x32xf32, #tpu.memory_space<vmem_shared>>) offsets(%dma_start3A_412 : memref<128xi32, #tpu.memory_space<vmem>>) semaphore(%arg17 : memref<!tpu.dma_semaphore, #tpu.memory_space<semaphore_mem>>) {add = true}
      %mul3A_416 = arith.constant 128 : i32
      %mul3A_417 = arith.muli %add3A_404, %mul3A_416 : i32
      %dma_wait3A_418 = tpu.memref_slice %arg8[%mul3A_417] : memref<20480xi32, #tpu.memory_space<vmem>> -> memref<128xi32, #tpu.memory_space<vmem>>
      %dma_wait3A_419 = arith.constant 0 : i32
      %dma_wait3A_420 = arith.constant 0 : i32
      %dma_wait3A_421 = tpu.memref_slice %arg21[%dma_wait3A_419, %dma_wait3A_420] : memref<10240x32xf32, #tpu.memory_space<vmem_shared>> -> memref<10240x32xf32, #tpu.memory_space<vmem_shared>>
      tpu.wait_indirect_dma semaphore(%arg17 : memref<!tpu.dma_semaphore, #tpu.memory_space<semaphore_mem>>) src(%arg9 : memref<128x32xf32, #tpu.memory_space<vmem>>) dst(%dma_wait3A_421 : memref<10240x32xf32, #tpu.memory_space<vmem_shared>>)
      %add3A_422 = arith.constant 4 : i32
      %add3A_423 = arith.addi %add3A_404, %add3A_422 : i32
      %lt3A = arith.constant 160 : i32
      %lt3A_424 = arith.cmpi slt, %add3A_423, %lt3A : i32
      %convert_element_type3A = arith.extui %lt3A_424 : i1 to i32
      %cond3A = arith.constant 0 : i32
      %cond3A_425 = arith.cmpi ne, %convert_element_type3A, %cond3A : i32
      scf.if %cond3A_425 {
        %add3A_510 = arith.constant 4 : i32
        %add3A_511 = arith.addi %add3A_404, %add3A_510 : i32
        %mul3A_512 = arith.constant 128 : i32
        %mul3A_513 = arith.muli %add3A_511, %mul3A_512 : i32
        %dma_start3A_514 = tpu.memref_slice %arg7[%mul3A_513] : memref<20480xi32, #tpu.memory_space<vmem>> -> memref<128xi32, #tpu.memory_space<vmem>>
        %dma_start3A_515 = arith.constant 0 : i32
        %dma_start3A_516 = arith.constant 0 : i32
        %dma_start3A_517 = tpu.memref_slice %arg22[%dma_start3A_515, %dma_start3A_516] : memref<10240x32xf32, #tpu.memory_space<vmem_shared>> -> memref<10240x32xf32, #tpu.memory_space<vmem_shared>>
        tpu.enqueue_indirect_dma source(%dma_start3A_517 : memref<10240x32xf32, #tpu.memory_space<vmem_shared>>) target(%arg9 : memref<128x32xf32, #tpu.memory_space<vmem>>) offsets(%dma_start3A_514 : memref<128xi32, #tpu.memory_space<vmem>>) semaphore(%arg13 : memref<!tpu.dma_semaphore, #tpu.memory_space<semaphore_mem>>)
      } else {
      }
      %mul3A_426 = arith.constant 4 : i32
      %mul3A_427 = arith.muli %scan3A_400, %mul3A_426 : i32
      %add3A_428 = arith.constant 1 : i32
      %add3A_429 = arith.addi %mul3A_427, %add3A_428 : i32
      %dma_wait3A_430 = arith.constant 0 : i32
      %dma_wait3A_431 = tpu.memref_slice %arg7[%dma_wait3A_430] : memref<20480xi32, #tpu.memory_space<vmem>> -> memref<128xi32, #tpu.memory_space<vmem>>
      %dma_wait3A_432 = arith.constant 0 : i32
      %dma_wait3A_433 = arith.constant 0 : i32
      %dma_wait3A_434 = tpu.memref_slice %arg22[%dma_wait3A_432, %dma_wait3A_433] : memref<10240x32xf32, #tpu.memory_space<vmem_shared>> -> memref<10240x32xf32, #tpu.memory_space<vmem_shared>>
      tpu.wait_indirect_dma semaphore(%arg14 : memref<!tpu.dma_semaphore, #tpu.memory_space<semaphore_mem>>) src(%dma_wait3A_434 : memref<10240x32xf32, #tpu.memory_space<vmem_shared>>) dst(%arg10 : memref<128x32xf32, #tpu.memory_space<vmem>>)
      %mul3A_435 = arith.constant 128 : i32
      %mul3A_436 = arith.muli %add3A_429, %mul3A_435 : i32
      %dma_start3A_437 = tpu.memref_slice %arg8[%mul3A_436] : memref<20480xi32, #tpu.memory_space<vmem>> -> memref<128xi32, #tpu.memory_space<vmem>>
      %dma_start3A_438 = arith.constant 0 : i32
      %dma_start3A_439 = arith.constant 0 : i32
      %dma_start3A_440 = tpu.memref_slice %arg21[%dma_start3A_438, %dma_start3A_439] : memref<10240x32xf32, #tpu.memory_space<vmem_shared>> -> memref<10240x32xf32, #tpu.memory_space<vmem_shared>>
      tpu.enqueue_indirect_dma source(%arg10 : memref<128x32xf32, #tpu.memory_space<vmem>>) target(%dma_start3A_440 : memref<10240x32xf32, #tpu.memory_space<vmem_shared>>) offsets(%dma_start3A_437 : memref<128xi32, #tpu.memory_space<vmem>>) semaphore(%arg18 : memref<!tpu.dma_semaphore, #tpu.memory_space<semaphore_mem>>) {add = true}
      %mul3A_441 = arith.constant 128 : i32
      %mul3A_442 = arith.muli %add3A_429, %mul3A_441 : i32
      %dma_wait3A_443 = tpu.memref_slice %arg8[%mul3A_442] : memref<20480xi32, #tpu.memory_space<vmem>> -> memref<128xi32, #tpu.memory_space<vmem>>
      %dma_wait3A_444 = arith.constant 0 : i32
      %dma_wait3A_445 = arith.constant 0 : i32
      %dma_wait3A_446 = tpu.memref_slice %arg21[%dma_wait3A_444, %dma_wait3A_445] : memref<10240x32xf32, #tpu.memory_space<vmem_shared>> -> memref<10240x32xf32, #tpu.memory_space<vmem_shared>>
      tpu.wait_indirect_dma semaphore(%arg18 : memref<!tpu.dma_semaphore, #tpu.memory_space<semaphore_mem>>) src(%arg10 : memref<128x32xf32, #tpu.memory_space<vmem>>) dst(%dma_wait3A_446 : memref<10240x32xf32, #tpu.memory_space<vmem_shared>>)
      %add3A_447 = arith.constant 4 : i32
      %add3A_448 = arith.addi %add3A_429, %add3A_447 : i32
      %lt3A_449 = arith.constant 160 : i32
      %lt3A_450 = arith.cmpi slt, %add3A_448, %lt3A_449 : i32
      %convert_element_type3A_451 = arith.extui %lt3A_450 : i1 to i32
      %cond3A_452 = arith.constant 0 : i32
      %cond3A_453 = arith.cmpi ne, %convert_element_type3A_451, %cond3A_452 : i32
      scf.if %cond3A_453 {
        %add3A_510 = arith.constant 4 : i32
        %add3A_511 = arith.addi %add3A_429, %add3A_510 : i32
        %mul3A_512 = arith.constant 128 : i32
        %mul3A_513 = arith.muli %add3A_511, %mul3A_512 : i32
        %dma_start3A_514 = tpu.memref_slice %arg7[%mul3A_513] : memref<20480xi32, #tpu.memory_space<vmem>> -> memref<128xi32, #tpu.memory_space<vmem>>
        %dma_start3A_515 = arith.constant 0 : i32
        %dma_start3A_516 = arith.constant 0 : i32
        %dma_start3A_517 = tpu.memref_slice %arg22[%dma_start3A_515, %dma_start3A_516] : memref<10240x32xf32, #tpu.memory_space<vmem_shared>> -> memref<10240x32xf32, #tpu.memory_space<vmem_shared>>
        tpu.enqueue_indirect_dma source(%dma_start3A_517 : memref<10240x32xf32, #tpu.memory_space<vmem_shared>>) target(%arg10 : memref<128x32xf32, #tpu.memory_space<vmem>>) offsets(%dma_start3A_514 : memref<128xi32, #tpu.memory_space<vmem>>) semaphore(%arg14 : memref<!tpu.dma_semaphore, #tpu.memory_space<semaphore_mem>>)
      } else {
      }
      %mul3A_454 = arith.constant 4 : i32
      %mul3A_455 = arith.muli %scan3A_400, %mul3A_454 : i32
      %add3A_456 = arith.constant 2 : i32
      %add3A_457 = arith.addi %mul3A_455, %add3A_456 : i32
      %dma_wait3A_458 = arith.constant 0 : i32
      %dma_wait3A_459 = tpu.memref_slice %arg7[%dma_wait3A_458] : memref<20480xi32, #tpu.memory_space<vmem>> -> memref<128xi32, #tpu.memory_space<vmem>>
      %dma_wait3A_460 = arith.constant 0 : i32
      %dma_wait3A_461 = arith.constant 0 : i32
      %dma_wait3A_462 = tpu.memref_slice %arg22[%dma_wait3A_460, %dma_wait3A_461] : memref<10240x32xf32, #tpu.memory_space<vmem_shared>> -> memref<10240x32xf32, #tpu.memory_space<vmem_shared>>
      tpu.wait_indirect_dma semaphore(%arg15 : memref<!tpu.dma_semaphore, #tpu.memory_space<semaphore_mem>>) src(%dma_wait3A_462 : memref<10240x32xf32, #tpu.memory_space<vmem_shared>>) dst(%arg11 : memref<128x32xf32, #tpu.memory_space<vmem>>)
      %mul3A_463 = arith.constant 128 : i32
      %mul3A_464 = arith.muli %add3A_457, %mul3A_463 : i32
      %dma_start3A_465 = tpu.memref_slice %arg8[%mul3A_464] : memref<20480xi32, #tpu.memory_space<vmem>> -> memref<128xi32, #tpu.memory_space<vmem>>
      %dma_start3A_466 = arith.constant 0 : i32
      %dma_start3A_467 = arith.constant 0 : i32
      %dma_start3A_468 = tpu.memref_slice %arg21[%dma_start3A_466, %dma_start3A_467] : memref<10240x32xf32, #tpu.memory_space<vmem_shared>> -> memref<10240x32xf32, #tpu.memory_space<vmem_shared>>
      tpu.enqueue_indirect_dma source(%arg11 : memref<128x32xf32, #tpu.memory_space<vmem>>) target(%dma_start3A_468 : memref<10240x32xf32, #tpu.memory_space<vmem_shared>>) offsets(%dma_start3A_465 : memref<128xi32, #tpu.memory_space<vmem>>) semaphore(%arg19 : memref<!tpu.dma_semaphore, #tpu.memory_space<semaphore_mem>>) {add = true}
      %mul3A_469 = arith.constant 128 : i32
      %mul3A_470 = arith.muli %add3A_457, %mul3A_469 : i32
      %dma_wait3A_471 = tpu.memref_slice %arg8[%mul3A_470] : memref<20480xi32, #tpu.memory_space<vmem>> -> memref<128xi32, #tpu.memory_space<vmem>>
      %dma_wait3A_472 = arith.constant 0 : i32
      %dma_wait3A_473 = arith.constant 0 : i32
      %dma_wait3A_474 = tpu.memref_slice %arg21[%dma_wait3A_472, %dma_wait3A_473] : memref<10240x32xf32, #tpu.memory_space<vmem_shared>> -> memref<10240x32xf32, #tpu.memory_space<vmem_shared>>
      tpu.wait_indirect_dma semaphore(%arg19 : memref<!tpu.dma_semaphore, #tpu.memory_space<semaphore_mem>>) src(%arg11 : memref<128x32xf32, #tpu.memory_space<vmem>>) dst(%dma_wait3A_474 : memref<10240x32xf32, #tpu.memory_space<vmem_shared>>)
      %add3A_475 = arith.constant 4 : i32
      %add3A_476 = arith.addi %add3A_457, %add3A_475 : i32
      %lt3A_477 = arith.constant 160 : i32
      %lt3A_478 = arith.cmpi slt, %add3A_476, %lt3A_477 : i32
      %convert_element_type3A_479 = arith.extui %lt3A_478 : i1 to i32
      %cond3A_480 = arith.constant 0 : i32
      %cond3A_481 = arith.cmpi ne, %convert_element_type3A_479, %cond3A_480 : i32
      scf.if %cond3A_481 {
        %add3A_510 = arith.constant 4 : i32
        %add3A_511 = arith.addi %add3A_457, %add3A_510 : i32
        %mul3A_512 = arith.constant 128 : i32
        %mul3A_513 = arith.muli %add3A_511, %mul3A_512 : i32
        %dma_start3A_514 = tpu.memref_slice %arg7[%mul3A_513] : memref<20480xi32, #tpu.memory_space<vmem>> -> memref<128xi32, #tpu.memory_space<vmem>>
        %dma_start3A_515 = arith.constant 0 : i32
        %dma_start3A_516 = arith.constant 0 : i32
        %dma_start3A_517 = tpu.memref_slice %arg22[%dma_start3A_515, %dma_start3A_516] : memref<10240x32xf32, #tpu.memory_space<vmem_shared>> -> memref<10240x32xf32, #tpu.memory_space<vmem_shared>>
        tpu.enqueue_indirect_dma source(%dma_start3A_517 : memref<10240x32xf32, #tpu.memory_space<vmem_shared>>) target(%arg11 : memref<128x32xf32, #tpu.memory_space<vmem>>) offsets(%dma_start3A_514 : memref<128xi32, #tpu.memory_space<vmem>>) semaphore(%arg15 : memref<!tpu.dma_semaphore, #tpu.memory_space<semaphore_mem>>)
      } else {
      }
      %mul3A_482 = arith.constant 4 : i32
      %mul3A_483 = arith.muli %scan3A_400, %mul3A_482 : i32
      %add3A_484 = arith.constant 3 : i32
      %add3A_485 = arith.addi %mul3A_483, %add3A_484 : i32
      %dma_wait3A_486 = arith.constant 0 : i32
      %dma_wait3A_487 = tpu.memref_slice %arg7[%dma_wait3A_486] : memref<20480xi32, #tpu.memory_space<vmem>> -> memref<128xi32, #tpu.memory_space<vmem>>
      %dma_wait3A_488 = arith.constant 0 : i32
      %dma_wait3A_489 = arith.constant 0 : i32
      %dma_wait3A_490 = tpu.memref_slice %arg22[%dma_wait3A_488, %dma_wait3A_489] : memref<10240x32xf32, #tpu.memory_space<vmem_shared>> -> memref<10240x32xf32, #tpu.memory_space<vmem_shared>>
      tpu.wait_indirect_dma semaphore(%arg16 : memref<!tpu.dma_semaphore, #tpu.memory_space<semaphore_mem>>) src(%dma_wait3A_490 : memref<10240x32xf32, #tpu.memory_space<vmem_shared>>) dst(%arg12 : memref<128x32xf32, #tpu.memory_space<vmem>>)
      %mul3A_491 = arith.constant 128 : i32
      %mul3A_492 = arith.muli %add3A_485, %mul3A_491 : i32
      %dma_start3A_493 = tpu.memref_slice %arg8[%mul3A_492] : memref<20480xi32, #tpu.memory_space<vmem>> -> memref<128xi32, #tpu.memory_space<vmem>>
      %dma_start3A_494 = arith.constant 0 : i32
      %dma_start3A_495 = arith.constant 0 : i32
      %dma_start3A_496 = tpu.memref_slice %arg21[%dma_start3A_494, %dma_start3A_495] : memref<10240x32xf32, #tpu.memory_space<vmem_shared>> -> memref<10240x32xf32, #tpu.memory_space<vmem_shared>>
      tpu.enqueue_indirect_dma source(%arg12 : memref<128x32xf32, #tpu.memory_space<vmem>>) target(%dma_start3A_496 : memref<10240x32xf32, #tpu.memory_space<vmem_shared>>) offsets(%dma_start3A_493 : memref<128xi32, #tpu.memory_space<vmem>>) semaphore(%arg20 : memref<!tpu.dma_semaphore, #tpu.memory_space<semaphore_mem>>) {add = true}
      %mul3A_497 = arith.constant 128 : i32
      %mul3A_498 = arith.muli %add3A_485, %mul3A_497 : i32
      %dma_wait3A_499 = tpu.memref_slice %arg8[%mul3A_498] : memref<20480xi32, #tpu.memory_space<vmem>> -> memref<128xi32, #tpu.memory_space<vmem>>
      %dma_wait3A_500 = arith.constant 0 : i32
      %dma_wait3A_501 = arith.constant 0 : i32
      %dma_wait3A_502 = tpu.memref_slice %arg21[%dma_wait3A_500, %dma_wait3A_501] : memref<10240x32xf32, #tpu.memory_space<vmem_shared>> -> memref<10240x32xf32, #tpu.memory_space<vmem_shared>>
      tpu.wait_indirect_dma semaphore(%arg20 : memref<!tpu.dma_semaphore, #tpu.memory_space<semaphore_mem>>) src(%arg12 : memref<128x32xf32, #tpu.memory_space<vmem>>) dst(%dma_wait3A_502 : memref<10240x32xf32, #tpu.memory_space<vmem_shared>>)
      %add3A_503 = arith.constant 4 : i32
      %add3A_504 = arith.addi %add3A_485, %add3A_503 : i32
      %lt3A_505 = arith.constant 160 : i32
      %lt3A_506 = arith.cmpi slt, %add3A_504, %lt3A_505 : i32
      %convert_element_type3A_507 = arith.extui %lt3A_506 : i1 to i32
      %cond3A_508 = arith.constant 0 : i32
      %cond3A_509 = arith.cmpi ne, %convert_element_type3A_507, %cond3A_508 : i32
      scf.if %cond3A_509 {
        %add3A_510 = arith.constant 4 : i32
        %add3A_511 = arith.addi %add3A_485, %add3A_510 : i32
        %mul3A_512 = arith.constant 128 : i32
        %mul3A_513 = arith.muli %add3A_511, %mul3A_512 : i32
        %dma_start3A_514 = tpu.memref_slice %arg7[%mul3A_513] : memref<20480xi32, #tpu.memory_space<vmem>> -> memref<128xi32, #tpu.memory_space<vmem>>
        %dma_start3A_515 = arith.constant 0 : i32
        %dma_start3A_516 = arith.constant 0 : i32
        %dma_start3A_517 = tpu.memref_slice %arg22[%dma_start3A_515, %dma_start3A_516] : memref<10240x32xf32, #tpu.memory_space<vmem_shared>> -> memref<10240x32xf32, #tpu.memory_space<vmem_shared>>
        tpu.enqueue_indirect_dma source(%dma_start3A_517 : memref<10240x32xf32, #tpu.memory_space<vmem_shared>>) target(%arg12 : memref<128x32xf32, #tpu.memory_space<vmem>>) offsets(%dma_start3A_514 : memref<128xi32, #tpu.memory_space<vmem>>) semaphore(%arg16 : memref<!tpu.dma_semaphore, #tpu.memory_space<semaphore_mem>>)
      } else {
      }
    }
    %scan3A_392 = arith.constant 40 : i32
    %barrier3A_393 = arith.constant 0 : index
    tpu.barrier barrier_id(%barrier3A_393)
    %scan3A_394 = arith.constant 0 : i32
    %scan3A_395 = arith.constant 0 : i32
    %scan3A_396 = arith.constant 5 : i32
    %scan3A_397 = arith.addi %scan3A_395, %scan3A_396 : i32
    %scan3A_398 = arith.constant 1 : i32
    scf.for %scan3A_400 = %scan3A_395 to %scan3A_397 step %scan3A_398  : i32 {
      %mul3A_401 = arith.constant 640 : i32
      %mul3A_402 = arith.muli %arg1, %mul3A_401 : i32
      %mul3A_403 = arith.constant 128 : i32
      %mul3A_404 = arith.muli %scan3A_400, %mul3A_403 : i32
      %add3A_405 = arith.addi %mul3A_402, %mul3A_404 : i32
      "tpu.region"() ({
        %run_scoped3A = tpu.sem_alloc : memref<!tpu.dma_semaphore, #tpu.memory_space<semaphore_mem>>
        %dma_start3A_406 = arith.constant 0 : i32
        %dma_start3A_407 = tpu.memref_slice %arg21[%add3A_405, %dma_start3A_406] : memref<10240x32xf32, #tpu.memory_space<vmem_shared>> -> memref<128x32xf32, #tpu.memory_space<vmem_shared>>
        %dma_start3A_408 = arith.constant 0 : i32
        %dma_start3A_409 = tpu.memref_slice %arg21[%add3A_405, %dma_start3A_408] : memref<10240x32xf32, #tpu.memory_space<vmem_shared>> -> memref<128x32xf32, #tpu.memory_space<vmem_shared>>
        tpu.enqueue_dma source(%dma_start3A_409 : memref<128x32xf32, #tpu.memory_space<vmem_shared>>) target(%arg9 : memref<128x32xf32, #tpu.memory_space<vmem>>) target_semaphore(%run_scoped3A : memref<!tpu.dma_semaphore, #tpu.memory_space<semaphore_mem>>)
        %dma_wait3A_410 = arith.constant 0 : i32
        %dma_wait3A_411 = tpu.memref_slice %arg21[%add3A_405, %dma_wait3A_410] : memref<10240x32xf32, #tpu.memory_space<vmem_shared>> -> memref<128x32xf32, #tpu.memory_space<vmem_shared>>
        %dma_wait3A_412 = arith.constant 0 : i32
        %dma_wait3A_413 = tpu.memref_slice %arg21[%add3A_405, %dma_wait3A_412] : memref<10240x32xf32, #tpu.memory_space<vmem_shared>> -> memref<128x32xf32, #tpu.memory_space<vmem_shared>>
        tpu.wait_dma2 semaphore(%run_scoped3A : memref<!tpu.dma_semaphore, #tpu.memory_space<semaphore_mem>>) src(%dma_wait3A_413 : memref<128x32xf32, #tpu.memory_space<vmem_shared>>) dst(%arg9 : memref<128x32xf32, #tpu.memory_space<vmem>>)
        tpu.yield
      }) : () -> ()
      "tpu.region"() ({
        %run_scoped3A = tpu.sem_alloc : memref<!tpu.dma_semaphore, #tpu.memory_space<semaphore_mem>>
        %dma_start3A_406 = arith.constant 0 : i32
        %dma_start3A_407 = arith.constant 0 : i32
        %dma_start3A_408 = tpu.memref_slice %arg6[%arg0, %dma_start3A_406, %dma_start3A_407] : memref<2x10240x32xf32, #tpu.memory_space<hbm>> -> memref<1x10240x32xf32, #tpu.memory_space<hbm>>
        %dma_start3A_409 = tpu.memref_squeeze %dma_start3A_408 : memref<1x10240x32xf32, #tpu.memory_space<hbm>> -> memref<10240x32xf32, #tpu.memory_space<hbm>>
        %dma_start3A_410 = arith.constant 0 : i32
        %dma_start3A_411 = tpu.memref_slice %dma_start3A_409[%add3A_405, %dma_start3A_410] : memref<10240x32xf32, #tpu.memory_space<hbm>> -> memref<128x32xf32, #tpu.memory_space<hbm>>
        %dma_start3A_412 = arith.constant 0 : i32
        %dma_start3A_413 = arith.constant 0 : i32
        %dma_start3A_414 = tpu.memref_slice %arg6[%arg0, %dma_start3A_412, %dma_start3A_413] : memref<2x10240x32xf32, #tpu.memory_space<hbm>> -> memref<1x10240x32xf32, #tpu.memory_space<hbm>>
        %dma_start3A_415 = tpu.memref_squeeze %dma_start3A_414 : memref<1x10240x32xf32, #tpu.memory_space<hbm>> -> memref<10240x32xf32, #tpu.memory_space<hbm>>
        %dma_start3A_416 = arith.constant 0 : i32
        %dma_start3A_417 = tpu.memref_slice %dma_start3A_415[%add3A_405, %dma_start3A_416] : memref<10240x32xf32, #tpu.memory_space<hbm>> -> memref<128x32xf32, #tpu.memory_space<hbm>>
        tpu.enqueue_dma source(%arg9 : memref<128x32xf32, #tpu.memory_space<vmem>>) target(%dma_start3A_417 : memref<128x32xf32, #tpu.memory_space<hbm>>) target_semaphore(%run_scoped3A : memref<!tpu.dma_semaphore, #tpu.memory_space<semaphore_mem>>)
        %dma_wait3A_418 = arith.constant 0 : i32
        %dma_wait3A_419 = arith.constant 0 : i32
        %dma_wait3A_420 = tpu.memref_slice %arg6[%arg0, %dma_wait3A_418, %dma_wait3A_419] : memref<2x10240x32xf32, #tpu.memory_space<hbm>> -> memref<1x10240x32xf32, #tpu.memory_space<hbm>>
        %dma_wait3A_421 = tpu.memref_squeeze %dma_wait3A_420 : memref<1x10240x32xf32, #tpu.memory_space<hbm>> -> memref<10240x32xf32, #tpu.memory_space<hbm>>
        %dma_wait3A_422 = arith.constant 0 : i32
        %dma_wait3A_423 = tpu.memref_slice %dma_wait3A_421[%add3A_405, %dma_wait3A_422] : memref<10240x32xf32, #tpu.memory_space<hbm>> -> memref<128x32xf32, #tpu.memory_space<hbm>>
        %dma_wait3A_424 = arith.constant 0 : i32
        %dma_wait3A_425 = arith.constant 0 : i32
        %dma_wait3A_426 = tpu.memref_slice %arg6[%arg0, %dma_wait3A_424, %dma_wait3A_425] : memref<2x10240x32xf32, #tpu.memory_space<hbm>> -> memref<1x10240x32xf32, #tpu.memory_space<hbm>>
        %dma_wait3A_427 = tpu.memref_squeeze %dma_wait3A_426 : memref<1x10240x32xf32, #tpu.memory_space<hbm>> -> memref<10240x32xf32, #tpu.memory_space<hbm>>
        %dma_wait3A_428 = arith.constant 0 : i32
        %dma_wait3A_429 = tpu.memref_slice %dma_wait3A_427[%add3A_405, %dma_wait3A_428] : memref<10240x32xf32, #tpu.memory_space<hbm>> -> memref<128x32xf32, #tpu.memory_space<hbm>>
        tpu.wait_dma2 semaphore(%run_scoped3A : memref<!tpu.dma_semaphore, #tpu.memory_space<semaphore_mem>>) src(%arg9 : memref<128x32xf32, #tpu.memory_space<vmem>>) dst(%dma_wait3A_429 : memref<128x32xf32, #tpu.memory_space<hbm>>)
        tpu.yield
      }) : () -> ()
    }
    %scan3A_399 = arith.constant 5 : i32
    return
  }
}

#map = affine_map<(d0, d1) -> (0, 0, 0)>
#map1 = affine_map<(d0, d1) -> (0, 0)>
module attributes {stable_mosaic.version = 14 : i64} {
  func.func @k(%arg0: i32, %arg1: i32, %arg2: memref<2x10240x32xf32, #tpu.memory_space<hbm>>, %arg3: memref<16x20000xi32, #tpu.memory_space<hbm>>, %arg4: memref<16x20000xi32, #tpu.memory_space<hbm>>, %arg5: memref<128x32xf32, #tpu.memory_space<hbm>>, %arg6: memref<2x10240x32xf32, #tpu.memory_space<hbm>>, %arg7: memref<20480xi32, #tpu.memory_space<vmem>>, %arg8: memref<20480xi32, #tpu.memory_space<vmem>>, %arg9: memref<128x32xf32, #tpu.memory_space<vmem>>, %arg10: memref<128x32xf32, #tpu.memory_space<vmem>>, %arg11: memref<128x32xf32, #tpu.memory_space<vmem>>, %arg12: memref<128x32xf32, #tpu.memory_space<vmem>>, %arg13: memref<!tpu.dma_semaphore, #tpu.memory_space<semaphore_mem>>, %arg14: memref<!tpu.dma_semaphore, #tpu.memory_space<semaphore_mem>>, %arg15: memref<!tpu.dma_semaphore, #tpu.memory_space<semaphore_mem>>, %arg16: memref<!tpu.dma_semaphore, #tpu.memory_space<semaphore_mem>>, %arg17: memref<!tpu.dma_semaphore, #tpu.memory_space<semaphore_mem>>, %arg18: memref<!tpu.dma_semaphore, #tpu.memory_space<semaphore_mem>>, %arg19: memref<!tpu.dma_semaphore, #tpu.memory_space<semaphore_mem>>, %arg20: memref<!tpu.dma_semaphore, #tpu.memory_space<semaphore_mem>>, %arg21: memref<10240x32xf32, #tpu.memory_space<vmem_shared>>, %arg22: memref<10240x32xf32, #tpu.memory_space<vmem_shared>>) attributes {dimension_semantics = [#tpu.dimension_semantics<core_parallel>, #tpu.dimension_semantics<subcore_parallel>], iteration_bounds = array<i64: 2, 16>, scalar_prefetch = 0 : i64, scratch_operands = 16 : i64, tpu.core_type = #tpu.core_type<sc_vector_subcore>, window_params = [{transform_indices = #map}, {transform_indices = #map1}, {transform_indices = #map1}, {transform_indices = #map1}, {transform_indices = #map}]} {
    "tpu.region"() ({
      %run_scoped3A = tpu.sem_alloc : memref<!tpu.dma_semaphore, #tpu.memory_space<semaphore_mem>>
      tpu.enqueue_dma source(%arg5 : memref<128x32xf32, #tpu.memory_space<hbm>>) target(%arg9 : memref<128x32xf32, #tpu.memory_space<vmem>>) target_semaphore(%run_scoped3A : memref<!tpu.dma_semaphore, #tpu.memory_space<semaphore_mem>>)
      tpu.wait_dma2 semaphore(%run_scoped3A : memref<!tpu.dma_semaphore, #tpu.memory_space<semaphore_mem>>) src(%arg5 : memref<128x32xf32, #tpu.memory_space<hbm>>) dst(%arg9 : memref<128x32xf32, #tpu.memory_space<vmem>>)
      tpu.yield
    }) : () -> ()
    %dma_start3A = arith.constant 0 : i32
    %dma_start3A_0 = tpu.memref_slice %arg7[%dma_start3A] : memref<20480xi32, #tpu.memory_space<vmem>> -> memref<20000xi32, #tpu.memory_space<vmem>>
    %dma_start3A_1 = arith.constant 0 : i32
    %dma_start3A_2 = tpu.memref_slice %arg3[%arg1, %dma_start3A_1] : memref<16x20000xi32, #tpu.memory_space<hbm>> -> memref<1x20000xi32, #tpu.memory_space<hbm>>
    %dma_start3A_3 = tpu.memref_squeeze %dma_start3A_2 : memref<1x20000xi32, #tpu.memory_space<hbm>> -> memref<20000xi32, #tpu.memory_space<hbm>>
    %dma_start3A_4 = arith.constant 0 : i32
    %dma_start3A_5 = tpu.memref_slice %arg7[%dma_start3A_4] : memref<20480xi32, #tpu.memory_space<vmem>> -> memref<20000xi32, #tpu.memory_space<vmem>>
    %dma_start3A_6 = arith.constant 0 : i32
    %dma_start3A_7 = tpu.memref_slice %arg3[%arg1, %dma_start3A_6] : memref<16x20000xi32, #tpu.memory_space<hbm>> -> memref<1x20000xi32, #tpu.memory_space<hbm>>
    %dma_start3A_8 = tpu.memref_squeeze %dma_start3A_7 : memref<1x20000xi32, #tpu.memory_space<hbm>> -> memref<20000xi32, #tpu.memory_space<hbm>>
    tpu.enqueue_dma source(%dma_start3A_8 : memref<20000xi32, #tpu.memory_space<hbm>>) target(%dma_start3A_5 : memref<20000xi32, #tpu.memory_space<vmem>>) target_semaphore(%arg13 : memref<!tpu.dma_semaphore, #tpu.memory_space<semaphore_mem>>)
    %dma_start3A_9 = arith.constant 0 : i32
    %dma_start3A_10 = tpu.memref_slice %arg8[%dma_start3A_9] : memref<20480xi32, #tpu.memory_space<vmem>> -> memref<20000xi32, #tpu.memory_space<vmem>>
    %dma_start3A_11 = arith.constant 0 : i32
    %dma_start3A_12 = tpu.memref_slice %arg4[%arg1, %dma_start3A_11] : memref<16x20000xi32, #tpu.memory_space<hbm>> -> memref<1x20000xi32, #tpu.memory_space<hbm>>
    %dma_start3A_13 = tpu.memref_squeeze %dma_start3A_12 : memref<1x20000xi32, #tpu.memory_space<hbm>> -> memref<20000xi32, #tpu.memory_space<hbm>>
    %dma_start3A_14 = arith.constant 0 : i32
    %dma_start3A_15 = tpu.memref_slice %arg8[%dma_start3A_14] : memref<20480xi32, #tpu.memory_space<vmem>> -> memref<20000xi32, #tpu.memory_space<vmem>>
    %dma_start3A_16 = arith.constant 0 : i32
    %dma_start3A_17 = tpu.memref_slice %arg4[%arg1, %dma_start3A_16] : memref<16x20000xi32, #tpu.memory_space<hbm>> -> memref<1x20000xi32, #tpu.memory_space<hbm>>
    %dma_start3A_18 = tpu.memref_squeeze %dma_start3A_17 : memref<1x20000xi32, #tpu.memory_space<hbm>> -> memref<20000xi32, #tpu.memory_space<hbm>>
    tpu.enqueue_dma source(%dma_start3A_18 : memref<20000xi32, #tpu.memory_space<hbm>>) target(%dma_start3A_15 : memref<20000xi32, #tpu.memory_space<vmem>>) target_semaphore(%arg13 : memref<!tpu.dma_semaphore, #tpu.memory_space<semaphore_mem>>)
    %mul3A = arith.constant 640 : i32
    %mul3A_19 = arith.muli %arg1, %mul3A : i32
    %add3A = arith.constant 0 : i32
    %add3A_20 = arith.addi %mul3A_19, %add3A : i32
    %dma_start3A_21 = arith.constant 0 : i32
    %dma_start3A_22 = tpu.memref_slice %arg21[%add3A_20, %dma_start3A_21] : memref<10240x32xf32, #tpu.memory_space<vmem_shared>> -> memref<128x32xf32, #tpu.memory_space<vmem_shared>>
    %dma_start3A_23 = arith.constant 0 : i32
    %dma_start3A_24 = tpu.memref_slice %arg21[%add3A_20, %dma_start3A_23] : memref<10240x32xf32, #tpu.memory_space<vmem_shared>> -> memref<128x32xf32, #tpu.memory_space<vmem_shared>>
    tpu.enqueue_dma source(%arg9 : memref<128x32xf32, #tpu.memory_space<vmem>>) target(%dma_start3A_24 : memref<128x32xf32, #tpu.memory_space<vmem_shared>>) target_semaphore(%arg17 : memref<!tpu.dma_semaphore, #tpu.memory_space<semaphore_mem>>)
    %mul3A_25 = arith.constant 640 : i32
    %mul3A_26 = arith.muli %arg1, %mul3A_25 : i32
    %add3A_27 = arith.constant 128 : i32
    %add3A_28 = arith.addi %mul3A_26, %add3A_27 : i32
    %dma_start3A_29 = arith.constant 0 : i32
    %dma_start3A_30 = tpu.memref_slice %arg21[%add3A_28, %dma_start3A_29] : memref<10240x32xf32, #tpu.memory_space<vmem_shared>> -> memref<128x32xf32, #tpu.memory_space<vmem_shared>>
    %dma_start3A_31 = arith.constant 0 : i32
    %dma_start3A_32 = tpu.memref_slice %arg21[%add3A_28, %dma_start3A_31] : memref<10240x32xf32, #tpu.memory_space<vmem_shared>> -> memref<128x32xf32, #tpu.memory_space<vmem_shared>>
    tpu.enqueue_dma source(%arg9 : memref<128x32xf32, #tpu.memory_space<vmem>>) target(%dma_start3A_32 : memref<128x32xf32, #tpu.memory_space<vmem_shared>>) target_semaphore(%arg17 : memref<!tpu.dma_semaphore, #tpu.memory_space<semaphore_mem>>)
    %mul3A_33 = arith.constant 640 : i32
    %mul3A_34 = arith.muli %arg1, %mul3A_33 : i32
    %add3A_35 = arith.constant 256 : i32
    %add3A_36 = arith.addi %mul3A_34, %add3A_35 : i32
    %dma_start3A_37 = arith.constant 0 : i32
    %dma_start3A_38 = tpu.memref_slice %arg21[%add3A_36, %dma_start3A_37] : memref<10240x32xf32, #tpu.memory_space<vmem_shared>> -> memref<128x32xf32, #tpu.memory_space<vmem_shared>>
    %dma_start3A_39 = arith.constant 0 : i32
    %dma_start3A_40 = tpu.memref_slice %arg21[%add3A_36, %dma_start3A_39] : memref<10240x32xf32, #tpu.memory_space<vmem_shared>> -> memref<128x32xf32, #tpu.memory_space<vmem_shared>>
    tpu.enqueue_dma source(%arg9 : memref<128x32xf32, #tpu.memory_space<vmem>>) target(%dma_start3A_40 : memref<128x32xf32, #tpu.memory_space<vmem_shared>>) target_semaphore(%arg17 : memref<!tpu.dma_semaphore, #tpu.memory_space<semaphore_mem>>)
    %mul3A_41 = arith.constant 640 : i32
    %mul3A_42 = arith.muli %arg1, %mul3A_41 : i32
    %add3A_43 = arith.constant 384 : i32
    %add3A_44 = arith.addi %mul3A_42, %add3A_43 : i32
    %dma_start3A_45 = arith.constant 0 : i32
    %dma_start3A_46 = tpu.memref_slice %arg21[%add3A_44, %dma_start3A_45] : memref<10240x32xf32, #tpu.memory_space<vmem_shared>> -> memref<128x32xf32, #tpu.memory_space<vmem_shared>>
    %dma_start3A_47 = arith.constant 0 : i32
    %dma_start3A_48 = tpu.memref_slice %arg21[%add3A_44, %dma_start3A_47] : memref<10240x32xf32, #tpu.memory_space<vmem_shared>> -> memref<128x32xf32, #tpu.memory_space<vmem_shared>>
    tpu.enqueue_dma source(%arg9 : memref<128x32xf32, #tpu.memory_space<vmem>>) target(%dma_start3A_48 : memref<128x32xf32, #tpu.memory_space<vmem_shared>>) target_semaphore(%arg17 : memref<!tpu.dma_semaphore, #tpu.memory_space<semaphore_mem>>)
    %mul3A_49 = arith.constant 640 : i32
    %mul3A_50 = arith.muli %arg1, %mul3A_49 : i32
    %add3A_51 = arith.constant 512 : i32
    %add3A_52 = arith.addi %mul3A_50, %add3A_51 : i32
    %dma_start3A_53 = arith.constant 0 : i32
    %dma_start3A_54 = tpu.memref_slice %arg21[%add3A_52, %dma_start3A_53] : memref<10240x32xf32, #tpu.memory_space<vmem_shared>> -> memref<128x32xf32, #tpu.memory_space<vmem_shared>>
    %dma_start3A_55 = arith.constant 0 : i32
    %dma_start3A_56 = tpu.memref_slice %arg21[%add3A_52, %dma_start3A_55] : memref<10240x32xf32, #tpu.memory_space<vmem_shared>> -> memref<128x32xf32, #tpu.memory_space<vmem_shared>>
    tpu.enqueue_dma source(%arg9 : memref<128x32xf32, #tpu.memory_space<vmem>>) target(%dma_start3A_56 : memref<128x32xf32, #tpu.memory_space<vmem_shared>>) target_semaphore(%arg17 : memref<!tpu.dma_semaphore, #tpu.memory_space<semaphore_mem>>)
    %mul3A_57 = arith.constant 640 : i32
    %mul3A_58 = arith.muli %arg1, %mul3A_57 : i32
    %add3A_59 = arith.constant 0 : i32
    %add3A_60 = arith.addi %mul3A_58, %add3A_59 : i32
    %dma_start3A_61 = arith.constant 0 : i32
    %dma_start3A_62 = arith.constant 0 : i32
    %dma_start3A_63 = tpu.memref_slice %arg2[%arg0, %dma_start3A_61, %dma_start3A_62] : memref<2x10240x32xf32, #tpu.memory_space<hbm>> -> memref<1x10240x32xf32, #tpu.memory_space<hbm>>
    %dma_start3A_64 = tpu.memref_squeeze %dma_start3A_63 : memref<1x10240x32xf32, #tpu.memory_space<hbm>> -> memref<10240x32xf32, #tpu.memory_space<hbm>>
    %dma_start3A_65 = arith.constant 0 : i32
    %dma_start3A_66 = tpu.memref_slice %dma_start3A_64[%add3A_60, %dma_start3A_65] : memref<10240x32xf32, #tpu.memory_space<hbm>> -> memref<128x32xf32, #tpu.memory_space<hbm>>
    %dma_start3A_67 = arith.constant 0 : i32
    %dma_start3A_68 = arith.constant 0 : i32
    %dma_start3A_69 = tpu.memref_slice %arg2[%arg0, %dma_start3A_67, %dma_start3A_68] : memref<2x10240x32xf32, #tpu.memory_space<hbm>> -> memref<1x10240x32xf32, #tpu.memory_space<hbm>>
    %dma_start3A_70 = tpu.memref_squeeze %dma_start3A_69 : memref<1x10240x32xf32, #tpu.memory_space<hbm>> -> memref<10240x32xf32, #tpu.memory_space<hbm>>
    %dma_start3A_71 = arith.constant 0 : i32
    %dma_start3A_72 = tpu.memref_slice %dma_start3A_70[%add3A_60, %dma_start3A_71] : memref<10240x32xf32, #tpu.memory_space<hbm>> -> memref<128x32xf32, #tpu.memory_space<hbm>>
    tpu.enqueue_dma source(%dma_start3A_72 : memref<128x32xf32, #tpu.memory_space<hbm>>) target(%arg10 : memref<128x32xf32, #tpu.memory_space<vmem>>) target_semaphore(%arg14 : memref<!tpu.dma_semaphore, #tpu.memory_space<semaphore_mem>>)
    %mul3A_73 = arith.constant 640 : i32
    %mul3A_74 = arith.muli %arg1, %mul3A_73 : i32
    %add3A_75 = arith.constant 0 : i32
    %add3A_76 = arith.addi %mul3A_74, %add3A_75 : i32
    %dma_wait3A = arith.constant 0 : i32
    %dma_wait3A_77 = arith.constant 0 : i32
    %dma_wait3A_78 = tpu.memref_slice %arg2[%arg0, %dma_wait3A, %dma_wait3A_77] : memref<2x10240x32xf32, #tpu.memory_space<hbm>> -> memref<1x10240x32xf32, #tpu.memory_space<hbm>>
    %dma_wait3A_79 = tpu.memref_squeeze %dma_wait3A_78 : memref<1x10240x32xf32, #tpu.memory_space<hbm>> -> memref<10240x32xf32, #tpu.memory_space<hbm>>
    %dma_wait3A_80 = arith.constant 0 : i32
    %dma_wait3A_81 = tpu.memref_slice %dma_wait3A_79[%add3A_76, %dma_wait3A_80] : memref<10240x32xf32, #tpu.memory_space<hbm>> -> memref<128x32xf32, #tpu.memory_space<hbm>>
    %dma_wait3A_82 = arith.constant 0 : i32
    %dma_wait3A_83 = arith.constant 0 : i32
    %dma_wait3A_84 = tpu.memref_slice %arg2[%arg0, %dma_wait3A_82, %dma_wait3A_83] : memref<2x10240x32xf32, #tpu.memory_space<hbm>> -> memref<1x10240x32xf32, #tpu.memory_space<hbm>>
    %dma_wait3A_85 = tpu.memref_squeeze %dma_wait3A_84 : memref<1x10240x32xf32, #tpu.memory_space<hbm>> -> memref<10240x32xf32, #tpu.memory_space<hbm>>
    %dma_wait3A_86 = arith.constant 0 : i32
    %dma_wait3A_87 = tpu.memref_slice %dma_wait3A_85[%add3A_76, %dma_wait3A_86] : memref<10240x32xf32, #tpu.memory_space<hbm>> -> memref<128x32xf32, #tpu.memory_space<hbm>>
    tpu.wait_dma2 semaphore(%arg14 : memref<!tpu.dma_semaphore, #tpu.memory_space<semaphore_mem>>) src(%dma_wait3A_87 : memref<128x32xf32, #tpu.memory_space<hbm>>) dst(%arg10 : memref<128x32xf32, #tpu.memory_space<vmem>>)
    %mul3A_88 = arith.constant 640 : i32
    %mul3A_89 = arith.muli %arg1, %mul3A_88 : i32
    %add3A_90 = arith.constant 0 : i32
    %add3A_91 = arith.addi %mul3A_89, %add3A_90 : i32
    %dma_start3A_92 = arith.constant 0 : i32
    %dma_start3A_93 = tpu.memref_slice %arg22[%add3A_91, %dma_start3A_92] : memref<10240x32xf32, #tpu.memory_space<vmem_shared>> -> memref<128x32xf32, #tpu.memory_space<vmem_shared>>
    %dma_start3A_94 = arith.constant 0 : i32
    %dma_start3A_95 = tpu.memref_slice %arg22[%add3A_91, %dma_start3A_94] : memref<10240x32xf32, #tpu.memory_space<vmem_shared>> -> memref<128x32xf32, #tpu.memory_space<vmem_shared>>
    tpu.enqueue_dma source(%arg10 : memref<128x32xf32, #tpu.memory_space<vmem>>) target(%dma_start3A_95 : memref<128x32xf32, #tpu.memory_space<vmem_shared>>) target_semaphore(%arg18 : memref<!tpu.dma_semaphore, #tpu.memory_space<semaphore_mem>>)
    %mul3A_96 = arith.constant 640 : i32
    %mul3A_97 = arith.muli %arg1, %mul3A_96 : i32
    %add3A_98 = arith.constant 128 : i32
    %add3A_99 = arith.addi %mul3A_97, %add3A_98 : i32
    %dma_start3A_100 = arith.constant 0 : i32
    %dma_start3A_101 = arith.constant 0 : i32
    %dma_start3A_102 = tpu.memref_slice %arg2[%arg0, %dma_start3A_100, %dma_start3A_101] : memref<2x10240x32xf32, #tpu.memory_space<hbm>> -> memref<1x10240x32xf32, #tpu.memory_space<hbm>>
    %dma_start3A_103 = tpu.memref_squeeze %dma_start3A_102 : memref<1x10240x32xf32, #tpu.memory_space<hbm>> -> memref<10240x32xf32, #tpu.memory_space<hbm>>
    %dma_start3A_104 = arith.constant 0 : i32
    %dma_start3A_105 = tpu.memref_slice %dma_start3A_103[%add3A_99, %dma_start3A_104] : memref<10240x32xf32, #tpu.memory_space<hbm>> -> memref<128x32xf32, #tpu.memory_space<hbm>>
    %dma_start3A_106 = arith.constant 0 : i32
    %dma_start3A_107 = arith.constant 0 : i32
    %dma_start3A_108 = tpu.memref_slice %arg2[%arg0, %dma_start3A_106, %dma_start3A_107] : memref<2x10240x32xf32, #tpu.memory_space<hbm>> -> memref<1x10240x32xf32, #tpu.memory_space<hbm>>
    %dma_start3A_109 = tpu.memref_squeeze %dma_start3A_108 : memref<1x10240x32xf32, #tpu.memory_space<hbm>> -> memref<10240x32xf32, #tpu.memory_space<hbm>>
    %dma_start3A_110 = arith.constant 0 : i32
    %dma_start3A_111 = tpu.memref_slice %dma_start3A_109[%add3A_99, %dma_start3A_110] : memref<10240x32xf32, #tpu.memory_space<hbm>> -> memref<128x32xf32, #tpu.memory_space<hbm>>
    tpu.enqueue_dma source(%dma_start3A_111 : memref<128x32xf32, #tpu.memory_space<hbm>>) target(%arg11 : memref<128x32xf32, #tpu.memory_space<vmem>>) target_semaphore(%arg15 : memref<!tpu.dma_semaphore, #tpu.memory_space<semaphore_mem>>)
    %mul3A_112 = arith.constant 640 : i32
    %mul3A_113 = arith.muli %arg1, %mul3A_112 : i32
    %add3A_114 = arith.constant 128 : i32
    %add3A_115 = arith.addi %mul3A_113, %add3A_114 : i32
    %dma_wait3A_116 = arith.constant 0 : i32
    %dma_wait3A_117 = arith.constant 0 : i32
    %dma_wait3A_118 = tpu.memref_slice %arg2[%arg0, %dma_wait3A_116, %dma_wait3A_117] : memref<2x10240x32xf32, #tpu.memory_space<hbm>> -> memref<1x10240x32xf32, #tpu.memory_space<hbm>>
    %dma_wait3A_119 = tpu.memref_squeeze %dma_wait3A_118 : memref<1x10240x32xf32, #tpu.memory_space<hbm>> -> memref<10240x32xf32, #tpu.memory_space<hbm>>
    %dma_wait3A_120 = arith.constant 0 : i32
    %dma_wait3A_121 = tpu.memref_slice %dma_wait3A_119[%add3A_115, %dma_wait3A_120] : memref<10240x32xf32, #tpu.memory_space<hbm>> -> memref<128x32xf32, #tpu.memory_space<hbm>>
    %dma_wait3A_122 = arith.constant 0 : i32
    %dma_wait3A_123 = arith.constant 0 : i32
    %dma_wait3A_124 = tpu.memref_slice %arg2[%arg0, %dma_wait3A_122, %dma_wait3A_123] : memref<2x10240x32xf32, #tpu.memory_space<hbm>> -> memref<1x10240x32xf32, #tpu.memory_space<hbm>>
    %dma_wait3A_125 = tpu.memref_squeeze %dma_wait3A_124 : memref<1x10240x32xf32, #tpu.memory_space<hbm>> -> memref<10240x32xf32, #tpu.memory_space<hbm>>
    %dma_wait3A_126 = arith.constant 0 : i32
    %dma_wait3A_127 = tpu.memref_slice %dma_wait3A_125[%add3A_115, %dma_wait3A_126] : memref<10240x32xf32, #tpu.memory_space<hbm>> -> memref<128x32xf32, #tpu.memory_space<hbm>>
    tpu.wait_dma2 semaphore(%arg15 : memref<!tpu.dma_semaphore, #tpu.memory_space<semaphore_mem>>) src(%dma_wait3A_127 : memref<128x32xf32, #tpu.memory_space<hbm>>) dst(%arg11 : memref<128x32xf32, #tpu.memory_space<vmem>>)
    %mul3A_128 = arith.constant 640 : i32
    %mul3A_129 = arith.muli %arg1, %mul3A_128 : i32
    %add3A_130 = arith.constant 128 : i32
    %add3A_131 = arith.addi %mul3A_129, %add3A_130 : i32
    %dma_start3A_132 = arith.constant 0 : i32
    %dma_start3A_133 = tpu.memref_slice %arg22[%add3A_131, %dma_start3A_132] : memref<10240x32xf32, #tpu.memory_space<vmem_shared>> -> memref<128x32xf32, #tpu.memory_space<vmem_shared>>
    %dma_start3A_134 = arith.constant 0 : i32
    %dma_start3A_135 = tpu.memref_slice %arg22[%add3A_131, %dma_start3A_134] : memref<10240x32xf32, #tpu.memory_space<vmem_shared>> -> memref<128x32xf32, #tpu.memory_space<vmem_shared>>
    tpu.enqueue_dma source(%arg11 : memref<128x32xf32, #tpu.memory_space<vmem>>) target(%dma_start3A_135 : memref<128x32xf32, #tpu.memory_space<vmem_shared>>) target_semaphore(%arg19 : memref<!tpu.dma_semaphore, #tpu.memory_space<semaphore_mem>>)
    %mul3A_136 = arith.constant 640 : i32
    %mul3A_137 = arith.muli %arg1, %mul3A_136 : i32
    %add3A_138 = arith.constant 256 : i32
    %add3A_139 = arith.addi %mul3A_137, %add3A_138 : i32
    %dma_start3A_140 = arith.constant 0 : i32
    %dma_start3A_141 = arith.constant 0 : i32
    %dma_start3A_142 = tpu.memref_slice %arg2[%arg0, %dma_start3A_140, %dma_start3A_141] : memref<2x10240x32xf32, #tpu.memory_space<hbm>> -> memref<1x10240x32xf32, #tpu.memory_space<hbm>>
    %dma_start3A_143 = tpu.memref_squeeze %dma_start3A_142 : memref<1x10240x32xf32, #tpu.memory_space<hbm>> -> memref<10240x32xf32, #tpu.memory_space<hbm>>
    %dma_start3A_144 = arith.constant 0 : i32
    %dma_start3A_145 = tpu.memref_slice %dma_start3A_143[%add3A_139, %dma_start3A_144] : memref<10240x32xf32, #tpu.memory_space<hbm>> -> memref<128x32xf32, #tpu.memory_space<hbm>>
    %dma_start3A_146 = arith.constant 0 : i32
    %dma_start3A_147 = arith.constant 0 : i32
    %dma_start3A_148 = tpu.memref_slice %arg2[%arg0, %dma_start3A_146, %dma_start3A_147] : memref<2x10240x32xf32, #tpu.memory_space<hbm>> -> memref<1x10240x32xf32, #tpu.memory_space<hbm>>
    %dma_start3A_149 = tpu.memref_squeeze %dma_start3A_148 : memref<1x10240x32xf32, #tpu.memory_space<hbm>> -> memref<10240x32xf32, #tpu.memory_space<hbm>>
    %dma_start3A_150 = arith.constant 0 : i32
    %dma_start3A_151 = tpu.memref_slice %dma_start3A_149[%add3A_139, %dma_start3A_150] : memref<10240x32xf32, #tpu.memory_space<hbm>> -> memref<128x32xf32, #tpu.memory_space<hbm>>
    tpu.enqueue_dma source(%dma_start3A_151 : memref<128x32xf32, #tpu.memory_space<hbm>>) target(%arg12 : memref<128x32xf32, #tpu.memory_space<vmem>>) target_semaphore(%arg16 : memref<!tpu.dma_semaphore, #tpu.memory_space<semaphore_mem>>)
    %mul3A_152 = arith.constant 640 : i32
    %mul3A_153 = arith.muli %arg1, %mul3A_152 : i32
    %add3A_154 = arith.constant 256 : i32
    %add3A_155 = arith.addi %mul3A_153, %add3A_154 : i32
    %dma_wait3A_156 = arith.constant 0 : i32
    %dma_wait3A_157 = arith.constant 0 : i32
    %dma_wait3A_158 = tpu.memref_slice %arg2[%arg0, %dma_wait3A_156, %dma_wait3A_157] : memref<2x10240x32xf32, #tpu.memory_space<hbm>> -> memref<1x10240x32xf32, #tpu.memory_space<hbm>>
    %dma_wait3A_159 = tpu.memref_squeeze %dma_wait3A_158 : memref<1x10240x32xf32, #tpu.memory_space<hbm>> -> memref<10240x32xf32, #tpu.memory_space<hbm>>
    %dma_wait3A_160 = arith.constant 0 : i32
    %dma_wait3A_161 = tpu.memref_slice %dma_wait3A_159[%add3A_155, %dma_wait3A_160] : memref<10240x32xf32, #tpu.memory_space<hbm>> -> memref<128x32xf32, #tpu.memory_space<hbm>>
    %dma_wait3A_162 = arith.constant 0 : i32
    %dma_wait3A_163 = arith.constant 0 : i32
    %dma_wait3A_164 = tpu.memref_slice %arg2[%arg0, %dma_wait3A_162, %dma_wait3A_163] : memref<2x10240x32xf32, #tpu.memory_space<hbm>> -> memref<1x10240x32xf32, #tpu.memory_space<hbm>>
    %dma_wait3A_165 = tpu.memref_squeeze %dma_wait3A_164 : memref<1x10240x32xf32, #tpu.memory_space<hbm>> -> memref<10240x32xf32, #tpu.memory_space<hbm>>
    %dma_wait3A_166 = arith.constant 0 : i32
    %dma_wait3A_167 = tpu.memref_slice %dma_wait3A_165[%add3A_155, %dma_wait3A_166] : memref<10240x32xf32, #tpu.memory_space<hbm>> -> memref<128x32xf32, #tpu.memory_space<hbm>>
    tpu.wait_dma2 semaphore(%arg16 : memref<!tpu.dma_semaphore, #tpu.memory_space<semaphore_mem>>) src(%dma_wait3A_167 : memref<128x32xf32, #tpu.memory_space<hbm>>) dst(%arg12 : memref<128x32xf32, #tpu.memory_space<vmem>>)
    %mul3A_168 = arith.constant 640 : i32
    %mul3A_169 = arith.muli %arg1, %mul3A_168 : i32
    %add3A_170 = arith.constant 256 : i32
    %add3A_171 = arith.addi %mul3A_169, %add3A_170 : i32
    %dma_start3A_172 = arith.constant 0 : i32
    %dma_start3A_173 = tpu.memref_slice %arg22[%add3A_171, %dma_start3A_172] : memref<10240x32xf32, #tpu.memory_space<vmem_shared>> -> memref<128x32xf32, #tpu.memory_space<vmem_shared>>
    %dma_start3A_174 = arith.constant 0 : i32
    %dma_start3A_175 = tpu.memref_slice %arg22[%add3A_171, %dma_start3A_174] : memref<10240x32xf32, #tpu.memory_space<vmem_shared>> -> memref<128x32xf32, #tpu.memory_space<vmem_shared>>
    tpu.enqueue_dma source(%arg12 : memref<128x32xf32, #tpu.memory_space<vmem>>) target(%dma_start3A_175 : memref<128x32xf32, #tpu.memory_space<vmem_shared>>) target_semaphore(%arg20 : memref<!tpu.dma_semaphore, #tpu.memory_space<semaphore_mem>>)
    %mul3A_176 = arith.constant 640 : i32
    %mul3A_177 = arith.muli %arg1, %mul3A_176 : i32
    %add3A_178 = arith.constant 0 : i32
    %add3A_179 = arith.addi %mul3A_177, %add3A_178 : i32
    %dma_wait3A_180 = arith.constant 0 : i32
    %dma_wait3A_181 = tpu.memref_slice %arg22[%add3A_179, %dma_wait3A_180] : memref<10240x32xf32, #tpu.memory_space<vmem_shared>> -> memref<128x32xf32, #tpu.memory_space<vmem_shared>>
    %dma_wait3A_182 = arith.constant 0 : i32
    %dma_wait3A_183 = tpu.memref_slice %arg22[%add3A_179, %dma_wait3A_182] : memref<10240x32xf32, #tpu.memory_space<vmem_shared>> -> memref<128x32xf32, #tpu.memory_space<vmem_shared>>
    tpu.wait_dma2 semaphore(%arg18 : memref<!tpu.dma_semaphore, #tpu.memory_space<semaphore_mem>>) src(%arg10 : memref<128x32xf32, #tpu.memory_space<vmem>>) dst(%dma_wait3A_183 : memref<128x32xf32, #tpu.memory_space<vmem_shared>>)
    %mul3A_184 = arith.constant 640 : i32
    %mul3A_185 = arith.muli %arg1, %mul3A_184 : i32
    %add3A_186 = arith.constant 384 : i32
    %add3A_187 = arith.addi %mul3A_185, %add3A_186 : i32
    %dma_start3A_188 = arith.constant 0 : i32
    %dma_start3A_189 = arith.constant 0 : i32
    %dma_start3A_190 = tpu.memref_slice %arg2[%arg0, %dma_start3A_188, %dma_start3A_189] : memref<2x10240x32xf32, #tpu.memory_space<hbm>> -> memref<1x10240x32xf32, #tpu.memory_space<hbm>>
    %dma_start3A_191 = tpu.memref_squeeze %dma_start3A_190 : memref<1x10240x32xf32, #tpu.memory_space<hbm>> -> memref<10240x32xf32, #tpu.memory_space<hbm>>
    %dma_start3A_192 = arith.constant 0 : i32
    %dma_start3A_193 = tpu.memref_slice %dma_start3A_191[%add3A_187, %dma_start3A_192] : memref<10240x32xf32, #tpu.memory_space<hbm>> -> memref<128x32xf32, #tpu.memory_space<hbm>>
    %dma_start3A_194 = arith.constant 0 : i32
    %dma_start3A_195 = arith.constant 0 : i32
    %dma_start3A_196 = tpu.memref_slice %arg2[%arg0, %dma_start3A_194, %dma_start3A_195] : memref<2x10240x32xf32, #tpu.memory_space<hbm>> -> memref<1x10240x32xf32, #tpu.memory_space<hbm>>
    %dma_start3A_197 = tpu.memref_squeeze %dma_start3A_196 : memref<1x10240x32xf32, #tpu.memory_space<hbm>> -> memref<10240x32xf32, #tpu.memory_space<hbm>>
    %dma_start3A_198 = arith.constant 0 : i32
    %dma_start3A_199 = tpu.memref_slice %dma_start3A_197[%add3A_187, %dma_start3A_198] : memref<10240x32xf32, #tpu.memory_space<hbm>> -> memref<128x32xf32, #tpu.memory_space<hbm>>
    tpu.enqueue_dma source(%dma_start3A_199 : memref<128x32xf32, #tpu.memory_space<hbm>>) target(%arg10 : memref<128x32xf32, #tpu.memory_space<vmem>>) target_semaphore(%arg14 : memref<!tpu.dma_semaphore, #tpu.memory_space<semaphore_mem>>)
    %mul3A_200 = arith.constant 640 : i32
    %mul3A_201 = arith.muli %arg1, %mul3A_200 : i32
    %add3A_202 = arith.constant 384 : i32
    %add3A_203 = arith.addi %mul3A_201, %add3A_202 : i32
    %dma_wait3A_204 = arith.constant 0 : i32
    %dma_wait3A_205 = arith.constant 0 : i32
    %dma_wait3A_206 = tpu.memref_slice %arg2[%arg0, %dma_wait3A_204, %dma_wait3A_205] : memref<2x10240x32xf32, #tpu.memory_space<hbm>> -> memref<1x10240x32xf32, #tpu.memory_space<hbm>>
    %dma_wait3A_207 = tpu.memref_squeeze %dma_wait3A_206 : memref<1x10240x32xf32, #tpu.memory_space<hbm>> -> memref<10240x32xf32, #tpu.memory_space<hbm>>
    %dma_wait3A_208 = arith.constant 0 : i32
    %dma_wait3A_209 = tpu.memref_slice %dma_wait3A_207[%add3A_203, %dma_wait3A_208] : memref<10240x32xf32, #tpu.memory_space<hbm>> -> memref<128x32xf32, #tpu.memory_space<hbm>>
    %dma_wait3A_210 = arith.constant 0 : i32
    %dma_wait3A_211 = arith.constant 0 : i32
    %dma_wait3A_212 = tpu.memref_slice %arg2[%arg0, %dma_wait3A_210, %dma_wait3A_211] : memref<2x10240x32xf32, #tpu.memory_space<hbm>> -> memref<1x10240x32xf32, #tpu.memory_space<hbm>>
    %dma_wait3A_213 = tpu.memref_squeeze %dma_wait3A_212 : memref<1x10240x32xf32, #tpu.memory_space<hbm>> -> memref<10240x32xf32, #tpu.memory_space<hbm>>
    %dma_wait3A_214 = arith.constant 0 : i32
    %dma_wait3A_215 = tpu.memref_slice %dma_wait3A_213[%add3A_203, %dma_wait3A_214] : memref<10240x32xf32, #tpu.memory_space<hbm>> -> memref<128x32xf32, #tpu.memory_space<hbm>>
    tpu.wait_dma2 semaphore(%arg14 : memref<!tpu.dma_semaphore, #tpu.memory_space<semaphore_mem>>) src(%dma_wait3A_215 : memref<128x32xf32, #tpu.memory_space<hbm>>) dst(%arg10 : memref<128x32xf32, #tpu.memory_space<vmem>>)
    %mul3A_216 = arith.constant 640 : i32
    %mul3A_217 = arith.muli %arg1, %mul3A_216 : i32
    %add3A_218 = arith.constant 384 : i32
    %add3A_219 = arith.addi %mul3A_217, %add3A_218 : i32
    %dma_start3A_220 = arith.constant 0 : i32
    %dma_start3A_221 = tpu.memref_slice %arg22[%add3A_219, %dma_start3A_220] : memref<10240x32xf32, #tpu.memory_space<vmem_shared>> -> memref<128x32xf32, #tpu.memory_space<vmem_shared>>
    %dma_start3A_222 = arith.constant 0 : i32
    %dma_start3A_223 = tpu.memref_slice %arg22[%add3A_219, %dma_start3A_222] : memref<10240x32xf32, #tpu.memory_space<vmem_shared>> -> memref<128x32xf32, #tpu.memory_space<vmem_shared>>
    tpu.enqueue_dma source(%arg10 : memref<128x32xf32, #tpu.memory_space<vmem>>) target(%dma_start3A_223 : memref<128x32xf32, #tpu.memory_space<vmem_shared>>) target_semaphore(%arg18 : memref<!tpu.dma_semaphore, #tpu.memory_space<semaphore_mem>>)
    %mul3A_224 = arith.constant 640 : i32
    %mul3A_225 = arith.muli %arg1, %mul3A_224 : i32
    %add3A_226 = arith.constant 128 : i32
    %add3A_227 = arith.addi %mul3A_225, %add3A_226 : i32
    %dma_wait3A_228 = arith.constant 0 : i32
    %dma_wait3A_229 = tpu.memref_slice %arg22[%add3A_227, %dma_wait3A_228] : memref<10240x32xf32, #tpu.memory_space<vmem_shared>> -> memref<128x32xf32, #tpu.memory_space<vmem_shared>>
    %dma_wait3A_230 = arith.constant 0 : i32
    %dma_wait3A_231 = tpu.memref_slice %arg22[%add3A_227, %dma_wait3A_230] : memref<10240x32xf32, #tpu.memory_space<vmem_shared>> -> memref<128x32xf32, #tpu.memory_space<vmem_shared>>
    tpu.wait_dma2 semaphore(%arg19 : memref<!tpu.dma_semaphore, #tpu.memory_space<semaphore_mem>>) src(%arg11 : memref<128x32xf32, #tpu.memory_space<vmem>>) dst(%dma_wait3A_231 : memref<128x32xf32, #tpu.memory_space<vmem_shared>>)
    %mul3A_232 = arith.constant 640 : i32
    %mul3A_233 = arith.muli %arg1, %mul3A_232 : i32
    %add3A_234 = arith.constant 512 : i32
    %add3A_235 = arith.addi %mul3A_233, %add3A_234 : i32
    %dma_start3A_236 = arith.constant 0 : i32
    %dma_start3A_237 = arith.constant 0 : i32
    %dma_start3A_238 = tpu.memref_slice %arg2[%arg0, %dma_start3A_236, %dma_start3A_237] : memref<2x10240x32xf32, #tpu.memory_space<hbm>> -> memref<1x10240x32xf32, #tpu.memory_space<hbm>>
    %dma_start3A_239 = tpu.memref_squeeze %dma_start3A_238 : memref<1x10240x32xf32, #tpu.memory_space<hbm>> -> memref<10240x32xf32, #tpu.memory_space<hbm>>
    %dma_start3A_240 = arith.constant 0 : i32
    %dma_start3A_241 = tpu.memref_slice %dma_start3A_239[%add3A_235, %dma_start3A_240] : memref<10240x32xf32, #tpu.memory_space<hbm>> -> memref<128x32xf32, #tpu.memory_space<hbm>>
    %dma_start3A_242 = arith.constant 0 : i32
    %dma_start3A_243 = arith.constant 0 : i32
    %dma_start3A_244 = tpu.memref_slice %arg2[%arg0, %dma_start3A_242, %dma_start3A_243] : memref<2x10240x32xf32, #tpu.memory_space<hbm>> -> memref<1x10240x32xf32, #tpu.memory_space<hbm>>
    %dma_start3A_245 = tpu.memref_squeeze %dma_start3A_244 : memref<1x10240x32xf32, #tpu.memory_space<hbm>> -> memref<10240x32xf32, #tpu.memory_space<hbm>>
    %dma_start3A_246 = arith.constant 0 : i32
    %dma_start3A_247 = tpu.memref_slice %dma_start3A_245[%add3A_235, %dma_start3A_246] : memref<10240x32xf32, #tpu.memory_space<hbm>> -> memref<128x32xf32, #tpu.memory_space<hbm>>
    tpu.enqueue_dma source(%dma_start3A_247 : memref<128x32xf32, #tpu.memory_space<hbm>>) target(%arg11 : memref<128x32xf32, #tpu.memory_space<vmem>>) target_semaphore(%arg15 : memref<!tpu.dma_semaphore, #tpu.memory_space<semaphore_mem>>)
    %mul3A_248 = arith.constant 640 : i32
    %mul3A_249 = arith.muli %arg1, %mul3A_248 : i32
    %add3A_250 = arith.constant 512 : i32
    %add3A_251 = arith.addi %mul3A_249, %add3A_250 : i32
    %dma_wait3A_252 = arith.constant 0 : i32
    %dma_wait3A_253 = arith.constant 0 : i32
    %dma_wait3A_254 = tpu.memref_slice %arg2[%arg0, %dma_wait3A_252, %dma_wait3A_253] : memref<2x10240x32xf32, #tpu.memory_space<hbm>> -> memref<1x10240x32xf32, #tpu.memory_space<hbm>>
    %dma_wait3A_255 = tpu.memref_squeeze %dma_wait3A_254 : memref<1x10240x32xf32, #tpu.memory_space<hbm>> -> memref<10240x32xf32, #tpu.memory_space<hbm>>
    %dma_wait3A_256 = arith.constant 0 : i32
    %dma_wait3A_257 = tpu.memref_slice %dma_wait3A_255[%add3A_251, %dma_wait3A_256] : memref<10240x32xf32, #tpu.memory_space<hbm>> -> memref<128x32xf32, #tpu.memory_space<hbm>>
    %dma_wait3A_258 = arith.constant 0 : i32
    %dma_wait3A_259 = arith.constant 0 : i32
    %dma_wait3A_260 = tpu.memref_slice %arg2[%arg0, %dma_wait3A_258, %dma_wait3A_259] : memref<2x10240x32xf32, #tpu.memory_space<hbm>> -> memref<1x10240x32xf32, #tpu.memory_space<hbm>>
    %dma_wait3A_261 = tpu.memref_squeeze %dma_wait3A_260 : memref<1x10240x32xf32, #tpu.memory_space<hbm>> -> memref<10240x32xf32, #tpu.memory_space<hbm>>
    %dma_wait3A_262 = arith.constant 0 : i32
    %dma_wait3A_263 = tpu.memref_slice %dma_wait3A_261[%add3A_251, %dma_wait3A_262] : memref<10240x32xf32, #tpu.memory_space<hbm>> -> memref<128x32xf32, #tpu.memory_space<hbm>>
    tpu.wait_dma2 semaphore(%arg15 : memref<!tpu.dma_semaphore, #tpu.memory_space<semaphore_mem>>) src(%dma_wait3A_263 : memref<128x32xf32, #tpu.memory_space<hbm>>) dst(%arg11 : memref<128x32xf32, #tpu.memory_space<vmem>>)
    %mul3A_264 = arith.constant 640 : i32
    %mul3A_265 = arith.muli %arg1, %mul3A_264 : i32
    %add3A_266 = arith.constant 512 : i32
    %add3A_267 = arith.addi %mul3A_265, %add3A_266 : i32
    %dma_start3A_268 = arith.constant 0 : i32
    %dma_start3A_269 = tpu.memref_slice %arg22[%add3A_267, %dma_start3A_268] : memref<10240x32xf32, #tpu.memory_space<vmem_shared>> -> memref<128x32xf32, #tpu.memory_space<vmem_shared>>
    %dma_start3A_270 = arith.constant 0 : i32
    %dma_start3A_271 = tpu.memref_slice %arg22[%add3A_267, %dma_start3A_270] : memref<10240x32xf32, #tpu.memory_space<vmem_shared>> -> memref<128x32xf32, #tpu.memory_space<vmem_shared>>
    tpu.enqueue_dma source(%arg11 : memref<128x32xf32, #tpu.memory_space<vmem>>) target(%dma_start3A_271 : memref<128x32xf32, #tpu.memory_space<vmem_shared>>) target_semaphore(%arg19 : memref<!tpu.dma_semaphore, #tpu.memory_space<semaphore_mem>>)
    %mul3A_272 = arith.constant 640 : i32
    %mul3A_273 = arith.muli %arg1, %mul3A_272 : i32
    %add3A_274 = arith.constant 256 : i32
    %add3A_275 = arith.addi %mul3A_273, %add3A_274 : i32
    %dma_wait3A_276 = arith.constant 0 : i32
    %dma_wait3A_277 = tpu.memref_slice %arg22[%add3A_275, %dma_wait3A_276] : memref<10240x32xf32, #tpu.memory_space<vmem_shared>> -> memref<128x32xf32, #tpu.memory_space<vmem_shared>>
    %dma_wait3A_278 = arith.constant 0 : i32
    %dma_wait3A_279 = tpu.memref_slice %arg22[%add3A_275, %dma_wait3A_278] : memref<10240x32xf32, #tpu.memory_space<vmem_shared>> -> memref<128x32xf32, #tpu.memory_space<vmem_shared>>
    tpu.wait_dma2 semaphore(%arg20 : memref<!tpu.dma_semaphore, #tpu.memory_space<semaphore_mem>>) src(%arg12 : memref<128x32xf32, #tpu.memory_space<vmem>>) dst(%dma_wait3A_279 : memref<128x32xf32, #tpu.memory_space<vmem_shared>>)
    %mul3A_280 = arith.constant 640 : i32
    %mul3A_281 = arith.muli %arg1, %mul3A_280 : i32
    %add3A_282 = arith.constant 384 : i32
    %add3A_283 = arith.addi %mul3A_281, %add3A_282 : i32
    %dma_wait3A_284 = arith.constant 0 : i32
    %dma_wait3A_285 = tpu.memref_slice %arg22[%add3A_283, %dma_wait3A_284] : memref<10240x32xf32, #tpu.memory_space<vmem_shared>> -> memref<128x32xf32, #tpu.memory_space<vmem_shared>>
    %dma_wait3A_286 = arith.constant 0 : i32
    %dma_wait3A_287 = tpu.memref_slice %arg22[%add3A_283, %dma_wait3A_286] : memref<10240x32xf32, #tpu.memory_space<vmem_shared>> -> memref<128x32xf32, #tpu.memory_space<vmem_shared>>
    tpu.wait_dma2 semaphore(%arg18 : memref<!tpu.dma_semaphore, #tpu.memory_space<semaphore_mem>>) src(%arg10 : memref<128x32xf32, #tpu.memory_space<vmem>>) dst(%dma_wait3A_287 : memref<128x32xf32, #tpu.memory_space<vmem_shared>>)
    %mul3A_288 = arith.constant 640 : i32
    %mul3A_289 = arith.muli %arg1, %mul3A_288 : i32
    %add3A_290 = arith.constant 512 : i32
    %add3A_291 = arith.addi %mul3A_289, %add3A_290 : i32
    %dma_wait3A_292 = arith.constant 0 : i32
    %dma_wait3A_293 = tpu.memref_slice %arg22[%add3A_291, %dma_wait3A_292] : memref<10240x32xf32, #tpu.memory_space<vmem_shared>> -> memref<128x32xf32, #tpu.memory_space<vmem_shared>>
    %dma_wait3A_294 = arith.constant 0 : i32
    %dma_wait3A_295 = tpu.memref_slice %arg22[%add3A_291, %dma_wait3A_294] : memref<10240x32xf32, #tpu.memory_space<vmem_shared>> -> memref<128x32xf32, #tpu.memory_space<vmem_shared>>
    tpu.wait_dma2 semaphore(%arg19 : memref<!tpu.dma_semaphore, #tpu.memory_space<semaphore_mem>>) src(%arg11 : memref<128x32xf32, #tpu.memory_space<vmem>>) dst(%dma_wait3A_295 : memref<128x32xf32, #tpu.memory_space<vmem_shared>>)
    %mul3A_296 = arith.constant 640 : i32
    %mul3A_297 = arith.muli %arg1, %mul3A_296 : i32
    %add3A_298 = arith.constant 0 : i32
    %add3A_299 = arith.addi %mul3A_297, %add3A_298 : i32
    %dma_wait3A_300 = arith.constant 0 : i32
    %dma_wait3A_301 = tpu.memref_slice %arg21[%add3A_299, %dma_wait3A_300] : memref<10240x32xf32, #tpu.memory_space<vmem_shared>> -> memref<128x32xf32, #tpu.memory_space<vmem_shared>>
    %dma_wait3A_302 = arith.constant 0 : i32
    %dma_wait3A_303 = tpu.memref_slice %arg21[%add3A_299, %dma_wait3A_302] : memref<10240x32xf32, #tpu.memory_space<vmem_shared>> -> memref<128x32xf32, #tpu.memory_space<vmem_shared>>
    tpu.wait_dma2 semaphore(%arg17 : memref<!tpu.dma_semaphore, #tpu.memory_space<semaphore_mem>>) src(%arg9 : memref<128x32xf32, #tpu.memory_space<vmem>>) dst(%dma_wait3A_303 : memref<128x32xf32, #tpu.memory_space<vmem_shared>>)
    %mul3A_304 = arith.constant 640 : i32
    %mul3A_305 = arith.muli %arg1, %mul3A_304 : i32
    %add3A_306 = arith.constant 128 : i32
    %add3A_307 = arith.addi %mul3A_305, %add3A_306 : i32
    %dma_wait3A_308 = arith.constant 0 : i32
    %dma_wait3A_309 = tpu.memref_slice %arg21[%add3A_307, %dma_wait3A_308] : memref<10240x32xf32, #tpu.memory_space<vmem_shared>> -> memref<128x32xf32, #tpu.memory_space<vmem_shared>>
    %dma_wait3A_310 = arith.constant 0 : i32
    %dma_wait3A_311 = tpu.memref_slice %arg21[%add3A_307, %dma_wait3A_310] : memref<10240x32xf32, #tpu.memory_space<vmem_shared>> -> memref<128x32xf32, #tpu.memory_space<vmem_shared>>
    tpu.wait_dma2 semaphore(%arg17 : memref<!tpu.dma_semaphore, #tpu.memory_space<semaphore_mem>>) src(%arg9 : memref<128x32xf32, #tpu.memory_space<vmem>>) dst(%dma_wait3A_311 : memref<128x32xf32, #tpu.memory_space<vmem_shared>>)
    %mul3A_312 = arith.constant 640 : i32
    %mul3A_313 = arith.muli %arg1, %mul3A_312 : i32
    %add3A_314 = arith.constant 256 : i32
    %add3A_315 = arith.addi %mul3A_313, %add3A_314 : i32
    %dma_wait3A_316 = arith.constant 0 : i32
    %dma_wait3A_317 = tpu.memref_slice %arg21[%add3A_315, %dma_wait3A_316] : memref<10240x32xf32, #tpu.memory_space<vmem_shared>> -> memref<128x32xf32, #tpu.memory_space<vmem_shared>>
    %dma_wait3A_318 = arith.constant 0 : i32
    %dma_wait3A_319 = tpu.memref_slice %arg21[%add3A_315, %dma_wait3A_318] : memref<10240x32xf32, #tpu.memory_space<vmem_shared>> -> memref<128x32xf32, #tpu.memory_space<vmem_shared>>
    tpu.wait_dma2 semaphore(%arg17 : memref<!tpu.dma_semaphore, #tpu.memory_space<semaphore_mem>>) src(%arg9 : memref<128x32xf32, #tpu.memory_space<vmem>>) dst(%dma_wait3A_319 : memref<128x32xf32, #tpu.memory_space<vmem_shared>>)
    %mul3A_320 = arith.constant 640 : i32
    %mul3A_321 = arith.muli %arg1, %mul3A_320 : i32
    %add3A_322 = arith.constant 384 : i32
    %add3A_323 = arith.addi %mul3A_321, %add3A_322 : i32
    %dma_wait3A_324 = arith.constant 0 : i32
    %dma_wait3A_325 = tpu.memref_slice %arg21[%add3A_323, %dma_wait3A_324] : memref<10240x32xf32, #tpu.memory_space<vmem_shared>> -> memref<128x32xf32, #tpu.memory_space<vmem_shared>>
    %dma_wait3A_326 = arith.constant 0 : i32
    %dma_wait3A_327 = tpu.memref_slice %arg21[%add3A_323, %dma_wait3A_326] : memref<10240x32xf32, #tpu.memory_space<vmem_shared>> -> memref<128x32xf32, #tpu.memory_space<vmem_shared>>
    tpu.wait_dma2 semaphore(%arg17 : memref<!tpu.dma_semaphore, #tpu.memory_space<semaphore_mem>>) src(%arg9 : memref<128x32xf32, #tpu.memory_space<vmem>>) dst(%dma_wait3A_327 : memref<128x32xf32, #tpu.memory_space<vmem_shared>>)
    %mul3A_328 = arith.constant 640 : i32
    %mul3A_329 = arith.muli %arg1, %mul3A_328 : i32
    %add3A_330 = arith.constant 512 : i32
    %add3A_331 = arith.addi %mul3A_329, %add3A_330 : i32
    %dma_wait3A_332 = arith.constant 0 : i32
    %dma_wait3A_333 = tpu.memref_slice %arg21[%add3A_331, %dma_wait3A_332] : memref<10240x32xf32, #tpu.memory_space<vmem_shared>> -> memref<128x32xf32, #tpu.memory_space<vmem_shared>>
    %dma_wait3A_334 = arith.constant 0 : i32
    %dma_wait3A_335 = tpu.memref_slice %arg21[%add3A_331, %dma_wait3A_334] : memref<10240x32xf32, #tpu.memory_space<vmem_shared>> -> memref<128x32xf32, #tpu.memory_space<vmem_shared>>
    tpu.wait_dma2 semaphore(%arg17 : memref<!tpu.dma_semaphore, #tpu.memory_space<semaphore_mem>>) src(%arg9 : memref<128x32xf32, #tpu.memory_space<vmem>>) dst(%dma_wait3A_335 : memref<128x32xf32, #tpu.memory_space<vmem_shared>>)
    %dma_wait3A_336 = arith.constant 0 : i32
    %dma_wait3A_337 = tpu.memref_slice %arg7[%dma_wait3A_336] : memref<20480xi32, #tpu.memory_space<vmem>> -> memref<20000xi32, #tpu.memory_space<vmem>>
    %dma_wait3A_338 = arith.constant 0 : i32
    %dma_wait3A_339 = tpu.memref_slice %arg3[%arg1, %dma_wait3A_338] : memref<16x20000xi32, #tpu.memory_space<hbm>> -> memref<1x20000xi32, #tpu.memory_space<hbm>>
    %dma_wait3A_340 = tpu.memref_squeeze %dma_wait3A_339 : memref<1x20000xi32, #tpu.memory_space<hbm>> -> memref<20000xi32, #tpu.memory_space<hbm>>
    %dma_wait3A_341 = arith.constant 0 : i32
    %dma_wait3A_342 = tpu.memref_slice %arg7[%dma_wait3A_341] : memref<20480xi32, #tpu.memory_space<vmem>> -> memref<20000xi32, #tpu.memory_space<vmem>>
    %dma_wait3A_343 = arith.constant 0 : i32
    %dma_wait3A_344 = tpu.memref_slice %arg3[%arg1, %dma_wait3A_343] : memref<16x20000xi32, #tpu.memory_space<hbm>> -> memref<1x20000xi32, #tpu.memory_space<hbm>>
    %dma_wait3A_345 = tpu.memref_squeeze %dma_wait3A_344 : memref<1x20000xi32, #tpu.memory_space<hbm>> -> memref<20000xi32, #tpu.memory_space<hbm>>
    tpu.wait_dma2 semaphore(%arg13 : memref<!tpu.dma_semaphore, #tpu.memory_space<semaphore_mem>>) src(%dma_wait3A_345 : memref<20000xi32, #tpu.memory_space<hbm>>) dst(%dma_wait3A_342 : memref<20000xi32, #tpu.memory_space<vmem>>)
    %dma_wait3A_346 = arith.constant 0 : i32
    %dma_wait3A_347 = tpu.memref_slice %arg8[%dma_wait3A_346] : memref<20480xi32, #tpu.memory_space<vmem>> -> memref<20000xi32, #tpu.memory_space<vmem>>
    %dma_wait3A_348 = arith.constant 0 : i32
    %dma_wait3A_349 = tpu.memref_slice %arg4[%arg1, %dma_wait3A_348] : memref<16x20000xi32, #tpu.memory_space<hbm>> -> memref<1x20000xi32, #tpu.memory_space<hbm>>
    %dma_wait3A_350 = tpu.memref_squeeze %dma_wait3A_349 : memref<1x20000xi32, #tpu.memory_space<hbm>> -> memref<20000xi32, #tpu.memory_space<hbm>>
    %dma_wait3A_351 = arith.constant 0 : i32
    %dma_wait3A_352 = tpu.memref_slice %arg8[%dma_wait3A_351] : memref<20480xi32, #tpu.memory_space<vmem>> -> memref<20000xi32, #tpu.memory_space<vmem>>
    %dma_wait3A_353 = arith.constant 0 : i32
    %dma_wait3A_354 = tpu.memref_slice %arg4[%arg1, %dma_wait3A_353] : memref<16x20000xi32, #tpu.memory_space<hbm>> -> memref<1x20000xi32, #tpu.memory_space<hbm>>
    %dma_wait3A_355 = tpu.memref_squeeze %dma_wait3A_354 : memref<1x20000xi32, #tpu.memory_space<hbm>> -> memref<20000xi32, #tpu.memory_space<hbm>>
    tpu.wait_dma2 semaphore(%arg13 : memref<!tpu.dma_semaphore, #tpu.memory_space<semaphore_mem>>) src(%dma_wait3A_355 : memref<20000xi32, #tpu.memory_space<hbm>>) dst(%dma_wait3A_352 : memref<20000xi32, #tpu.memory_space<vmem>>)
    %scan3A = arith.constant 0 : i32
    %scan3A_356 = arith.constant 0 : i32
    %scan3A_357 = arith.constant 30 : i32
    %scan3A_358 = arith.addi %scan3A_356, %scan3A_357 : i32
    %scan3A_359 = arith.constant 1 : i32
    scf.for %scan3A_400 = %scan3A_356 to %scan3A_358 step %scan3A_359  : i32 {
      %broadcast_in_dim3A = arith.constant 10239 : i32
      %broadcast_in_dim3A_401 = vector.broadcast %broadcast_in_dim3A : i32 to vector<16xi32>
      %mul3A_402 = arith.constant 16 : i32
      %mul3A_403 = arith.muli %scan3A_400, %mul3A_402 : i32
      %add3A_404 = arith.constant 20000 : i32
      %add3A_405 = arith.addi %add3A_404, %mul3A_403 : i32
      %swap3A = arith.index_cast %add3A_405 : i32 to index
      %swap3A_406 = tpu.vector_load %arg7[%swap3A] {strides = array<i32>} : memref<20480xi32, #tpu.memory_space<vmem>>, vector<16xi32>,
      %swap3A_407 = vector.shape_cast %swap3A_406 : vector<16xi32> to vector<16xi32>
      %swap3A_408 = vector.shape_cast %broadcast_in_dim3A_401 : vector<16xi32> to vector<16xi32>
      tpu.vector_store %arg7[%swap3A], %swap3A_408 {strides = array<i32>} : memref<20480xi32, #tpu.memory_space<vmem>>, vector<16xi32>,
    }
    %scan3A_360 = arith.constant 30 : i32
    %scan3A_361 = arith.constant 0 : i32
    %scan3A_362 = arith.constant 0 : i32
    %scan3A_363 = arith.constant 30 : i32
    %scan3A_364 = arith.addi %scan3A_362, %scan3A_363 : i32
    %scan3A_365 = arith.constant 1 : i32
    scf.for %scan3A_400 = %scan3A_362 to %scan3A_364 step %scan3A_365  : i32 {
      %broadcast_in_dim3A = arith.constant 10239 : i32
      %broadcast_in_dim3A_401 = vector.broadcast %broadcast_in_dim3A : i32 to vector<16xi32>
      %mul3A_402 = arith.constant 16 : i32
      %mul3A_403 = arith.muli %scan3A_400, %mul3A_402 : i32
      %add3A_404 = arith.constant 20000 : i32
      %add3A_405 = arith.addi %add3A_404, %mul3A_403 : i32
      %swap3A = arith.index_cast %add3A_405 : i32 to index
      %swap3A_406 = tpu.vector_load %arg8[%swap3A] {strides = array<i32>} : memref<20480xi32, #tpu.memory_space<vmem>>, vector<16xi32>,
      %swap3A_407 = vector.shape_cast %swap3A_406 : vector<16xi32> to vector<16xi32>
      %swap3A_408 = vector.shape_cast %broadcast_in_dim3A_401 : vector<16xi32> to vector<16xi32>
      tpu.vector_store %arg8[%swap3A], %swap3A_408 {strides = array<i32>} : memref<20480xi32, #tpu.memory_space<vmem>>, vector<16xi32>,
    }
    %scan3A_366 = arith.constant 30 : i32
    %barrier3A = arith.constant 0 : index
    tpu.barrier barrier_id(%barrier3A)
    %dma_start3A_367 = arith.constant 0 : i32
    %dma_start3A_368 = tpu.memref_slice %arg7[%dma_start3A_367] : memref<20480xi32, #tpu.memory_space<vmem>> -> memref<128xi32, #tpu.memory_space<vmem>>
    %dma_start3A_369 = arith.constant 0 : i32
    %dma_start3A_370 = arith.constant 0 : i32
    %dma_start3A_371 = tpu.memref_slice %arg22[%dma_start3A_369, %dma_start3A_370] : memref<10240x32xf32, #tpu.memory_space<vmem_shared>> -> memref<10240x32xf32, #tpu.memory_space<vmem_shared>>
    tpu.enqueue_indirect_dma source(%dma_start3A_371 : memref<10240x32xf32, #tpu.memory_space<vmem_shared>>) target(%arg9 : memref<128x32xf32, #tpu.memory_space<vmem>>) offsets(%dma_start3A_368 : memref<128xi32, #tpu.memory_space<vmem>>) semaphore(%arg13 : memref<!tpu.dma_semaphore, #tpu.memory_space<semaphore_mem>>)
    %dma_start3A_372 = arith.constant 128 : i32
    %dma_start3A_373 = tpu.memref_slice %arg7[%dma_start3A_372] : memref<20480xi32, #tpu.memory_space<vmem>> -> memref<128xi32, #tpu.memory_space<vmem>>
    %dma_start3A_374 = arith.constant 0 : i32
    %dma_start3A_375 = arith.constant 0 : i32
    %dma_start3A_376 = tpu.memref_slice %arg22[%dma_start3A_374, %dma_start3A_375] : memref<10240x32xf32, #tpu.memory_space<vmem_shared>> -> memref<10240x32xf32, #tpu.memory_space<vmem_shared>>
    tpu.enqueue_indirect_dma source(%dma_start3A_376 : memref<10240x32xf32, #tpu.memory_space<vmem_shared>>) target(%arg10 : memref<128x32xf32, #tpu.memory_space<vmem>>) offsets(%dma_start3A_373 : memref<128xi32, #tpu.memory_space<vmem>>) semaphore(%arg14 : memref<!tpu.dma_semaphore, #tpu.memory_space<semaphore_mem>>)
    %dma_start3A_377 = arith.constant 256 : i32
    %dma_start3A_378 = tpu.memref_slice %arg7[%dma_start3A_377] : memref<20480xi32, #tpu.memory_space<vmem>> -> memref<128xi32, #tpu.memory_space<vmem>>
    %dma_start3A_379 = arith.constant 0 : i32
    %dma_start3A_380 = arith.constant 0 : i32
    %dma_start3A_381 = tpu.memref_slice %arg22[%dma_start3A_379, %dma_start3A_380] : memref<10240x32xf32, #tpu.memory_space<vmem_shared>> -> memref<10240x32xf32, #tpu.memory_space<vmem_shared>>
    tpu.enqueue_indirect_dma source(%dma_start3A_381 : memref<10240x32xf32, #tpu.memory_space<vmem_shared>>) target(%arg11 : memref<128x32xf32, #tpu.memory_space<vmem>>) offsets(%dma_start3A_378 : memref<128xi32, #tpu.memory_space<vmem>>) semaphore(%arg15 : memref<!tpu.dma_semaphore, #tpu.memory_space<semaphore_mem>>)
    %dma_start3A_382 = arith.constant 384 : i32
    %dma_start3A_383 = tpu.memref_slice %arg7[%dma_start3A_382] : memref<20480xi32, #tpu.memory_space<vmem>> -> memref<128xi32, #tpu.memory_space<vmem>>
    %dma_start3A_384 = arith.constant 0 : i32
    %dma_start3A_385 = arith.constant 0 : i32
    %dma_start3A_386 = tpu.memref_slice %arg22[%dma_start3A_384, %dma_start3A_385] : memref<10240x32xf32, #tpu.memory_space<vmem_shared>> -> memref<10240x32xf32, #tpu.memory_space<vmem_shared>>
    tpu.enqueue_indirect_dma source(%dma_start3A_386 : memref<10240x32xf32, #tpu.memory_space<vmem_shared>>) target(%arg12 : memref<128x32xf32, #tpu.memory_space<vmem>>) offsets(%dma_start3A_383 : memref<128xi32, #tpu.memory_space<vmem>>) semaphore(%arg16 : memref<!tpu.dma_semaphore, #tpu.memory_space<semaphore_mem>>)
    %scan3A_387 = arith.constant 0 : i32
    %scan3A_388 = arith.constant 0 : i32
    %scan3A_389 = arith.constant 40 : i32
    %scan3A_390 = arith.addi %scan3A_388, %scan3A_389 : i32
    %scan3A_391 = arith.constant 1 : i32
    scf.for %scan3A_400 = %scan3A_388 to %scan3A_390 step %scan3A_391  : i32 {
      %mul3A_401 = arith.constant 4 : i32
      %mul3A_402 = arith.muli %scan3A_400, %mul3A_401 : i32
      %add3A_403 = arith.constant 0 : i32
      %add3A_404 = arith.addi %mul3A_402, %add3A_403 : i32
      %dma_wait3A_405 = arith.constant 0 : i32
      %dma_wait3A_406 = tpu.memref_slice %arg7[%dma_wait3A_405] : memref<20480xi32, #tpu.memory_space<vmem>> -> memref<128xi32, #tpu.memory_space<vmem>>
      %dma_wait3A_407 = arith.constant 0 : i32
      %dma_wait3A_408 = arith.constant 0 : i32
      %dma_wait3A_409 = tpu.memref_slice %arg22[%dma_wait3A_407, %dma_wait3A_408] : memref<10240x32xf32, #tpu.memory_space<vmem_shared>> -> memref<10240x32xf32, #tpu.memory_space<vmem_shared>>
      tpu.wait_indirect_dma semaphore(%arg13 : memref<!tpu.dma_semaphore, #tpu.memory_space<semaphore_mem>>) src(%dma_wait3A_409 : memref<10240x32xf32, #tpu.memory_space<vmem_shared>>) dst(%arg9 : memref<128x32xf32, #tpu.memory_space<vmem>>)
      %mul3A_410 = arith.constant 128 : i32
      %mul3A_411 = arith.muli %add3A_404, %mul3A_410 : i32
      %dma_start3A_412 = tpu.memref_slice %arg8[%mul3A_411] : memref<20480xi32, #tpu.memory_space<vmem>> -> memref<128xi32, #tpu.memory_space<vmem>>
      %dma_start3A_413 = arith.constant 0 : i32
      %dma_start3A_414 = arith.constant 0 : i32
      %dma_start3A_415 = tpu.memref_slice %arg21[%dma_start3A_413, %dma_start3A_414] : memref<10240x32xf32, #tpu.memory_space<vmem_shared>> -> memref<10240x32xf32, #tpu.memory_space<vmem_shared>>
      tpu.enqueue_indirect_dma source(%arg9 : memref<128x32xf32, #tpu.memory_space<vmem>>) target(%dma_start3A_415 : memref<10240x32xf32, #tpu.memory_space<vmem_shared>>) offsets(%dma_start3A_412 : memref<128xi32, #tpu.memory_space<vmem>>) semaphore(%arg17 : memref<!tpu.dma_semaphore, #tpu.memory_space<semaphore_mem>>) {add = true}
      %mul3A_416 = arith.constant 128 : i32
      %mul3A_417 = arith.muli %add3A_404, %mul3A_416 : i32
      %dma_wait3A_418 = tpu.memref_slice %arg8[%mul3A_417] : memref<20480xi32, #tpu.memory_space<vmem>> -> memref<128xi32, #tpu.memory_space<vmem>>
      %dma_wait3A_419 = arith.constant 0 : i32
      %dma_wait3A_420 = arith.constant 0 : i32
      %dma_wait3A_421 = tpu.memref_slice %arg21[%dma_wait3A_419, %dma_wait3A_420] : memref<10240x32xf32, #tpu.memory_space<vmem_shared>> -> memref<10240x32xf32, #tpu.memory_space<vmem_shared>>
      tpu.wait_indirect_dma semaphore(%arg17 : memref<!tpu.dma_semaphore, #tpu.memory_space<semaphore_mem>>) src(%arg9 : memref<128x32xf32, #tpu.memory_space<vmem>>) dst(%dma_wait3A_421 : memref<10240x32xf32, #tpu.memory_space<vmem_shared>>)
      %add3A_422 = arith.constant 4 : i32
      %add3A_423 = arith.addi %add3A_404, %add3A_422 : i32
      %lt3A = arith.constant 160 : i32
      %lt3A_424 = arith.cmpi slt, %add3A_423, %lt3A : i32
      %convert_element_type3A = arith.extui %lt3A_424 : i1 to i32
      %cond3A = arith.constant 0 : i32
      %cond3A_425 = arith.cmpi ne, %convert_element_type3A, %cond3A : i32
      scf.if %cond3A_425 {
        %add3A_510 = arith.constant 4 : i32
        %add3A_511 = arith.addi %add3A_404, %add3A_510 : i32
        %mul3A_512 = arith.constant 128 : i32
        %mul3A_513 = arith.muli %add3A_511, %mul3A_512 : i32
        %dma_start3A_514 = tpu.memref_slice %arg7[%mul3A_513] : memref<20480xi32, #tpu.memory_space<vmem>> -> memref<128xi32, #tpu.memory_space<vmem>>
        %dma_start3A_515 = arith.constant 0 : i32
        %dma_start3A_516 = arith.constant 0 : i32
        %dma_start3A_517 = tpu.memref_slice %arg22[%dma_start3A_515, %dma_start3A_516] : memref<10240x32xf32, #tpu.memory_space<vmem_shared>> -> memref<10240x32xf32, #tpu.memory_space<vmem_shared>>
        tpu.enqueue_indirect_dma source(%dma_start3A_517 : memref<10240x32xf32, #tpu.memory_space<vmem_shared>>) target(%arg9 : memref<128x32xf32, #tpu.memory_space<vmem>>) offsets(%dma_start3A_514 : memref<128xi32, #tpu.memory_space<vmem>>) semaphore(%arg13 : memref<!tpu.dma_semaphore, #tpu.memory_space<semaphore_mem>>)
      } else {
      }
      %mul3A_426 = arith.constant 4 : i32
      %mul3A_427 = arith.muli %scan3A_400, %mul3A_426 : i32
      %add3A_428 = arith.constant 1 : i32
      %add3A_429 = arith.addi %mul3A_427, %add3A_428 : i32
      %dma_wait3A_430 = arith.constant 0 : i32
      %dma_wait3A_431 = tpu.memref_slice %arg7[%dma_wait3A_430] : memref<20480xi32, #tpu.memory_space<vmem>> -> memref<128xi32, #tpu.memory_space<vmem>>
      %dma_wait3A_432 = arith.constant 0 : i32
      %dma_wait3A_433 = arith.constant 0 : i32
      %dma_wait3A_434 = tpu.memref_slice %arg22[%dma_wait3A_432, %dma_wait3A_433] : memref<10240x32xf32, #tpu.memory_space<vmem_shared>> -> memref<10240x32xf32, #tpu.memory_space<vmem_shared>>
      tpu.wait_indirect_dma semaphore(%arg14 : memref<!tpu.dma_semaphore, #tpu.memory_space<semaphore_mem>>) src(%dma_wait3A_434 : memref<10240x32xf32, #tpu.memory_space<vmem_shared>>) dst(%arg10 : memref<128x32xf32, #tpu.memory_space<vmem>>)
      %mul3A_435 = arith.constant 128 : i32
      %mul3A_436 = arith.muli %add3A_429, %mul3A_435 : i32
      %dma_start3A_437 = tpu.memref_slice %arg8[%mul3A_436] : memref<20480xi32, #tpu.memory_space<vmem>> -> memref<128xi32, #tpu.memory_space<vmem>>
      %dma_start3A_438 = arith.constant 0 : i32
      %dma_start3A_439 = arith.constant 0 : i32
      %dma_start3A_440 = tpu.memref_slice %arg21[%dma_start3A_438, %dma_start3A_439] : memref<10240x32xf32, #tpu.memory_space<vmem_shared>> -> memref<10240x32xf32, #tpu.memory_space<vmem_shared>>
      tpu.enqueue_indirect_dma source(%arg10 : memref<128x32xf32, #tpu.memory_space<vmem>>) target(%dma_start3A_440 : memref<10240x32xf32, #tpu.memory_space<vmem_shared>>) offsets(%dma_start3A_437 : memref<128xi32, #tpu.memory_space<vmem>>) semaphore(%arg18 : memref<!tpu.dma_semaphore, #tpu.memory_space<semaphore_mem>>) {add = true}
      %mul3A_441 = arith.constant 128 : i32
      %mul3A_442 = arith.muli %add3A_429, %mul3A_441 : i32
      %dma_wait3A_443 = tpu.memref_slice %arg8[%mul3A_442] : memref<20480xi32, #tpu.memory_space<vmem>> -> memref<128xi32, #tpu.memory_space<vmem>>
      %dma_wait3A_444 = arith.constant 0 : i32
      %dma_wait3A_445 = arith.constant 0 : i32
      %dma_wait3A_446 = tpu.memref_slice %arg21[%dma_wait3A_444, %dma_wait3A_445] : memref<10240x32xf32, #tpu.memory_space<vmem_shared>> -> memref<10240x32xf32, #tpu.memory_space<vmem_shared>>
      tpu.wait_indirect_dma semaphore(%arg18 : memref<!tpu.dma_semaphore, #tpu.memory_space<semaphore_mem>>) src(%arg10 : memref<128x32xf32, #tpu.memory_space<vmem>>) dst(%dma_wait3A_446 : memref<10240x32xf32, #tpu.memory_space<vmem_shared>>)
      %add3A_447 = arith.constant 4 : i32
      %add3A_448 = arith.addi %add3A_429, %add3A_447 : i32
      %lt3A_449 = arith.constant 160 : i32
      %lt3A_450 = arith.cmpi slt, %add3A_448, %lt3A_449 : i32
      %convert_element_type3A_451 = arith.extui %lt3A_450 : i1 to i32
      %cond3A_452 = arith.constant 0 : i32
      %cond3A_453 = arith.cmpi ne, %convert_element_type3A_451, %cond3A_452 : i32
      scf.if %cond3A_453 {
        %add3A_510 = arith.constant 4 : i32
        %add3A_511 = arith.addi %add3A_429, %add3A_510 : i32
        %mul3A_512 = arith.constant 128 : i32
        %mul3A_513 = arith.muli %add3A_511, %mul3A_512 : i32
        %dma_start3A_514 = tpu.memref_slice %arg7[%mul3A_513] : memref<20480xi32, #tpu.memory_space<vmem>> -> memref<128xi32, #tpu.memory_space<vmem>>
        %dma_start3A_515 = arith.constant 0 : i32
        %dma_start3A_516 = arith.constant 0 : i32
        %dma_start3A_517 = tpu.memref_slice %arg22[%dma_start3A_515, %dma_start3A_516] : memref<10240x32xf32, #tpu.memory_space<vmem_shared>> -> memref<10240x32xf32, #tpu.memory_space<vmem_shared>>
        tpu.enqueue_indirect_dma source(%dma_start3A_517 : memref<10240x32xf32, #tpu.memory_space<vmem_shared>>) target(%arg10 : memref<128x32xf32, #tpu.memory_space<vmem>>) offsets(%dma_start3A_514 : memref<128xi32, #tpu.memory_space<vmem>>) semaphore(%arg14 : memref<!tpu.dma_semaphore, #tpu.memory_space<semaphore_mem>>)
      } else {
      }
      %mul3A_454 = arith.constant 4 : i32
      %mul3A_455 = arith.muli %scan3A_400, %mul3A_454 : i32
      %add3A_456 = arith.constant 2 : i32
      %add3A_457 = arith.addi %mul3A_455, %add3A_456 : i32
      %dma_wait3A_458 = arith.constant 0 : i32
      %dma_wait3A_459 = tpu.memref_slice %arg7[%dma_wait3A_458] : memref<20480xi32, #tpu.memory_space<vmem>> -> memref<128xi32, #tpu.memory_space<vmem>>
      %dma_wait3A_460 = arith.constant 0 : i32
      %dma_wait3A_461 = arith.constant 0 : i32
      %dma_wait3A_462 = tpu.memref_slice %arg22[%dma_wait3A_460, %dma_wait3A_461] : memref<10240x32xf32, #tpu.memory_space<vmem_shared>> -> memref<10240x32xf32, #tpu.memory_space<vmem_shared>>
      tpu.wait_indirect_dma semaphore(%arg15 : memref<!tpu.dma_semaphore, #tpu.memory_space<semaphore_mem>>) src(%dma_wait3A_462 : memref<10240x32xf32, #tpu.memory_space<vmem_shared>>) dst(%arg11 : memref<128x32xf32, #tpu.memory_space<vmem>>)
      %mul3A_463 = arith.constant 128 : i32
      %mul3A_464 = arith.muli %add3A_457, %mul3A_463 : i32
      %dma_start3A_465 = tpu.memref_slice %arg8[%mul3A_464] : memref<20480xi32, #tpu.memory_space<vmem>> -> memref<128xi32, #tpu.memory_space<vmem>>
      %dma_start3A_466 = arith.constant 0 : i32
      %dma_start3A_467 = arith.constant 0 : i32
      %dma_start3A_468 = tpu.memref_slice %arg21[%dma_start3A_466, %dma_start3A_467] : memref<10240x32xf32, #tpu.memory_space<vmem_shared>> -> memref<10240x32xf32, #tpu.memory_space<vmem_shared>>
      tpu.enqueue_indirect_dma source(%arg11 : memref<128x32xf32, #tpu.memory_space<vmem>>) target(%dma_start3A_468 : memref<10240x32xf32, #tpu.memory_space<vmem_shared>>) offsets(%dma_start3A_465 : memref<128xi32, #tpu.memory_space<vmem>>) semaphore(%arg19 : memref<!tpu.dma_semaphore, #tpu.memory_space<semaphore_mem>>) {add = true}
      %mul3A_469 = arith.constant 128 : i32
      %mul3A_470 = arith.muli %add3A_457, %mul3A_469 : i32
      %dma_wait3A_471 = tpu.memref_slice %arg8[%mul3A_470] : memref<20480xi32, #tpu.memory_space<vmem>> -> memref<128xi32, #tpu.memory_space<vmem>>
      %dma_wait3A_472 = arith.constant 0 : i32
      %dma_wait3A_473 = arith.constant 0 : i32
      %dma_wait3A_474 = tpu.memref_slice %arg21[%dma_wait3A_472, %dma_wait3A_473] : memref<10240x32xf32, #tpu.memory_space<vmem_shared>> -> memref<10240x32xf32, #tpu.memory_space<vmem_shared>>
      tpu.wait_indirect_dma semaphore(%arg19 : memref<!tpu.dma_semaphore, #tpu.memory_space<semaphore_mem>>) src(%arg11 : memref<128x32xf32, #tpu.memory_space<vmem>>) dst(%dma_wait3A_474 : memref<10240x32xf32, #tpu.memory_space<vmem_shared>>)
      %add3A_475 = arith.constant 4 : i32
      %add3A_476 = arith.addi %add3A_457, %add3A_475 : i32
      %lt3A_477 = arith.constant 160 : i32
      %lt3A_478 = arith.cmpi slt, %add3A_476, %lt3A_477 : i32
      %convert_element_type3A_479 = arith.extui %lt3A_478 : i1 to i32
      %cond3A_480 = arith.constant 0 : i32
      %cond3A_481 = arith.cmpi ne, %convert_element_type3A_479, %cond3A_480 : i32
      scf.if %cond3A_481 {
        %add3A_510 = arith.constant 4 : i32
        %add3A_511 = arith.addi %add3A_457, %add3A_510 : i32
        %mul3A_512 = arith.constant 128 : i32
        %mul3A_513 = arith.muli %add3A_511, %mul3A_512 : i32
        %dma_start3A_514 = tpu.memref_slice %arg7[%mul3A_513] : memref<20480xi32, #tpu.memory_space<vmem>> -> memref<128xi32, #tpu.memory_space<vmem>>
        %dma_start3A_515 = arith.constant 0 : i32
        %dma_start3A_516 = arith.constant 0 : i32
        %dma_start3A_517 = tpu.memref_slice %arg22[%dma_start3A_515, %dma_start3A_516] : memref<10240x32xf32, #tpu.memory_space<vmem_shared>> -> memref<10240x32xf32, #tpu.memory_space<vmem_shared>>
        tpu.enqueue_indirect_dma source(%dma_start3A_517 : memref<10240x32xf32, #tpu.memory_space<vmem_shared>>) target(%arg11 : memref<128x32xf32, #tpu.memory_space<vmem>>) offsets(%dma_start3A_514 : memref<128xi32, #tpu.memory_space<vmem>>) semaphore(%arg15 : memref<!tpu.dma_semaphore, #tpu.memory_space<semaphore_mem>>)
      } else {
      }
      %mul3A_482 = arith.constant 4 : i32
      %mul3A_483 = arith.muli %scan3A_400, %mul3A_482 : i32
      %add3A_484 = arith.constant 3 : i32
      %add3A_485 = arith.addi %mul3A_483, %add3A_484 : i32
      %dma_wait3A_486 = arith.constant 0 : i32
      %dma_wait3A_487 = tpu.memref_slice %arg7[%dma_wait3A_486] : memref<20480xi32, #tpu.memory_space<vmem>> -> memref<128xi32, #tpu.memory_space<vmem>>
      %dma_wait3A_488 = arith.constant 0 : i32
      %dma_wait3A_489 = arith.constant 0 : i32
      %dma_wait3A_490 = tpu.memref_slice %arg22[%dma_wait3A_488, %dma_wait3A_489] : memref<10240x32xf32, #tpu.memory_space<vmem_shared>> -> memref<10240x32xf32, #tpu.memory_space<vmem_shared>>
      tpu.wait_indirect_dma semaphore(%arg16 : memref<!tpu.dma_semaphore, #tpu.memory_space<semaphore_mem>>) src(%dma_wait3A_490 : memref<10240x32xf32, #tpu.memory_space<vmem_shared>>) dst(%arg12 : memref<128x32xf32, #tpu.memory_space<vmem>>)
      %mul3A_491 = arith.constant 128 : i32
      %mul3A_492 = arith.muli %add3A_485, %mul3A_491 : i32
      %dma_start3A_493 = tpu.memref_slice %arg8[%mul3A_492] : memref<20480xi32, #tpu.memory_space<vmem>> -> memref<128xi32, #tpu.memory_space<vmem>>
      %dma_start3A_494 = arith.constant 0 : i32
      %dma_start3A_495 = arith.constant 0 : i32
      %dma_start3A_496 = tpu.memref_slice %arg21[%dma_start3A_494, %dma_start3A_495] : memref<10240x32xf32, #tpu.memory_space<vmem_shared>> -> memref<10240x32xf32, #tpu.memory_space<vmem_shared>>
      tpu.enqueue_indirect_dma source(%arg12 : memref<128x32xf32, #tpu.memory_space<vmem>>) target(%dma_start3A_496 : memref<10240x32xf32, #tpu.memory_space<vmem_shared>>) offsets(%dma_start3A_493 : memref<128xi32, #tpu.memory_space<vmem>>) semaphore(%arg20 : memref<!tpu.dma_semaphore, #tpu.memory_space<semaphore_mem>>) {add = true}
      %mul3A_497 = arith.constant 128 : i32
      %mul3A_498 = arith.muli %add3A_485, %mul3A_497 : i32
      %dma_wait3A_499 = tpu.memref_slice %arg8[%mul3A_498] : memref<20480xi32, #tpu.memory_space<vmem>> -> memref<128xi32, #tpu.memory_space<vmem>>
      %dma_wait3A_500 = arith.constant 0 : i32
      %dma_wait3A_501 = arith.constant 0 : i32
      %dma_wait3A_502 = tpu.memref_slice %arg21[%dma_wait3A_500, %dma_wait3A_501] : memref<10240x32xf32, #tpu.memory_space<vmem_shared>> -> memref<10240x32xf32, #tpu.memory_space<vmem_shared>>
      tpu.wait_indirect_dma semaphore(%arg20 : memref<!tpu.dma_semaphore, #tpu.memory_space<semaphore_mem>>) src(%arg12 : memref<128x32xf32, #tpu.memory_space<vmem>>) dst(%dma_wait3A_502 : memref<10240x32xf32, #tpu.memory_space<vmem_shared>>)
      %add3A_503 = arith.constant 4 : i32
      %add3A_504 = arith.addi %add3A_485, %add3A_503 : i32
      %lt3A_505 = arith.constant 160 : i32
      %lt3A_506 = arith.cmpi slt, %add3A_504, %lt3A_505 : i32
      %convert_element_type3A_507 = arith.extui %lt3A_506 : i1 to i32
      %cond3A_508 = arith.constant 0 : i32
      %cond3A_509 = arith.cmpi ne, %convert_element_type3A_507, %cond3A_508 : i32
      scf.if %cond3A_509 {
        %add3A_510 = arith.constant 4 : i32
        %add3A_511 = arith.addi %add3A_485, %add3A_510 : i32
        %mul3A_512 = arith.constant 128 : i32
        %mul3A_513 = arith.muli %add3A_511, %mul3A_512 : i32
        %dma_start3A_514 = tpu.memref_slice %arg7[%mul3A_513] : memref<20480xi32, #tpu.memory_space<vmem>> -> memref<128xi32, #tpu.memory_space<vmem>>
        %dma_start3A_515 = arith.constant 0 : i32
        %dma_start3A_516 = arith.constant 0 : i32
        %dma_start3A_517 = tpu.memref_slice %arg22[%dma_start3A_515, %dma_start3A_516] : memref<10240x32xf32, #tpu.memory_space<vmem_shared>> -> memref<10240x32xf32, #tpu.memory_space<vmem_shared>>
        tpu.enqueue_indirect_dma source(%dma_start3A_517 : memref<10240x32xf32, #tpu.memory_space<vmem_shared>>) target(%arg12 : memref<128x32xf32, #tpu.memory_space<vmem>>) offsets(%dma_start3A_514 : memref<128xi32, #tpu.memory_space<vmem>>) semaphore(%arg16 : memref<!tpu.dma_semaphore, #tpu.memory_space<semaphore_mem>>)
      } else {
      }
    }
    %scan3A_392 = arith.constant 40 : i32
    %barrier3A_393 = arith.constant 0 : index
    tpu.barrier barrier_id(%barrier3A_393)
    %scan3A_394 = arith.constant 0 : i32
    %scan3A_395 = arith.constant 0 : i32
    %scan3A_396 = arith.constant 5 : i32
    %scan3A_397 = arith.addi %scan3A_395, %scan3A_396 : i32
    %scan3A_398 = arith.constant 1 : i32
    scf.for %scan3A_400 = %scan3A_395 to %scan3A_397 step %scan3A_398  : i32 {
      %mul3A_401 = arith.constant 640 : i32
      %mul3A_402 = arith.muli %arg1, %mul3A_401 : i32
      %mul3A_403 = arith.constant 128 : i32
      %mul3A_404 = arith.muli %scan3A_400, %mul3A_403 : i32
      %add3A_405 = arith.addi %mul3A_402, %mul3A_404 : i32
      "tpu.region"() ({
        %run_scoped3A = tpu.sem_alloc : memref<!tpu.dma_semaphore, #tpu.memory_space<semaphore_mem>>
        %dma_start3A_406 = arith.constant 0 : i32
        %dma_start3A_407 = tpu.memref_slice %arg21[%add3A_405, %dma_start3A_406] : memref<10240x32xf32, #tpu.memory_space<vmem_shared>> -> memref<128x32xf32, #tpu.memory_space<vmem_shared>>
        %dma_start3A_408 = arith.constant 0 : i32
        %dma_start3A_409 = tpu.memref_slice %arg21[%add3A_405, %dma_start3A_408] : memref<10240x32xf32, #tpu.memory_space<vmem_shared>> -> memref<128x32xf32, #tpu.memory_space<vmem_shared>>
        tpu.enqueue_dma source(%dma_start3A_409 : memref<128x32xf32, #tpu.memory_space<vmem_shared>>) target(%arg9 : memref<128x32xf32, #tpu.memory_space<vmem>>) target_semaphore(%run_scoped3A : memref<!tpu.dma_semaphore, #tpu.memory_space<semaphore_mem>>)
        %dma_wait3A_410 = arith.constant 0 : i32
        %dma_wait3A_411 = tpu.memref_slice %arg21[%add3A_405, %dma_wait3A_410] : memref<10240x32xf32, #tpu.memory_space<vmem_shared>> -> memref<128x32xf32, #tpu.memory_space<vmem_shared>>
        %dma_wait3A_412 = arith.constant 0 : i32
        %dma_wait3A_413 = tpu.memref_slice %arg21[%add3A_405, %dma_wait3A_412] : memref<10240x32xf32, #tpu.memory_space<vmem_shared>> -> memref<128x32xf32, #tpu.memory_space<vmem_shared>>
        tpu.wait_dma2 semaphore(%run_scoped3A : memref<!tpu.dma_semaphore, #tpu.memory_space<semaphore_mem>>) src(%dma_wait3A_413 : memref<128x32xf32, #tpu.memory_space<vmem_shared>>) dst(%arg9 : memref<128x32xf32, #tpu.memory_space<vmem>>)
        tpu.yield
      }) : () -> ()
      "tpu.region"() ({
        %run_scoped3A = tpu.sem_alloc : memref<!tpu.dma_semaphore, #tpu.memory_space<semaphore_mem>>
        %dma_start3A_406 = arith.constant 0 : i32
        %dma_start3A_407 = arith.constant 0 : i32
        %dma_start3A_408 = tpu.memref_slice %arg6[%arg0, %dma_start3A_406, %dma_start3A_407] : memref<2x10240x32xf32, #tpu.memory_space<hbm>> -> memref<1x10240x32xf32, #tpu.memory_space<hbm>>
        %dma_start3A_409 = tpu.memref_squeeze %dma_start3A_408 : memref<1x10240x32xf32, #tpu.memory_space<hbm>> -> memref<10240x32xf32, #tpu.memory_space<hbm>>
        %dma_start3A_410 = arith.constant 0 : i32
        %dma_start3A_411 = tpu.memref_slice %dma_start3A_409[%add3A_405, %dma_start3A_410] : memref<10240x32xf32, #tpu.memory_space<hbm>> -> memref<128x32xf32, #tpu.memory_space<hbm>>
        %dma_start3A_412 = arith.constant 0 : i32
        %dma_start3A_413 = arith.constant 0 : i32
        %dma_start3A_414 = tpu.memref_slice %arg6[%arg0, %dma_start3A_412, %dma_start3A_413] : memref<2x10240x32xf32, #tpu.memory_space<hbm>> -> memref<1x10240x32xf32, #tpu.memory_space<hbm>>
        %dma_start3A_415 = tpu.memref_squeeze %dma_start3A_414 : memref<1x10240x32xf32, #tpu.memory_space<hbm>> -> memref<10240x32xf32, #tpu.memory_space<hbm>>
        %dma_start3A_416 = arith.constant 0 : i32
        %dma_start3A_417 = tpu.memref_slice %dma_start3A_415[%add3A_405, %dma_start3A_416] : memref<10240x32xf32, #tpu.memory_space<hbm>> -> memref<128x32xf32, #tpu.memory_space<hbm>>
        tpu.enqueue_dma source(%arg9 : memref<128x32xf32, #tpu.memory_space<vmem>>) target(%dma_start3A_417 : memref<128x32xf32, #tpu.memory_space<hbm>>) target_semaphore(%run_scoped3A : memref<!tpu.dma_semaphore, #tpu.memory_space<semaphore_mem>>)
        %dma_wait3A_418 = arith.constant 0 : i32
        %dma_wait3A_419 = arith.constant 0 : i32
        %dma_wait3A_420 = tpu.memref_slice %arg6[%arg0, %dma_wait3A_418, %dma_wait3A_419] : memref<2x10240x32xf32, #tpu.memory_space<hbm>> -> memref<1x10240x32xf32, #tpu.memory_space<hbm>>
        %dma_wait3A_421 = tpu.memref_squeeze %dma_wait3A_420 : memref<1x10240x32xf32, #tpu.memory_space<hbm>> -> memref<10240x32xf32, #tpu.memory_space<hbm>>
        %dma_wait3A_422 = arith.constant 0 : i32
        %dma_wait3A_423 = tpu.memref_slice %dma_wait3A_421[%add3A_405, %dma_wait3A_422] : memref<10240x32xf32, #tpu.memory_space<hbm>> -> memref<128x32xf32, #tpu.memory_space<hbm>>
        %dma_wait3A_424 = arith.constant 0 : i32
        %dma_wait3A_425 = arith.constant 0 : i32
        %dma_wait3A_426 = tpu.memref_slice %arg6[%arg0, %dma_wait3A_424, %dma_wait3A_425] : memref<2x10240x32xf32, #tpu.memory_space<hbm>> -> memref<1x10240x32xf32, #tpu.memory_space<hbm>>
        %dma_wait3A_427 = tpu.memref_squeeze %dma_wait3A_426 : memref<1x10240x32xf32, #tpu.memory_space<hbm>> -> memref<10240x32xf32, #tpu.memory_space<hbm>>
        %dma_wait3A_428 = arith.constant 0 : i32
        %dma_wait3A_429 = tpu.memref_slice %dma_wait3A_427[%add3A_405, %dma_wait3A_428] : memref<10240x32xf32, #tpu.memory_space<hbm>> -> memref<128x32xf32, #tpu.memory_space<hbm>>
        tpu.wait_dma2 semaphore(%run_scoped3A : memref<!tpu.dma_semaphore, #tpu.memory_space<semaphore_mem>>) src(%arg9 : memref<128x32xf32, #tpu.memory_space<vmem>>) dst(%dma_wait3A_429 : memref<128x32xf32, #tpu.memory_space<hbm>>)
        tpu.yield
      }) : () -> ()
    }
    %scan3A_399 = arith.constant 5 : i32
    return
  }
}

module attributes {stable_mosaic.version = 14 : i64} {
  func.func @_prep_body(%arg0: memref<2x320000xi32, #tpu.memory_space<vmem>>, %arg1: memref<320000xi32, #tpu.memory_space<vmem>>, %arg2: memref<320000xi32, #tpu.memory_space<vmem>>) attributes {dimension_semantics = [], scalar_prefetch = 0 : i64, scratch_operands = 0 : i64, tpu.core_type = #tpu.core_type<tc>} {
    %get3A = arith.constant 0 : index
    %get3A_0 = arith.constant 0 : index
    %get3A_1 = vector.load %arg0[%get3A, %get3A_0] : memref<2x320000xi32, #tpu.memory_space<vmem>>, vector<1x320000xi32>
    %get3A_2 = vector.shape_cast %get3A_1 : vector<1x320000xi32> to vector<320000xi32>
    %swap3A = arith.constant 0 : index
    %swap3A_3 = vector.load %arg1[%swap3A] : memref<320000xi32, #tpu.memory_space<vmem>>, vector<320000xi32>
    tpu.vector_store %arg1[%swap3A], %get3A_2 {strides = array<i32>} : memref<320000xi32, #tpu.memory_space<vmem>>, vector<320000xi32>,
    %get3A_4 = arith.constant 1 : index
    %get3A_5 = arith.constant 0 : index
    %get3A_6 = vector.load %arg0[%get3A_4, %get3A_5] : memref<2x320000xi32, #tpu.memory_space<vmem>>, vector<1x320000xi32>
    %get3A_7 = vector.shape_cast %get3A_6 : vector<1x320000xi32> to vector<320000xi32>
    %swap3A_8 = arith.constant 0 : index
    %swap3A_9 = vector.load %arg2[%swap3A_8] : memref<320000xi32, #tpu.memory_space<vmem>>, vector<320000xi32>
    tpu.vector_store %arg2[%swap3A_8], %get3A_7 {strides = array<i32>} : memref<320000xi32, #tpu.memory_space<vmem>>, vector<320000xi32>,
    return
  }
}

module attributes {stable_mosaic.version = 14 : i64} {
  func.func @_tcz_body(%arg0: i32, %arg1: memref<256x512xf32, #tpu.memory_space<vmem>>, %arg2: memref<512x256xf32, #tpu.memory_space<vmem>>, %arg3: memref<256x256xf32, #tpu.memory_space<vmem>>) attributes {dimension_semantics = [#tpu.dimension_semantics<arbitrary>], iteration_bounds = array<i64: 10>, scalar_prefetch = 0 : i64, scratch_operands = 0 : i64, tpu.core_type = #tpu.core_type<tc>, window_params = [{transform_indices = @transform_0, window_bounds = array<i64: 256, 512>}, {pipeline_mode = #tpu.pipeline_mode<synchronous>, transform_indices = @transform_1, window_bounds = array<i64: 512, 256>}, {transform_indices = @transform_2, window_bounds = array<i64: 256, 256>}]} {
    %get3A = arith.constant 0 : index
    %get3A_0 = arith.constant 0 : index
    %get3A_1 = vector.load %arg1[%get3A, %get3A_0] : memref<256x512xf32, #tpu.memory_space<vmem>>, vector<256x512xf32>
    %get3A_2 = arith.constant 0 : index
    %get3A_3 = arith.constant 0 : index
    %get3A_4 = vector.load %arg2[%get3A_2, %get3A_3] : memref<512x256xf32, #tpu.memory_space<vmem>>, vector<512x256xf32>
    %dot_general3A = arith.constant dense<0.000000e+00> : vector<256x256xf32>
    %dot_general3A_5 = tpu.matmul %get3A_1, %get3A_4, %dot_general3A {dimension_numbers = #tpu.dot_dimension_numbers<[1], [0], [0], [1], [0, 0, 1, 1], [], []>, transpose_lhs_hint = false} : vector<256x512xf32>, vector<512x256xf32>, vector<256x256xf32> -> vector<256x256xf32>
    %swap3A = arith.constant 0 : index
    %swap3A_6 = arith.constant 0 : index
    %swap3A_7 = vector.load %arg3[%swap3A, %swap3A_6] : memref<256x256xf32, #tpu.memory_space<vmem>>, vector<256x256xf32>
    tpu.vector_store %arg3[%swap3A, %swap3A_6], %dot_general3A_5 {strides = array<i32>} : memref<256x256xf32, #tpu.memory_space<vmem>>, vector<256x256xf32>,
    return
  }
  func.func @transform_0(%arg0: i32) -> (i32, i32) {
    %c0_i32 = arith.constant 0 : i32
    %c0_i32_0 = arith.constant 0 : i32
    return %arg0, %c0_i32 : i32, i32
  }
  func.func @transform_1(%arg0: i32) -> (i32, i32) {
    %c0_i32 = arith.constant 0 : i32
    %c0_i32_0 = arith.constant 0 : i32
    %c0_i32_1 = arith.constant 0 : i32
    return %c0_i32, %c0_i32_0 : i32, i32
  }
  func.func @transform_2(%arg0: i32) -> (i32, i32) {
    %c0_i32 = arith.constant 0 : i32
    %c0_i32_0 = arith.constant 0 : i32
    return %arg0, %c0_i32 : i32, i32
  }
}

module attributes {stable_mosaic.version = 14 : i64} {
  func.func @_tc1_body(%arg0: i32, %arg1: memref<256x8xf32, #tpu.memory_space<vmem>>, %arg2: memref<256x256xf32, #tpu.memory_space<vmem>>, %arg3: memref<256x128xf32, #tpu.memory_space<vmem>>, %arg4: memref<2x256x128xf32, #tpu.memory_space<vmem>>) attributes {dimension_semantics = [#tpu.dimension_semantics<arbitrary>], iteration_bounds = array<i64: 10>, scalar_prefetch = 0 : i64, scratch_operands = 0 : i64, tpu.core_type = #tpu.core_type<tc>, window_params = [{transform_indices = @transform_0, window_bounds = array<i64: 256, 8>}, {transform_indices = @transform_1, window_bounds = array<i64: 256, 256>}, {transform_indices = @transform_2, window_bounds = array<i64: 256, 128>}, {transform_indices = @transform_3, window_bounds = array<i64: 2, 256, 128>}]} {
    %get3A = arith.constant 0 : index
    %get3A_0 = arith.constant 0 : index
    %get3A_1 = vector.load %arg1[%get3A, %get3A_0] : memref<256x8xf32, #tpu.memory_space<vmem>>, vector<256x8xf32>
    %slice3A = vector.extract_strided_slice %get3A_1 {offsets = [0, 0], sizes = [256, 4], strides = [1, 1]} : vector<256x8xf32> to vector<256x4xf32>
    %slice3A_2 = vector.extract_strided_slice %get3A_1 {offsets = [0, 4], sizes = [256, 4], strides = [1, 1]} : vector<256x8xf32> to vector<256x4xf32>
    %add3A = arith.addf %slice3A, %slice3A_2 : vector<256x4xf32>
    %add3A_3 = arith.constant 1.000000e+00 : f32
    %add3A_4 = vector.broadcast %add3A_3 : f32 to vector<256x4xf32>
    %add3A_5 = arith.addf %add3A, %add3A_4 : vector<256x4xf32>
    %rsqrt3A = math.rsqrt %add3A_5 : vector<256x4xf32>
    %iota3A = tpu.iota {dimensions = array<i32: 0>} : vector<4x128xi32>
    %iota3A_6 = tpu.iota {dimensions = array<i32: 1>} : vector<4x128xi32>
    %jit3A = arith.constant 32 : i32
    %div3A = vector.broadcast %jit3A : i32 to vector<4x128xi32>
    %div3A_7 = arith.divsi %iota3A_6, %div3A : vector<4x128xi32>
    %sign3A = arith.constant 0 : i32
    %sign3A_8 = vector.broadcast %sign3A : i32 to vector<4x128xi32>
    %sign3A_9 = arith.cmpi sgt, %iota3A_6, %sign3A_8 : vector<4x128xi32>
    %sign3A_10 = arith.extui %sign3A_9 : vector<4x128xi1> to vector<4x128xi32>
    %sign3A_11 = arith.constant 0 : i32
    %sign3A_12 = vector.broadcast %sign3A_11 : i32 to vector<4x128xi32>
    %sign3A_13 = arith.cmpi slt, %iota3A_6, %sign3A_12 : vector<4x128xi32>
    %sign3A_14 = arith.extui %sign3A_13 : vector<4x128xi1> to vector<4x128xi32>
    %sign3A_15 = arith.subi %sign3A_10, %sign3A_14 : vector<4x128xi32>
    %sign3A_16 = arith.constant 0 : i32
    %sign3A_17 = arith.cmpi sgt, %jit3A, %sign3A_16 : i32
    %sign3A_18 = arith.extui %sign3A_17 : i1 to i32
    %sign3A_19 = arith.constant 0 : i32
    %sign3A_20 = arith.cmpi slt, %jit3A, %sign3A_19 : i32
    %sign3A_21 = arith.extui %sign3A_20 : i1 to i32
    %sign3A_22 = arith.subi %sign3A_18, %sign3A_21 : i32
    %ne3A = vector.broadcast %sign3A_22 : i32 to vector<4x128xi32>
    %ne3A_23 = arith.cmpi ne, %sign3A_15, %ne3A : vector<4x128xi32>
    %rem3A = vector.broadcast %jit3A : i32 to vector<4x128xi32>
    %rem3A_24 = arith.remsi %iota3A_6, %rem3A : vector<4x128xi32>
    %ne3A_25 = arith.constant 0 : i32
    %ne3A_26 = vector.broadcast %ne3A_25 : i32 to vector<4x128xi32>
    %ne3A_27 = arith.cmpi ne, %rem3A_24, %ne3A_26 : vector<4x128xi32>
    %and3A = arith.andi %ne3A_23, %ne3A_27 : vector<4x128xi1>
    %sub3A = arith.constant 1 : i32
    %sub3A_28 = vector.broadcast %sub3A : i32 to vector<4x128xi32>
    %sub3A_29 = arith.subi %div3A_7, %sub3A_28 : vector<4x128xi32>
    %select_n3A = arith.select %and3A, %sub3A_29, %div3A_7 : vector<4x128xi1>, vector<4x128xi32>
    %eq3A = arith.cmpi eq, %select_n3A, %iota3A : vector<4x128xi32>
    %convert_element_type3A = arith.extui %eq3A : vector<4x128xi1> to vector<4x128xi32>
    %convert_element_type3A_30 = arith.sitofp %convert_element_type3A : vector<4x128xi32> to vector<4x128xf32>
    %dot_general3A = arith.constant dense<0.000000e+00> : vector<256x128xf32>
    %dot_general3A_31 = tpu.matmul %rsqrt3A, %convert_element_type3A_30, %dot_general3A {dimension_numbers = #tpu.dot_dimension_numbers<[1], [0], [0], [1], [0, 0, 1, 1], [], []>, transpose_lhs_hint = false} : vector<256x4xf32>, vector<4x128xf32>, vector<256x128xf32> -> vector<256x128xf32>
    %swap3A = arith.constant 0 : index
    %swap3A_32 = arith.constant 0 : index
    %swap3A_33 = vector.load %arg3[%swap3A, %swap3A_32] : memref<256x128xf32, #tpu.memory_space<vmem>>, vector<256x128xf32>
    tpu.vector_store %arg3[%swap3A, %swap3A_32], %dot_general3A_31 {strides = array<i32>} : memref<256x128xf32, #tpu.memory_space<vmem>>, vector<256x128xf32>,
    %get3A_34 = arith.constant 0 : index
    %get3A_35 = arith.constant 0 : index
    %get3A_36 = vector.load %arg2[%get3A_34, %get3A_35] : memref<256x256xf32, #tpu.memory_space<vmem>>, vector<256x256xf32>
    %slice3A_37 = vector.extract_strided_slice %get3A_36 {offsets = [0, 0], sizes = [256, 128], strides = [1, 1]} : vector<256x256xf32> to vector<256x128xf32>
    %mul3A = arith.mulf %slice3A_37, %dot_general3A_31 : vector<256x128xf32>
    %slice3A_38 = vector.extract_strided_slice %get3A_36 {offsets = [0, 128], sizes = [256, 128], strides = [1, 1]} : vector<256x256xf32> to vector<256x128xf32>
    %mul3A_39 = arith.mulf %slice3A_38, %dot_general3A_31 : vector<256x128xf32>
    %stack3A = vector.shape_cast %mul3A : vector<256x128xf32> to vector<1x256x128xf32>
    %stack3A_40 = vector.shape_cast %mul3A_39 : vector<256x128xf32> to vector<1x256x128xf32>
    %stack3A_41 = tpu.concatenate %stack3A, %stack3A_40 in 0 : vector<1x256x128xf32>, vector<1x256x128xf32> -> vector<2x256x128xf32>
    %swap3A_42 = arith.constant 0 : index
    %swap3A_43 = arith.constant 0 : index
    %swap3A_44 = arith.constant 0 : index
    %swap3A_45 = vector.load %arg4[%swap3A_42, %swap3A_43, %swap3A_44] : memref<2x256x128xf32, #tpu.memory_space<vmem>>, vector<2x256x128xf32>
    tpu.vector_store %arg4[%swap3A_42, %swap3A_43, %swap3A_44], %stack3A_41 {strides = array<i32>} : memref<2x256x128xf32, #tpu.memory_space<vmem>>, vector<2x256x128xf32>,
    return
  }
  func.func @transform_0(%arg0: i32) -> (i32, i32) {
    %c0_i32 = arith.constant 0 : i32
    %c0_i32_0 = arith.constant 0 : i32
    return %arg0, %c0_i32 : i32, i32
  }
  func.func @transform_1(%arg0: i32) -> (i32, i32) {
    %c0_i32 = arith.constant 0 : i32
    %c0_i32_0 = arith.constant 0 : i32
    return %arg0, %c0_i32 : i32, i32
  }
  func.func @transform_2(%arg0: i32) -> (i32, i32) {
    %c0_i32 = arith.constant 0 : i32
    %c0_i32_0 = arith.constant 0 : i32
    return %arg0, %c0_i32 : i32, i32
  }
  func.func @transform_3(%arg0: i32) -> (i32, i32, i32) {
    %c0_i32 = arith.constant 0 : i32
    %c0_i32_0 = arith.constant 0 : i32
    %c0_i32_1 = arith.constant 0 : i32
    return %c0_i32, %arg0, %c0_i32_0 : i32, i32, i32
  }
}

module attributes {stable_mosaic.version = 14 : i64} {
  func.func @_tc2_body(%arg0: i32, %arg1: memref<2x256x128xf32, #tpu.memory_space<vmem>>, %arg2: memref<2x256x128xf32, #tpu.memory_space<vmem>>, %arg3: memref<256x128xf32, #tpu.memory_space<vmem>>, %arg4: memref<2x1x128xf32, #tpu.memory_space<vmem>>, %arg5: memref<256x256xf32, #tpu.memory_space<vmem>>, %arg6: memref<2x256x128xf32, #tpu.memory_space<vmem>>) attributes {dimension_semantics = [#tpu.dimension_semantics<arbitrary>], iteration_bounds = array<i64: 10>, scalar_prefetch = 0 : i64, scratch_operands = 0 : i64, tpu.core_type = #tpu.core_type<tc>, window_params = [{transform_indices = @transform_0, window_bounds = array<i64: 2, 256, 128>}, {transform_indices = @transform_1, window_bounds = array<i64: 2, 256, 128>}, {transform_indices = @transform_2, window_bounds = array<i64: 256, 128>}, {pipeline_mode = #tpu.pipeline_mode<synchronous>, transform_indices = @transform_3, window_bounds = array<i64: 2, 1, 128>}, {pipeline_mode = #tpu.pipeline_mode<synchronous>, transform_indices = @transform_4, window_bounds = array<i64: 256, 256>}, {transform_indices = @transform_5, window_bounds = array<i64: 2, 256, 128>}]} {
    %get3A = arith.constant 0 : index
    %get3A_0 = arith.constant 0 : index
    %get3A_1 = vector.load %arg3[%get3A, %get3A_0] : memref<256x128xf32, #tpu.memory_space<vmem>>, vector<256x128xf32>
    %get3A_2 = arith.constant 0 : index
    %get3A_3 = arith.constant 0 : index
    %get3A_4 = arith.constant 0 : index
    %get3A_5 = vector.load %arg1[%get3A_2, %get3A_3, %get3A_4] : memref<2x256x128xf32, #tpu.memory_space<vmem>>, vector<2x256x128xf32>
    %get3A_6 = arith.constant 0 : index
    %get3A_7 = arith.constant 0 : index
    %get3A_8 = arith.constant 0 : index
    %get3A_9 = vector.load %arg2[%get3A_6, %get3A_7, %get3A_8] : memref<2x256x128xf32, #tpu.memory_space<vmem>>, vector<2x256x128xf32>
    %add3A = arith.addf %get3A_5, %get3A_9 : vector<2x256x128xf32>
    %broadcast_in_dim3A = vector.shape_cast %get3A_1 : vector<256x128xf32> to vector<1x256x128xf32>
    %mul3A = vector.broadcast %broadcast_in_dim3A : vector<1x256x128xf32> to vector<2x256x128xf32>
    %mul3A_10 = arith.mulf %add3A, %mul3A : vector<2x256x128xf32>
    %get3A_11 = arith.constant 0 : index
    %get3A_12 = arith.constant 0 : index
    %get3A_13 = arith.constant 0 : index
    %get3A_14 = vector.load %arg4[%get3A_11, %get3A_12, %get3A_13] : memref<2x1x128xf32, #tpu.memory_space<vmem>>, vector<2x1x128xf32>
    %add3A_15 = vector.broadcast %get3A_14 : vector<2x1x128xf32> to vector<2x256x128xf32>
    %add3A_16 = arith.addf %mul3A_10, %add3A_15 : vector<2x256x128xf32>
    %max3A = arith.constant 0.000000e+00 : f32
    %max3A_17 = vector.broadcast %max3A : f32 to vector<2x256x128xf32>
    %max3A_18 = arith.maximumf %add3A_16, %max3A_17 : vector<2x256x128xf32>
    %slice3A = vector.extract_strided_slice %max3A_18 {offsets = [0, 0, 0], sizes = [1, 256, 128], strides = [1, 1, 1]} : vector<2x256x128xf32> to vector<1x256x128xf32>
    %squeeze3A = vector.shape_cast %slice3A : vector<1x256x128xf32> to vector<256x128xf32>
    %slice3A_19 = vector.extract_strided_slice %max3A_18 {offsets = [1, 0, 0], sizes = [1, 256, 128], strides = [1, 1, 1]} : vector<2x256x128xf32> to vector<1x256x128xf32>
    %squeeze3A_20 = vector.shape_cast %slice3A_19 : vector<1x256x128xf32> to vector<256x128xf32>
    %concatenate3A = tpu.concatenate %squeeze3A, %squeeze3A_20 in 1 : vector<256x128xf32>, vector<256x128xf32> -> vector<256x256xf32>
    %get3A_21 = arith.constant 0 : index
    %get3A_22 = arith.constant 0 : index
    %get3A_23 = vector.load %arg5[%get3A_21, %get3A_22] : memref<256x256xf32, #tpu.memory_space<vmem>>, vector<256x256xf32>
    %dot_general3A = arith.constant dense<0.000000e+00> : vector<256x256xf32>
    %dot_general3A_24 = tpu.matmul %concatenate3A, %get3A_23, %dot_general3A {dimension_numbers = #tpu.dot_dimension_numbers<[1], [0], [0], [1], [0, 0, 1, 1], [], []>, transpose_lhs_hint = false} : vector<256x256xf32>, vector<256x256xf32>, vector<256x256xf32> -> vector<256x256xf32>
    %slice3A_25 = vector.extract_strided_slice %dot_general3A_24 {offsets = [0, 0], sizes = [256, 128], strides = [1, 1]} : vector<256x256xf32> to vector<256x128xf32>
    %mul3A_26 = arith.mulf %slice3A_25, %get3A_1 : vector<256x128xf32>
    %slice3A_27 = vector.extract_strided_slice %dot_general3A_24 {offsets = [0, 128], sizes = [256, 128], strides = [1, 1]} : vector<256x256xf32> to vector<256x128xf32>
    %mul3A_28 = arith.mulf %slice3A_27, %get3A_1 : vector<256x128xf32>
    %stack3A = vector.shape_cast %mul3A_26 : vector<256x128xf32> to vector<1x256x128xf32>
    %stack3A_29 = vector.shape_cast %mul3A_28 : vector<256x128xf32> to vector<1x256x128xf32>
    %stack3A_30 = tpu.concatenate %stack3A, %stack3A_29 in 0 : vector<1x256x128xf32>, vector<1x256x128xf32> -> vector<2x256x128xf32>
    %swap3A = arith.constant 0 : index
    %swap3A_31 = arith.constant 0 : index
    %swap3A_32 = arith.constant 0 : index
    %swap3A_33 = vector.load %arg6[%swap3A, %swap3A_31, %swap3A_32] : memref<2x256x128xf32, #tpu.memory_space<vmem>>, vector<2x256x128xf32>
    tpu.vector_store %arg6[%swap3A, %swap3A_31, %swap3A_32], %stack3A_30 {strides = array<i32>} : memref<2x256x128xf32, #tpu.memory_space<vmem>>, vector<2x256x128xf32>,
    return
  }
  func.func @transform_0(%arg0: i32) -> (i32, i32, i32) {
    %c0_i32 = arith.constant 0 : i32
    %c0_i32_0 = arith.constant 0 : i32
    %c0_i32_1 = arith.constant 0 : i32
    return %c0_i32, %arg0, %c0_i32_0 : i32, i32, i32
  }
  func.func @transform_1(%arg0: i32) -> (i32, i32, i32) {
    %c0_i32 = arith.constant 0 : i32
    %c0_i32_0 = arith.constant 0 : i32
    %c0_i32_1 = arith.constant 0 : i32
    return %c0_i32, %arg0, %c0_i32_0 : i32, i32, i32
  }
  func.func @transform_2(%arg0: i32) -> (i32, i32) {
    %c0_i32 = arith.constant 0 : i32
    %c0_i32_0 = arith.constant 0 : i32
    return %arg0, %c0_i32 : i32, i32
  }
  func.func @transform_3(%arg0: i32) -> (i32, i32, i32) {
    %c0_i32 = arith.constant 0 : i32
    %c0_i32_0 = arith.constant 0 : i32
    %c0_i32_1 = arith.constant 0 : i32
    %c0_i32_2 = arith.constant 0 : i32
    return %c0_i32, %c0_i32_0, %c0_i32_1 : i32, i32, i32
  }
  func.func @transform_4(%arg0: i32) -> (i32, i32) {
    %c0_i32 = arith.constant 0 : i32
    %c0_i32_0 = arith.constant 0 : i32
    %c0_i32_1 = arith.constant 0 : i32
    return %c0_i32, %c0_i32_0 : i32, i32
  }
  func.func @transform_5(%arg0: i32) -> (i32, i32, i32) {
    %c0_i32 = arith.constant 0 : i32
    %c0_i32_0 = arith.constant 0 : i32
    %c0_i32_1 = arith.constant 0 : i32
    return %c0_i32, %arg0, %c0_i32_0 : i32, i32, i32
  }
}

module attributes {stable_mosaic.version = 14 : i64} {
  func.func @_tc3_body(%arg0: i32, %arg1: memref<2x256x128xf32, #tpu.memory_space<vmem>>, %arg2: memref<2x256x128xf32, #tpu.memory_space<vmem>>, %arg3: memref<256x128xf32, #tpu.memory_space<vmem>>, %arg4: memref<2x1x128xf32, #tpu.memory_space<vmem>>, %arg5: memref<256x4xi32, #tpu.memory_space<vmem>>, %arg6: memref<64x3xf32, #tpu.memory_space<vmem>>, %arg7: memref<1x3xf32, #tpu.memory_space<vmem>>, %arg8: memref<64x3xf32, #tpu.memory_space<vmem>>, %arg9: memref<64x64xf32, #tpu.memory_space<vmem>>, %arg10: memref<64x1xf32, #tpu.memory_space<vmem>>) attributes {dimension_semantics = [#tpu.dimension_semantics<arbitrary>], iteration_bounds = array<i64: 10>, scalar_prefetch = 0 : i64, scratch_operands = 2 : i64, tpu.core_type = #tpu.core_type<tc>, window_params = [{transform_indices = @transform_0, window_bounds = array<i64: 2, 256, 128>}, {transform_indices = @transform_1, window_bounds = array<i64: 2, 256, 128>}, {transform_indices = @transform_2, window_bounds = array<i64: 256, 128>}, {pipeline_mode = #tpu.pipeline_mode<synchronous>, transform_indices = @transform_3, window_bounds = array<i64: 2, 1, 128>}, {transform_indices = @transform_4, window_bounds = array<i64: 256, 4>}, {pipeline_mode = #tpu.pipeline_mode<synchronous>, transform_indices = @transform_5, window_bounds = array<i64: 64, 3>}, {pipeline_mode = #tpu.pipeline_mode<synchronous>, transform_indices = @transform_6, window_bounds = array<i64: 1, 3>}, {pipeline_mode = #tpu.pipeline_mode<synchronous>, transform_indices = @transform_7, window_bounds = array<i64: 64, 3>}]} {
    %eq3A = arith.constant 0 : i32
    %eq3A_0 = arith.cmpi eq, %arg0, %eq3A : i32
    %convert_element_type3A = arith.extui %eq3A_0 : i1 to i32
    %cond3A = arith.constant 0 : i32
    %cond3A_1 = arith.cmpi ne, %convert_element_type3A, %cond3A : i32
    scf.if %cond3A_1 {
      %broadcast_in_dim3A_129 = arith.constant 0.000000e+00 : f32
      %broadcast_in_dim3A_130 = vector.broadcast %broadcast_in_dim3A_129 : f32 to vector<64x64xf32>
      %swap3A_131 = arith.constant 0 : index
      %swap3A_132 = arith.constant 0 : index
      %swap3A_133 = vector.load %arg9[%swap3A_131, %swap3A_132] : memref<64x64xf32, #tpu.memory_space<vmem>>, vector<64x64xf32>
      tpu.vector_store %arg9[%swap3A_131, %swap3A_132], %broadcast_in_dim3A_130 {strides = array<i32>} : memref<64x64xf32, #tpu.memory_space<vmem>>, vector<64x64xf32>,
      %broadcast_in_dim3A_134 = arith.constant 0.000000e+00 : f32
      %broadcast_in_dim3A_135 = vector.broadcast %broadcast_in_dim3A_134 : f32 to vector<64x1xf32>
      %swap3A_136 = arith.constant 0 : index
      %swap3A_137 = arith.constant 0 : index
      %swap3A_138 = vector.load %arg10[%swap3A_136, %swap3A_137] : memref<64x1xf32, #tpu.memory_space<vmem>>, vector<64x1xf32>
      tpu.vector_store %arg10[%swap3A_136, %swap3A_137], %broadcast_in_dim3A_135 {strides = array<i32>} : memref<64x1xf32, #tpu.memory_space<vmem>>, vector<64x1xf32>,
    } else {
    }
    %get3A = arith.constant 0 : index
    %get3A_2 = arith.constant 0 : index
    %get3A_3 = arith.constant 0 : index
    %get3A_4 = vector.load %arg1[%get3A, %get3A_2, %get3A_3] : memref<2x256x128xf32, #tpu.memory_space<vmem>>, vector<2x256x128xf32>
    %get3A_5 = arith.constant 0 : index
    %get3A_6 = arith.constant 0 : index
    %get3A_7 = arith.constant 0 : index
    %get3A_8 = vector.load %arg2[%get3A_5, %get3A_6, %get3A_7] : memref<2x256x128xf32, #tpu.memory_space<vmem>>, vector<2x256x128xf32>
    %add3A = arith.addf %get3A_4, %get3A_8 : vector<2x256x128xf32>
    %get3A_9 = arith.constant 0 : index
    %get3A_10 = arith.constant 0 : index
    %get3A_11 = vector.load %arg3[%get3A_9, %get3A_10] : memref<256x128xf32, #tpu.memory_space<vmem>>, vector<256x128xf32>
    %broadcast_in_dim3A = vector.shape_cast %get3A_11 : vector<256x128xf32> to vector<1x256x128xf32>
    %mul3A = vector.broadcast %broadcast_in_dim3A : vector<1x256x128xf32> to vector<2x256x128xf32>
    %mul3A_12 = arith.mulf %add3A, %mul3A : vector<2x256x128xf32>
    %get3A_13 = arith.constant 0 : index
    %get3A_14 = arith.constant 0 : index
    %get3A_15 = arith.constant 0 : index
    %get3A_16 = vector.load %arg4[%get3A_13, %get3A_14, %get3A_15] : memref<2x1x128xf32, #tpu.memory_space<vmem>>, vector<2x1x128xf32>
    %add3A_17 = vector.broadcast %get3A_16 : vector<2x1x128xf32> to vector<2x256x128xf32>
    %add3A_18 = arith.addf %mul3A_12, %add3A_17 : vector<2x256x128xf32>
    %max3A = arith.constant 0.000000e+00 : f32
    %max3A_19 = vector.broadcast %max3A : f32 to vector<2x256x128xf32>
    %max3A_20 = arith.maximumf %add3A_18, %max3A_19 : vector<2x256x128xf32>
    %get3A_21 = arith.constant 0 : index
    %get3A_22 = arith.constant 0 : index
    %get3A_23 = vector.load %arg5[%get3A_21, %get3A_22] : memref<256x4xi32, #tpu.memory_space<vmem>>, vector<256x4xi32>
    %iota3A = tpu.iota {dimensions = array<i32: 1>} : vector<1x64xi32>
    %broadcast_in_dim3A_24 = arith.constant 0.000000e+00 : f32
    %broadcast_in_dim3A_25 = vector.broadcast %broadcast_in_dim3A_24 : f32 to vector<256x64xf32>
    %slice3A = vector.extract_strided_slice %get3A_23 {offsets = [0, 0], sizes = [256, 1], strides = [1, 1]} : vector<256x4xi32> to vector<256x1xi32>
    %eq3A_26 = vector.broadcast %slice3A : vector<256x1xi32> to vector<256x64xi32>
    %eq3A_27 = vector.broadcast %iota3A : vector<1x64xi32> to vector<256x64xi32>
    %eq3A_28 = arith.cmpi eq, %eq3A_26, %eq3A_27 : vector<256x64xi32>
    %convert_element_type3A_29 = arith.extui %eq3A_28 : vector<256x64xi1> to vector<256x64xi32>
    %convert_element_type3A_30 = arith.sitofp %convert_element_type3A_29 : vector<256x64xi32> to vector<256x64xf32>
    %add3A_31 = arith.addf %broadcast_in_dim3A_25, %convert_element_type3A_30 : vector<256x64xf32>
    %slice3A_32 = vector.extract_strided_slice %max3A_20 {offsets = [0, 0, 0], sizes = [1, 256, 128], strides = [1, 1, 1]} : vector<2x256x128xf32> to vector<1x256x128xf32>
    %squeeze3A = vector.shape_cast %slice3A_32 : vector<1x256x128xf32> to vector<256x128xf32>
    %slice3A_33 = vector.extract_strided_slice %squeeze3A {offsets = [0, 0], sizes = [256, 32], strides = [1, 1]} : vector<256x128xf32> to vector<256x32xf32>
    %slice3A_34 = vector.extract_strided_slice %max3A_20 {offsets = [1, 0, 0], sizes = [1, 256, 128], strides = [1, 1, 1]} : vector<2x256x128xf32> to vector<1x256x128xf32>
    %squeeze3A_35 = vector.shape_cast %slice3A_34 : vector<1x256x128xf32> to vector<256x128xf32>
    %slice3A_36 = vector.extract_strided_slice %squeeze3A_35 {offsets = [0, 0], sizes = [256, 32], strides = [1, 1]} : vector<256x128xf32> to vector<256x32xf32>
    %concatenate3A = tpu.concatenate %slice3A_33, %slice3A_36 in 1 : vector<256x32xf32>, vector<256x32xf32> -> vector<256x64xf32>
    %get3A_37 = arith.constant 0 : index
    %get3A_38 = arith.constant 0 : index
    %get3A_39 = vector.load %arg9[%get3A_37, %get3A_38] : memref<64x64xf32, #tpu.memory_space<vmem>>, vector<64x64xf32>
    %dot_general3A = arith.constant dense<0.000000e+00> : vector<64x64xf32>
    %dot_general3A_40 = tpu.matmul %convert_element_type3A_30, %concatenate3A, %dot_general3A {dimension_numbers = #tpu.dot_dimension_numbers<[0], [0], [1], [1], [0, 1, 1, 1], [], []>, transpose_lhs_hint = false} : vector<256x64xf32>, vector<256x64xf32>, vector<64x64xf32> -> vector<64x64xf32>
    %add3A_41 = arith.addf %get3A_39, %dot_general3A_40 : vector<64x64xf32>
    %swap3A = arith.constant 0 : index
    %swap3A_42 = arith.constant 0 : index
    %swap3A_43 = vector.load %arg9[%swap3A, %swap3A_42] : memref<64x64xf32, #tpu.memory_space<vmem>>, vector<64x64xf32>
    tpu.vector_store %arg9[%swap3A, %swap3A_42], %add3A_41 {strides = array<i32>} : memref<64x64xf32, #tpu.memory_space<vmem>>, vector<64x64xf32>,
    %slice3A_44 = vector.extract_strided_slice %get3A_23 {offsets = [0, 1], sizes = [256, 1], strides = [1, 1]} : vector<256x4xi32> to vector<256x1xi32>
    %eq3A_45 = vector.broadcast %slice3A_44 : vector<256x1xi32> to vector<256x64xi32>
    %eq3A_46 = vector.broadcast %iota3A : vector<1x64xi32> to vector<256x64xi32>
    %eq3A_47 = arith.cmpi eq, %eq3A_45, %eq3A_46 : vector<256x64xi32>
    %convert_element_type3A_48 = arith.extui %eq3A_47 : vector<256x64xi1> to vector<256x64xi32>
    %convert_element_type3A_49 = arith.sitofp %convert_element_type3A_48 : vector<256x64xi32> to vector<256x64xf32>
    %add3A_50 = arith.addf %add3A_31, %convert_element_type3A_49 : vector<256x64xf32>
    %slice3A_51 = vector.extract_strided_slice %max3A_20 {offsets = [0, 0, 0], sizes = [1, 256, 128], strides = [1, 1, 1]} : vector<2x256x128xf32> to vector<1x256x128xf32>
    %squeeze3A_52 = vector.shape_cast %slice3A_51 : vector<1x256x128xf32> to vector<256x128xf32>
    %slice3A_53 = vector.extract_strided_slice %squeeze3A_52 {offsets = [0, 32], sizes = [256, 32], strides = [1, 1]} : vector<256x128xf32> to vector<256x32xf32>
    %slice3A_54 = vector.extract_strided_slice %max3A_20 {offsets = [1, 0, 0], sizes = [1, 256, 128], strides = [1, 1, 1]} : vector<2x256x128xf32> to vector<1x256x128xf32>
    %squeeze3A_55 = vector.shape_cast %slice3A_54 : vector<1x256x128xf32> to vector<256x128xf32>
    %slice3A_56 = vector.extract_strided_slice %squeeze3A_55 {offsets = [0, 32], sizes = [256, 32], strides = [1, 1]} : vector<256x128xf32> to vector<256x32xf32>
    %concatenate3A_57 = tpu.concatenate %slice3A_53, %slice3A_56 in 1 : vector<256x32xf32>, vector<256x32xf32> -> vector<256x64xf32>
    %get3A_58 = arith.constant 0 : index
    %get3A_59 = arith.constant 0 : index
    %get3A_60 = vector.load %arg9[%get3A_58, %get3A_59] : memref<64x64xf32, #tpu.memory_space<vmem>>, vector<64x64xf32>
    %dot_general3A_61 = arith.constant dense<0.000000e+00> : vector<64x64xf32>
    %dot_general3A_62 = tpu.matmul %convert_element_type3A_49, %concatenate3A_57, %dot_general3A_61 {dimension_numbers = #tpu.dot_dimension_numbers<[0], [0], [1], [1], [0, 1, 1, 1], [], []>, transpose_lhs_hint = false} : vector<256x64xf32>, vector<256x64xf32>, vector<64x64xf32> -> vector<64x64xf32>
    %add3A_63 = arith.addf %get3A_60, %dot_general3A_62 : vector<64x64xf32>
    %swap3A_64 = arith.constant 0 : index
    %swap3A_65 = arith.constant 0 : index
    %swap3A_66 = vector.load %arg9[%swap3A_64, %swap3A_65] : memref<64x64xf32, #tpu.memory_space<vmem>>, vector<64x64xf32>
    tpu.vector_store %arg9[%swap3A_64, %swap3A_65], %add3A_63 {strides = array<i32>} : memref<64x64xf32, #tpu.memory_space<vmem>>, vector<64x64xf32>,
    %slice3A_67 = vector.extract_strided_slice %get3A_23 {offsets = [0, 2], sizes = [256, 1], strides = [1, 1]} : vector<256x4xi32> to vector<256x1xi32>
    %eq3A_68 = vector.broadcast %slice3A_67 : vector<256x1xi32> to vector<256x64xi32>
    %eq3A_69 = vector.broadcast %iota3A : vector<1x64xi32> to vector<256x64xi32>
    %eq3A_70 = arith.cmpi eq, %eq3A_68, %eq3A_69 : vector<256x64xi32>
    %convert_element_type3A_71 = arith.extui %eq3A_70 : vector<256x64xi1> to vector<256x64xi32>
    %convert_element_type3A_72 = arith.sitofp %convert_element_type3A_71 : vector<256x64xi32> to vector<256x64xf32>
    %add3A_73 = arith.addf %add3A_50, %convert_element_type3A_72 : vector<256x64xf32>
    %slice3A_74 = vector.extract_strided_slice %max3A_20 {offsets = [0, 0, 0], sizes = [1, 256, 128], strides = [1, 1, 1]} : vector<2x256x128xf32> to vector<1x256x128xf32>
    %squeeze3A_75 = vector.shape_cast %slice3A_74 : vector<1x256x128xf32> to vector<256x128xf32>
    %slice3A_76 = vector.extract_strided_slice %squeeze3A_75 {offsets = [0, 64], sizes = [256, 32], strides = [1, 1]} : vector<256x128xf32> to vector<256x32xf32>
    %slice3A_77 = vector.extract_strided_slice %max3A_20 {offsets = [1, 0, 0], sizes = [1, 256, 128], strides = [1, 1, 1]} : vector<2x256x128xf32> to vector<1x256x128xf32>
    %squeeze3A_78 = vector.shape_cast %slice3A_77 : vector<1x256x128xf32> to vector<256x128xf32>
    %slice3A_79 = vector.extract_strided_slice %squeeze3A_78 {offsets = [0, 64], sizes = [256, 32], strides = [1, 1]} : vector<256x128xf32> to vector<256x32xf32>
    %concatenate3A_80 = tpu.concatenate %slice3A_76, %slice3A_79 in 1 : vector<256x32xf32>, vector<256x32xf32> -> vector<256x64xf32>
    %get3A_81 = arith.constant 0 : index
    %get3A_82 = arith.constant 0 : index
    %get3A_83 = vector.load %arg9[%get3A_81, %get3A_82] : memref<64x64xf32, #tpu.memory_space<vmem>>, vector<64x64xf32>
    %dot_general3A_84 = arith.constant dense<0.000000e+00> : vector<64x64xf32>
    %dot_general3A_85 = tpu.matmul %convert_element_type3A_72, %concatenate3A_80, %dot_general3A_84 {dimension_numbers = #tpu.dot_dimension_numbers<[0], [0], [1], [1], [0, 1, 1, 1], [], []>, transpose_lhs_hint = false} : vector<256x64xf32>, vector<256x64xf32>, vector<64x64xf32> -> vector<64x64xf32>
    %add3A_86 = arith.addf %get3A_83, %dot_general3A_85 : vector<64x64xf32>
    %swap3A_87 = arith.constant 0 : index
    %swap3A_88 = arith.constant 0 : index
    %swap3A_89 = vector.load %arg9[%swap3A_87, %swap3A_88] : memref<64x64xf32, #tpu.memory_space<vmem>>, vector<64x64xf32>
    tpu.vector_store %arg9[%swap3A_87, %swap3A_88], %add3A_86 {strides = array<i32>} : memref<64x64xf32, #tpu.memory_space<vmem>>, vector<64x64xf32>,
    %slice3A_90 = vector.extract_strided_slice %get3A_23 {offsets = [0, 3], sizes = [256, 1], strides = [1, 1]} : vector<256x4xi32> to vector<256x1xi32>
    %eq3A_91 = vector.broadcast %slice3A_90 : vector<256x1xi32> to vector<256x64xi32>
    %eq3A_92 = vector.broadcast %iota3A : vector<1x64xi32> to vector<256x64xi32>
    %eq3A_93 = arith.cmpi eq, %eq3A_91, %eq3A_92 : vector<256x64xi32>
    %convert_element_type3A_94 = arith.extui %eq3A_93 : vector<256x64xi1> to vector<256x64xi32>
    %convert_element_type3A_95 = arith.sitofp %convert_element_type3A_94 : vector<256x64xi32> to vector<256x64xf32>
    %add3A_96 = arith.addf %add3A_73, %convert_element_type3A_95 : vector<256x64xf32>
    %slice3A_97 = vector.extract_strided_slice %max3A_20 {offsets = [0, 0, 0], sizes = [1, 256, 128], strides = [1, 1, 1]} : vector<2x256x128xf32> to vector<1x256x128xf32>
    %squeeze3A_98 = vector.shape_cast %slice3A_97 : vector<1x256x128xf32> to vector<256x128xf32>
    %slice3A_99 = vector.extract_strided_slice %squeeze3A_98 {offsets = [0, 96], sizes = [256, 32], strides = [1, 1]} : vector<256x128xf32> to vector<256x32xf32>
    %slice3A_100 = vector.extract_strided_slice %max3A_20 {offsets = [1, 0, 0], sizes = [1, 256, 128], strides = [1, 1, 1]} : vector<2x256x128xf32> to vector<1x256x128xf32>
    %squeeze3A_101 = vector.shape_cast %slice3A_100 : vector<1x256x128xf32> to vector<256x128xf32>
    %slice3A_102 = vector.extract_strided_slice %squeeze3A_101 {offsets = [0, 96], sizes = [256, 32], strides = [1, 1]} : vector<256x128xf32> to vector<256x32xf32>
    %concatenate3A_103 = tpu.concatenate %slice3A_99, %slice3A_102 in 1 : vector<256x32xf32>, vector<256x32xf32> -> vector<256x64xf32>
    %get3A_104 = arith.constant 0 : index
    %get3A_105 = arith.constant 0 : index
    %get3A_106 = vector.load %arg9[%get3A_104, %get3A_105] : memref<64x64xf32, #tpu.memory_space<vmem>>, vector<64x64xf32>
    %dot_general3A_107 = arith.constant dense<0.000000e+00> : vector<64x64xf32>
    %dot_general3A_108 = tpu.matmul %convert_element_type3A_95, %concatenate3A_103, %dot_general3A_107 {dimension_numbers = #tpu.dot_dimension_numbers<[0], [0], [1], [1], [0, 1, 1, 1], [], []>, transpose_lhs_hint = false} : vector<256x64xf32>, vector<256x64xf32>, vector<64x64xf32> -> vector<64x64xf32>
    %add3A_109 = arith.addf %get3A_106, %dot_general3A_108 : vector<64x64xf32>
    %swap3A_110 = arith.constant 0 : index
    %swap3A_111 = arith.constant 0 : index
    %swap3A_112 = vector.load %arg9[%swap3A_110, %swap3A_111] : memref<64x64xf32, #tpu.memory_space<vmem>>, vector<64x64xf32>
    tpu.vector_store %arg9[%swap3A_110, %swap3A_111], %add3A_109 {strides = array<i32>} : memref<64x64xf32, #tpu.memory_space<vmem>>, vector<64x64xf32>,
    %get3A_113 = arith.constant 0 : index
    %get3A_114 = arith.constant 0 : index
    %get3A_115 = vector.load %arg10[%get3A_113, %get3A_114] : memref<64x1xf32, #tpu.memory_space<vmem>>, vector<64x1xf32>
    %broadcast_in_dim3A_116 = arith.constant 1.000000e+00 : f32
    %broadcast_in_dim3A_117 = vector.broadcast %broadcast_in_dim3A_116 : f32 to vector<256x1xf32>
    %dot_general3A_118 = arith.constant dense<0.000000e+00> : vector<64x1xf32>
    %dot_general3A_119 = tpu.matmul %add3A_96, %broadcast_in_dim3A_117, %dot_general3A_118 {dimension_numbers = #tpu.dot_dimension_numbers<[0], [0], [1], [1], [0, 1, 1, 1], [], []>, transpose_lhs_hint = false} : vector<256x64xf32>, vector<256x1xf32>, vector<64x1xf32> -> vector<64x1xf32>
    %add3A_120 = arith.addf %get3A_115, %dot_general3A_119 : vector<64x1xf32>
    %swap3A_121 = arith.constant 0 : index
    %swap3A_122 = arith.constant 0 : index
    %swap3A_123 = vector.load %arg10[%swap3A_121, %swap3A_122] : memref<64x1xf32, #tpu.memory_space<vmem>>, vector<64x1xf32>
    tpu.vector_store %arg10[%swap3A_121, %swap3A_122], %add3A_120 {strides = array<i32>} : memref<64x1xf32, #tpu.memory_space<vmem>>, vector<64x1xf32>,
    %eq3A_124 = arith.constant 9 : i32
    %eq3A_125 = arith.cmpi eq, %arg0, %eq3A_124 : i32
    %convert_element_type3A_126 = arith.extui %eq3A_125 : i1 to i32
    %cond3A_127 = arith.constant 0 : i32
    %cond3A_128 = arith.cmpi ne, %convert_element_type3A_126, %cond3A_127 : i32
    scf.if %cond3A_128 {
      %get3A_129 = arith.constant 0 : index
      %get3A_130 = arith.constant 0 : index
      %get3A_131 = vector.load %arg9[%get3A_129, %get3A_130] : memref<64x64xf32, #tpu.memory_space<vmem>>, vector<64x64xf32>
      %get3A_132 = arith.constant 0 : index
      %get3A_133 = arith.constant 0 : index
      %get3A_134 = vector.load %arg10[%get3A_132, %get3A_133] : memref<64x1xf32, #tpu.memory_space<vmem>>, vector<64x1xf32>
      %max3A_135 = arith.constant 1.000000e+00 : f32
      %max3A_136 = vector.broadcast %max3A_135 : f32 to vector<64x1xf32>
      %max3A_137 = arith.maximumf %get3A_134, %max3A_136 : vector<64x1xf32>
      %div3A = vector.broadcast %max3A_137 : vector<64x1xf32> to vector<64x64xf32>
      %div3A_138 = arith.divf %get3A_131, %div3A : vector<64x64xf32>
      %get3A_139 = arith.constant 0 : index
      %get3A_140 = arith.constant 0 : index
      %get3A_141 = vector.load %arg6[%get3A_139, %get3A_140] : memref<64x3xf32, #tpu.memory_space<vmem>>, vector<64x3xf32>
      %dot_general3A_142 = arith.constant dense<0.000000e+00> : vector<64x3xf32>
      %dot_general3A_143 = tpu.matmul %div3A_138, %get3A_141, %dot_general3A_142 {dimension_numbers = #tpu.dot_dimension_numbers<[1], [0], [0], [1], [0, 0, 1, 1], [], []>, transpose_lhs_hint = false} : vector<64x64xf32>, vector<64x3xf32>, vector<64x3xf32> -> vector<64x3xf32>
      %get3A_144 = arith.constant 0 : index
      %get3A_145 = arith.constant 0 : index
      %get3A_146 = vector.load %arg7[%get3A_144, %get3A_145] : memref<1x3xf32, #tpu.memory_space<vmem>>, vector<1x3xf32>
      %add3A_147 = vector.broadcast %get3A_146 : vector<1x3xf32> to vector<64x3xf32>
      %add3A_148 = arith.addf %dot_general3A_143, %add3A_147 : vector<64x3xf32>
      %swap3A_149 = arith.constant 0 : index
      %swap3A_150 = arith.constant 0 : index
      %swap3A_151 = vector.load %arg8[%swap3A_149, %swap3A_150] : memref<64x3xf32, #tpu.memory_space<vmem>>, vector<64x3xf32>
      tpu.vector_store %arg8[%swap3A_149, %swap3A_150], %add3A_148 {strides = array<i32>} : memref<64x3xf32, #tpu.memory_space<vmem>>, vector<64x3xf32>,
    } else {
    }
    return
  }
  func.func @transform_0(%arg0: i32) -> (i32, i32, i32) {
    %c0_i32 = arith.constant 0 : i32
    %c0_i32_0 = arith.constant 0 : i32
    %c0_i32_1 = arith.constant 0 : i32
    return %c0_i32, %arg0, %c0_i32_0 : i32, i32, i32
  }
  func.func @transform_1(%arg0: i32) -> (i32, i32, i32) {
    %c0_i32 = arith.constant 0 : i32
    %c0_i32_0 = arith.constant 0 : i32
    %c0_i32_1 = arith.constant 0 : i32
    return %c0_i32, %arg0, %c0_i32_0 : i32, i32, i32
  }
  func.func @transform_2(%arg0: i32) -> (i32, i32) {
    %c0_i32 = arith.constant 0 : i32
    %c0_i32_0 = arith.constant 0 : i32
    return %arg0, %c0_i32 : i32, i32
  }
  func.func @transform_3(%arg0: i32) -> (i32, i32, i32) {
    %c0_i32 = arith.constant 0 : i32
    %c0_i32_0 = arith.constant 0 : i32
    %c0_i32_1 = arith.constant 0 : i32
    %c0_i32_2 = arith.constant 0 : i32
    return %c0_i32, %c0_i32_0, %c0_i32_1 : i32, i32, i32
  }
  func.func @transform_4(%arg0: i32) -> (i32, i32) {
    %c0_i32 = arith.constant 0 : i32
    %c0_i32_0 = arith.constant 0 : i32
    return %arg0, %c0_i32 : i32, i32
  }
  func.func @transform_5(%arg0: i32) -> (i32, i32) {
    %c0_i32 = arith.constant 0 : i32
    %c0_i32_0 = arith.constant 0 : i32
    %c0_i32_1 = arith.constant 0 : i32
    return %c0_i32, %c0_i32_0 : i32, i32
  }
  func.func @transform_6(%arg0: i32) -> (i32, i32) {
    %c0_i32 = arith.constant 0 : i32
    %c0_i32_0 = arith.constant 0 : i32
    %c0_i32_1 = arith.constant 0 : i32
    return %c0_i32, %c0_i32_0 : i32, i32
  }
  func.func @transform_7(%arg0: i32) -> (i32, i32) {
    %c0_i32 = arith.constant 0 : i32
    %c0_i32_0 = arith.constant 0 : i32
    %c0_i32_1 = arith.constant 0 : i32
    return %c0_i32, %c0_i32_0 : i32, i32
  }
}

</mosaic_0001>

<sc_bundles>
// kernel: kernel.10.cloned.1.call-start
scs
__scs_entry_jumppad:
0x0: {  	(pc) =	sbr.rel $0x88, $3  }
0x1: {  	(tag) =	ssettag $0x0;
	lr =	simm.s32 $0x1  }
0x2: {  	[smem:$0x3F98] =	sst lr;
	_ =	strace $0xD0000000  }
0x3: {  	_ = 	snop  }
0x4: {  	_ = 	snop  }
0x5: {  	_ = 	snop  }
0x6: {  	_ = 	snop  }
0x7: {  	_ = 	snop  }
__scs_overlays_trampoline_lowered:
0x8: {  	[smem:$0x3FA7] =	sst s0  }
0x9: {  	[smem:$0x3FA8] =	sst s1  }
0xa: {  	[smem:$0x3FA9] =	sst s2  }
0xb: {  	[smem:$0x3FAA] =	sst s3  }
0xc: {  	[smem:$0x3FAB] =	sst s4  }
0xd: {  	[smem:$0x3FAC] =	sst s5  }
0xe: {  	[smem:$0x3FAD] =	sst s6  }
0xf: {  	[smem:$0x3FAE] =	sst s7  }
0x10: {  	[smem:$0x3FAF] =	sst s8  }
0x11: {  	[smem:$0x3FB0] =	sst s9;
	s0 =	simm.s32 @!p0 $0x0  }
0x12: {  	s1 =	sld [smem:$0x3F96];
	s0 =	simm.s32 @p0 $0x1  }
0x13: {  	[smem:$0x3FB1] =	sst s0;
	s0 =	simm.s32 @!p1 $0x0  }
0x14: {  	s2 =	sld [smem:$0x3F95];
	s0 =	simm.s32 @p1 $0x1  }
0x15: {  	[smem:$0x3FB2] =	sst s0;
	s0 =	simm.s32 @!p2 $0x0  }
0x16: {  	s3 =	sld [smem:$0x3FDB];
	s0 =	simm.s32 @p2 $0x1  }
0x17: {  	s4 =	simm.s32 $0x1BF5;
	[smem:$0x3FB4] =	sst s0  }
0x18: {  	s0 =	sld [smem:$0x3F97];
	_ =	swait.ge [sflag:s4], $0x0  }
0x19: {  	s7 =	sld [smem:$0x3F98]  }
0x1a: {  	s8 =	sadd.s32 $0xFFFFE003, lr  }
0x1b: {  	s9 =	sadd.s32 $0xFFFFFEF7, lr;
	s5 =	simm.s32 $0xFFFFFFFF;
	p2 =	slt.u32 s8, $0xFFFFF086  }
0x1c: {  	p1 =	slt.u32 s9, $0xF7A;
	s5 =	simm.s32 @!p2 $0x0  }
0x1d: {  	s5 =	simm.s32 @p1 $0x1;
	p0 =	seq.s32 s7, s2  }
0x1e: {  	s7 =	smul.u32 @!p0 $0xF7A, s2;
	p2 =	seq.s32 @!p0 s5, $0x0  }
0x1f: {  	s9 =	smul.u32 $0xF7A, s1;
	s8 =	simm.s32 @!p0 $0x1BF5;
	p2 =	por !p2, p0  }
0x20: {  	[sflag:s8] =	ssyncset.s32 @!p0 $0xFFFFF086;
	s6 =	sadd.s32 @!p0 s3, s7;
	s7 =	simm.s32 @!p0 $0x108  }
0x21: {  	s3 =	sadd.s32 s3, s9;
	s6 =	sadd.s32 @!p0 $0x88, s6;
	s7 =	simm.s32 @p2 $0x1082  }
0x22: {  	[simem:s7], [sflag:s8] =	dma.local @!p0 [hbm:s6], $0xF7A  }
0x23: {  	s9 =	sor.u32 $0xD0000000, s2;
	s6 =	simm.s32 $0x108;
	_ =	swait.ge @!p0 [sflag:s8], $0x0  }
0x24: {  	s3 =	sadd.s32 $0x88, s3;
	s6 =	simm.s32 @!p1 $0x1082;
	[sflag:s4] =	ssyncset.s32 $0xFFFFF086  }
0x25: {  	[simem:s6], [sflag:s4] =	dma.local [hbm:s3], $0xF7A  }
0x26: {  	[smem:$0x3F98] =	sst s1;
	(tag) =	ssettag s2;
	_ =	strace s9  }
0x27: {  	s1 =	sld [smem:$0x3FA8]  }
0x28: {  	s2 =	sld [smem:$0x3FA9]  }
0x29: {  	s4 =	sld [smem:$0x3FAB]  }
0x2a: {  	p0 =	seq.s32 s5, $0x0;
	s5 =	sld [smem:$0x3FAC]  }
0x2b: {  	s6 =	sld [smem:$0x3FAD]  }
0x2c: {  	s7 =	sld [smem:$0x3FAE]  }
0x2d: {  	s3 =	simm.s32 $0x108;
	s8 =	sld [smem:$0x3FAF]  }
0x2e: {  	s3 =	simm.s32 @!p0 $0x1082;
	s9 =	sld [smem:$0x3FB0]  }
0x2f: {  	lr =	sadd.s32 s0, s3;
	s0 =	sld [smem:$0x3FA7]  }
0x30: {  	s3 =	sld [smem:$0x3FAA]  }
0x31: {  	[smem:$0x3FB3] =	sst s10  }
0x32: {  	s10 =	sld [smem:$0x3FB1];
	_ =	sdelay $0x3  }
0x33: {  	p0 =	seq.s32 s10, $0x1;
	s10 =	sld [smem:$0x3FB3];
	_ =	sdelay $0x3  }
0x34: {  	[smem:$0x3FB3] =	sst s10  }
0x35: {  	s10 =	sld [smem:$0x3FB2];
	_ =	sdelay $0x3  }
0x36: {  	p1 =	seq.s32 s10, $0x1;
	s10 =	sld [smem:$0x3FB3];
	_ =	sdelay $0x3  }
0x37: {  	[smem:$0x3FB3] =	sst s10  }
0x38: {  	s10 =	sld [smem:$0x3FB4]  }
0x39: {  	_ = 	snop;
	(pc) =	sbr.ind lr, $3  }
0x3a: {  	_ = 	snop  }
0x3b: {  	_ = 	snop  }
0x3c: {  	p2 =	seq.s32 s10, $0x1;
	s10 =	sld [smem:$0x3FB3]  }
0x3d: {  	_ =	shalt  }
0x3e: {  	_ =	shalt  }
0x3f: {  	_ =	shalt  }
0x40: {  	_ =	shalt  }
0x41: {  	_ =	shalt  }
0x42: {  	_ =	shalt  }
0x43: {  	_ =	shalt  }
0x44: {  	_ =	shalt  }
0x45: {  	_ =	shalt  }
0x46: {  	_ =	shalt  }
0x47: {  	_ =	shalt  }
0x48: {  	_ =	shalt  }
0x49: {  	_ =	shalt  }
0x4a: {  	_ =	shalt  }
0x4b: {  	_ =	shalt  }
0x4c: {  	_ =	shalt  }
0x4d: {  	_ =	shalt  }
0x4e: {  	_ =	shalt  }
0x4f: {  	_ =	shalt  }
0x50: {  	_ =	shalt  }
0x51: {  	_ =	shalt  }
0x52: {  	_ =	shalt  }
0x53: {  	_ =	shalt  }
0x54: {  	_ =	shalt  }
0x55: {  	_ =	shalt  }
0x56: {  	_ =	shalt  }
0x57: {  	_ =	shalt  }
0x58: {  	_ =	shalt  }
0x59: {  	_ =	shalt  }
0x5a: {  	_ =	shalt  }
0x5b: {  	_ =	shalt  }
0x5c: {  	_ =	shalt  }
0x5d: {  	_ =	shalt  }
0x5e: {  	_ =	shalt  }
0x5f: {  	_ =	shalt  }
0x60: {  	_ =	shalt  }
0x61: {  	_ =	shalt  }
0x62: {  	_ =	shalt  }
0x63: {  	_ =	shalt  }
0x64: {  	_ =	shalt  }
0x65: {  	_ =	shalt  }
0x66: {  	_ =	shalt  }
0x67: {  	_ =	shalt  }
0x68: {  	_ =	shalt  }
0x69: {  	_ =	shalt  }
0x6a: {  	_ =	shalt  }
0x6b: {  	_ =	shalt  }
0x6c: {  	_ =	shalt  }
0x6d: {  	_ =	shalt  }
0x6e: {  	_ =	shalt  }
0x6f: {  	_ =	shalt  }
0x70: {  	_ =	shalt  }
0x71: {  	_ =	shalt  }
0x72: {  	_ =	shalt  }
0x73: {  	_ =	shalt  }
0x74: {  	_ =	shalt  }
0x75: {  	_ =	shalt  }
0x76: {  	_ =	shalt  }
0x77: {  	_ =	shalt  }
0x78: {  	_ =	shalt  }
0x79: {  	_ =	shalt  }
0x7a: {  	_ =	shalt  }
0x7b: {  	_ =	shalt  }
0x7c: {  	_ =	shalt  }
0x7d: {  	_ =	shalt  }
0x7e: {  	_ =	shalt  }
0x7f: {  	_ =	shalt  }
0x80: {  	_ =	shalt  }
0x81: {  	_ =	shalt  }
0x82: {  	_ =	shalt  }
0x83: {  	_ =	shalt  }
0x84: {  	_ =	shalt  }
0x85: {  	_ =	shalt  }
0x86: {  	_ =	shalt  }
0x87: {  	_ =	shalt  }
.Lfunc_end0:
.L_simem_size_0:
called_computation_lowered:
.L_overlay_start_0:
0x88: {  	s2 =	sld [smem:$0x3FD9]  }
0x89: {  	s3 =	sld [smem:$0x3FFE];
	_ =	sdelay $0x1  }
0x8a: {  	s1 =	srdreg.scid  }
0x8b: {  	s0 =	sand.u32 $0x1, s1  }
0x8c: {  	s17 =	sshll.u32 s0, $0xA;
	s2 =	sadd.s32 s3, s2  }
0x8d: {  	s2 =	sadd.s32 s2, s17  }
0x8e: {  	[smem:$0x3FBF] =	sst s2  }
0x8f: {  	_ = 	snop  }
0x90: {  	s2 =	sld [smem:$0x3FD0];
	(tm) =	ssettm $0x1  }
0x91: {  	s18 =	sld [smem:$0x3FFB];
	_ =	sdelay $0x3  }
0x92: {  	_ =	strace s18  }
0x93: {  	s3 =	sld [smem:$0x3FFC];
	_ =	sdelay $0x3  }
0x94: {  	_ =	strace s3  }
0x95: {  	s3 =	sld [smem:$0x3FFD];
	_ =	sdelay $0x3  }
0x96: {  	_ =	strace s3  }
0x97: {  	_ =	strace $0x8FFFFFFF  }
0x98: {  	s19 =	sld [smem:$0x3FDB];
	_ =	sdelay $0x1  }
0x99: {  	s4 =	simm.s32 $_scs_section_size  }
0x9a: {  	s5 =	simm.s32 $_size__tile_overlayer_lowered;
	s6 =	simm.s32 $_tile_overlayer_lowered  }
0x9b: {  	s22 =	simm.s32 $0x1BFF;
	s21 =	sshll.u32 s6, $0x1;
	s3 =	sadd.s32 s4, s19  }
0x9c: {  	s7 =	simm.s32 $0x0;
	s20 =	sshll.u32 s5, $0x1;
	s5 =	sadd.s32 s21, s3  }
0x9d: {  	[timem:s7], [sflag:s22] =	dma.local [hbm:s5], s20  }
0x9e: {  	_ =	swait.ge [sflag:s22], s20  }
0x9f: {  	s4 =	ssub.s32 $0x0, s20;
	[sflag:s22] =	ssyncset.done $0x0  }
0xa0: {  	[sflag:s22] =	ssyncadd.s32 s4;
	_ =	sdelay $0x1  }
0xa1: {  	s23 =	simm.s32 $0x1B8B  }
0xa2: {  	_ =	swait.ge [sflag:s23], $0x1  }
0xa3: {  	[sflag:s23] =	ssyncset.done $0x0  }
0xa4: {  	s25 =	simm.s32 $0x1B8E;
	s24 =	sld [smem:$0x3FFE];
	[sflag:s23] =	ssyncadd.s32 $0xFFFFFFFF  }
0xa5: {  	s26 =	simm.s32 $execute0_lowered;
	[smem:$0x3FD2] =	sst s25  }
0xa6: {  	s5 =	sshll.u32 s26, $0x1;
	_ =	strace $0x80000046;
	[dreg:$0x1] =	wrdreg $0xFFFFFFFF  }
0xa7: {  	s28 =	simm.s32 $_size_execute0_lowered;
	s3 =	sadd.s32 s3, s5;
	[dreg:$0x0] =	wrdreg $0x0  }
0xa8: {  	s5 =	sshll.u32 s28, $0x1;
	[dreg:$0x2] =	wrdreg s3  }
0xa9: {  	[dreg:$0x3] =	wrdreg s5  }
0xaa: {  	[dreg:$0x4] =	wrdreg $0xC0  }
0xab: {  	_ =	task [dreg:s7], $0x5FFFF  }
0xac: {  	[dreg:$0x1] =	wrdreg $0xFFFFFFFF  }
0xad: {  	[dreg:$0x0] =	wrdreg $0x60  }
0xae: {  	[dreg:$0x2] =	wrdreg s24  }
0xaf: {  	[dreg:$0x3] =	wrdreg s2  }
0xb0: {  	[dreg:$0x4] =	wrdreg $0x29000  }
0xb1: {  	[dreg:$0x5] =	wrdreg $0x9  }
0xb2: {  	_ =	task.clear_ibuf [dreg:s7], $0x6FFFF;
	_ =	strace $0x90000046  }
0xb3: {  	s29 =	simm.s32 $0x9;
	_ =	strace $0x80000048  }
0xb4: {  	_ =	swait.ge [sflag:s29], $0x1  }
0xb5: {  	[sflag:s29] =	ssyncadd.s32 $0xFFFFFFFF  }
0xb6: {  	_ =	strace $0x90000048  }
0xb7: {  	_ =	sfence  }
0xb8: {  	s30 =	sld [smem:$0x0];
	_ =	sdelay $0x2  }
0xb9: {  	s31 =	sshll.u32 s1, $0xD;
	s1 =	sshrl.u32 s1, $0x2  }
0xba: {  	s3 =	sand.u32 $0x4000, s31;
	s1 =	sadd.s32 s1, s30  }
0xbb: {  	s0 =	sor.u32 s3, s0;
	s1 =	sshll.u32 s1, $0x11  }
0xbc: {  	s0 =	sor.u32 s1, s0  }
0xbd: {  	s0 =	sadd.s32 $0x8F2B, s0  }
0xbe: {  	[sflag:s0] =	ssyncadd.remote.s32 $0x1  }
0xbf: {  	_ =	sfence.sel $0xFFFF  }
0xc0: {  	[dreg:$0x0] =	wrdreg $0xFFFFFFFF;
	(pc) =	sbr.abs _section_cstart, $3  }
0xc1: {  	[dreg:$0x1] =	wrdreg $0xFFFFFFFF  }
0xc2: {  	_ =	task.clear_ibuf [dreg:s7], $0x2FFFF;
	_ =	strace $0x9FFFFFFF  }
0xc3: {  	(tm) =	ssettm $0x7FFFFFFF  }
tec
execute0_lowered:
.L_overlay_start_1:
0x0: {  	(tag) =	ssettag $0x1  }
0x1: {  	s0 =	rddreg [dreg:$0x0]  }
0x2: {  	s2 =	rddreg [dreg:$0x1]  }
0x3: {  	s3 =	rddreg [dreg:$0x2];
	s4 =	simm.s32 $0x0;
	s10 =	stileid.u32  }
0x4: {  	s1 =	srdreg.scid;
	s22 =	simm.s32 $0x2800;
	s5 =	smul.u32 $0x9C4, s10  }
0x5: {  	s23 =	simm.s32 $0x2;
	s26 =	simm.s32 $0x80;
	s8 =	smul.u32 $0xA00, s10  }
0x6: {  	s28 =	simm.s32 $0x1;
	s1 =	sand.u32 $0x1, s1;
	s17 =	smul.u32 $0x280, s10  }
0x7: {  	s29 =	simm.s32 $0x0;
	[smem:$0x7FF] =	sst s4;
	s24 =	smul.u32 $0x4E2, s1  }
0x8: {  	_ =	strace $0x80000047;
	s6 =	ssub.s32 $0x2, s1;
	s1 =	smul.u32 $0x2800, s1  }
0x9: {  	s7 =	sadd.s32 s5, s0;
	s30 =	sshrl.u32 s6, $0x1;
	s0 =	sadd.s32 $0x17800, s0  }
0xa: {  	s5 =	sadd.s32 $0x10, s2;
	s31 =	sshrl.u32 s8, $0x2;
	s14 =	sadd.s32 $0x80, s17  }
0xb: {  	s18 =	sadd.s32 $0x100, s17;
	s19 =	sadd.s32 $0x180, s17;
	s21 =	sadd.s32 $0x200, s17  }
0xc: {  	s9 =	ssub.s32 s6, s30;
	s6 =	sadd.s32 s31, s3;
	s25 =	sadd.s32 $0x3C00, s7  }
0xd: {  	s7 =	sadd.s32 s17, s3;
	s12 =	sadd.s32 s1, s17;
	s15 =	sadd.s32 s1, s14  }
0xe: {  	s14 =	sadd.s32 s14, s3;
	s16 =	sadd.s32 s18, s3;
	s18 =	sadd.s32 s1, s18  }
0xf: {  	s20 =	sadd.s32 s1, s19;
	s1 =	sadd.s32 s1, s21;
	s8 =	smax.u32 s9, $0x1  }
0x10: {  	s9 =	sadd.s32 $0x80, s6;
	s10 =	sadd.s32 $0x100, s6;
	s11 =	sadd.s32 $0x180, s6  }
0x11: {  	s13 =	sshrl.u32 s12, $0x3;
	s12 =	sadd.s32 $0x200, s6;
	s15 =	sshrl.u32 s15, $0x3  }
0x12: {  	s18 =	sshrl.u32 s18, $0x3;
	s20 =	sshrl.u32 s20, $0x3;
	s1 =	sshrl.u32 s1, $0x3  }
0x13: {  	s24 =	sadd.s32 s24, s25;
	s25 =	simm.s32 $0x2880;
	s13 =	sadd.s32 s0, s13  }
0x14: {  	s15 =	sadd.s32 s0, s15;
	s17 =	sadd.s32 s0, s18;
	s18 =	sadd.s32 s19, s3  }
0x15: {  	v0 =	vimm.s32 $0x27FF;
	s19 =	sadd.s32 s0, s20;
	s20 =	sadd.s32 s21, s3;
	s21 =	sadd.s32 s0, s1  }
.LBB2_1:
0x16: {  	[tilespmem:s22], [sflag:$0x2] =	stream.linear.gather [hbm4b:s2+s4], $0x80, $0x38;
	[tilespmem:$0x2B80] =	vst v63  }
0x17: {  	_ =	swait.ge [sflag:s23], $0x80  }
0x18: {  	[sflag:s23] =	ssyncset.done $0x0  }
0x19: {  	[sflag:s23] =	ssyncadd.s32 $0xFFFFFF80  }
0x1a: {  	[tilespmem:s25], [sflag:$0x2] =	stream.linear.gather [hbm4b:s5+s4], $0x80, $0x38;
	[tilespmem:$0x2B80] =	vst v63  }
0x1b: {  	_ =	swait.ge [sflag:s23], $0x80  }
0x1c: {  	[sflag:s23] =	ssyncset.done $0x0  }
0x1d: {  	[sflag:s23] =	ssyncadd.s32 $0xFFFFFF80  }
0x1e: {  	[spmem:s6] =	stream.linear.scatter [tilespmem:s25], [sflag:$0x2], $0x80, $0x38;
	[tilespmem:$0x2B80] =	vst v63  }
0x1f: {  	_ =	swait.ge [sflag:s23], $0x80  }
0x20: {  	[sflag:s23] =	ssyncset.done $0x0  }
0x21: {  	[sflag:s23] =	ssyncadd.s32 $0xFFFFFF80  }
0x22: {  	[spmem:s9] =	stream.linear.scatter [tilespmem:s25], [sflag:$0x2], $0x80, $0x38;
	[tilespmem:$0x2B80] =	vst v63  }
0x23: {  	_ =	swait.ge [sflag:s23], $0x80  }
0x24: {  	[sflag:s23] =	ssyncset.done $0x0  }
0x25: {  	[sflag:s23] =	ssyncadd.s32 $0xFFFFFF80  }
0x26: {  	[spmem:s10] =	stream.linear.scatter [tilespmem:s25], [sflag:$0x2], $0x80, $0x38;
	[tilespmem:$0x2B80] =	vst v63  }
0x27: {  	_ =	swait.ge [sflag:s23], $0x80  }
0x28: {  	[sflag:s23] =	ssyncset.done $0x0  }
0x29: {  	[sflag:s23] =	ssyncadd.s32 $0xFFFFFF80  }
0x2a: {  	[spmem:s11] =	stream.linear.scatter [tilespmem:s25], [sflag:$0x2], $0x80, $0x38;
	[tilespmem:$0x2B80] =	vst v63  }
0x2b: {  	_ =	swait.ge [sflag:s23], $0x80  }
0x2c: {  	[sflag:s23] =	ssyncset.done $0x0  }
0x2d: {  	[sflag:s23] =	ssyncadd.s32 $0xFFFFFF80  }
0x2e: {  	[spmem:s12] =	stream.linear.scatter [tilespmem:s25], [sflag:$0x2], $0x80, $0x38;
	[tilespmem:$0x2B80] =	vst v63  }
0x2f: {  	_ =	swait.ge [sflag:s23], $0x80  }
0x30: {  	[sflag:s23] =	ssyncset.done $0x0  }
0x31: {  	[sflag:s23] =	ssyncadd.s32 $0xFFFFFF80  }
0x32: {  	[tilespmem:s4], [sflag:$0x2] =	stream.linear.gather [hbm4b:s24+s4], $0x2710, $0x38;
	[tilespmem:$0x2B80] =	vst v63  }
0x33: {  	_ =	swait.ge [sflag:s23], $0x2710  }
0x34: {  	[sflag:s23] =	ssyncset.done $0x0  }
0x35: {  	[sflag:s23] =	ssyncadd.s32 $0xFFFFD8F0  }
0x36: {  	[tilespmem:$0x2710] =	vst v0  }
0x37: {  	[tilespmem:$0x2720] =	vst v0  }
0x38: {  	[tilespmem:$0x2730] =	vst v0  }
0x39: {  	[tilespmem:$0x2740] =	vst v0  }
0x3a: {  	[tilespmem:$0x2750] =	vst v0  }
0x3b: {  	[tilespmem:$0x2760] =	vst v0  }
0x3c: {  	[tilespmem:$0x2770] =	vst v0  }
0x3d: {  	[tilespmem:$0x2780] =	vst v0  }
0x3e: {  	[tilespmem:$0x2790] =	vst v0  }
0x3f: {  	[tilespmem:$0x27A0] =	vst v0  }
0x40: {  	[tilespmem:$0x27B0] =	vst v0  }
0x41: {  	[tilespmem:$0x27C0] =	vst v0  }
0x42: {  	[tilespmem:$0x27D0] =	vst v0  }
0x43: {  	[tilespmem:$0x27E0] =	vst v0  }
0x44: {  	[tilespmem:$0x27F0] =	vst v0  }
0x45: {  	s0 =	simm.s32 $0x0;
	[bflag:$0x0] =	sbarrier.arrive $0xFFFF  }
0x46: {  	[spmem:s3] =	stream.indirect.scatter.add.f32 [tilespmem:s22], [sflag:$0x1], $0x1, s0, s26, $0xb8;
	[tilespmem:$0x2B80] =	vst v63  }
0x47: {  	s1 =	simm.s32 $0x80  }
0x48: {  	[spmem:s3] =	stream.indirect.scatter.add.f32 [tilespmem:s22], [sflag:$0x1], $0x1, s1, s26, $0xb8;
	[tilespmem:$0x2B80] =	vst v63  }
0x49: {  	s1 =	simm.s32 $0x100  }
0x4a: {  	[spmem:s3] =	stream.indirect.scatter.add.f32 [tilespmem:s22], [sflag:$0x1], $0x1, s1, s26, $0xb8;
	[tilespmem:$0x2B80] =	vst v63  }
0x4b: {  	s1 =	simm.s32 $0x180  }
0x4c: {  	[spmem:s3] =	stream.indirect.scatter.add.f32 [tilespmem:s22], [sflag:$0x1], $0x1, s1, s26, $0xb8;
	[tilespmem:$0x2B80] =	vst v63  }
0x4d: {  	s1 =	simm.s32 $0x200  }
0x4e: {  	[spmem:s3] =	stream.indirect.scatter.add.f32 [tilespmem:s22], [sflag:$0x1], $0x1, s1, s26, $0xb8;
	[tilespmem:$0x2B80] =	vst v63  }
0x4f: {  	s1 =	simm.s32 $0x280  }
0x50: {  	[spmem:s3] =	stream.indirect.scatter.add.f32 [tilespmem:s22], [sflag:$0x1], $0x1, s1, s26, $0xb8;
	[tilespmem:$0x2B80] =	vst v63  }
0x51: {  	s1 =	simm.s32 $0x300  }
0x52: {  	[spmem:s3] =	stream.indirect.scatter.add.f32 [tilespmem:s22], [sflag:$0x1], $0x1, s1, s26, $0xb8;
	[tilespmem:$0x2B80] =	vst v63  }
0x53: {  	s1 =	simm.s32 $0x380  }
0x54: {  	[spmem:s3] =	stream.indirect.scatter.add.f32 [tilespmem:s22], [sflag:$0x1], $0x1, s1, s26, $0xb8;
	[tilespmem:$0x2B80] =	vst v63  }
0x55: {  	s1 =	simm.s32 $0x400  }
0x56: {  	[spmem:s3] =	stream.indirect.scatter.add.f32 [tilespmem:s22], [sflag:$0x1], $0x1, s1, s26, $0xb8;
	[tilespmem:$0x2B80] =	vst v63  }
0x57: {  	s1 =	simm.s32 $0x480  }
0x58: {  	[spmem:s3] =	stream.indirect.scatter.add.f32 [tilespmem:s22], [sflag:$0x1], $0x1, s1, s26, $0xb8;
	[tilespmem:$0x2B80] =	vst v63  }
0x59: {  	s1 =	simm.s32 $0x500  }
0x5a: {  	[spmem:s3] =	stream.indirect.scatter.add.f32 [tilespmem:s22], [sflag:$0x1], $0x1, s1, s26, $0xb8;
	[tilespmem:$0x2B80] =	vst v63  }
0x5b: {  	s1 =	simm.s32 $0x580  }
0x5c: {  	[spmem:s3] =	stream.indirect.scatter.add.f32 [tilespmem:s22], [sflag:$0x1], $0x1, s1, s26, $0xb8;
	[tilespmem:$0x2B80] =	vst v63  }
0x5d: {  	s1 =	simm.s32 $0x600  }
0x5e: {  	[spmem:s3] =	stream.indirect.scatter.add.f32 [tilespmem:s22], [sflag:$0x1], $0x1, s1, s26, $0xb8;
	[tilespmem:$0x2B80] =	vst v63  }
0x5f: {  	s1 =	simm.s32 $0x680  }
0x60: {  	[spmem:s3] =	stream.indirect.scatter.add.f32 [tilespmem:s22], [sflag:$0x1], $0x1, s1, s26, $0xb8;
	[tilespmem:$0x2B80] =	vst v63  }
0x61: {  	s1 =	simm.s32 $0x700  }
0x62: {  	[spmem:s3] =	stream.indirect.scatter.add.f32 [tilespmem:s22], [sflag:$0x1], $0x1, s1, s26, $0xb8;
	[tilespmem:$0x2B80] =	vst v63  }
0x63: {  	s1 =	simm.s32 $0x780  }
0x64: {  	[spmem:s3] =	stream.indirect.scatter.add.f32 [tilespmem:s22], [sflag:$0x1], $0x1, s1, s26, $0xb8;
	[tilespmem:$0x2B80] =	vst v63  }
0x65: {  	_ =	swait.ge [sflag:s28], $0x80  }
0x66: {  	[sflag:s28] =	ssyncset.done $0x0  }
0x67: {  	[sflag:s28] =	ssyncadd.s32 $0xFFFFFF80  }
0x68: {  	_ =	swait.ge [sflag:s28], $0x80  }
0x69: {  	[sflag:s28] =	ssyncset.done $0x0  }
0x6a: {  	[sflag:s28] =	ssyncadd.s32 $0xFFFFFF80  }
0x6b: {  	_ =	swait.ge [sflag:s28], $0x80  }
0x6c: {  	[sflag:s28] =	ssyncset.done $0x0  }
0x6d: {  	[sflag:s28] =	ssyncadd.s32 $0xFFFFFF80  }
0x6e: {  	_ =	swait.ge [sflag:s28], $0x80  }
0x6f: {  	[sflag:s28] =	ssyncset.done $0x0  }
0x70: {  	[sflag:s28] =	ssyncadd.s32 $0xFFFFFF80  }
0x71: {  	_ =	swait.ge [sflag:s28], $0x80  }
0x72: {  	[sflag:s28] =	ssyncset.done $0x0  }
0x73: {  	[sflag:s28] =	ssyncadd.s32 $0xFFFFFF80  }
0x74: {  	_ =	swait.ge [sflag:s28], $0x80  }
0x75: {  	[sflag:s28] =	ssyncset.done $0x0  }
0x76: {  	[sflag:s28] =	ssyncadd.s32 $0xFFFFFF80  }
0x77: {  	_ =	swait.ge [sflag:s28], $0x80  }
0x78: {  	[sflag:s28] =	ssyncset.done $0x0  }
0x79: {  	[sflag:s28] =	ssyncadd.s32 $0xFFFFFF80  }
0x7a: {  	_ =	swait.ge [sflag:s28], $0x80  }
0x7b: {  	[sflag:s28] =	ssyncset.done $0x0  }
0x7c: {  	[sflag:s28] =	ssyncadd.s32 $0xFFFFFF80  }
0x7d: {  	_ =	swait.ge [sflag:s28], $0x80  }
0x7e: {  	[sflag:s28] =	ssyncset.done $0x0  }
0x7f: {  	[sflag:s28] =	ssyncadd.s32 $0xFFFFFF80  }
0x80: {  	_ =	swait.ge [sflag:s28], $0x80  }
0x81: {  	[sflag:s28] =	ssyncset.done $0x0  }
0x82: {  	[sflag:s28] =	ssyncadd.s32 $0xFFFFFF80  }
0x83: {  	_ =	swait.ge [sflag:s28], $0x80  }
0x84: {  	[sflag:s28] =	ssyncset.done $0x0  }
0x85: {  	[sflag:s28] =	ssyncadd.s32 $0xFFFFFF80  }
0x86: {  	_ =	swait.ge [sflag:s28], $0x80  }
0x87: {  	[sflag:s28] =	ssyncset.done $0x0  }
0x88: {  	[sflag:s28] =	ssyncadd.s32 $0xFFFFFF80  }
0x89: {  	_ =	swait.ge [sflag:s28], $0x80  }
0x8a: {  	[sflag:s28] =	ssyncset.done $0x0  }
0x8b: {  	[sflag:s28] =	ssyncadd.s32 $0xFFFFFF80  }
0x8c: {  	_ =	swait.ge [sflag:s28], $0x80  }
0x8d: {  	[sflag:s28] =	ssyncset.done $0x0  }
0x8e: {  	[sflag:s28] =	ssyncadd.s32 $0xFFFFFF80  }
0x8f: {  	_ =	swait.ge [sflag:s28], $0x80  }
0x90: {  	[sflag:s28] =	ssyncset.done $0x0  }
0x91: {  	[sflag:s28] =	ssyncadd.s32 $0xFFFFFF80  }
0x92: {  	_ =	swait.ge [sflag:s28], $0x80  }
0x93: {  	s30 =	simm.s32 $0x2000;
	s31 =	simm.s32 $0x4000;
	[sflag:s28] =	ssyncset.done $0x0  }
.LBB2_2:
0x94: {  	s0 =	sshra.s32 s30, $0x2  }
0x95: {  	[sflag:s28] =	ssyncadd.s32 $0xFFFFFF80;
	s30 =	smov.u32 s31;
	s1 =	sadd.s32 $0x2000, s31  }
0x96: {  	[spmem:s3] =	stream.indirect.scatter.add.f32 [tilespmem:s22], [sflag:$0x1], $0x1, s0, s26, $0xb8;
	[tilespmem:$0x2B80] =	vst v63  }
0x97: {  	p0 =	sne.s32 s31, $0x8000;
	s31 =	sadd.s32 $0x80, s0  }
0x98: {  	[spmem:s3] =	stream.indirect.scatter.add.f32 [tilespmem:s22], [sflag:$0x1], $0x1, s31, s26, $0xb8;
	[tilespmem:$0x2B80] =	vst v63  }
0x99: {  	s31 =	sadd.s32 $0x100, s0  }
0x9a: {  	[spmem:s3] =	stream.indirect.scatter.add.f32 [tilespmem:s22], [sflag:$0x1], $0x1, s31, s26, $0xb8;
	[tilespmem:$0x2B80] =	vst v63  }
0x9b: {  	s31 =	sadd.s32 $0x180, s0  }
0x9c: {  	[spmem:s3] =	stream.indirect.scatter.add.f32 [tilespmem:s22], [sflag:$0x1], $0x1, s31, s26, $0xb8;
	[tilespmem:$0x2B80] =	vst v63  }
0x9d: {  	s31 =	sadd.s32 $0x200, s0  }
0x9e: {  	[spmem:s3] =	stream.indirect.scatter.add.f32 [tilespmem:s22], [sflag:$0x1], $0x1, s31, s26, $0xb8;
	[tilespmem:$0x2B80] =	vst v63  }
0x9f: {  	s31 =	sadd.s32 $0x280, s0  }
0xa0: {  	[spmem:s3] =	stream.indirect.scatter.add.f32 [tilespmem:s22], [sflag:$0x1], $0x1, s31, s26, $0xb8;
	[tilespmem:$0x2B80] =	vst v63  }
0xa1: {  	s31 =	sadd.s32 $0x300, s0  }
0xa2: {  	[spmem:s3] =	stream.indirect.scatter.add.f32 [tilespmem:s22], [sflag:$0x1], $0x1, s31, s26, $0xb8;
	[tilespmem:$0x2B80] =	vst v63  }
0xa3: {  	s31 =	sadd.s32 $0x380, s0  }
0xa4: {  	[spmem:s3] =	stream.indirect.scatter.add.f32 [tilespmem:s22], [sflag:$0x1], $0x1, s31, s26, $0xb8;
	[tilespmem:$0x2B80] =	vst v63  }
0xa5: {  	s31 =	sadd.s32 $0x400, s0  }
0xa6: {  	[spmem:s3] =	stream.indirect.scatter.add.f32 [tilespmem:s22], [sflag:$0x1], $0x1, s31, s26, $0xb8;
	[tilespmem:$0x2B80] =	vst v63  }
0xa7: {  	s31 =	sadd.s32 $0x480, s0  }
0xa8: {  	[spmem:s3] =	stream.indirect.scatter.add.f32 [tilespmem:s22], [sflag:$0x1], $0x1, s31, s26, $0xb8;
	[tilespmem:$0x2B80] =	vst v63  }
0xa9: {  	s31 =	sadd.s32 $0x500, s0  }
0xaa: {  	[spmem:s3] =	stream.indirect.scatter.add.f32 [tilespmem:s22], [sflag:$0x1], $0x1, s31, s26, $0xb8;
	[tilespmem:$0x2B80] =	vst v63  }
0xab: {  	s31 =	sadd.s32 $0x580, s0  }
0xac: {  	[spmem:s3] =	stream.indirect.scatter.add.f32 [tilespmem:s22], [sflag:$0x1], $0x1, s31, s26, $0xb8;
	[tilespmem:$0x2B80] =	vst v63  }
0xad: {  	s31 =	sadd.s32 $0x600, s0  }
0xae: {  	[spmem:s3] =	stream.indirect.scatter.add.f32 [tilespmem:s22], [sflag:$0x1], $0x1, s31, s26, $0xb8;
	[tilespmem:$0x2B80] =	vst v63  }
0xaf: {  	s31 =	sadd.s32 $0x680, s0  }
0xb0: {  	[spmem:s3] =	stream.indirect.scatter.add.f32 [tilespmem:s22], [sflag:$0x1], $0x1, s31, s26, $0xb8;
	[tilespmem:$0x2B80] =	vst v63  }
0xb1: {  	s31 =	sadd.s32 $0x700, s0  }
0xb2: {  	[spmem:s3] =	stream.indirect.scatter.add.f32 [tilespmem:s22], [sflag:$0x1], $0x1, s31, s26, $0xb8;
	[tilespmem:$0x2B80] =	vst v63  }
0xb3: {  	s0 =	sadd.s32 $0x780, s0  }
0xb4: {  	[spmem:s3] =	stream.indirect.scatter.add.f32 [tilespmem:s22], [sflag:$0x1], $0x1, s0, s26, $0xb8;
	[tilespmem:$0x2B80] =	vst v63  }
0xb5: {  	_ =	swait.ge [sflag:s28], $0x80  }
0xb6: {  	[sflag:s28] =	ssyncset.done $0x0  }
0xb7: {  	[sflag:s28] =	ssyncadd.s32 $0xFFFFFF80  }
0xb8: {  	_ =	swait.ge [sflag:s28], $0x80  }
0xb9: {  	[sflag:s28] =	ssyncset.done $0x0  }
0xba: {  	[sflag:s28] =	ssyncadd.s32 $0xFFFFFF80  }
0xbb: {  	_ =	swait.ge [sflag:s28], $0x80  }
0xbc: {  	[sflag:s28] =	ssyncset.done $0x0  }
0xbd: {  	[sflag:s28] =	ssyncadd.s32 $0xFFFFFF80  }
0xbe: {  	_ =	swait.ge [sflag:s28], $0x80  }
0xbf: {  	[sflag:s28] =	ssyncset.done $0x0  }
0xc0: {  	[sflag:s28] =	ssyncadd.s32 $0xFFFFFF80  }
0xc1: {  	_ =	swait.ge [sflag:s28], $0x80  }
0xc2: {  	[sflag:s28] =	ssyncset.done $0x0  }
0xc3: {  	[sflag:s28] =	ssyncadd.s32 $0xFFFFFF80  }
0xc4: {  	_ =	swait.ge [sflag:s28], $0x80  }
0xc5: {  	[sflag:s28] =	ssyncset.done $0x0  }
0xc6: {  	[sflag:s28] =	ssyncadd.s32 $0xFFFFFF80  }
0xc7: {  	_ =	swait.ge [sflag:s28], $0x80  }
0xc8: {  	[sflag:s28] =	ssyncset.done $0x0  }
0xc9: {  	[sflag:s28] =	ssyncadd.s32 $0xFFFFFF80  }
0xca: {  	_ =	swait.ge [sflag:s28], $0x80  }
0xcb: {  	[sflag:s28] =	ssyncset.done $0x0  }
0xcc: {  	[sflag:s28] =	ssyncadd.s32 $0xFFFFFF80  }
0xcd: {  	_ =	swait.ge [sflag:s28], $0x80  }
0xce: {  	[sflag:s28] =	ssyncset.done $0x0  }
0xcf: {  	[sflag:s28] =	ssyncadd.s32 $0xFFFFFF80  }
0xd0: {  	_ =	swait.ge [sflag:s28], $0x80  }
0xd1: {  	[sflag:s28] =	ssyncset.done $0x0  }
0xd2: {  	[sflag:s28] =	ssyncadd.s32 $0xFFFFFF80  }
0xd3: {  	_ =	swait.ge [sflag:s28], $0x80  }
0xd4: {  	[sflag:s28] =	ssyncset.done $0x0  }
0xd5: {  	[sflag:s28] =	ssyncadd.s32 $0xFFFFFF80  }
0xd6: {  	_ =	swait.ge [sflag:s28], $0x80  }
0xd7: {  	[sflag:s28] =	ssyncset.done $0x0  }
0xd8: {  	[sflag:s28] =	ssyncadd.s32 $0xFFFFFF80  }
0xd9: {  	_ =	swait.ge [sflag:s28], $0x80  }
0xda: {  	[sflag:s28] =	ssyncset.done $0x0  }
0xdb: {  	[sflag:s28] =	ssyncadd.s32 $0xFFFFFF80  }
0xdc: {  	_ =	swait.ge [sflag:s28], $0x80  }
0xdd: {  	[sflag:s28] =	ssyncset.done $0x0  }
0xde: {  	[sflag:s28] =	ssyncadd.s32 $0xFFFFFF80  }
.Ltmp0:
0xdf: {  	_ =	swait.ge [sflag:s28], $0x80;
	(pc) =	sbr.rel @p0 .LBB2_2-.Ltmp0, $4  }
0xe0: {  	[sflag:s28] =	ssyncset.done $0x0  }
0xe1: {  	[sflag:s28] =	ssyncadd.s32 $0xFFFFFF80  }
0xe2: {  	_ =	swait.ge [sflag:s28], $0x80  }
0xe3: {  	s31 =	smov.u32 s1;
	[sflag:s28] =	ssyncset.done $0x0  }
0xe4: {  	s0 =	sshra.s32 s30, $0x2;
	[sflag:s28] =	ssyncadd.s32 $0xFFFFFF80  }
0xe5: {  	[spmem:s3] =	stream.indirect.scatter.add.f32 [tilespmem:s22], [sflag:$0x1], $0x1, s0, s26, $0xb8;
	[tilespmem:$0x2B80] =	vst v63  }
0xe6: {  	s1 =	sadd.s32 $0x80, s0  }
0xe7: {  	[spmem:s3] =	stream.indirect.scatter.add.f32 [tilespmem:s22], [sflag:$0x1], $0x1, s1, s26, $0xb8;
	[tilespmem:$0x2B80] =	vst v63  }
0xe8: {  	s31 =	sadd.s32 $0x100, s0  }
0xe9: {  	[spmem:s3] =	stream.indirect.scatter.add.f32 [tilespmem:s22], [sflag:$0x1], $0x1, s31, s26, $0xb8;
	[tilespmem:$0x2B80] =	vst v63  }
0xea: {  	s30 =	sadd.s32 $0x180, s0  }
0xeb: {  	[spmem:s3] =	stream.indirect.scatter.add.f32 [tilespmem:s22], [sflag:$0x1], $0x1, s30, s26, $0xb8;
	[tilespmem:$0x2B80] =	vst v63  }
0xec: {  	s31 =	sadd.s32 $0x200, s0  }
0xed: {  	[spmem:s3] =	stream.indirect.scatter.add.f32 [tilespmem:s22], [sflag:$0x1], $0x1, s31, s26, $0xb8;
	[tilespmem:$0x2B80] =	vst v63  }
0xee: {  	s30 =	sadd.s32 $0x280, s0  }
0xef: {  	[spmem:s3] =	stream.indirect.scatter.add.f32 [tilespmem:s22], [sflag:$0x1], $0x1, s30, s26, $0xb8;
	[tilespmem:$0x2B80] =	vst v63  }
0xf0: {  	s31 =	sadd.s32 $0x300, s0  }
0xf1: {  	[spmem:s3] =	stream.indirect.scatter.add.f32 [tilespmem:s22], [sflag:$0x1], $0x1, s31, s26, $0xb8;
	[tilespmem:$0x2B80] =	vst v63  }
0xf2: {  	s30 =	sadd.s32 $0x380, s0  }
0xf3: {  	[spmem:s3] =	stream.indirect.scatter.add.f32 [tilespmem:s22], [sflag:$0x1], $0x1, s30, s26, $0xb8;
	[tilespmem:$0x2B80] =	vst v63  }
0xf4: {  	s31 =	sadd.s32 $0x400, s0  }
0xf5: {  	[spmem:s3] =	stream.indirect.scatter.add.f32 [tilespmem:s22], [sflag:$0x1], $0x1, s31, s26, $0xb8;
	[tilespmem:$0x2B80] =	vst v63  }
0xf6: {  	s30 =	sadd.s32 $0x480, s0  }
0xf7: {  	[spmem:s3] =	stream.indirect.scatter.add.f32 [tilespmem:s22], [sflag:$0x1], $0x1, s30, s26, $0xb8;
	[tilespmem:$0x2B80] =	vst v63  }
0xf8: {  	s31 =	sadd.s32 $0x500, s0  }
0xf9: {  	[spmem:s3] =	stream.indirect.scatter.add.f32 [tilespmem:s22], [sflag:$0x1], $0x1, s31, s26, $0xb8;
	[tilespmem:$0x2B80] =	vst v63  }
0xfa: {  	s30 =	sadd.s32 $0x580, s0  }
0xfb: {  	[spmem:s3] =	stream.indirect.scatter.add.f32 [tilespmem:s22], [sflag:$0x1], $0x1, s30, s26, $0xb8;
	[tilespmem:$0x2B80] =	vst v63  }
0xfc: {  	s31 =	sadd.s32 $0x600, s0  }
0xfd: {  	[spmem:s3] =	stream.indirect.scatter.add.f32 [tilespmem:s22], [sflag:$0x1], $0x1, s31, s26, $0xb8;
	[tilespmem:$0x2B80] =	vst v63  }
0xfe: {  	s30 =	sadd.s32 $0x680, s0  }
0xff: {  	[spmem:s3] =	stream.indirect.scatter.add.f32 [tilespmem:s22], [sflag:$0x1], $0x1, s30, s26, $0xb8;
	[tilespmem:$0x2B80] =	vst v63  }
0x100: {  	s31 =	sadd.s32 $0x700, s0  }
0x101: {  	[spmem:s3] =	stream.indirect.scatter.add.f32 [tilespmem:s22], [sflag:$0x1], $0x1, s31, s26, $0xb8;
	[tilespmem:$0x2B80] =	vst v63  }
0x102: {  	s0 =	sadd.s32 $0x780, s0  }
0x103: {  	[spmem:s3] =	stream.indirect.scatter.add.f32 [tilespmem:s22], [sflag:$0x1], $0x1, s0, s26, $0xb8;
	[tilespmem:$0x2B80] =	vst v63  }
0x104: {  	_ =	swait.ge [sflag:s28], $0x80  }
0x105: {  	[sflag:s28] =	ssyncset.done $0x0  }
0x106: {  	[sflag:s28] =	ssyncadd.s32 $0xFFFFFF80  }
0x107: {  	_ =	swait.ge [sflag:s28], $0x80  }
0x108: {  	[sflag:s28] =	ssyncset.done $0x0  }
0x109: {  	[sflag:s28] =	ssyncadd.s32 $0xFFFFFF80  }
0x10a: {  	_ =	swait.ge [sflag:s28], $0x80  }
0x10b: {  	[sflag:s28] =	ssyncset.done $0x0  }
0x10c: {  	[sflag:s28] =	ssyncadd.s32 $0xFFFFFF80  }
0x10d: {  	_ =	swait.ge [sflag:s28], $0x80  }
0x10e: {  	[sflag:s28] =	ssyncset.done $0x0  }
0x10f: {  	[sflag:s28] =	ssyncadd.s32 $0xFFFFFF80  }
0x110: {  	_ =	swait.ge [sflag:s28], $0x80  }
0x111: {  	[sflag:s28] =	ssyncset.done $0x0  }
0x112: {  	[sflag:s28] =	ssyncadd.s32 $0xFFFFFF80  }
0x113: {  	_ =	swait.ge [sflag:s28], $0x80  }
0x114: {  	[sflag:s28] =	ssyncset.done $0x0  }
0x115: {  	[sflag:s28] =	ssyncadd.s32 $0xFFFFFF80  }
0x116: {  	_ =	swait.ge [sflag:s28], $0x80  }
0x117: {  	[sflag:s28] =	ssyncset.done $0x0  }
0x118: {  	[sflag:s28] =	ssyncadd.s32 $0xFFFFFF80  }
0x119: {  	_ =	swait.ge [sflag:s28], $0x80  }
0x11a: {  	[sflag:s28] =	ssyncset.done $0x0  }
0x11b: {  	[sflag:s28] =	ssyncadd.s32 $0xFFFFFF80  }
0x11c: {  	_ =	swait.ge [sflag:s28], $0x80  }
0x11d: {  	[sflag:s28] =	ssyncset.done $0x0  }
0x11e: {  	[sflag:s28] =	ssyncadd.s32 $0xFFFFFF80  }
0x11f: {  	_ =	swait.ge [sflag:s28], $0x80  }
0x120: {  	[sflag:s28] =	ssyncset.done $0x0  }
0x121: {  	[sflag:s28] =	ssyncadd.s32 $0xFFFFFF80  }
0x122: {  	_ =	swait.ge [sflag:s28], $0x80  }
0x123: {  	[sflag:s28] =	ssyncset.done $0x0  }
0x124: {  	[sflag:s28] =	ssyncadd.s32 $0xFFFFFF80  }
0x125: {  	_ =	swait.ge [sflag:s28], $0x80  }
0x126: {  	[sflag:s28] =	ssyncset.done $0x0  }
0x127: {  	[sflag:s28] =	ssyncadd.s32 $0xFFFFFF80  }
0x128: {  	_ =	swait.ge [sflag:s28], $0x80  }
0x129: {  	[sflag:s28] =	ssyncset.done $0x0  }
0x12a: {  	[sflag:s28] =	ssyncadd.s32 $0xFFFFFF80  }
0x12b: {  	_ =	swait.ge [sflag:s28], $0x80  }
0x12c: {  	[sflag:s28] =	ssyncset.done $0x0  }
0x12d: {  	[sflag:s28] =	ssyncadd.s32 $0xFFFFFF80  }
0x12e: {  	_ =	swait.ge [sflag:s28], $0x80  }
0x12f: {  	[sflag:s28] =	ssyncset.done $0x0  }
0x130: {  	[sflag:s28] =	ssyncadd.s32 $0xFFFFFF80  }
0x131: {  	_ =	swait.ge [sflag:s28], $0x80  }
0x132: {  	[sflag:s28] =	ssyncset.done $0x0  }
0x133: {  	[sflag:s28] =	ssyncadd.s32 $0xFFFFFF80  }
0x134: {  	[bflag:$0x0] =	sbarrier.arrive $0xFFFF  }
0x135: {  	[tilespmem:s25], [sflag:$0x2] =	stream.linear.gather [spmem:s7], $0x80, $0x38;
	[tilespmem:$0x2B80] =	vst v63  }
0x136: {  	_ =	swait.ge [sflag:s23], $0x80  }
0x137: {  	[sflag:s23] =	ssyncset.done $0x0  }
0x138: {  	[sflag:s23] =	ssyncadd.s32 $0xFFFFFF80  }
0x139: {  	[hbm4b:s13+s4] =	stream.linear.scatter [tilespmem:s25], [sflag:$0x2], $0x80, $0x38;
	[tilespmem:$0x2B80] =	vst v63  }
0x13a: {  	_ =	swait.ge [sflag:s23], $0x80  }
0x13b: {  	[sflag:s23] =	ssyncset.done $0x0  }
0x13c: {  	[sflag:s23] =	ssyncadd.s32 $0xFFFFFF80  }
0x13d: {  	[tilespmem:s25], [sflag:$0x2] =	stream.linear.gather [spmem:s14], $0x80, $0x38;
	[tilespmem:$0x2B80] =	vst v63  }
0x13e: {  	_ =	swait.ge [sflag:s23], $0x80  }
0x13f: {  	[sflag:s23] =	ssyncset.done $0x0  }
0x140: {  	[sflag:s23] =	ssyncadd.s32 $0xFFFFFF80  }
0x141: {  	[hbm4b:s15+s4] =	stream.linear.scatter [tilespmem:s25], [sflag:$0x2], $0x80, $0x38;
	[tilespmem:$0x2B80] =	vst v63  }
0x142: {  	_ =	swait.ge [sflag:s23], $0x80  }
0x143: {  	[sflag:s23] =	ssyncset.done $0x0  }
0x144: {  	[sflag:s23] =	ssyncadd.s32 $0xFFFFFF80  }
0x145: {  	[tilespmem:s25], [sflag:$0x2] =	stream.linear.gather [spmem:s16], $0x80, $0x38;
	[tilespmem:$0x2B80] =	vst v63  }
0x146: {  	_ =	swait.ge [sflag:s23], $0x80  }
0x147: {  	[sflag:s23] =	ssyncset.done $0x0  }
0x148: {  	[sflag:s23] =	ssyncadd.s32 $0xFFFFFF80  }
0x149: {  	[hbm4b:s17+s4] =	stream.linear.scatter [tilespmem:s25], [sflag:$0x2], $0x80, $0x38;
	[tilespmem:$0x2B80] =	vst v63  }
0x14a: {  	_ =	swait.ge [sflag:s23], $0x80  }
0x14b: {  	[sflag:s23] =	ssyncset.done $0x0  }
0x14c: {  	[sflag:s23] =	ssyncadd.s32 $0xFFFFFF80  }
0x14d: {  	[tilespmem:s25], [sflag:$0x2] =	stream.linear.gather [spmem:s18], $0x80, $0x38;
	[tilespmem:$0x2B80] =	vst v63  }
0x14e: {  	_ =	swait.ge [sflag:s23], $0x80  }
0x14f: {  	[sflag:s23] =	ssyncset.done $0x0  }
0x150: {  	[sflag:s23] =	ssyncadd.s32 $0xFFFFFF80  }
0x151: {  	[hbm4b:s19+s4] =	stream.linear.scatter [tilespmem:s25], [sflag:$0x2], $0x80, $0x38;
	[tilespmem:$0x2B80] =	vst v63  }
0x152: {  	_ =	swait.ge [sflag:s23], $0x80  }
0x153: {  	[sflag:s23] =	ssyncset.done $0x0  }
0x154: {  	[sflag:s23] =	ssyncadd.s32 $0xFFFFFF80  }
0x155: {  	[tilespmem:s25], [sflag:$0x2] =	stream.linear.gather [spmem:s20], $0x80, $0x38;
	[tilespmem:$0x2B80] =	vst v63  }
0x156: {  	s29 =	sadd.s32 $0x1, s29;
	_ =	swait.ge [sflag:s23], $0x80  }
0x157: {  	p0 =	sne.s32 s29, s8;
	[sflag:s23] =	ssyncset.done $0x0  }
.Ltmp1:
0x158: {  	[sflag:s23] =	ssyncadd.s32 $0xFFFFFF80;
	(pc) =	sbr.rel @p0 .LBB2_1-.Ltmp1, $4  }
0x159: {  	[hbm4b:s21+s4] =	stream.linear.scatter [tilespmem:s25], [sflag:$0x2], $0x80, $0x38;
	[tilespmem:$0x2B80] =	vst v63  }
0x15a: {  	_ =	swait.ge [sflag:s23], $0x80  }
0x15b: {  	[sflag:s23] =	ssyncset.done $0x0  }
0x15c: {  	[sflag:s23] =	ssyncadd.s32 $0xFFFFFF80  }
0x15d: {  	_ =	sfence.sel $0x180000  }
0x15e: {  	[bflag:$0x0] =	sbarrier.arrive $0xFFFF  }
0x15f: {  	_ =	strace $0x90000047  }
0x160: {  	s0 =	stileid.u32;
	[bflag:$0x2] =	sbarrier.arrive $0xFFFF  }
0x161: {  	p0 =	sne.s32 s0, $0x0;
	s0 =	rddreg [dreg:$0x3]  }
0x162: {  	s0 =	sadd.s32 @!p0 $0x100000, s0  }
0x163: {  	[sflag:s0] =	ssyncadd.tile.s32 @!p0 $0x1;
	_ =	shalt  }
.Lfunc_end2:
_tile_overlayer_lowered:
.L_overlay_start_2:
0x164: {  	(tag) =	ssettag $0x2  }
0x165: {  	s0 =	rddreg [dreg:$0x0];
	s2 =	stileid.u32  }
0x166: {  	s1 =	rddreg [dreg:$0x1];
	p0 =	sne.s32 s2, $0x0  }
0x167: {  	s3 =	rddreg [dreg:$0x2];
	[bflag:$0x3] =	sbarrier.arrive $0xFFFF;
	s2 =	simm.s32 @!p0 $0x1C02  }
0x168: {  	[timem:s3], [sflag:s2] =	dma.local @!p0 [hbm:s0], s1  }
0x169: {  	s0 =	simm.s32 @!p0 $0x2  }
0x16a: {  	_ =	swait.ge @!p0 [sflag:s0], s1  }
0x16b: {  	s1 =	ssub.s32 @!p0 $0x0, s1;
	[sflag:s0] =	ssyncset.done @!p0 $0x0  }
0x16c: {  	[sflag:s0] =	ssyncadd.s32 @!p0 s1  }
0x16d: {  	[bflag:$0x3] =	sbarrier.arrive $0xFFFF  }
0x16e: {  	_ =	shalt  }

// kernel: kernel.13.cloned.1.call-start
scs
__scs_entry_jumppad:
0x0: {  	(pc) =	sbr.rel $0x88, $3  }
0x1: {  	(tag) =	ssettag $0x0;
	lr =	simm.s32 $0x1  }
0x2: {  	[smem:$0x3F98] =	sst lr;
	_ =	strace $0xD0000000  }
0x3: {  	_ = 	snop  }
0x4: {  	_ = 	snop  }
0x5: {  	_ = 	snop  }
0x6: {  	_ = 	snop  }
0x7: {  	_ = 	snop  }
__scs_overlays_trampoline_lowered:
0x8: {  	[smem:$0x3FA7] =	sst s0  }
0x9: {  	[smem:$0x3FA8] =	sst s1  }
0xa: {  	[smem:$0x3FA9] =	sst s2  }
0xb: {  	[smem:$0x3FAA] =	sst s3  }
0xc: {  	[smem:$0x3FAB] =	sst s4  }
0xd: {  	[smem:$0x3FAC] =	sst s5  }
0xe: {  	[smem:$0x3FAD] =	sst s6  }
0xf: {  	[smem:$0x3FAE] =	sst s7  }
0x10: {  	[smem:$0x3FAF] =	sst s8  }
0x11: {  	[smem:$0x3FB0] =	sst s9;
	s0 =	simm.s32 @!p0 $0x0  }
0x12: {  	s1 =	sld [smem:$0x3F96];
	s0 =	simm.s32 @p0 $0x1  }
0x13: {  	[smem:$0x3FB1] =	sst s0;
	s0 =	simm.s32 @!p1 $0x0  }
0x14: {  	s2 =	sld [smem:$0x3F95];
	s0 =	simm.s32 @p1 $0x1  }
0x15: {  	[smem:$0x3FB2] =	sst s0;
	s0 =	simm.s32 @!p2 $0x0  }
0x16: {  	s3 =	sld [smem:$0x3FDB];
	s0 =	simm.s32 @p2 $0x1  }
0x17: {  	s4 =	simm.s32 $0x1BF5;
	[smem:$0x3FB4] =	sst s0  }
0x18: {  	s0 =	sld [smem:$0x3F97];
	_ =	swait.ge [sflag:s4], $0x0  }
0x19: {  	s7 =	sld [smem:$0x3F98]  }
0x1a: {  	s8 =	sadd.s32 $0xFFFFE003, lr  }
0x1b: {  	s9 =	sadd.s32 $0xFFFFFEF7, lr;
	s5 =	simm.s32 $0xFFFFFFFF;
	p2 =	slt.u32 s8, $0xFFFFF086  }
0x1c: {  	p1 =	slt.u32 s9, $0xF7A;
	s5 =	simm.s32 @!p2 $0x0  }
0x1d: {  	s5 =	simm.s32 @p1 $0x1;
	p0 =	seq.s32 s7, s2  }
0x1e: {  	s7 =	smul.u32 @!p0 $0xF7A, s2;
	p2 =	seq.s32 @!p0 s5, $0x0  }
0x1f: {  	s9 =	smul.u32 $0xF7A, s1;
	s8 =	simm.s32 @!p0 $0x1BF5;
	p2 =	por !p2, p0  }
0x20: {  	[sflag:s8] =	ssyncset.s32 @!p0 $0xFFFFF086;
	s6 =	sadd.s32 @!p0 s3, s7;
	s7 =	simm.s32 @!p0 $0x108  }
0x21: {  	s3 =	sadd.s32 s3, s9;
	s6 =	sadd.s32 @!p0 $0x88, s6;
	s7 =	simm.s32 @p2 $0x1082  }
0x22: {  	[simem:s7], [sflag:s8] =	dma.local @!p0 [hbm:s6], $0xF7A  }
0x23: {  	s9 =	sor.u32 $0xD0000000, s2;
	s6 =	simm.s32 $0x108;
	_ =	swait.ge @!p0 [sflag:s8], $0x0  }
0x24: {  	s3 =	sadd.s32 $0x88, s3;
	s6 =	simm.s32 @!p1 $0x1082;
	[sflag:s4] =	ssyncset.s32 $0xFFFFF086  }
0x25: {  	[simem:s6], [sflag:s4] =	dma.local [hbm:s3], $0xF7A  }
0x26: {  	[smem:$0x3F98] =	sst s1;
	(tag) =	ssettag s2;
	_ =	strace s9  }
0x27: {  	s1 =	sld [smem:$0x3FA8]  }
0x28: {  	s2 =	sld [smem:$0x3FA9]  }
0x29: {  	s4 =	sld [smem:$0x3FAB]  }
0x2a: {  	p0 =	seq.s32 s5, $0x0;
	s5 =	sld [smem:$0x3FAC]  }
0x2b: {  	s6 =	sld [smem:$0x3FAD]  }
0x2c: {  	s7 =	sld [smem:$0x3FAE]  }
0x2d: {  	s3 =	simm.s32 $0x108;
	s8 =	sld [smem:$0x3FAF]  }
0x2e: {  	s3 =	simm.s32 @!p0 $0x1082;
	s9 =	sld [smem:$0x3FB0]  }
0x2f: {  	lr =	sadd.s32 s0, s3;
	s0 =	sld [smem:$0x3FA7]  }
0x30: {  	s3 =	sld [smem:$0x3FAA]  }
0x31: {  	[smem:$0x3FB3] =	sst s10  }
0x32: {  	s10 =	sld [smem:$0x3FB1];
	_ =	sdelay $0x3  }
0x33: {  	p0 =	seq.s32 s10, $0x1;
	s10 =	sld [smem:$0x3FB3];
	_ =	sdelay $0x3  }
0x34: {  	[smem:$0x3FB3] =	sst s10  }
0x35: {  	s10 =	sld [smem:$0x3FB2];
	_ =	sdelay $0x3  }
0x36: {  	p1 =	seq.s32 s10, $0x1;
	s10 =	sld [smem:$0x3FB3];
	_ =	sdelay $0x3  }
0x37: {  	[smem:$0x3FB3] =	sst s10  }
0x38: {  	s10 =	sld [smem:$0x3FB4]  }
0x39: {  	_ = 	snop;
	(pc) =	sbr.ind lr, $3  }
0x3a: {  	_ = 	snop  }
0x3b: {  	_ = 	snop  }
0x3c: {  	p2 =	seq.s32 s10, $0x1;
	s10 =	sld [smem:$0x3FB3]  }
0x3d: {  	_ =	shalt  }
0x3e: {  	_ =	shalt  }
0x3f: {  	_ =	shalt  }
0x40: {  	_ =	shalt  }
0x41: {  	_ =	shalt  }
0x42: {  	_ =	shalt  }
0x43: {  	_ =	shalt  }
0x44: {  	_ =	shalt  }
0x45: {  	_ =	shalt  }
0x46: {  	_ =	shalt  }
0x47: {  	_ =	shalt  }
0x48: {  	_ =	shalt  }
0x49: {  	_ =	shalt  }
0x4a: {  	_ =	shalt  }
0x4b: {  	_ =	shalt  }
0x4c: {  	_ =	shalt  }
0x4d: {  	_ =	shalt  }
0x4e: {  	_ =	shalt  }
0x4f: {  	_ =	shalt  }
0x50: {  	_ =	shalt  }
0x51: {  	_ =	shalt  }
0x52: {  	_ =	shalt  }
0x53: {  	_ =	shalt  }
0x54: {  	_ =	shalt  }
0x55: {  	_ =	shalt  }
0x56: {  	_ =	shalt  }
0x57: {  	_ =	shalt  }
0x58: {  	_ =	shalt  }
0x59: {  	_ =	shalt  }
0x5a: {  	_ =	shalt  }
0x5b: {  	_ =	shalt  }
0x5c: {  	_ =	shalt  }
0x5d: {  	_ =	shalt  }
0x5e: {  	_ =	shalt  }
0x5f: {  	_ =	shalt  }
0x60: {  	_ =	shalt  }
0x61: {  	_ =	shalt  }
0x62: {  	_ =	shalt  }
0x63: {  	_ =	shalt  }
0x64: {  	_ =	shalt  }
0x65: {  	_ =	shalt  }
0x66: {  	_ =	shalt  }
0x67: {  	_ =	shalt  }
0x68: {  	_ =	shalt  }
0x69: {  	_ =	shalt  }
0x6a: {  	_ =	shalt  }
0x6b: {  	_ =	shalt  }
0x6c: {  	_ =	shalt  }
0x6d: {  	_ =	shalt  }
0x6e: {  	_ =	shalt  }
0x6f: {  	_ =	shalt  }
0x70: {  	_ =	shalt  }
0x71: {  	_ =	shalt  }
0x72: {  	_ =	shalt  }
0x73: {  	_ =	shalt  }
0x74: {  	_ =	shalt  }
0x75: {  	_ =	shalt  }
0x76: {  	_ =	shalt  }
0x77: {  	_ =	shalt  }
0x78: {  	_ =	shalt  }
0x79: {  	_ =	shalt  }
0x7a: {  	_ =	shalt  }
0x7b: {  	_ =	shalt  }
0x7c: {  	_ =	shalt  }
0x7d: {  	_ =	shalt  }
0x7e: {  	_ =	shalt  }
0x7f: {  	_ =	shalt  }
0x80: {  	_ =	shalt  }
0x81: {  	_ =	shalt  }
0x82: {  	_ =	shalt  }
0x83: {  	_ =	shalt  }
0x84: {  	_ =	shalt  }
0x85: {  	_ =	shalt  }
0x86: {  	_ =	shalt  }
0x87: {  	_ =	shalt  }
.Lfunc_end0:
.L_simem_size_0:
called_computation.1_lowered:
.L_overlay_start_0:
0x88: {  	s2 =	sld [smem:$0x3FD9]  }
0x89: {  	s3 =	sld [smem:$0x3FFE];
	_ =	sdelay $0x1  }
0x8a: {  	s1 =	srdreg.scid  }
0x8b: {  	s0 =	sand.u32 $0x1, s1  }
0x8c: {  	s16 =	sshll.u32 s0, $0xA;
	s2 =	sadd.s32 s3, s2  }
0x8d: {  	s2 =	sadd.s32 s2, s16  }
0x8e: {  	[smem:$0x3FBF] =	sst s2  }
0x8f: {  	_ = 	snop  }
0x90: {  	(tm) =	ssettm $0x1  }
0x91: {  	s17 =	sld [smem:$0x3FFB];
	_ =	sdelay $0x3  }
0x92: {  	_ =	strace s17  }
0x93: {  	s2 =	sld [smem:$0x3FFC];
	_ =	sdelay $0x3  }
0x94: {  	_ =	strace s2  }
0x95: {  	s2 =	sld [smem:$0x3FFD];
	_ =	sdelay $0x3  }
0x96: {  	_ =	strace s2  }
0x97: {  	_ =	strace $0x8FFFFFFF  }
0x98: {  	s18 =	sld [smem:$0x3FDB];
	_ =	sdelay $0x1  }
0x99: {  	s19 =	simm.s32 $_scs_section_size  }
0x9a: {  	s4 =	simm.s32 $_size__tile_overlayer_lowered;
	s5 =	simm.s32 $_tile_overlayer_lowered  }
0x9b: {  	s22 =	simm.s32 $0x1BFF;
	s21 =	sshll.u32 s5, $0x1;
	s2 =	sadd.s32 s19, s18  }
0x9c: {  	s6 =	simm.s32 $0x0;
	s20 =	sshll.u32 s4, $0x1;
	s4 =	sadd.s32 s21, s2  }
0x9d: {  	[timem:s6], [sflag:s22] =	dma.local [hbm:s4], s20  }
0x9e: {  	_ =	swait.ge [sflag:s22], s20  }
0x9f: {  	s3 =	ssub.s32 $0x0, s20;
	[sflag:s22] =	ssyncset.done $0x0  }
0xa0: {  	[sflag:s22] =	ssyncadd.s32 s3;
	_ =	sdelay $0x1  }
0xa1: {  	s23 =	simm.s32 $0x1B8B  }
0xa2: {  	_ =	swait.ge [sflag:s23], $0x1  }
0xa3: {  	[sflag:s23] =	ssyncset.done $0x0  }
0xa4: {  	s25 =	simm.s32 $0x1B8E;
	s24 =	sld [smem:$0x3FFE];
	[sflag:s23] =	ssyncadd.s32 $0xFFFFFFFF  }
0xa5: {  	s26 =	simm.s32 $execute0_lowered;
	[smem:$0x3FD2] =	sst s25  }
0xa6: {  	s4 =	sshll.u32 s26, $0x1;
	_ =	strace $0x80000049;
	[dreg:$0x1] =	wrdreg $0xFFFFFFFF  }
0xa7: {  	s28 =	simm.s32 $_size_execute0_lowered;
	s2 =	sadd.s32 s2, s4;
	[dreg:$0x0] =	wrdreg $0x0  }
0xa8: {  	s4 =	sshll.u32 s28, $0x1;
	[dreg:$0x2] =	wrdreg s2  }
0xa9: {  	[dreg:$0x3] =	wrdreg s4  }
0xaa: {  	[dreg:$0x4] =	wrdreg $0xC0  }
0xab: {  	_ =	task [dreg:s6], $0x5FFFF  }
0xac: {  	[dreg:$0x1] =	wrdreg $0xFFFFFFFF  }
0xad: {  	[dreg:$0x0] =	wrdreg $0x60  }
0xae: {  	[dreg:$0x2] =	wrdreg s24  }
0xaf: {  	[dreg:$0x3] =	wrdreg $0xE0000  }
0xb0: {  	[dreg:$0x4] =	wrdreg $0x130000  }
0xb1: {  	[dreg:$0x5] =	wrdreg $0x9  }
0xb2: {  	_ =	task.clear_ibuf [dreg:s6], $0x6FFFF;
	_ =	strace $0x90000049  }
0xb3: {  	s29 =	simm.s32 $0x9;
	_ =	strace $0x8000004B  }
0xb4: {  	_ =	swait.ge [sflag:s29], $0x1  }
0xb5: {  	[sflag:s29] =	ssyncadd.s32 $0xFFFFFFFF  }
0xb6: {  	_ =	strace $0x9000004B  }
0xb7: {  	_ =	sfence  }
0xb8: {  	s30 =	sld [smem:$0x0];
	_ =	sdelay $0x2  }
0xb9: {  	s31 =	sshll.u32 s1, $0xD;
	s1 =	sshrl.u32 s1, $0x2  }
0xba: {  	s3 =	sand.u32 $0x4000, s31;
	s1 =	sadd.s32 s1, s30  }
0xbb: {  	s0 =	sor.u32 s3, s0;
	s1 =	sshll.u32 s1, $0x11  }
0xbc: {  	s0 =	sor.u32 s1, s0  }
0xbd: {  	s0 =	sadd.s32 $0x8F2B, s0  }
0xbe: {  	[sflag:s0] =	ssyncadd.remote.s32 $0x1  }
0xbf: {  	_ =	sfence.sel $0xFFFF  }
0xc0: {  	[dreg:$0x0] =	wrdreg $0xFFFFFFFF;
	(pc) =	sbr.abs _section_cstart, $3  }
0xc1: {  	[dreg:$0x1] =	wrdreg $0xFFFFFFFF  }
0xc2: {  	_ =	task.clear_ibuf [dreg:s6], $0x2FFFF;
	_ =	strace $0x9FFFFFFF  }
0xc3: {  	(tm) =	ssettm $0x7FFFFFFF  }
tec
execute0_lowered:
.L_overlay_start_1:
0x0: {  	(tag) =	ssettag $0x1  }
0x1: {  	s0 =	rddreg [dreg:$0x0]  }
0x2: {  	s1 =	rddreg [dreg:$0x1]  }
0x3: {  	s3 =	rddreg [dreg:$0x2];
	s4 =	simm.s32 $0x0  }
0x4: {  	s8 =	stileid.u32;
	s5 =	srdreg.scid;
	s28 =	simm.s32 $0x9  }
0x5: {  	s30 =	simm.s32 $0xB000;
	s31 =	simm.s32 $0x2;
	s29 =	simm.s32 $0xD000  }
0x6: {  	s13 =	simm.s32 $0x5000;
	[smem:$0x7FF] =	sst s4;
	s2 =	smul.u32 $0x9C4, s8  }
0x7: {  	s5 =	sand.u32 $0x1, s5;
	s7 =	sadd.s32 $0x2B800, s0;
	s8 =	smul.u32 $0x5000, s8  }
0x8: {  	_ =	strace $0x8000004A;
	s6 =	smul.u32 $0xA000, s5;
	s5 =	ssub.s32 $0x2, s5  }
0x9: {  	[dreg:$0x4] =	wrdreg s7;
	s7 =	simm.s32 $0x7;
	s2 =	sadd.s32 s2, s0  }
0xa: {  	s14 =	sshrl.u32 s5, $0x1;
	s9 =	sadd.s32 s8, s1;
	s16 =	sadd.s32 $0x1000, s8  }
0xb: {  	s17 =	sadd.s32 $0x2000, s8;
	s19 =	sadd.s32 $0x3000, s8;
	s22 =	sshrl.u32 s8, $0x3  }
0xc: {  	s0 =	sadd.s32 s6, s0;
	s5 =	ssub.s32 s5, s14;
	s15 =	sadd.s32 $0xDA00, s2  }
0xd: {  	s2 =	sadd.s32 $0x3C00, s2;
	s25 =	sadd.s32 s16, s1;
	[dreg:$0x5] =	wrdreg s15  }
0xe: {  	s12 =	sadd.s32 s17, s1;
	s21 =	sadd.s32 s17, s3;
	[dreg:$0x6] =	wrdreg s2  }
0xf: {  	s14 =	sadd.s32 s19, s1;
	s23 =	sadd.s32 s19, s3;
	[dreg:$0xb] =	wrdreg s21  }
0x10: {  	s20 =	sshrl.u32 s16, $0x3;
	s11 =	sshrl.u32 s19, $0x3;
	[dreg:$0xd] =	wrdreg s23  }
0x11: {  	s6 =	simm.s32 $0x6;
	s19 =	simm.s32 $0x1;
	[dreg:$0xa] =	wrdreg s14  }
0x12: {  	s15 =	sadd.s32 $0x4000, s8;
	s10 =	sadd.s32 $0x17800, s0;
	[dreg:$0xc] =	wrdreg s12  }
0x13: {  	s8 =	sadd.s32 s8, s3;
	s2 =	sadd.s32 s16, s3;
	[dreg:$0xf] =	wrdreg s25  }
0x14: {  	s16 =	sshrl.u32 s17, $0x3;
	s26 =	smax.u32 s5, $0x1;
	[dreg:$0x12] =	wrdreg s10  }
0x15: {  	s5 =	simm.s32 $0x4;
	s17 =	simm.s32 $0x5;
	[dreg:$0x7] =	wrdreg s8  }
0x16: {  	s21 =	simm.s32 $0x80;
	s23 =	simm.s32 $0x0;
	[dreg:$0x9] =	wrdreg s2  }
0x17: {  	s18 =	sadd.s32 s15, s1;
	s24 =	sadd.s32 s15, s3;
	[dreg:$0x11] =	wrdreg s26  }
0x18: {  	s10 =	sshrl.u32 s15, $0x3;
	s26 =	simm.s32 $0xA000;
	[dreg:$0x10] =	wrdreg s24  }
0x19: {  	s2 =	simm.s32 $0x3;
	s15 =	simm.s32 $0x8;
	[dreg:$0x8] =	wrdreg s18  }
0x1a: {  	v0 =	vimm.s32 $0x27FF;
	s24 =	sadd.s32 $0x2BA00, s0;
	s0 =	simm.s32 $0xC000;
	[dreg:$0xe] =	wrdreg s10  }
.LBB2_1:
0x1b: {  	s8 =	rddreg [dreg:$0x4]  }
0x1c: {  	[tilespmem:s26], [sflag:$0x9] =	stream.linear.gather [hbm4b:s8+s4], $0x1000, $0x38;
	[tilespmem:$0x18000] =	vst v63  }
0x1d: {  	_ =	swait.ge [sflag:s28], $0x1000  }
0x1e: {  	[sflag:s28] =	ssyncset.done $0x0  }
0x1f: {  	s8 =	rddreg [dreg:$0x5];
	[sflag:s28] =	ssyncadd.s32 $0xFFFFF000  }
0x20: {  	[tilespmem:s4], [sflag:$0x1] =	stream.linear.gather [hbm4b:s8+s4], $0x4E20, $0x38;
	[tilespmem:$0x18000] =	vst v63  }
0x21: {  	s8 =	rddreg [dreg:$0x6]  }
0x22: {  	[tilespmem:s13], [sflag:$0x1] =	stream.linear.gather [hbm4b:s8+s4], $0x4E20, $0x38;
	[tilespmem:$0x18000] =	vst v63  }
0x23: {  	_ = 	snop  }
0x24: {  	[spmem:s9] =	stream.linear.scatter [tilespmem:s26], [sflag:$0x5], $0x1000, $0x38;
	[tilespmem:$0x18000] =	vst v63  }
0x25: {  	_ = 	snop  }
0x26: {  	[spmem:s25] =	stream.linear.scatter [tilespmem:s26], [sflag:$0x5], $0x1000, $0x38;
	[tilespmem:$0x18000] =	vst v63  }
0x27: {  	s8 =	smov.u32 s12  }
0x28: {  	[spmem:s8] =	stream.linear.scatter [tilespmem:s26], [sflag:$0x5], $0x1000, $0x38;
	[tilespmem:$0x18000] =	vst v63  }
0x29: {  	_ = 	snop  }
0x2a: {  	[spmem:s14] =	stream.linear.scatter [tilespmem:s26], [sflag:$0x5], $0x1000, $0x38;
	[tilespmem:$0x18000] =	vst v63  }
0x2b: {  	s12 =	smov.u32 s9;
	s9 =	rddreg [dreg:$0x12]  }
0x2c: {  	[spmem:s18] =	stream.linear.scatter [tilespmem:s26], [sflag:$0x5], $0x1000, $0x38;
	[tilespmem:$0x18000] =	vst v63  }
0x2d: {  	s14 =	sadd.s32 s22, s9  }
0x2e: {  	[tilespmem:s30], [sflag:$0x2] =	stream.linear.gather [hbm4b:s14+s4], $0x1000, $0x38;
	[tilespmem:$0x18000] =	vst v63  }
0x2f: {  	_ =	swait.ge [sflag:s31], $0x1000  }
0x30: {  	[sflag:s31] =	ssyncset.done $0x0  }
0x31: {  	s18 =	rddreg [dreg:$0x7];
	[sflag:s31] =	ssyncadd.s32 $0xFFFFF000  }
0x32: {  	[spmem:s18] =	stream.linear.scatter [tilespmem:s30], [sflag:$0x6], $0x1000, $0x38;
	[tilespmem:$0x18000] =	vst v63  }
0x33: {  	s25 =	sadd.s32 s20, s9  }
0x34: {  	[tilespmem:s0], [sflag:$0x3] =	stream.linear.gather [hbm4b:s25+s4], $0x1000, $0x38;
	[tilespmem:$0x18000] =	vst v63  }
0x35: {  	_ =	swait.ge [sflag:s2], $0x1000  }
0x36: {  	[sflag:s2] =	ssyncset.done $0x0  }
0x37: {  	s14 =	rddreg [dreg:$0x9];
	[sflag:s2] =	ssyncadd.s32 $0xFFFFF000  }
0x38: {  	[spmem:s14] =	stream.linear.scatter [tilespmem:s0], [sflag:$0x7], $0x1000, $0x38;
	[tilespmem:$0x18000] =	vst v63  }
0x39: {  	s18 =	sadd.s32 s16, s9  }
0x3a: {  	[tilespmem:s29], [sflag:$0x4] =	stream.linear.gather [hbm4b:s18+s4], $0x1000, $0x38;
	[tilespmem:$0x18000] =	vst v63  }
0x3b: {  	_ =	swait.ge [sflag:s5], $0x1000  }
0x3c: {  	[sflag:s5] =	ssyncset.done $0x0  }
0x3d: {  	s25 =	rddreg [dreg:$0xb];
	[sflag:s5] =	ssyncadd.s32 $0xFFFFF000  }
0x3e: {  	[spmem:s25] =	stream.linear.scatter [tilespmem:s29], [sflag:$0x8], $0x1000, $0x38;
	[tilespmem:$0x18000] =	vst v63  }
0x3f: {  	_ =	swait.ge [sflag:s6], $0x1000  }
0x40: {  	[sflag:s6] =	ssyncset.done $0x0  }
0x41: {  	s14 =	sadd.s32 s11, s9;
	[sflag:s6] =	ssyncadd.s32 $0xFFFFF000  }
0x42: {  	[tilespmem:s30], [sflag:$0x2] =	stream.linear.gather [hbm4b:s14+s4], $0x1000, $0x38;
	[tilespmem:$0x18000] =	vst v63  }
0x43: {  	_ =	swait.ge [sflag:s31], $0x1000  }
0x44: {  	[sflag:s31] =	ssyncset.done $0x0  }
0x45: {  	s18 =	rddreg [dreg:$0xd];
	[sflag:s31] =	ssyncadd.s32 $0xFFFFF000  }
0x46: {  	[spmem:s18] =	stream.linear.scatter [tilespmem:s30], [sflag:$0x6], $0x1000, $0x38;
	[tilespmem:$0x18000] =	vst v63  }
0x47: {  	_ =	swait.ge [sflag:s7], $0x1000  }
0x48: {  	[sflag:s7] =	ssyncset.done $0x0  }
0x49: {  	s25 =	sadd.s32 s10, s9;
	[sflag:s7] =	ssyncadd.s32 $0xFFFFF000  }
0x4a: {  	[tilespmem:s0], [sflag:$0x3] =	stream.linear.gather [hbm4b:s25+s4], $0x1000, $0x38;
	[tilespmem:$0x18000] =	vst v63  }
0x4b: {  	_ =	swait.ge [sflag:s2], $0x1000  }
0x4c: {  	[sflag:s2] =	ssyncset.done $0x0  }
0x4d: {  	s9 =	rddreg [dreg:$0x10];
	[sflag:s2] =	ssyncadd.s32 $0xFFFFF000  }
0x4e: {  	[spmem:s9] =	stream.linear.scatter [tilespmem:s0], [sflag:$0x7], $0x1000, $0x38;
	[tilespmem:$0x18000] =	vst v63  }
0x4f: {  	_ =	swait.ge [sflag:s15], $0x1000  }
0x50: {  	[sflag:s15] =	ssyncset.done $0x0  }
0x51: {  	[sflag:s15] =	ssyncadd.s32 $0xFFFFF000  }
0x52: {  	_ =	swait.ge [sflag:s6], $0x1000  }
0x53: {  	[sflag:s6] =	ssyncset.done $0x0  }
0x54: {  	[sflag:s6] =	ssyncadd.s32 $0xFFFFF000  }
0x55: {  	_ =	swait.ge [sflag:s7], $0x1000  }
0x56: {  	[sflag:s7] =	ssyncset.done $0x0  }
0x57: {  	[sflag:s7] =	ssyncadd.s32 $0xFFFFF000  }
0x58: {  	_ =	swait.ge [sflag:s17], $0x1000  }
0x59: {  	[sflag:s17] =	ssyncset.done $0x0  }
0x5a: {  	[sflag:s17] =	ssyncadd.s32 $0xFFFFF000  }
0x5b: {  	_ =	swait.ge [sflag:s17], $0x1000  }
0x5c: {  	[sflag:s17] =	ssyncset.done $0x0  }
0x5d: {  	[sflag:s17] =	ssyncadd.s32 $0xFFFFF000  }
0x5e: {  	_ =	swait.ge [sflag:s17], $0x1000  }
0x5f: {  	[sflag:s17] =	ssyncset.done $0x0  }
0x60: {  	[sflag:s17] =	ssyncadd.s32 $0xFFFFF000  }
0x61: {  	_ =	swait.ge [sflag:s17], $0x1000  }
0x62: {  	[sflag:s17] =	ssyncset.done $0x0  }
0x63: {  	[sflag:s17] =	ssyncadd.s32 $0xFFFFF000  }
0x64: {  	_ =	swait.ge [sflag:s17], $0x1000  }
0x65: {  	[sflag:s17] =	ssyncset.done $0x0  }
0x66: {  	[sflag:s17] =	ssyncadd.s32 $0xFFFFF000  }
0x67: {  	_ =	swait.ge [sflag:s19], $0x4E20  }
0x68: {  	[sflag:s19] =	ssyncset.done $0x0  }
0x69: {  	[sflag:s19] =	ssyncadd.s32 $0xFFFFB1E0  }
0x6a: {  	_ =	swait.ge [sflag:s19], $0x4E20  }
0x6b: {  	[sflag:s19] =	ssyncset.done $0x0  }
0x6c: {  	[sflag:s19] =	ssyncadd.s32 $0xFFFFB1E0  }
0x6d: {  	[tilespmem:$0x4E20] =	vst v0  }
0x6e: {  	[tilespmem:$0x4E30] =	vst v0  }
0x6f: {  	[tilespmem:$0x4E40] =	vst v0  }
0x70: {  	[tilespmem:$0x4E50] =	vst v0  }
0x71: {  	[tilespmem:$0x4E60] =	vst v0  }
0x72: {  	[tilespmem:$0x4E70] =	vst v0  }
0x73: {  	[tilespmem:$0x4E80] =	vst v0  }
0x74: {  	[tilespmem:$0x4E90] =	vst v0  }
0x75: {  	[tilespmem:$0x4EA0] =	vst v0  }
0x76: {  	[tilespmem:$0x4EB0] =	vst v0  }
0x77: {  	[tilespmem:$0x4EC0] =	vst v0  }
0x78: {  	[tilespmem:$0x4ED0] =	vst v0  }
0x79: {  	[tilespmem:$0x4EE0] =	vst v0  }
0x7a: {  	[tilespmem:$0x4EF0] =	vst v0  }
0x7b: {  	[tilespmem:$0x4F00] =	vst v0  }
0x7c: {  	[tilespmem:$0x4F10] =	vst v0  }
0x7d: {  	[tilespmem:$0x4F20] =	vst v0  }
0x7e: {  	[tilespmem:$0x4F30] =	vst v0  }
0x7f: {  	[tilespmem:$0x4F40] =	vst v0  }
0x80: {  	[tilespmem:$0x4F50] =	vst v0  }
0x81: {  	[tilespmem:$0x4F60] =	vst v0  }
0x82: {  	[tilespmem:$0x4F70] =	vst v0  }
0x83: {  	[tilespmem:$0x4F80] =	vst v0  }
0x84: {  	[tilespmem:$0x4F90] =	vst v0  }
0x85: {  	[tilespmem:$0x4FA0] =	vst v0  }
0x86: {  	[tilespmem:$0x4FB0] =	vst v0  }
0x87: {  	[tilespmem:$0x4FC0] =	vst v0  }
0x88: {  	[tilespmem:$0x4FD0] =	vst v0  }
0x89: {  	[tilespmem:$0x4FE0] =	vst v0  }
0x8a: {  	[tilespmem:$0x4FF0] =	vst v0  }
0x8b: {  	[tilespmem:$0x9E20] =	vst v0  }
0x8c: {  	[tilespmem:$0x9E30] =	vst v0  }
0x8d: {  	[tilespmem:$0x9E40] =	vst v0  }
0x8e: {  	[tilespmem:$0x9E50] =	vst v0  }
0x8f: {  	[tilespmem:$0x9E60] =	vst v0  }
0x90: {  	[tilespmem:$0x9E70] =	vst v0  }
0x91: {  	[tilespmem:$0x9E80] =	vst v0  }
0x92: {  	[tilespmem:$0x9E90] =	vst v0  }
0x93: {  	[tilespmem:$0x9EA0] =	vst v0  }
0x94: {  	[tilespmem:$0x9EB0] =	vst v0  }
0x95: {  	[tilespmem:$0x9EC0] =	vst v0  }
0x96: {  	[tilespmem:$0x9ED0] =	vst v0  }
0x97: {  	[tilespmem:$0x9EE0] =	vst v0  }
0x98: {  	[tilespmem:$0x9EF0] =	vst v0  }
0x99: {  	[tilespmem:$0x9F00] =	vst v0  }
0x9a: {  	[tilespmem:$0x9F10] =	vst v0  }
0x9b: {  	[tilespmem:$0x9F20] =	vst v0  }
0x9c: {  	[tilespmem:$0x9F30] =	vst v0  }
0x9d: {  	[tilespmem:$0x9F40] =	vst v0  }
0x9e: {  	[tilespmem:$0x9F50] =	vst v0  }
0x9f: {  	[tilespmem:$0x9F60] =	vst v0  }
0xa0: {  	[tilespmem:$0x9F70] =	vst v0  }
0xa1: {  	[tilespmem:$0x9F80] =	vst v0  }
0xa2: {  	[tilespmem:$0x9F90] =	vst v0  }
0xa3: {  	[tilespmem:$0x9FA0] =	vst v0  }
0xa4: {  	[tilespmem:$0x9FB0] =	vst v0  }
0xa5: {  	[tilespmem:$0x9FC0] =	vst v0  }
0xa6: {  	[tilespmem:$0x9FD0] =	vst v0  }
0xa7: {  	[tilespmem:$0x9FE0] =	vst v0  }
0xa8: {  	[tilespmem:$0x9FF0] =	vst v0  }
0xa9: {  	[bflag:$0x0] =	sbarrier.arrive $0xFFFF  }
0xaa: {  	[tilespmem:s26], [sflag:$0x1] =	stream.indirect.gather [spmem:s3], $0x20, s4, s21, $0xb8;
	[tilespmem:$0x18000] =	vst v63  }
0xab: {  	_ = 	snop  }
0xac: {  	[tilespmem:s30], [sflag:$0x2] =	stream.indirect.gather [spmem:s3], $0x20, s21, s21, $0xb8;
	[tilespmem:$0x18000] =	vst v63  }
0xad: {  	s10 =	simm.s32 $0x100  }
0xae: {  	[tilespmem:s0], [sflag:$0x3] =	stream.indirect.gather [spmem:s3], $0x20, s10, s21, $0xb8;
	[tilespmem:$0x18000] =	vst v63  }
0xaf: {  	s14 =	simm.s32 $0x180  }
0xb0: {  	[tilespmem:s29], [sflag:$0x4] =	stream.indirect.gather [spmem:s3], $0x20, s14, s21, $0xb8;
	[tilespmem:$0x18000] =	vst v63  }
0xb1: {  	_ =	swait.ge [sflag:s19], $0x1000  }
0xb2: {  	[sflag:s19] =	ssyncset.done $0x0  }
0xb3: {  	s18 =	simm.s32 $0x5000;
	[sflag:s19] =	ssyncadd.s32 $0xFFFFF000  }
0xb4: {  	[spmem:s1] =	stream.indirect.scatter.add.f32 [tilespmem:s26], [sflag:$0x5], $0x20, s18, s21, $0xb8;
	[tilespmem:$0x18000] =	vst v63  }
0xb5: {  	_ =	swait.ge [sflag:s17], $0x1000  }
0xb6: {  	[sflag:s17] =	ssyncset.done $0x0  }
0xb7: {  	s25 =	simm.s32 $0x200;
	[sflag:s17] =	ssyncadd.s32 $0xFFFFF000  }
0xb8: {  	[tilespmem:s26], [sflag:$0x1] =	stream.indirect.gather [spmem:s3], $0x20, s25, s21, $0xb8;
	[tilespmem:$0x18000] =	vst v63  }
0xb9: {  	_ =	swait.ge [sflag:s31], $0x1000  }
0xba: {  	[sflag:s31] =	ssyncset.done $0x0  }
0xbb: {  	s9 =	simm.s32 $0x5080;
	[sflag:s31] =	ssyncadd.s32 $0xFFFFF000  }
0xbc: {  	[spmem:s1] =	stream.indirect.scatter.add.f32 [tilespmem:s30], [sflag:$0x6], $0x20, s9, s21, $0xb8;
	[tilespmem:$0x18000] =	vst v63  }
0xbd: {  	_ =	swait.ge [sflag:s6], $0x1000  }
0xbe: {  	[sflag:s6] =	ssyncset.done $0x0  }
0xbf: {  	s10 =	simm.s32 $0x280;
	[sflag:s6] =	ssyncadd.s32 $0xFFFFF000  }
0xc0: {  	[tilespmem:s30], [sflag:$0x2] =	stream.indirect.gather [spmem:s3], $0x20, s10, s21, $0xb8;
	[tilespmem:$0x18000] =	vst v63  }
0xc1: {  	_ =	swait.ge [sflag:s2], $0x1000  }
0xc2: {  	[sflag:s2] =	ssyncset.done $0x0  }
0xc3: {  	s14 =	simm.s32 $0x5100;
	[sflag:s2] =	ssyncadd.s32 $0xFFFFF000  }
0xc4: {  	[spmem:s1] =	stream.indirect.scatter.add.f32 [tilespmem:s0], [sflag:$0x7], $0x20, s14, s21, $0xb8;
	[tilespmem:$0x18000] =	vst v63  }
0xc5: {  	_ =	swait.ge [sflag:s7], $0x1000  }
0xc6: {  	[sflag:s7] =	ssyncset.done $0x0  }
0xc7: {  	s18 =	simm.s32 $0x300;
	[sflag:s7] =	ssyncadd.s32 $0xFFFFF000  }
0xc8: {  	[tilespmem:s0], [sflag:$0x3] =	stream.indirect.gather [spmem:s3], $0x20, s18, s21, $0xb8;
	[tilespmem:$0x18000] =	vst v63  }
0xc9: {  	_ =	swait.ge [sflag:s5], $0x1000  }
0xca: {  	[sflag:s5] =	ssyncset.done $0x0  }
0xcb: {  	s25 =	simm.s32 $0x5180;
	[sflag:s5] =	ssyncadd.s32 $0xFFFFF000  }
0xcc: {  	[spmem:s1] =	stream.indirect.scatter.add.f32 [tilespmem:s29], [sflag:$0x8], $0x20, s25, s21, $0xb8;
	[tilespmem:$0x18000] =	vst v63  }
0xcd: {  	_ =	swait.ge [sflag:s15], $0x1000  }
0xce: {  	[sflag:s15] =	ssyncset.done $0x0  }
0xcf: {  	s8 =	simm.s32 $0x380;
	s25 =	simm.s32 $0x800;
	[sflag:s15] =	ssyncadd.s32 $0xFFFFF000  }
.LBB2_2:
0xd0: {  	[tilespmem:s29], [sflag:$0x4] =	stream.indirect.gather [spmem:s3], $0x20, s8, s21, $0xb8;
	[tilespmem:$0x18000] =	vst v63  }
0xd1: {  	s8 =	smov.u32 s25  }
0xd2: {  	p0 =	sne.s32 s25, $0x13000;
	s25 =	sadd.s32 $0x800, s25;
	_ =	swait.ge [sflag:s19], $0x1000  }
0xd3: {  	s8 =	sshra.s32 s8, $0x2;
	[sflag:s19] =	ssyncset.done $0x0  }
0xd4: {  	s9 =	sadd.s32 $0x5000, s8;
	[sflag:s19] =	ssyncadd.s32 $0xFFFFF000  }
0xd5: {  	[spmem:s1] =	stream.indirect.scatter.add.f32 [tilespmem:s26], [sflag:$0x5], $0x20, s9, s21, $0xb8;
	[tilespmem:$0x18000] =	vst v63  }
0xd6: {  	_ =	swait.ge [sflag:s17], $0x1000  }
0xd7: {  	[sflag:s17] =	ssyncset.done $0x0  }
0xd8: {  	s9 =	sadd.s32 $0x200, s8;
	[sflag:s17] =	ssyncadd.s32 $0xFFFFF000  }
0xd9: {  	[tilespmem:s26], [sflag:$0x1] =	stream.indirect.gather [spmem:s3], $0x20, s9, s21, $0xb8;
	[tilespmem:$0x18000] =	vst v63  }
0xda: {  	_ =	swait.ge [sflag:s31], $0x1000  }
0xdb: {  	[sflag:s31] =	ssyncset.done $0x0  }
0xdc: {  	s9 =	sadd.s32 $0x5080, s8;
	[sflag:s31] =	ssyncadd.s32 $0xFFFFF000  }
0xdd: {  	[spmem:s1] =	stream.indirect.scatter.add.f32 [tilespmem:s30], [sflag:$0x6], $0x20, s9, s21, $0xb8;
	[tilespmem:$0x18000] =	vst v63  }
0xde: {  	_ =	swait.ge [sflag:s6], $0x1000  }
0xdf: {  	[sflag:s6] =	ssyncset.done $0x0  }
0xe0: {  	s9 =	sadd.s32 $0x280, s8;
	[sflag:s6] =	ssyncadd.s32 $0xFFFFF000  }
0xe1: {  	[tilespmem:s30], [sflag:$0x2] =	stream.indirect.gather [spmem:s3], $0x20, s9, s21, $0xb8;
	[tilespmem:$0x18000] =	vst v63  }
0xe2: {  	_ =	swait.ge [sflag:s2], $0x1000  }
0xe3: {  	[sflag:s2] =	ssyncset.done $0x0  }
0xe4: {  	s9 =	sadd.s32 $0x5100, s8;
	[sflag:s2] =	ssyncadd.s32 $0xFFFFF000  }
0xe5: {  	[spmem:s1] =	stream.indirect.scatter.add.f32 [tilespmem:s0], [sflag:$0x7], $0x20, s9, s21, $0xb8;
	[tilespmem:$0x18000] =	vst v63  }
0xe6: {  	_ =	swait.ge [sflag:s7], $0x1000  }
0xe7: {  	[sflag:s7] =	ssyncset.done $0x0  }
0xe8: {  	s9 =	sadd.s32 $0x300, s8;
	[sflag:s7] =	ssyncadd.s32 $0xFFFFF000  }
0xe9: {  	[tilespmem:s0], [sflag:$0x3] =	stream.indirect.gather [spmem:s3], $0x20, s9, s21, $0xb8;
	[tilespmem:$0x18000] =	vst v63  }
0xea: {  	_ =	swait.ge [sflag:s5], $0x1000  }
0xeb: {  	[sflag:s5] =	ssyncset.done $0x0  }
.Ltmp0:
0xec: {  	s9 =	sadd.s32 $0x5180, s8;
	[sflag:s5] =	ssyncadd.s32 $0xFFFFF000;
	(pc) =	sbr.rel @p0 .LBB2_2-.Ltmp0, $4  }
0xed: {  	[spmem:s1] =	stream.indirect.scatter.add.f32 [tilespmem:s29], [sflag:$0x8], $0x20, s9, s21, $0xb8;
	[tilespmem:$0x18000] =	vst v63  }
0xee: {  	_ =	swait.ge [sflag:s15], $0x1000  }
0xef: {  	[sflag:s15] =	ssyncset.done $0x0  }
0xf0: {  	s8 =	sadd.s32 $0x380, s8;
	[sflag:s15] =	ssyncadd.s32 $0xFFFFF000  }
0xf1: {  	[tilespmem:s29], [sflag:$0x4] =	stream.indirect.gather [spmem:s3], $0x20, s8, s21, $0xb8;
	[tilespmem:$0x18000] =	vst v63  }
0xf2: {  	_ =	swait.ge [sflag:s19], $0x1000  }
0xf3: {  	[sflag:s19] =	ssyncset.done $0x0  }
0xf4: {  	s14 =	simm.s32 $0x9E00;
	[sflag:s19] =	ssyncadd.s32 $0xFFFFF000  }
0xf5: {  	[spmem:s1] =	stream.indirect.scatter.add.f32 [tilespmem:s26], [sflag:$0x5], $0x20, s14, s21, $0xb8;
	[tilespmem:$0x18000] =	vst v63  }
0xf6: {  	_ =	swait.ge [sflag:s17], $0x1000  }
0xf7: {  	[sflag:s17] =	ssyncset.done $0x0  }
0xf8: {  	[sflag:s17] =	ssyncadd.s32 $0xFFFFF000  }
0xf9: {  	_ =	swait.ge [sflag:s31], $0x1000  }
0xfa: {  	[sflag:s31] =	ssyncset.done $0x0  }
0xfb: {  	s18 =	simm.s32 $0x9E80;
	[sflag:s31] =	ssyncadd.s32 $0xFFFFF000  }
0xfc: {  	[spmem:s1] =	stream.indirect.scatter.add.f32 [tilespmem:s30], [sflag:$0x6], $0x20, s18, s21, $0xb8;
	[tilespmem:$0x18000] =	vst v63  }
0xfd: {  	_ =	swait.ge [sflag:s6], $0x1000  }
0xfe: {  	[sflag:s6] =	ssyncset.done $0x0  }
0xff: {  	[sflag:s6] =	ssyncadd.s32 $0xFFFFF000  }
0x100: {  	_ =	swait.ge [sflag:s2], $0x1000  }
0x101: {  	[sflag:s2] =	ssyncset.done $0x0  }
0x102: {  	s25 =	simm.s32 $0x9F00;
	[sflag:s2] =	ssyncadd.s32 $0xFFFFF000  }
0x103: {  	[spmem:s1] =	stream.indirect.scatter.add.f32 [tilespmem:s0], [sflag:$0x7], $0x20, s25, s21, $0xb8;
	[tilespmem:$0x18000] =	vst v63  }
0x104: {  	_ =	swait.ge [sflag:s7], $0x1000  }
0x105: {  	[sflag:s7] =	ssyncset.done $0x0  }
0x106: {  	[sflag:s7] =	ssyncadd.s32 $0xFFFFF000  }
0x107: {  	_ =	swait.ge [sflag:s5], $0x1000  }
0x108: {  	[sflag:s5] =	ssyncset.done $0x0  }
0x109: {  	s9 =	simm.s32 $0x9F80;
	[sflag:s5] =	ssyncadd.s32 $0xFFFFF000  }
0x10a: {  	[spmem:s1] =	stream.indirect.scatter.add.f32 [tilespmem:s29], [sflag:$0x8], $0x20, s9, s21, $0xb8;
	[tilespmem:$0x18000] =	vst v63  }
0x10b: {  	_ =	swait.ge [sflag:s15], $0x1000  }
0x10c: {  	[sflag:s15] =	ssyncset.done $0x0  }
0x10d: {  	[sflag:s15] =	ssyncadd.s32 $0xFFFFF000  }
0x10e: {  	[bflag:$0x0] =	sbarrier.arrive $0xFFFF  }
0x10f: {  	[tilespmem:s26], [sflag:$0x9] =	stream.linear.gather [spmem:s12], $0x1000, $0x38;
	[tilespmem:$0x18000] =	vst v63  }
0x110: {  	_ =	swait.ge [sflag:s28], $0x1000  }
0x111: {  	[sflag:s28] =	ssyncset.done $0x0  }
0x112: {  	s10 =	sadd.s32 s22, s24;
	[sflag:s28] =	ssyncadd.s32 $0xFFFFF000  }
0x113: {  	[hbm4b:s10+s4] =	stream.linear.scatter [tilespmem:s26], [sflag:$0x9], $0x1000, $0x38;
	[tilespmem:$0x18000] =	vst v63  }
0x114: {  	_ =	swait.ge [sflag:s28], $0x1000  }
0x115: {  	[sflag:s28] =	ssyncset.done $0x0  }
0x116: {  	s25 =	rddreg [dreg:$0xf];
	[sflag:s28] =	ssyncadd.s32 $0xFFFFF000  }
0x117: {  	[tilespmem:s26], [sflag:$0x9] =	stream.linear.gather [spmem:s25], $0x1000, $0x38;
	[tilespmem:$0x18000] =	vst v63  }
0x118: {  	_ =	swait.ge [sflag:s28], $0x1000  }
0x119: {  	[sflag:s28] =	ssyncset.done $0x0  }
0x11a: {  	s9 =	smov.u32 s12;
	s12 =	sadd.s32 s20, s24;
	[sflag:s28] =	ssyncadd.s32 $0xFFFFF000  }
0x11b: {  	[hbm4b:s12+s4] =	stream.linear.scatter [tilespmem:s26], [sflag:$0x9], $0x1000, $0x38;
	[tilespmem:$0x18000] =	vst v63  }
0x11c: {  	_ =	swait.ge [sflag:s28], $0x1000  }
0x11d: {  	[sflag:s28] =	ssyncset.done $0x0  }
0x11e: {  	s12 =	rddreg [dreg:$0xc];
	[sflag:s28] =	ssyncadd.s32 $0xFFFFF000  }
0x11f: {  	[tilespmem:s26], [sflag:$0x9] =	stream.linear.gather [spmem:s12], $0x1000, $0x38;
	[tilespmem:$0x18000] =	vst v63  }
0x120: {  	_ =	swait.ge [sflag:s28], $0x1000  }
0x121: {  	[sflag:s28] =	ssyncset.done $0x0  }
0x122: {  	s14 =	sadd.s32 s16, s24;
	[sflag:s28] =	ssyncadd.s32 $0xFFFFF000  }
0x123: {  	[hbm4b:s14+s4] =	stream.linear.scatter [tilespmem:s26], [sflag:$0x9], $0x1000, $0x38;
	[tilespmem:$0x18000] =	vst v63  }
0x124: {  	_ =	swait.ge [sflag:s28], $0x1000  }
0x125: {  	[sflag:s28] =	ssyncset.done $0x0  }
0x126: {  	s14 =	rddreg [dreg:$0xa];
	[sflag:s28] =	ssyncadd.s32 $0xFFFFF000  }
0x127: {  	[tilespmem:s26], [sflag:$0x9] =	stream.linear.gather [spmem:s14], $0x1000, $0x38;
	[tilespmem:$0x18000] =	vst v63  }
0x128: {  	_ =	swait.ge [sflag:s28], $0x1000  }
0x129: {  	[sflag:s28] =	ssyncset.done $0x0  }
0x12a: {  	s18 =	sadd.s32 s11, s24;
	[sflag:s28] =	ssyncadd.s32 $0xFFFFF000  }
0x12b: {  	[hbm4b:s18+s4] =	stream.linear.scatter [tilespmem:s26], [sflag:$0x9], $0x1000, $0x38;
	[tilespmem:$0x18000] =	vst v63  }
0x12c: {  	_ =	swait.ge [sflag:s28], $0x1000  }
0x12d: {  	[sflag:s28] =	ssyncset.done $0x0  }
0x12e: {  	s18 =	rddreg [dreg:$0x8];
	[sflag:s28] =	ssyncadd.s32 $0xFFFFF000  }
0x12f: {  	[tilespmem:s26], [sflag:$0x9] =	stream.linear.gather [spmem:s18], $0x1000, $0x38;
	[tilespmem:$0x18000] =	vst v63  }
0x130: {  	_ =	swait.ge [sflag:s28], $0x1000  }
0x131: {  	[sflag:s28] =	ssyncset.done $0x0;
	s10 =	rddreg [dreg:$0xe]  }
0x132: {  	[sflag:s28] =	ssyncadd.s32 $0xFFFFF000;
	s8 =	sadd.s32 s10, s24  }
0x133: {  	[hbm4b:s8+s4] =	stream.linear.scatter [tilespmem:s26], [sflag:$0x9], $0x1000, $0x38;
	[tilespmem:$0x18000] =	vst v63  }
0x134: {  	_ =	swait.ge [sflag:s28], $0x1000  }
0x135: {  	s23 =	sadd.s32 $0x1, s23;
	s8 =	rddreg [dreg:$0x11]  }
0x136: {  	p0 =	sne.s32 s23, s8  }
.Ltmp1:
0x137: {  	_ = 	snop;
	(pc) =	sbr.rel @p0 .LBB2_1-.Ltmp1, $3  }
0x138: {  	_ =	sdelay $0x1  }
0x139: {  	[sflag:s28] =	ssyncset.done $0x0  }
0x13a: {  	[sflag:s28] =	ssyncadd.s32 $0xFFFFF000  }
0x13b: {  	_ =	sfence.sel $0x180000  }
0x13c: {  	[bflag:$0x0] =	sbarrier.arrive $0xFFFF  }
0x13d: {  	_ =	strace $0x9000004A  }
0x13e: {  	s0 =	stileid.u32;
	[bflag:$0x2] =	sbarrier.arrive $0xFFFF  }
0x13f: {  	p0 =	sne.s32 s0, $0x0;
	s0 =	rddreg [dreg:$0x3]  }
0x140: {  	s0 =	sadd.s32 @!p0 $0x100000, s0  }
0x141: {  	[sflag:s0] =	ssyncadd.tile.s32 @!p0 $0x1;
	_ =	shalt  }
.Lfunc_end2:
_tile_overlayer_lowered:
.L_overlay_start_2:
0x142: {  	(tag) =	ssettag $0x2  }
0x143: {  	s0 =	rddreg [dreg:$0x0];
	s2 =	stileid.u32  }
0x144: {  	s1 =	rddreg [dreg:$0x1];
	p0 =	sne.s32 s2, $0x0  }
0x145: {  	s3 =	rddreg [dreg:$0x2];
	[bflag:$0x3] =	sbarrier.arrive $0xFFFF;
	s2 =	simm.s32 @!p0 $0x1C09  }
0x146: {  	[timem:s3], [sflag:s2] =	dma.local @!p0 [hbm:s0], s1  }
0x147: {  	s0 =	simm.s32 @!p0 $0x9  }
0x148: {  	_ =	swait.ge @!p0 [sflag:s0], s1  }
0x149: {  	s1 =	ssub.s32 @!p0 $0x0, s1;
	[sflag:s0] =	ssyncset.done @!p0 $0x0  }
0x14a: {  	[sflag:s0] =	ssyncadd.s32 @!p0 s1  }
0x14b: {  	[bflag:$0x3] =	sbarrier.arrive $0xFFFF  }
0x14c: {  	_ =	shalt  }

// kernel: kernel.16.cloned.1.call-start
scs
__scs_entry_jumppad:
0x0: {  	(pc) =	sbr.rel $0x88, $3  }
0x1: {  	(tag) =	ssettag $0x0;
	lr =	simm.s32 $0x1  }
0x2: {  	[smem:$0x3F98] =	sst lr;
	_ =	strace $0xD0000000  }
0x3: {  	_ = 	snop  }
0x4: {  	_ = 	snop  }
0x5: {  	_ = 	snop  }
0x6: {  	_ = 	snop  }
0x7: {  	_ = 	snop  }
__scs_overlays_trampoline_lowered:
0x8: {  	[smem:$0x3FA7] =	sst s0  }
0x9: {  	[smem:$0x3FA8] =	sst s1  }
0xa: {  	[smem:$0x3FA9] =	sst s2  }
0xb: {  	[smem:$0x3FAA] =	sst s3  }
0xc: {  	[smem:$0x3FAB] =	sst s4  }
0xd: {  	[smem:$0x3FAC] =	sst s5  }
0xe: {  	[smem:$0x3FAD] =	sst s6  }
0xf: {  	[smem:$0x3FAE] =	sst s7  }
0x10: {  	[smem:$0x3FAF] =	sst s8  }
0x11: {  	[smem:$0x3FB0] =	sst s9;
	s0 =	simm.s32 @!p0 $0x0  }
0x12: {  	s1 =	sld [smem:$0x3F96];
	s0 =	simm.s32 @p0 $0x1  }
0x13: {  	[smem:$0x3FB1] =	sst s0;
	s0 =	simm.s32 @!p1 $0x0  }
0x14: {  	s2 =	sld [smem:$0x3F95];
	s0 =	simm.s32 @p1 $0x1  }
0x15: {  	[smem:$0x3FB2] =	sst s0;
	s0 =	simm.s32 @!p2 $0x0  }
0x16: {  	s3 =	sld [smem:$0x3FDB];
	s0 =	simm.s32 @p2 $0x1  }
0x17: {  	s4 =	simm.s32 $0x1BF5;
	[smem:$0x3FB4] =	sst s0  }
0x18: {  	s0 =	sld [smem:$0x3F97];
	_ =	swait.ge [sflag:s4], $0x0  }
0x19: {  	s7 =	sld [smem:$0x3F98]  }
0x1a: {  	s8 =	sadd.s32 $0xFFFFE003, lr  }
0x1b: {  	s9 =	sadd.s32 $0xFFFFFEF7, lr;
	s5 =	simm.s32 $0xFFFFFFFF;
	p2 =	slt.u32 s8, $0xFFFFF086  }
0x1c: {  	p1 =	slt.u32 s9, $0xF7A;
	s5 =	simm.s32 @!p2 $0x0  }
0x1d: {  	s5 =	simm.s32 @p1 $0x1;
	p0 =	seq.s32 s7, s2  }
0x1e: {  	s7 =	smul.u32 @!p0 $0xF7A, s2;
	p2 =	seq.s32 @!p0 s5, $0x0  }
0x1f: {  	s9 =	smul.u32 $0xF7A, s1;
	s8 =	simm.s32 @!p0 $0x1BF5;
	p2 =	por !p2, p0  }
0x20: {  	[sflag:s8] =	ssyncset.s32 @!p0 $0xFFFFF086;
	s6 =	sadd.s32 @!p0 s3, s7;
	s7 =	simm.s32 @!p0 $0x108  }
0x21: {  	s3 =	sadd.s32 s3, s9;
	s6 =	sadd.s32 @!p0 $0x88, s6;
	s7 =	simm.s32 @p2 $0x1082  }
0x22: {  	[simem:s7], [sflag:s8] =	dma.local @!p0 [hbm:s6], $0xF7A  }
0x23: {  	s9 =	sor.u32 $0xD0000000, s2;
	s6 =	simm.s32 $0x108;
	_ =	swait.ge @!p0 [sflag:s8], $0x0  }
0x24: {  	s3 =	sadd.s32 $0x88, s3;
	s6 =	simm.s32 @!p1 $0x1082;
	[sflag:s4] =	ssyncset.s32 $0xFFFFF086  }
0x25: {  	[simem:s6], [sflag:s4] =	dma.local [hbm:s3], $0xF7A  }
0x26: {  	[smem:$0x3F98] =	sst s1;
	(tag) =	ssettag s2;
	_ =	strace s9  }
0x27: {  	s1 =	sld [smem:$0x3FA8]  }
0x28: {  	s2 =	sld [smem:$0x3FA9]  }
0x29: {  	s4 =	sld [smem:$0x3FAB]  }
0x2a: {  	p0 =	seq.s32 s5, $0x0;
	s5 =	sld [smem:$0x3FAC]  }
0x2b: {  	s6 =	sld [smem:$0x3FAD]  }
0x2c: {  	s7 =	sld [smem:$0x3FAE]  }
0x2d: {  	s3 =	simm.s32 $0x108;
	s8 =	sld [smem:$0x3FAF]  }
0x2e: {  	s3 =	simm.s32 @!p0 $0x1082;
	s9 =	sld [smem:$0x3FB0]  }
0x2f: {  	lr =	sadd.s32 s0, s3;
	s0 =	sld [smem:$0x3FA7]  }
0x30: {  	s3 =	sld [smem:$0x3FAA]  }
0x31: {  	[smem:$0x3FB3] =	sst s10  }
0x32: {  	s10 =	sld [smem:$0x3FB1];
	_ =	sdelay $0x3  }
0x33: {  	p0 =	seq.s32 s10, $0x1;
	s10 =	sld [smem:$0x3FB3];
	_ =	sdelay $0x3  }
0x34: {  	[smem:$0x3FB3] =	sst s10  }
0x35: {  	s10 =	sld [smem:$0x3FB2];
	_ =	sdelay $0x3  }
0x36: {  	p1 =	seq.s32 s10, $0x1;
	s10 =	sld [smem:$0x3FB3];
	_ =	sdelay $0x3  }
0x37: {  	[smem:$0x3FB3] =	sst s10  }
0x38: {  	s10 =	sld [smem:$0x3FB4]  }
0x39: {  	_ = 	snop;
	(pc) =	sbr.ind lr, $3  }
0x3a: {  	_ = 	snop  }
0x3b: {  	_ = 	snop  }
0x3c: {  	p2 =	seq.s32 s10, $0x1;
	s10 =	sld [smem:$0x3FB3]  }
0x3d: {  	_ =	shalt  }
0x3e: {  	_ =	shalt  }
0x3f: {  	_ =	shalt  }
0x40: {  	_ =	shalt  }
0x41: {  	_ =	shalt  }
0x42: {  	_ =	shalt  }
0x43: {  	_ =	shalt  }
0x44: {  	_ =	shalt  }
0x45: {  	_ =	shalt  }
0x46: {  	_ =	shalt  }
0x47: {  	_ =	shalt  }
0x48: {  	_ =	shalt  }
0x49: {  	_ =	shalt  }
0x4a: {  	_ =	shalt  }
0x4b: {  	_ =	shalt  }
0x4c: {  	_ =	shalt  }
0x4d: {  	_ =	shalt  }
0x4e: {  	_ =	shalt  }
0x4f: {  	_ =	shalt  }
0x50: {  	_ =	shalt  }
0x51: {  	_ =	shalt  }
0x52: {  	_ =	shalt  }
0x53: {  	_ =	shalt  }
0x54: {  	_ =	shalt  }
0x55: {  	_ =	shalt  }
0x56: {  	_ =	shalt  }
0x57: {  	_ =	shalt  }
0x58: {  	_ =	shalt  }
0x59: {  	_ =	shalt  }
0x5a: {  	_ =	shalt  }
0x5b: {  	_ =	shalt  }
0x5c: {  	_ =	shalt  }
0x5d: {  	_ =	shalt  }
0x5e: {  	_ =	shalt  }
0x5f: {  	_ =	shalt  }
0x60: {  	_ =	shalt  }
0x61: {  	_ =	shalt  }
0x62: {  	_ =	shalt  }
0x63: {  	_ =	shalt  }
0x64: {  	_ =	shalt  }
0x65: {  	_ =	shalt  }
0x66: {  	_ =	shalt  }
0x67: {  	_ =	shalt  }
0x68: {  	_ =	shalt  }
0x69: {  	_ =	shalt  }
0x6a: {  	_ =	shalt  }
0x6b: {  	_ =	shalt  }
0x6c: {  	_ =	shalt  }
0x6d: {  	_ =	shalt  }
0x6e: {  	_ =	shalt  }
0x6f: {  	_ =	shalt  }
0x70: {  	_ =	shalt  }
0x71: {  	_ =	shalt  }
0x72: {  	_ =	shalt  }
0x73: {  	_ =	shalt  }
0x74: {  	_ =	shalt  }
0x75: {  	_ =	shalt  }
0x76: {  	_ =	shalt  }
0x77: {  	_ =	shalt  }
0x78: {  	_ =	shalt  }
0x79: {  	_ =	shalt  }
0x7a: {  	_ =	shalt  }
0x7b: {  	_ =	shalt  }
0x7c: {  	_ =	shalt  }
0x7d: {  	_ =	shalt  }
0x7e: {  	_ =	shalt  }
0x7f: {  	_ =	shalt  }
0x80: {  	_ =	shalt  }
0x81: {  	_ =	shalt  }
0x82: {  	_ =	shalt  }
0x83: {  	_ =	shalt  }
0x84: {  	_ =	shalt  }
0x85: {  	_ =	shalt  }
0x86: {  	_ =	shalt  }
0x87: {  	_ =	shalt  }
.Lfunc_end0:
.L_simem_size_0:
called_computation.2_lowered:
.L_overlay_start_0:
0x88: {  	s2 =	sld [smem:$0x3FD9]  }
0x89: {  	s3 =	sld [smem:$0x3FFE];
	_ =	sdelay $0x1  }
0x8a: {  	s1 =	srdreg.scid  }
0x8b: {  	s0 =	sand.u32 $0x1, s1  }
0x8c: {  	s16 =	sshll.u32 s0, $0xA;
	s2 =	sadd.s32 s3, s2  }
0x8d: {  	s2 =	sadd.s32 s2, s16  }
0x8e: {  	[smem:$0x3FBF] =	sst s2  }
0x8f: {  	_ = 	snop  }
0x90: {  	(tm) =	ssettm $0x1  }
0x91: {  	s17 =	sld [smem:$0x3FFB];
	_ =	sdelay $0x3  }
0x92: {  	_ =	strace s17  }
0x93: {  	s2 =	sld [smem:$0x3FFC];
	_ =	sdelay $0x3  }
0x94: {  	_ =	strace s2  }
0x95: {  	s2 =	sld [smem:$0x3FFD];
	_ =	sdelay $0x3  }
0x96: {  	_ =	strace s2  }
0x97: {  	_ =	strace $0x8FFFFFFF  }
0x98: {  	s18 =	sld [smem:$0x3FDB];
	_ =	sdelay $0x1  }
0x99: {  	s19 =	simm.s32 $_scs_section_size  }
0x9a: {  	s4 =	simm.s32 $_size__tile_overlayer_lowered;
	s5 =	simm.s32 $_tile_overlayer_lowered  }
0x9b: {  	s22 =	simm.s32 $0x1BFF;
	s21 =	sshll.u32 s5, $0x1;
	s2 =	sadd.s32 s19, s18  }
0x9c: {  	s6 =	simm.s32 $0x0;
	s20 =	sshll.u32 s4, $0x1;
	s4 =	sadd.s32 s21, s2  }
0x9d: {  	[timem:s6], [sflag:s22] =	dma.local [hbm:s4], s20  }
0x9e: {  	_ =	swait.ge [sflag:s22], s20  }
0x9f: {  	s3 =	ssub.s32 $0x0, s20;
	[sflag:s22] =	ssyncset.done $0x0  }
0xa0: {  	[sflag:s22] =	ssyncadd.s32 s3;
	_ =	sdelay $0x1  }
0xa1: {  	s23 =	simm.s32 $0x1B8B  }
0xa2: {  	_ =	swait.ge [sflag:s23], $0x1  }
0xa3: {  	[sflag:s23] =	ssyncset.done $0x0  }
0xa4: {  	s25 =	simm.s32 $0x1B8E;
	s24 =	sld [smem:$0x3FFE];
	[sflag:s23] =	ssyncadd.s32 $0xFFFFFFFF  }
0xa5: {  	s26 =	simm.s32 $execute0_lowered;
	[smem:$0x3FD2] =	sst s25  }
0xa6: {  	s4 =	sshll.u32 s26, $0x1;
	_ =	strace $0x8000004C;
	[dreg:$0x1] =	wrdreg $0xFFFFFFFF  }
0xa7: {  	s28 =	simm.s32 $_size_execute0_lowered;
	s2 =	sadd.s32 s2, s4;
	[dreg:$0x0] =	wrdreg $0x0  }
0xa8: {  	s4 =	sshll.u32 s28, $0x1;
	[dreg:$0x2] =	wrdreg s2  }
0xa9: {  	[dreg:$0x3] =	wrdreg s4  }
0xaa: {  	[dreg:$0x4] =	wrdreg $0xC0  }
0xab: {  	_ =	task [dreg:s6], $0x5FFFF  }
0xac: {  	[dreg:$0x1] =	wrdreg $0xFFFFFFFF  }
0xad: {  	[dreg:$0x0] =	wrdreg $0x60  }
0xae: {  	[dreg:$0x2] =	wrdreg s24  }
0xaf: {  	[dreg:$0x3] =	wrdreg $0xE0000  }
0xb0: {  	[dreg:$0x4] =	wrdreg $0x130000  }
0xb1: {  	[dreg:$0x5] =	wrdreg $0x9  }
0xb2: {  	_ =	task.clear_ibuf [dreg:s6], $0x6FFFF;
	_ =	strace $0x9000004C  }
0xb3: {  	s29 =	simm.s32 $0x9;
	_ =	strace $0x8000004E  }
0xb4: {  	_ =	swait.ge [sflag:s29], $0x1  }
0xb5: {  	[sflag:s29] =	ssyncadd.s32 $0xFFFFFFFF  }
0xb6: {  	_ =	strace $0x9000004E  }
0xb7: {  	_ =	sfence  }
0xb8: {  	s30 =	sld [smem:$0x0];
	_ =	sdelay $0x2  }
0xb9: {  	s31 =	sshll.u32 s1, $0xD;
	s1 =	sshrl.u32 s1, $0x2  }
0xba: {  	s3 =	sand.u32 $0x4000, s31;
	s1 =	sadd.s32 s1, s30  }
0xbb: {  	s0 =	sor.u32 s3, s0;
	s1 =	sshll.u32 s1, $0x11  }
0xbc: {  	s0 =	sor.u32 s1, s0  }
0xbd: {  	s0 =	sadd.s32 $0x8F2B, s0  }
0xbe: {  	[sflag:s0] =	ssyncadd.remote.s32 $0x1  }
0xbf: {  	_ =	sfence.sel $0xFFFF  }
0xc0: {  	[dreg:$0x0] =	wrdreg $0xFFFFFFFF;
	(pc) =	sbr.abs _section_cstart, $3  }
0xc1: {  	[dreg:$0x1] =	wrdreg $0xFFFFFFFF  }
0xc2: {  	_ =	task.clear_ibuf [dreg:s6], $0x2FFFF;
	_ =	strace $0x9FFFFFFF  }
0xc3: {  	(tm) =	ssettm $0x7FFFFFFF  }
tec
execute0_lowered:
.L_overlay_start_1:
0x0: {  	(tag) =	ssettag $0x1  }
0x1: {  	s0 =	rddreg [dreg:$0x0]  }
0x2: {  	s1 =	rddreg [dreg:$0x1]  }
0x3: {  	s3 =	rddreg [dreg:$0x2];
	s4 =	simm.s32 $0x0  }
0x4: {  	s8 =	stileid.u32;
	s5 =	srdreg.scid;
	s28 =	simm.s32 $0x9  }
0x5: {  	s30 =	simm.s32 $0xB000;
	s31 =	simm.s32 $0x2;
	s29 =	simm.s32 $0xD000  }
0x6: {  	s13 =	simm.s32 $0x5000;
	[smem:$0x7FF] =	sst s4;
	s2 =	smul.u32 $0x9C4, s8  }
0x7: {  	s5 =	sand.u32 $0x1, s5;
	s7 =	sadd.s32 $0x2B800, s0;
	s8 =	smul.u32 $0x5000, s8  }
0x8: {  	_ =	strace $0x8000004D;
	s6 =	smul.u32 $0xA000, s5;
	s5 =	ssub.s32 $0x2, s5  }
0x9: {  	[dreg:$0x4] =	wrdreg s7;
	s7 =	simm.s32 $0x7;
	s2 =	sadd.s32 s2, s0  }
0xa: {  	s14 =	sshrl.u32 s5, $0x1;
	s9 =	sadd.s32 s8, s1;
	s16 =	sadd.s32 $0x1000, s8  }
0xb: {  	s17 =	sadd.s32 $0x2000, s8;
	s19 =	sadd.s32 $0x3000, s8;
	s22 =	sshrl.u32 s8, $0x3  }
0xc: {  	s0 =	sadd.s32 s6, s0;
	s5 =	ssub.s32 s5, s14;
	s15 =	sadd.s32 $0xDA00, s2  }
0xd: {  	s2 =	sadd.s32 $0x3C00, s2;
	s25 =	sadd.s32 s16, s1;
	[dreg:$0x5] =	wrdreg s15  }
0xe: {  	s12 =	sadd.s32 s17, s1;
	s21 =	sadd.s32 s17, s3;
	[dreg:$0x6] =	wrdreg s2  }
0xf: {  	s14 =	sadd.s32 s19, s1;
	s23 =	sadd.s32 s19, s3;
	[dreg:$0xb] =	wrdreg s21  }
0x10: {  	s20 =	sshrl.u32 s16, $0x3;
	s11 =	sshrl.u32 s19, $0x3;
	[dreg:$0xd] =	wrdreg s23  }
0x11: {  	s6 =	simm.s32 $0x6;
	s19 =	simm.s32 $0x1;
	[dreg:$0xa] =	wrdreg s14  }
0x12: {  	s15 =	sadd.s32 $0x4000, s8;
	s10 =	sadd.s32 $0x17800, s0;
	[dreg:$0xc] =	wrdreg s12  }
0x13: {  	s8 =	sadd.s32 s8, s3;
	s2 =	sadd.s32 s16, s3;
	[dreg:$0xf] =	wrdreg s25  }
0x14: {  	s16 =	sshrl.u32 s17, $0x3;
	s26 =	smax.u32 s5, $0x1;
	[dreg:$0x12] =	wrdreg s10  }
0x15: {  	s5 =	simm.s32 $0x4;
	s17 =	simm.s32 $0x5;
	[dreg:$0x7] =	wrdreg s8  }
0x16: {  	s21 =	simm.s32 $0x80;
	s23 =	simm.s32 $0x0;
	[dreg:$0x9] =	wrdreg s2  }
0x17: {  	s18 =	sadd.s32 s15, s1;
	s24 =	sadd.s32 s15, s3;
	[dreg:$0x11] =	wrdreg s26  }
0x18: {  	s10 =	sshrl.u32 s15, $0x3;
	s26 =	simm.s32 $0xA000;
	[dreg:$0x10] =	wrdreg s24  }
0x19: {  	s2 =	simm.s32 $0x3;
	s15 =	simm.s32 $0x8;
	[dreg:$0x8] =	wrdreg s18  }
0x1a: {  	v0 =	vimm.s32 $0x27FF;
	s24 =	sadd.s32 $0x2BA00, s0;
	s0 =	simm.s32 $0xC000;
	[dreg:$0xe] =	wrdreg s10  }
.LBB2_1:
0x1b: {  	s8 =	rddreg [dreg:$0x4]  }
0x1c: {  	[tilespmem:s26], [sflag:$0x9] =	stream.linear.gather [hbm4b:s8+s4], $0x1000, $0x38;
	[tilespmem:$0x18000] =	vst v63  }
0x1d: {  	_ =	swait.ge [sflag:s28], $0x1000  }
0x1e: {  	[sflag:s28] =	ssyncset.done $0x0  }
0x1f: {  	s8 =	rddreg [dreg:$0x5];
	[sflag:s28] =	ssyncadd.s32 $0xFFFFF000  }
0x20: {  	[tilespmem:s4], [sflag:$0x1] =	stream.linear.gather [hbm4b:s8+s4], $0x4E20, $0x38;
	[tilespmem:$0x18000] =	vst v63  }
0x21: {  	s8 =	rddreg [dreg:$0x6]  }
0x22: {  	[tilespmem:s13], [sflag:$0x1] =	stream.linear.gather [hbm4b:s8+s4], $0x4E20, $0x38;
	[tilespmem:$0x18000] =	vst v63  }
0x23: {  	_ = 	snop  }
0x24: {  	[spmem:s9] =	stream.linear.scatter [tilespmem:s26], [sflag:$0x5], $0x1000, $0x38;
	[tilespmem:$0x18000] =	vst v63  }
0x25: {  	_ = 	snop  }
0x26: {  	[spmem:s25] =	stream.linear.scatter [tilespmem:s26], [sflag:$0x5], $0x1000, $0x38;
	[tilespmem:$0x18000] =	vst v63  }
0x27: {  	s8 =	smov.u32 s12  }
0x28: {  	[spmem:s8] =	stream.linear.scatter [tilespmem:s26], [sflag:$0x5], $0x1000, $0x38;
	[tilespmem:$0x18000] =	vst v63  }
0x29: {  	_ = 	snop  }
0x2a: {  	[spmem:s14] =	stream.linear.scatter [tilespmem:s26], [sflag:$0x5], $0x1000, $0x38;
	[tilespmem:$0x18000] =	vst v63  }
0x2b: {  	s12 =	smov.u32 s9;
	s9 =	rddreg [dreg:$0x12]  }
0x2c: {  	[spmem:s18] =	stream.linear.scatter [tilespmem:s26], [sflag:$0x5], $0x1000, $0x38;
	[tilespmem:$0x18000] =	vst v63  }
0x2d: {  	s14 =	sadd.s32 s22, s9  }
0x2e: {  	[tilespmem:s30], [sflag:$0x2] =	stream.linear.gather [hbm4b:s14+s4], $0x1000, $0x38;
	[tilespmem:$0x18000] =	vst v63  }
0x2f: {  	_ =	swait.ge [sflag:s31], $0x1000  }
0x30: {  	[sflag:s31] =	ssyncset.done $0x0  }
0x31: {  	s18 =	rddreg [dreg:$0x7];
	[sflag:s31] =	ssyncadd.s32 $0xFFFFF000  }
0x32: {  	[spmem:s18] =	stream.linear.scatter [tilespmem:s30], [sflag:$0x6], $0x1000, $0x38;
	[tilespmem:$0x18000] =	vst v63  }
0x33: {  	s25 =	sadd.s32 s20, s9  }
0x34: {  	[tilespmem:s0], [sflag:$0x3] =	stream.linear.gather [hbm4b:s25+s4], $0x1000, $0x38;
	[tilespmem:$0x18000] =	vst v63  }
0x35: {  	_ =	swait.ge [sflag:s2], $0x1000  }
0x36: {  	[sflag:s2] =	ssyncset.done $0x0  }
0x37: {  	s14 =	rddreg [dreg:$0x9];
	[sflag:s2] =	ssyncadd.s32 $0xFFFFF000  }
0x38: {  	[spmem:s14] =	stream.linear.scatter [tilespmem:s0], [sflag:$0x7], $0x1000, $0x38;
	[tilespmem:$0x18000] =	vst v63  }
0x39: {  	s18 =	sadd.s32 s16, s9  }
0x3a: {  	[tilespmem:s29], [sflag:$0x4] =	stream.linear.gather [hbm4b:s18+s4], $0x1000, $0x38;
	[tilespmem:$0x18000] =	vst v63  }
0x3b: {  	_ =	swait.ge [sflag:s5], $0x1000  }
0x3c: {  	[sflag:s5] =	ssyncset.done $0x0  }
0x3d: {  	s25 =	rddreg [dreg:$0xb];
	[sflag:s5] =	ssyncadd.s32 $0xFFFFF000  }
0x3e: {  	[spmem:s25] =	stream.linear.scatter [tilespmem:s29], [sflag:$0x8], $0x1000, $0x38;
	[tilespmem:$0x18000] =	vst v63  }
0x3f: {  	_ =	swait.ge [sflag:s6], $0x1000  }
0x40: {  	[sflag:s6] =	ssyncset.done $0x0  }
0x41: {  	s14 =	sadd.s32 s11, s9;
	[sflag:s6] =	ssyncadd.s32 $0xFFFFF000  }
0x42: {  	[tilespmem:s30], [sflag:$0x2] =	stream.linear.gather [hbm4b:s14+s4], $0x1000, $0x38;
	[tilespmem:$0x18000] =	vst v63  }
0x43: {  	_ =	swait.ge [sflag:s31], $0x1000  }
0x44: {  	[sflag:s31] =	ssyncset.done $0x0  }
0x45: {  	s18 =	rddreg [dreg:$0xd];
	[sflag:s31] =	ssyncadd.s32 $0xFFFFF000  }
0x46: {  	[spmem:s18] =	stream.linear.scatter [tilespmem:s30], [sflag:$0x6], $0x1000, $0x38;
	[tilespmem:$0x18000] =	vst v63  }
0x47: {  	_ =	swait.ge [sflag:s7], $0x1000  }
0x48: {  	[sflag:s7] =	ssyncset.done $0x0  }
0x49: {  	s25 =	sadd.s32 s10, s9;
	[sflag:s7] =	ssyncadd.s32 $0xFFFFF000  }
0x4a: {  	[tilespmem:s0], [sflag:$0x3] =	stream.linear.gather [hbm4b:s25+s4], $0x1000, $0x38;
	[tilespmem:$0x18000] =	vst v63  }
0x4b: {  	_ =	swait.ge [sflag:s2], $0x1000  }
0x4c: {  	[sflag:s2] =	ssyncset.done $0x0  }
0x4d: {  	s9 =	rddreg [dreg:$0x10];
	[sflag:s2] =	ssyncadd.s32 $0xFFFFF000  }
0x4e: {  	[spmem:s9] =	stream.linear.scatter [tilespmem:s0], [sflag:$0x7], $0x1000, $0x38;
	[tilespmem:$0x18000] =	vst v63  }
0x4f: {  	_ =	swait.ge [sflag:s15], $0x1000  }
0x50: {  	[sflag:s15] =	ssyncset.done $0x0  }
0x51: {  	[sflag:s15] =	ssyncadd.s32 $0xFFFFF000  }
0x52: {  	_ =	swait.ge [sflag:s6], $0x1000  }
0x53: {  	[sflag:s6] =	ssyncset.done $0x0  }
0x54: {  	[sflag:s6] =	ssyncadd.s32 $0xFFFFF000  }
0x55: {  	_ =	swait.ge [sflag:s7], $0x1000  }
0x56: {  	[sflag:s7] =	ssyncset.done $0x0  }
0x57: {  	[sflag:s7] =	ssyncadd.s32 $0xFFFFF000  }
0x58: {  	_ =	swait.ge [sflag:s17], $0x1000  }
0x59: {  	[sflag:s17] =	ssyncset.done $0x0  }
0x5a: {  	[sflag:s17] =	ssyncadd.s32 $0xFFFFF000  }
0x5b: {  	_ =	swait.ge [sflag:s17], $0x1000  }
0x5c: {  	[sflag:s17] =	ssyncset.done $0x0  }
0x5d: {  	[sflag:s17] =	ssyncadd.s32 $0xFFFFF000  }
0x5e: {  	_ =	swait.ge [sflag:s17], $0x1000  }
0x5f: {  	[sflag:s17] =	ssyncset.done $0x0  }
0x60: {  	[sflag:s17] =	ssyncadd.s32 $0xFFFFF000  }
0x61: {  	_ =	swait.ge [sflag:s17], $0x1000  }
0x62: {  	[sflag:s17] =	ssyncset.done $0x0  }
0x63: {  	[sflag:s17] =	ssyncadd.s32 $0xFFFFF000  }
0x64: {  	_ =	swait.ge [sflag:s17], $0x1000  }
0x65: {  	[sflag:s17] =	ssyncset.done $0x0  }
0x66: {  	[sflag:s17] =	ssyncadd.s32 $0xFFFFF000  }
0x67: {  	_ =	swait.ge [sflag:s19], $0x4E20  }
0x68: {  	[sflag:s19] =	ssyncset.done $0x0  }
0x69: {  	[sflag:s19] =	ssyncadd.s32 $0xFFFFB1E0  }
0x6a: {  	_ =	swait.ge [sflag:s19], $0x4E20  }
0x6b: {  	[sflag:s19] =	ssyncset.done $0x0  }
0x6c: {  	[sflag:s19] =	ssyncadd.s32 $0xFFFFB1E0  }
0x6d: {  	[tilespmem:$0x4E20] =	vst v0  }
0x6e: {  	[tilespmem:$0x4E30] =	vst v0  }
0x6f: {  	[tilespmem:$0x4E40] =	vst v0  }
0x70: {  	[tilespmem:$0x4E50] =	vst v0  }
0x71: {  	[tilespmem:$0x4E60] =	vst v0  }
0x72: {  	[tilespmem:$0x4E70] =	vst v0  }
0x73: {  	[tilespmem:$0x4E80] =	vst v0  }
0x74: {  	[tilespmem:$0x4E90] =	vst v0  }
0x75: {  	[tilespmem:$0x4EA0] =	vst v0  }
0x76: {  	[tilespmem:$0x4EB0] =	vst v0  }
0x77: {  	[tilespmem:$0x4EC0] =	vst v0  }
0x78: {  	[tilespmem:$0x4ED0] =	vst v0  }
0x79: {  	[tilespmem:$0x4EE0] =	vst v0  }
0x7a: {  	[tilespmem:$0x4EF0] =	vst v0  }
0x7b: {  	[tilespmem:$0x4F00] =	vst v0  }
0x7c: {  	[tilespmem:$0x4F10] =	vst v0  }
0x7d: {  	[tilespmem:$0x4F20] =	vst v0  }
0x7e: {  	[tilespmem:$0x4F30] =	vst v0  }
0x7f: {  	[tilespmem:$0x4F40] =	vst v0  }
0x80: {  	[tilespmem:$0x4F50] =	vst v0  }
0x81: {  	[tilespmem:$0x4F60] =	vst v0  }
0x82: {  	[tilespmem:$0x4F70] =	vst v0  }
0x83: {  	[tilespmem:$0x4F80] =	vst v0  }
0x84: {  	[tilespmem:$0x4F90] =	vst v0  }
0x85: {  	[tilespmem:$0x4FA0] =	vst v0  }
0x86: {  	[tilespmem:$0x4FB0] =	vst v0  }
0x87: {  	[tilespmem:$0x4FC0] =	vst v0  }
0x88: {  	[tilespmem:$0x4FD0] =	vst v0  }
0x89: {  	[tilespmem:$0x4FE0] =	vst v0  }
0x8a: {  	[tilespmem:$0x4FF0] =	vst v0  }
0x8b: {  	[tilespmem:$0x9E20] =	vst v0  }
0x8c: {  	[tilespmem:$0x9E30] =	vst v0  }
0x8d: {  	[tilespmem:$0x9E40] =	vst v0  }
0x8e: {  	[tilespmem:$0x9E50] =	vst v0  }
0x8f: {  	[tilespmem:$0x9E60] =	vst v0  }
0x90: {  	[tilespmem:$0x9E70] =	vst v0  }
0x91: {  	[tilespmem:$0x9E80] =	vst v0  }
0x92: {  	[tilespmem:$0x9E90] =	vst v0  }
0x93: {  	[tilespmem:$0x9EA0] =	vst v0  }
0x94: {  	[tilespmem:$0x9EB0] =	vst v0  }
0x95: {  	[tilespmem:$0x9EC0] =	vst v0  }
0x96: {  	[tilespmem:$0x9ED0] =	vst v0  }
0x97: {  	[tilespmem:$0x9EE0] =	vst v0  }
0x98: {  	[tilespmem:$0x9EF0] =	vst v0  }
0x99: {  	[tilespmem:$0x9F00] =	vst v0  }
0x9a: {  	[tilespmem:$0x9F10] =	vst v0  }
0x9b: {  	[tilespmem:$0x9F20] =	vst v0  }
0x9c: {  	[tilespmem:$0x9F30] =	vst v0  }
0x9d: {  	[tilespmem:$0x9F40] =	vst v0  }
0x9e: {  	[tilespmem:$0x9F50] =	vst v0  }
0x9f: {  	[tilespmem:$0x9F60] =	vst v0  }
0xa0: {  	[tilespmem:$0x9F70] =	vst v0  }
0xa1: {  	[tilespmem:$0x9F80] =	vst v0  }
0xa2: {  	[tilespmem:$0x9F90] =	vst v0  }
0xa3: {  	[tilespmem:$0x9FA0] =	vst v0  }
0xa4: {  	[tilespmem:$0x9FB0] =	vst v0  }
0xa5: {  	[tilespmem:$0x9FC0] =	vst v0  }
0xa6: {  	[tilespmem:$0x9FD0] =	vst v0  }
0xa7: {  	[tilespmem:$0x9FE0] =	vst v0  }
0xa8: {  	[tilespmem:$0x9FF0] =	vst v0  }
0xa9: {  	[bflag:$0x0] =	sbarrier.arrive $0xFFFF  }
0xaa: {  	[tilespmem:s26], [sflag:$0x1] =	stream.indirect.gather [spmem:s3], $0x20, s4, s21, $0xb8;
	[tilespmem:$0x18000] =	vst v63  }
0xab: {  	_ = 	snop  }
0xac: {  	[tilespmem:s30], [sflag:$0x2] =	stream.indirect.gather [spmem:s3], $0x20, s21, s21, $0xb8;
	[tilespmem:$0x18000] =	vst v63  }
0xad: {  	s10 =	simm.s32 $0x100  }
0xae: {  	[tilespmem:s0], [sflag:$0x3] =	stream.indirect.gather [spmem:s3], $0x20, s10, s21, $0xb8;
	[tilespmem:$0x18000] =	vst v63  }
0xaf: {  	s14 =	simm.s32 $0x180  }
0xb0: {  	[tilespmem:s29], [sflag:$0x4] =	stream.indirect.gather [spmem:s3], $0x20, s14, s21, $0xb8;
	[tilespmem:$0x18000] =	vst v63  }
0xb1: {  	_ =	swait.ge [sflag:s19], $0x1000  }
0xb2: {  	[sflag:s19] =	ssyncset.done $0x0  }
0xb3: {  	s18 =	simm.s32 $0x5000;
	[sflag:s19] =	ssyncadd.s32 $0xFFFFF000  }
0xb4: {  	[spmem:s1] =	stream.indirect.scatter.add.f32 [tilespmem:s26], [sflag:$0x5], $0x20, s18, s21, $0xb8;
	[tilespmem:$0x18000] =	vst v63  }
0xb5: {  	_ =	swait.ge [sflag:s17], $0x1000  }
0xb6: {  	[sflag:s17] =	ssyncset.done $0x0  }
0xb7: {  	s25 =	simm.s32 $0x200;
	[sflag:s17] =	ssyncadd.s32 $0xFFFFF000  }
0xb8: {  	[tilespmem:s26], [sflag:$0x1] =	stream.indirect.gather [spmem:s3], $0x20, s25, s21, $0xb8;
	[tilespmem:$0x18000] =	vst v63  }
0xb9: {  	_ =	swait.ge [sflag:s31], $0x1000  }
0xba: {  	[sflag:s31] =	ssyncset.done $0x0  }
0xbb: {  	s9 =	simm.s32 $0x5080;
	[sflag:s31] =	ssyncadd.s32 $0xFFFFF000  }
0xbc: {  	[spmem:s1] =	stream.indirect.scatter.add.f32 [tilespmem:s30], [sflag:$0x6], $0x20, s9, s21, $0xb8;
	[tilespmem:$0x18000] =	vst v63  }
0xbd: {  	_ =	swait.ge [sflag:s6], $0x1000  }
0xbe: {  	[sflag:s6] =	ssyncset.done $0x0  }
0xbf: {  	s10 =	simm.s32 $0x280;
	[sflag:s6] =	ssyncadd.s32 $0xFFFFF000  }
0xc0: {  	[tilespmem:s30], [sflag:$0x2] =	stream.indirect.gather [spmem:s3], $0x20, s10, s21, $0xb8;
	[tilespmem:$0x18000] =	vst v63  }
0xc1: {  	_ =	swait.ge [sflag:s2], $0x1000  }
0xc2: {  	[sflag:s2] =	ssyncset.done $0x0  }
0xc3: {  	s14 =	simm.s32 $0x5100;
	[sflag:s2] =	ssyncadd.s32 $0xFFFFF000  }
0xc4: {  	[spmem:s1] =	stream.indirect.scatter.add.f32 [tilespmem:s0], [sflag:$0x7], $0x20, s14, s21, $0xb8;
	[tilespmem:$0x18000] =	vst v63  }
0xc5: {  	_ =	swait.ge [sflag:s7], $0x1000  }
0xc6: {  	[sflag:s7] =	ssyncset.done $0x0  }
0xc7: {  	s18 =	simm.s32 $0x300;
	[sflag:s7] =	ssyncadd.s32 $0xFFFFF000  }
0xc8: {  	[tilespmem:s0], [sflag:$0x3] =	stream.indirect.gather [spmem:s3], $0x20, s18, s21, $0xb8;
	[tilespmem:$0x18000] =	vst v63  }
0xc9: {  	_ =	swait.ge [sflag:s5], $0x1000  }
0xca: {  	[sflag:s5] =	ssyncset.done $0x0  }
0xcb: {  	s25 =	simm.s32 $0x5180;
	[sflag:s5] =	ssyncadd.s32 $0xFFFFF000  }
0xcc: {  	[spmem:s1] =	stream.indirect.scatter.add.f32 [tilespmem:s29], [sflag:$0x8], $0x20, s25, s21, $0xb8;
	[tilespmem:$0x18000] =	vst v63  }
0xcd: {  	_ =	swait.ge [sflag:s15], $0x1000  }
0xce: {  	[sflag:s15] =	ssyncset.done $0x0  }
0xcf: {  	s8 =	simm.s32 $0x380;
	s25 =	simm.s32 $0x800;
	[sflag:s15] =	ssyncadd.s32 $0xFFFFF000  }
.LBB2_2:
0xd0: {  	[tilespmem:s29], [sflag:$0x4] =	stream.indirect.gather [spmem:s3], $0x20, s8, s21, $0xb8;
	[tilespmem:$0x18000] =	vst v63  }
0xd1: {  	s8 =	smov.u32 s25  }
0xd2: {  	p0 =	sne.s32 s25, $0x13000;
	s25 =	sadd.s32 $0x800, s25;
	_ =	swait.ge [sflag:s19], $0x1000  }
0xd3: {  	s8 =	sshra.s32 s8, $0x2;
	[sflag:s19] =	ssyncset.done $0x0  }
0xd4: {  	s9 =	sadd.s32 $0x5000, s8;
	[sflag:s19] =	ssyncadd.s32 $0xFFFFF000  }
0xd5: {  	[spmem:s1] =	stream.indirect.scatter.add.f32 [tilespmem:s26], [sflag:$0x5], $0x20, s9, s21, $0xb8;
	[tilespmem:$0x18000] =	vst v63  }
0xd6: {  	_ =	swait.ge [sflag:s17], $0x1000  }
0xd7: {  	[sflag:s17] =	ssyncset.done $0x0  }
0xd8: {  	s9 =	sadd.s32 $0x200, s8;
	[sflag:s17] =	ssyncadd.s32 $0xFFFFF000  }
0xd9: {  	[tilespmem:s26], [sflag:$0x1] =	stream.indirect.gather [spmem:s3], $0x20, s9, s21, $0xb8;
	[tilespmem:$0x18000] =	vst v63  }
0xda: {  	_ =	swait.ge [sflag:s31], $0x1000  }
0xdb: {  	[sflag:s31] =	ssyncset.done $0x0  }
0xdc: {  	s9 =	sadd.s32 $0x5080, s8;
	[sflag:s31] =	ssyncadd.s32 $0xFFFFF000  }
0xdd: {  	[spmem:s1] =	stream.indirect.scatter.add.f32 [tilespmem:s30], [sflag:$0x6], $0x20, s9, s21, $0xb8;
	[tilespmem:$0x18000] =	vst v63  }
0xde: {  	_ =	swait.ge [sflag:s6], $0x1000  }
0xdf: {  	[sflag:s6] =	ssyncset.done $0x0  }
0xe0: {  	s9 =	sadd.s32 $0x280, s8;
	[sflag:s6] =	ssyncadd.s32 $0xFFFFF000  }
0xe1: {  	[tilespmem:s30], [sflag:$0x2] =	stream.indirect.gather [spmem:s3], $0x20, s9, s21, $0xb8;
	[tilespmem:$0x18000] =	vst v63  }
0xe2: {  	_ =	swait.ge [sflag:s2], $0x1000  }
0xe3: {  	[sflag:s2] =	ssyncset.done $0x0  }
0xe4: {  	s9 =	sadd.s32 $0x5100, s8;
	[sflag:s2] =	ssyncadd.s32 $0xFFFFF000  }
0xe5: {  	[spmem:s1] =	stream.indirect.scatter.add.f32 [tilespmem:s0], [sflag:$0x7], $0x20, s9, s21, $0xb8;
	[tilespmem:$0x18000] =	vst v63  }
0xe6: {  	_ =	swait.ge [sflag:s7], $0x1000  }
0xe7: {  	[sflag:s7] =	ssyncset.done $0x0  }
0xe8: {  	s9 =	sadd.s32 $0x300, s8;
	[sflag:s7] =	ssyncadd.s32 $0xFFFFF000  }
0xe9: {  	[tilespmem:s0], [sflag:$0x3] =	stream.indirect.gather [spmem:s3], $0x20, s9, s21, $0xb8;
	[tilespmem:$0x18000] =	vst v63  }
0xea: {  	_ =	swait.ge [sflag:s5], $0x1000  }
0xeb: {  	[sflag:s5] =	ssyncset.done $0x0  }
.Ltmp0:
0xec: {  	s9 =	sadd.s32 $0x5180, s8;
	[sflag:s5] =	ssyncadd.s32 $0xFFFFF000;
	(pc) =	sbr.rel @p0 .LBB2_2-.Ltmp0, $4  }
0xed: {  	[spmem:s1] =	stream.indirect.scatter.add.f32 [tilespmem:s29], [sflag:$0x8], $0x20, s9, s21, $0xb8;
	[tilespmem:$0x18000] =	vst v63  }
0xee: {  	_ =	swait.ge [sflag:s15], $0x1000  }
0xef: {  	[sflag:s15] =	ssyncset.done $0x0  }
0xf0: {  	s8 =	sadd.s32 $0x380, s8;
	[sflag:s15] =	ssyncadd.s32 $0xFFFFF000  }
0xf1: {  	[tilespmem:s29], [sflag:$0x4] =	stream.indirect.gather [spmem:s3], $0x20, s8, s21, $0xb8;
	[tilespmem:$0x18000] =	vst v63  }
0xf2: {  	_ =	swait.ge [sflag:s19], $0x1000  }
0xf3: {  	[sflag:s19] =	ssyncset.done $0x0  }
0xf4: {  	s14 =	simm.s32 $0x9E00;
	[sflag:s19] =	ssyncadd.s32 $0xFFFFF000  }
0xf5: {  	[spmem:s1] =	stream.indirect.scatter.add.f32 [tilespmem:s26], [sflag:$0x5], $0x20, s14, s21, $0xb8;
	[tilespmem:$0x18000] =	vst v63  }
0xf6: {  	_ =	swait.ge [sflag:s17], $0x1000  }
0xf7: {  	[sflag:s17] =	ssyncset.done $0x0  }
0xf8: {  	[sflag:s17] =	ssyncadd.s32 $0xFFFFF000  }
0xf9: {  	_ =	swait.ge [sflag:s31], $0x1000  }
0xfa: {  	[sflag:s31] =	ssyncset.done $0x0  }
0xfb: {  	s18 =	simm.s32 $0x9E80;
	[sflag:s31] =	ssyncadd.s32 $0xFFFFF000  }
0xfc: {  	[spmem:s1] =	stream.indirect.scatter.add.f32 [tilespmem:s30], [sflag:$0x6], $0x20, s18, s21, $0xb8;
	[tilespmem:$0x18000] =	vst v63  }
0xfd: {  	_ =	swait.ge [sflag:s6], $0x1000  }
0xfe: {  	[sflag:s6] =	ssyncset.done $0x0  }
0xff: {  	[sflag:s6] =	ssyncadd.s32 $0xFFFFF000  }
0x100: {  	_ =	swait.ge [sflag:s2], $0x1000  }
0x101: {  	[sflag:s2] =	ssyncset.done $0x0  }
0x102: {  	s25 =	simm.s32 $0x9F00;
	[sflag:s2] =	ssyncadd.s32 $0xFFFFF000  }
0x103: {  	[spmem:s1] =	stream.indirect.scatter.add.f32 [tilespmem:s0], [sflag:$0x7], $0x20, s25, s21, $0xb8;
	[tilespmem:$0x18000] =	vst v63  }
0x104: {  	_ =	swait.ge [sflag:s7], $0x1000  }
0x105: {  	[sflag:s7] =	ssyncset.done $0x0  }
0x106: {  	[sflag:s7] =	ssyncadd.s32 $0xFFFFF000  }
0x107: {  	_ =	swait.ge [sflag:s5], $0x1000  }
0x108: {  	[sflag:s5] =	ssyncset.done $0x0  }
0x109: {  	s9 =	simm.s32 $0x9F80;
	[sflag:s5] =	ssyncadd.s32 $0xFFFFF000  }
0x10a: {  	[spmem:s1] =	stream.indirect.scatter.add.f32 [tilespmem:s29], [sflag:$0x8], $0x20, s9, s21, $0xb8;
	[tilespmem:$0x18000] =	vst v63  }
0x10b: {  	_ =	swait.ge [sflag:s15], $0x1000  }
0x10c: {  	[sflag:s15] =	ssyncset.done $0x0  }
0x10d: {  	[sflag:s15] =	ssyncadd.s32 $0xFFFFF000  }
0x10e: {  	[bflag:$0x0] =	sbarrier.arrive $0xFFFF  }
0x10f: {  	[tilespmem:s26], [sflag:$0x9] =	stream.linear.gather [spmem:s12], $0x1000, $0x38;
	[tilespmem:$0x18000] =	vst v63  }
0x110: {  	_ =	swait.ge [sflag:s28], $0x1000  }
0x111: {  	[sflag:s28] =	ssyncset.done $0x0  }
0x112: {  	s10 =	sadd.s32 s22, s24;
	[sflag:s28] =	ssyncadd.s32 $0xFFFFF000  }
0x113: {  	[hbm4b:s10+s4] =	stream.linear.scatter [tilespmem:s26], [sflag:$0x9], $0x1000, $0x38;
	[tilespmem:$0x18000] =	vst v63  }
0x114: {  	_ =	swait.ge [sflag:s28], $0x1000  }
0x115: {  	[sflag:s28] =	ssyncset.done $0x0  }
0x116: {  	s25 =	rddreg [dreg:$0xf];
	[sflag:s28] =	ssyncadd.s32 $0xFFFFF000  }
0x117: {  	[tilespmem:s26], [sflag:$0x9] =	stream.linear.gather [spmem:s25], $0x1000, $0x38;
	[tilespmem:$0x18000] =	vst v63  }
0x118: {  	_ =	swait.ge [sflag:s28], $0x1000  }
0x119: {  	[sflag:s28] =	ssyncset.done $0x0  }
0x11a: {  	s9 =	smov.u32 s12;
	s12 =	sadd.s32 s20, s24;
	[sflag:s28] =	ssyncadd.s32 $0xFFFFF000  }
0x11b: {  	[hbm4b:s12+s4] =	stream.linear.scatter [tilespmem:s26], [sflag:$0x9], $0x1000, $0x38;
	[tilespmem:$0x18000] =	vst v63  }
0x11c: {  	_ =	swait.ge [sflag:s28], $0x1000  }
0x11d: {  	[sflag:s28] =	ssyncset.done $0x0  }
0x11e: {  	s12 =	rddreg [dreg:$0xc];
	[sflag:s28] =	ssyncadd.s32 $0xFFFFF000  }
0x11f: {  	[tilespmem:s26], [sflag:$0x9] =	stream.linear.gather [spmem:s12], $0x1000, $0x38;
	[tilespmem:$0x18000] =	vst v63  }
0x120: {  	_ =	swait.ge [sflag:s28], $0x1000  }
0x121: {  	[sflag:s28] =	ssyncset.done $0x0  }
0x122: {  	s14 =	sadd.s32 s16, s24;
	[sflag:s28] =	ssyncadd.s32 $0xFFFFF000  }
0x123: {  	[hbm4b:s14+s4] =	stream.linear.scatter [tilespmem:s26], [sflag:$0x9], $0x1000, $0x38;
	[tilespmem:$0x18000] =	vst v63  }
0x124: {  	_ =	swait.ge [sflag:s28], $0x1000  }
0x125: {  	[sflag:s28] =	ssyncset.done $0x0  }
0x126: {  	s14 =	rddreg [dreg:$0xa];
	[sflag:s28] =	ssyncadd.s32 $0xFFFFF000  }
0x127: {  	[tilespmem:s26], [sflag:$0x9] =	stream.linear.gather [spmem:s14], $0x1000, $0x38;
	[tilespmem:$0x18000] =	vst v63  }
0x128: {  	_ =	swait.ge [sflag:s28], $0x1000  }
0x129: {  	[sflag:s28] =	ssyncset.done $0x0  }
0x12a: {  	s18 =	sadd.s32 s11, s24;
	[sflag:s28] =	ssyncadd.s32 $0xFFFFF000  }
0x12b: {  	[hbm4b:s18+s4] =	stream.linear.scatter [tilespmem:s26], [sflag:$0x9], $0x1000, $0x38;
	[tilespmem:$0x18000] =	vst v63  }
0x12c: {  	_ =	swait.ge [sflag:s28], $0x1000  }
0x12d: {  	[sflag:s28] =	ssyncset.done $0x0  }
0x12e: {  	s18 =	rddreg [dreg:$0x8];
	[sflag:s28] =	ssyncadd.s32 $0xFFFFF000  }
0x12f: {  	[tilespmem:s26], [sflag:$0x9] =	stream.linear.gather [spmem:s18], $0x1000, $0x38;
	[tilespmem:$0x18000] =	vst v63  }
0x130: {  	_ =	swait.ge [sflag:s28], $0x1000  }
0x131: {  	[sflag:s28] =	ssyncset.done $0x0;
	s10 =	rddreg [dreg:$0xe]  }
0x132: {  	[sflag:s28] =	ssyncadd.s32 $0xFFFFF000;
	s8 =	sadd.s32 s10, s24  }
0x133: {  	[hbm4b:s8+s4] =	stream.linear.scatter [tilespmem:s26], [sflag:$0x9], $0x1000, $0x38;
	[tilespmem:$0x18000] =	vst v63  }
0x134: {  	_ =	swait.ge [sflag:s28], $0x1000  }
0x135: {  	s23 =	sadd.s32 $0x1, s23;
	s8 =	rddreg [dreg:$0x11]  }
0x136: {  	p0 =	sne.s32 s23, s8  }
.Ltmp1:
0x137: {  	_ = 	snop;
	(pc) =	sbr.rel @p0 .LBB2_1-.Ltmp1, $3  }
0x138: {  	_ =	sdelay $0x1  }
0x139: {  	[sflag:s28] =	ssyncset.done $0x0  }
0x13a: {  	[sflag:s28] =	ssyncadd.s32 $0xFFFFF000  }
0x13b: {  	_ =	sfence.sel $0x180000  }
0x13c: {  	[bflag:$0x0] =	sbarrier.arrive $0xFFFF  }
0x13d: {  	_ =	strace $0x9000004D  }
0x13e: {  	s0 =	stileid.u32;
	[bflag:$0x2] =	sbarrier.arrive $0xFFFF  }
0x13f: {  	p0 =	sne.s32 s0, $0x0;
	s0 =	rddreg [dreg:$0x3]  }
0x140: {  	s0 =	sadd.s32 @!p0 $0x100000, s0  }
0x141: {  	[sflag:s0] =	ssyncadd.tile.s32 @!p0 $0x1;
	_ =	shalt  }
.Lfunc_end2:
_tile_overlayer_lowered:
.L_overlay_start_2:
0x142: {  	(tag) =	ssettag $0x2  }
0x143: {  	s0 =	rddreg [dreg:$0x0];
	s2 =	stileid.u32  }
0x144: {  	s1 =	rddreg [dreg:$0x1];
	p0 =	sne.s32 s2, $0x0  }
0x145: {  	s3 =	rddreg [dreg:$0x2];
	[bflag:$0x3] =	sbarrier.arrive $0xFFFF;
	s2 =	simm.s32 @!p0 $0x1C09  }
0x146: {  	[timem:s3], [sflag:s2] =	dma.local @!p0 [hbm:s0], s1  }
0x147: {  	s0 =	simm.s32 @!p0 $0x9  }
0x148: {  	_ =	swait.ge @!p0 [sflag:s0], s1  }
0x149: {  	s1 =	ssub.s32 @!p0 $0x0, s1;
	[sflag:s0] =	ssyncset.done @!p0 $0x0  }
0x14a: {  	[sflag:s0] =	ssyncadd.s32 @!p0 s1  }
0x14b: {  	[bflag:$0x3] =	sbarrier.arrive $0xFFFF  }
0x14c: {  	_ =	shalt  }

</sc_bundles>
